<compile_context>
chip_gen: v7x
topology: tpu7x:2x2x1
jax: 0.10.2.dev20260603
libtpu: 0.0.44.dev20260713+nightly
codegen_flags: <defaults>
</compile_context>

<pallas_src>
import functools
import math

import jax
import jax.numpy as jnp
from jax import lax
from jax.experimental import pallas as pl
from jax.experimental.pallas import tpu as pltpu
from jax.experimental.pallas import tpu_sc as plsc

D_MODEL = 64
SCALE = math.sqrt(D_MODEL)

NUM_CORES = 2
NUM_SUBCORES = 16
NUM_LANES = 16
NW = NUM_CORES * NUM_SUBCORES

CHUNK = 128
NBUF = 4
VECS = D_MODEL // NUM_LANES
UNROLL = 2


def _emb_kernel(n_chunks, idx_hbm, table_hbm, out_hbm, idx_v, rows, tiles, gsems, ssems):
    wid = lax.axis_index("s") * NUM_CORES + lax.axis_index("c")
    chunk_base = wid * n_chunks

    pltpu.sync_copy(idx_hbm.at[pl.ds(chunk_base, n_chunks)], idx_v)

    @plsc.parallel_loop(0, n_chunks, unroll=4)
    def _(g):
        for jd in range(CHUNK // NUM_LANES):
            sl = pl.ds(jd * NUM_LANES, NUM_LANES)
            idx_v[g, sl] = idx_v[g, sl] * 2

    def gather(c, b):
        return pltpu.make_async_copy(table_hbm.at[idx_v.at[c]], rows[b], gsems[b])

    def scatter(c, b):
        r = chunk_base + c
        tr = r // (32 * 8)
        tc = (r % (32 * 8)) // 8
        s = r % 8
        j = tr * 8 + s
        return pltpu.make_async_copy(
            tiles[b].at[:, :, pl.ds(0, CHUNK)], out_hbm.at[j, :, tc], ssems[b]
        )

    gather(0, 0).start()

    def outer(g0):
        for b in range(NBUF):
            c = g0 * NBUF + b
            nb = (b + 1) % NBUF

            @pl.when(c + 1 < n_chunks)
            def _():
                @pl.when(c + 1 >= NBUF)
                def _():
                    scatter(c + 1 - NBUF, nb).wait()
                gather(c + 1, nb).start()

            gather(c, b).wait()

            lanes = lax.iota(jnp.int32, NUM_LANES)
            dbv = [(jd * NUM_LANES + lanes) // 8 for jd in range(VECS)]
            dsv = [(jd * NUM_LANES + lanes) % 8 for jd in range(VECS)]

            @plsc.parallel_loop(0, CHUNK, step=UNROLL, unroll=8)
            def _(a):
                av = lanes * 0 + a
                for u in range(UNROLL):
                    for jd in range(VECS):
                        v = rows[b][a + u, pl.ds(jd * NUM_LANES, NUM_LANES)]
                        plsc.store_scatter(
                            tiles[b], [dbv[jd], dsv[jd], av + u], v * SCALE
                        )

            scatter(c, b).start()

    pl.loop(0, n_chunks // NBUF)(outer)

    for b in range(NBUF):
        scatter(n_chunks - NBUF + b, b).wait()


def kernel(x, lut):
    n, m = x.shape
    b = n * m
    n_chunks = b // (NW * CHUNK)

    idx2 = (
        x.T.reshape(m // 8, 8, n // CHUNK, CHUNK)
        .transpose(0, 2, 1, 3)
        .reshape(b // CHUNK, CHUNK)
    )

    lut_pad = jnp.pad(lut, ((0, 0), (0, CHUNK - D_MODEL))).reshape(-1, D_MODEL)
    mesh = plsc.VectorSubcoreMesh(core_axis_name="c", subcore_axis_name="s")
    run = pl.kernel(
        functools.partial(_emb_kernel, n_chunks),
        out_type=jax.ShapeDtypeStruct(
            (m, D_MODEL // 8, n // CHUNK, 8, CHUNK), jnp.float32
        ),
        mesh=mesh,
        scratch_types=[
            pltpu.VMEM((n_chunks, CHUNK), jnp.int32),
            [pltpu.VMEM((CHUNK, D_MODEL), jnp.float32) for _ in range(NBUF)],
            [pltpu.VMEM((D_MODEL // 8, 8, CHUNK + 1), jnp.float32) for _ in range(NBUF)],
            [pltpu.SemaphoreType.DMA for _ in range(NBUF)],
            [pltpu.SemaphoreType.DMA for _ in range(NBUF)],
        ],
        compiler_params=pltpu.CompilerParams(
            use_tc_tiling_on_sc=False, needs_layout_passes=False
        ),
    )
    out6 = run(idx2, lut_pad)
    return out6.transpose(2, 4, 0, 1, 3).reshape(n, m, D_MODEL)

# --- scband reference (transcript-rebuilt; emitter-appended) ---
"""Pipeline reference for scband-embeddings-14611478741026 (READ-ONLY COPY).

The authoritative reference and input builder live on the scoring server;
editing this copy changes nothing except your own understanding.
"""

import math
import jax, jax.numpy as jnp
import numpy as np

VOCAB = 1000000
D_MODEL = 64

def setup_inputs(seed: int = 0) -> dict:
    key = jax.random.key(seed)
    k_idx, k_tab = jax.random.split(key)
    x = jax.random.randint(k_idx, (4096, 200), 0, VOCAB, dtype=jnp.int32)
    lut = jax.random.normal(k_tab, (VOCAB, D_MODEL), dtype=jnp.float32)
    return {"x": x, "lut": lut}

def reference(x, lut):
    # Embedding lookup scaled by sqrt(d_model), as in the torch module.
    emb = jnp.take(lut, x, axis=0)
    return emb * math.sqrt(D_MODEL)

if __name__ == "__main__":
    import jax
    _d = setup_inputs()
    print(jax.jit(kernel)(*tuple(_d.values())))

</pallas_src>

<mosaic_0001>
#map = affine_map<(d0, d1) -> (0, 0)>
#map1 = affine_map<(d0, d1) -> (0, 0, 0, 0, 0)>
module attributes {stable_mosaic.version = 14 : i64} {
  func.func @_emb_kernel(%arg0: i32, %arg1: i32, %arg2: memref<6400x128xi32, #tpu.memory_space<hbm>>, %arg3: memref<2000000x64xf32, #tpu.memory_space<hbm>>, %arg4: memref<200x8x32x8x128xf32, #tpu.memory_space<hbm>>, %arg5: memref<200x128xi32, #tpu.memory_space<vmem>>, %arg6: memref<128x64xf32, #tpu.memory_space<vmem>>, %arg7: memref<128x64xf32, #tpu.memory_space<vmem>>, %arg8: memref<128x64xf32, #tpu.memory_space<vmem>>, %arg9: memref<128x64xf32, #tpu.memory_space<vmem>>, %arg10: memref<8x8x129xf32, #tpu.memory_space<vmem>>, %arg11: memref<8x8x129xf32, #tpu.memory_space<vmem>>, %arg12: memref<8x8x129xf32, #tpu.memory_space<vmem>>, %arg13: memref<8x8x129xf32, #tpu.memory_space<vmem>>, %arg14: memref<!tpu.dma_semaphore, #tpu.memory_space<semaphore_mem>>, %arg15: memref<!tpu.dma_semaphore, #tpu.memory_space<semaphore_mem>>, %arg16: memref<!tpu.dma_semaphore, #tpu.memory_space<semaphore_mem>>, %arg17: memref<!tpu.dma_semaphore, #tpu.memory_space<semaphore_mem>>, %arg18: memref<!tpu.dma_semaphore, #tpu.memory_space<semaphore_mem>>, %arg19: memref<!tpu.dma_semaphore, #tpu.memory_space<semaphore_mem>>, %arg20: memref<!tpu.dma_semaphore, #tpu.memory_space<semaphore_mem>>, %arg21: memref<!tpu.dma_semaphore, #tpu.memory_space<semaphore_mem>>) attributes {dimension_semantics = [#tpu.dimension_semantics<core_parallel>, #tpu.dimension_semantics<subcore_parallel>], iteration_bounds = array<i64: 2, 16>, scalar_prefetch = 0 : i64, scratch_operands = 17 : i64, tpu.core_type = #tpu.core_type<sc_vector_subcore>, window_params = [{transform_indices = #map}, {transform_indices = #map}, {transform_indices = #map1}]} {
    %mul3A = arith.constant 2 : i32
    %mul3A_0 = arith.muli %arg1, %mul3A : i32
    %add3A = arith.addi %mul3A_0, %arg0 : i32
    %mul3A_1 = arith.constant 200 : i32
    %mul3A_2 = arith.muli %add3A, %mul3A_1 : i32
    "tpu.region"() ({
      %run_scoped3A = tpu.sem_alloc : memref<!tpu.dma_semaphore, #tpu.memory_space<semaphore_mem>>
      %dma_start3A_416 = arith.constant 0 : i32
      %dma_start3A_417 = tpu.memref_slice %arg2[%mul3A_2, %dma_start3A_416] : memref<6400x128xi32, #tpu.memory_space<hbm>> -> memref<200x128xi32, #tpu.memory_space<hbm>>
      %dma_start3A_418 = arith.constant 0 : i32
      %dma_start3A_419 = tpu.memref_slice %arg2[%mul3A_2, %dma_start3A_418] : memref<6400x128xi32, #tpu.memory_space<hbm>> -> memref<200x128xi32, #tpu.memory_space<hbm>>
      tpu.enqueue_dma source(%dma_start3A_419 : memref<200x128xi32, #tpu.memory_space<hbm>>) target(%arg5 : memref<200x128xi32, #tpu.memory_space<vmem>>) target_semaphore(%run_scoped3A : memref<!tpu.dma_semaphore, #tpu.memory_space<semaphore_mem>>)
      %dma_wait3A_420 = arith.constant 0 : i32
      %dma_wait3A_421 = tpu.memref_slice %arg2[%mul3A_2, %dma_wait3A_420] : memref<6400x128xi32, #tpu.memory_space<hbm>> -> memref<200x128xi32, #tpu.memory_space<hbm>>
      %dma_wait3A_422 = arith.constant 0 : i32
      %dma_wait3A_423 = tpu.memref_slice %arg2[%mul3A_2, %dma_wait3A_422] : memref<6400x128xi32, #tpu.memory_space<hbm>> -> memref<200x128xi32, #tpu.memory_space<hbm>>
      tpu.wait_dma2 semaphore(%run_scoped3A : memref<!tpu.dma_semaphore, #tpu.memory_space<semaphore_mem>>) src(%dma_wait3A_423 : memref<200x128xi32, #tpu.memory_space<hbm>>) dst(%arg5 : memref<200x128xi32, #tpu.memory_space<vmem>>)
      tpu.yield
    }) : () -> ()
    %parallel_loop3A = arith.constant 0 : i32
    %parallel_loop3A_3 = arith.constant 200 : i32
    %parallel_loop3A_4 = arith.constant 1 : i32
    scf.for %parallel_loop3A_416 = %parallel_loop3A to %parallel_loop3A_3 step %parallel_loop3A_4  : i32 {
      %parallel_loop3A_417 = arith.index_cast %parallel_loop3A_416 : i32 to index
      %parallel_loop3A_418 = arith.constant 0 : index
      %parallel_loop3A_419 = tpu.vector_load %arg5[%parallel_loop3A_417, %parallel_loop3A_418] {strides = array<i32>} : memref<200x128xi32, #tpu.memory_space<vmem>>, vector<16xi32>,
      %parallel_loop3A_420 = arith.constant 2 : i32
      %parallel_loop3A_421 = vector.broadcast %parallel_loop3A_420 : i32 to vector<16xi32>
      %parallel_loop3A_422 = arith.muli %parallel_loop3A_419, %parallel_loop3A_421 : vector<16xi32>
      %parallel_loop3A_423 = arith.index_cast %parallel_loop3A_416 : i32 to index
      %parallel_loop3A_424 = arith.constant 0 : index
      %parallel_loop3A_425 = tpu.vector_load %arg5[%parallel_loop3A_423, %parallel_loop3A_424] {strides = array<i32>} : memref<200x128xi32, #tpu.memory_space<vmem>>, vector<16xi32>,
      tpu.vector_store %arg5[%parallel_loop3A_423, %parallel_loop3A_424], %parallel_loop3A_422 {strides = array<i32>} : memref<200x128xi32, #tpu.memory_space<vmem>>, vector<16xi32>,
      %parallel_loop3A_426 = arith.index_cast %parallel_loop3A_416 : i32 to index
      %parallel_loop3A_427 = arith.constant 16 : index
      %parallel_loop3A_428 = tpu.vector_load %arg5[%parallel_loop3A_426, %parallel_loop3A_427] {strides = array<i32>} : memref<200x128xi32, #tpu.memory_space<vmem>>, vector<16xi32>,
      %parallel_loop3A_429 = arith.constant 2 : i32
      %parallel_loop3A_430 = vector.broadcast %parallel_loop3A_429 : i32 to vector<16xi32>
      %parallel_loop3A_431 = arith.muli %parallel_loop3A_428, %parallel_loop3A_430 : vector<16xi32>
      %parallel_loop3A_432 = arith.index_cast %parallel_loop3A_416 : i32 to index
      %parallel_loop3A_433 = arith.constant 16 : index
      %parallel_loop3A_434 = tpu.vector_load %arg5[%parallel_loop3A_432, %parallel_loop3A_433] {strides = array<i32>} : memref<200x128xi32, #tpu.memory_space<vmem>>, vector<16xi32>,
      tpu.vector_store %arg5[%parallel_loop3A_432, %parallel_loop3A_433], %parallel_loop3A_431 {strides = array<i32>} : memref<200x128xi32, #tpu.memory_space<vmem>>, vector<16xi32>,
      %parallel_loop3A_435 = arith.index_cast %parallel_loop3A_416 : i32 to index
      %parallel_loop3A_436 = arith.constant 32 : index
      %parallel_loop3A_437 = tpu.vector_load %arg5[%parallel_loop3A_435, %parallel_loop3A_436] {strides = array<i32>} : memref<200x128xi32, #tpu.memory_space<vmem>>, vector<16xi32>,
      %parallel_loop3A_438 = arith.constant 2 : i32
      %parallel_loop3A_439 = vector.broadcast %parallel_loop3A_438 : i32 to vector<16xi32>
      %parallel_loop3A_440 = arith.muli %parallel_loop3A_437, %parallel_loop3A_439 : vector<16xi32>
      %parallel_loop3A_441 = arith.index_cast %parallel_loop3A_416 : i32 to index
      %parallel_loop3A_442 = arith.constant 32 : index
      %parallel_loop3A_443 = tpu.vector_load %arg5[%parallel_loop3A_441, %parallel_loop3A_442] {strides = array<i32>} : memref<200x128xi32, #tpu.memory_space<vmem>>, vector<16xi32>,
      tpu.vector_store %arg5[%parallel_loop3A_441, %parallel_loop3A_442], %parallel_loop3A_440 {strides = array<i32>} : memref<200x128xi32, #tpu.memory_space<vmem>>, vector<16xi32>,
      %parallel_loop3A_444 = arith.index_cast %parallel_loop3A_416 : i32 to index
      %parallel_loop3A_445 = arith.constant 48 : index
      %parallel_loop3A_446 = tpu.vector_load %arg5[%parallel_loop3A_444, %parallel_loop3A_445] {strides = array<i32>} : memref<200x128xi32, #tpu.memory_space<vmem>>, vector<16xi32>,
      %parallel_loop3A_447 = arith.constant 2 : i32
      %parallel_loop3A_448 = vector.broadcast %parallel_loop3A_447 : i32 to vector<16xi32>
      %parallel_loop3A_449 = arith.muli %parallel_loop3A_446, %parallel_loop3A_448 : vector<16xi32>
      %parallel_loop3A_450 = arith.index_cast %parallel_loop3A_416 : i32 to index
      %parallel_loop3A_451 = arith.constant 48 : index
      %parallel_loop3A_452 = tpu.vector_load %arg5[%parallel_loop3A_450, %parallel_loop3A_451] {strides = array<i32>} : memref<200x128xi32, #tpu.memory_space<vmem>>, vector<16xi32>,
      tpu.vector_store %arg5[%parallel_loop3A_450, %parallel_loop3A_451], %parallel_loop3A_449 {strides = array<i32>} : memref<200x128xi32, #tpu.memory_space<vmem>>, vector<16xi32>,
      %parallel_loop3A_453 = arith.index_cast %parallel_loop3A_416 : i32 to index
      %parallel_loop3A_454 = arith.constant 64 : index
      %parallel_loop3A_455 = tpu.vector_load %arg5[%parallel_loop3A_453, %parallel_loop3A_454] {strides = array<i32>} : memref<200x128xi32, #tpu.memory_space<vmem>>, vector<16xi32>,
      %parallel_loop3A_456 = arith.constant 2 : i32
      %parallel_loop3A_457 = vector.broadcast %parallel_loop3A_456 : i32 to vector<16xi32>
      %parallel_loop3A_458 = arith.muli %parallel_loop3A_455, %parallel_loop3A_457 : vector<16xi32>
      %parallel_loop3A_459 = arith.index_cast %parallel_loop3A_416 : i32 to index
      %parallel_loop3A_460 = arith.constant 64 : index
      %parallel_loop3A_461 = tpu.vector_load %arg5[%parallel_loop3A_459, %parallel_loop3A_460] {strides = array<i32>} : memref<200x128xi32, #tpu.memory_space<vmem>>, vector<16xi32>,
      tpu.vector_store %arg5[%parallel_loop3A_459, %parallel_loop3A_460], %parallel_loop3A_458 {strides = array<i32>} : memref<200x128xi32, #tpu.memory_space<vmem>>, vector<16xi32>,
      %parallel_loop3A_462 = arith.index_cast %parallel_loop3A_416 : i32 to index
      %parallel_loop3A_463 = arith.constant 80 : index
      %parallel_loop3A_464 = tpu.vector_load %arg5[%parallel_loop3A_462, %parallel_loop3A_463] {strides = array<i32>} : memref<200x128xi32, #tpu.memory_space<vmem>>, vector<16xi32>,
      %parallel_loop3A_465 = arith.constant 2 : i32
      %parallel_loop3A_466 = vector.broadcast %parallel_loop3A_465 : i32 to vector<16xi32>
      %parallel_loop3A_467 = arith.muli %parallel_loop3A_464, %parallel_loop3A_466 : vector<16xi32>
      %parallel_loop3A_468 = arith.index_cast %parallel_loop3A_416 : i32 to index
      %parallel_loop3A_469 = arith.constant 80 : index
      %parallel_loop3A_470 = tpu.vector_load %arg5[%parallel_loop3A_468, %parallel_loop3A_469] {strides = array<i32>} : memref<200x128xi32, #tpu.memory_space<vmem>>, vector<16xi32>,
      tpu.vector_store %arg5[%parallel_loop3A_468, %parallel_loop3A_469], %parallel_loop3A_467 {strides = array<i32>} : memref<200x128xi32, #tpu.memory_space<vmem>>, vector<16xi32>,
      %parallel_loop3A_471 = arith.index_cast %parallel_loop3A_416 : i32 to index
      %parallel_loop3A_472 = arith.constant 96 : index
      %parallel_loop3A_473 = tpu.vector_load %arg5[%parallel_loop3A_471, %parallel_loop3A_472] {strides = array<i32>} : memref<200x128xi32, #tpu.memory_space<vmem>>, vector<16xi32>,
      %parallel_loop3A_474 = arith.constant 2 : i32
      %parallel_loop3A_475 = vector.broadcast %parallel_loop3A_474 : i32 to vector<16xi32>
      %parallel_loop3A_476 = arith.muli %parallel_loop3A_473, %parallel_loop3A_475 : vector<16xi32>
      %parallel_loop3A_477 = arith.index_cast %parallel_loop3A_416 : i32 to index
      %parallel_loop3A_478 = arith.constant 96 : index
      %parallel_loop3A_479 = tpu.vector_load %arg5[%parallel_loop3A_477, %parallel_loop3A_478] {strides = array<i32>} : memref<200x128xi32, #tpu.memory_space<vmem>>, vector<16xi32>,
      tpu.vector_store %arg5[%parallel_loop3A_477, %parallel_loop3A_478], %parallel_loop3A_476 {strides = array<i32>} : memref<200x128xi32, #tpu.memory_space<vmem>>, vector<16xi32>,
      %parallel_loop3A_480 = arith.index_cast %parallel_loop3A_416 : i32 to index
      %parallel_loop3A_481 = arith.constant 112 : index
      %parallel_loop3A_482 = tpu.vector_load %arg5[%parallel_loop3A_480, %parallel_loop3A_481] {strides = array<i32>} : memref<200x128xi32, #tpu.memory_space<vmem>>, vector<16xi32>,
      %parallel_loop3A_483 = arith.constant 2 : i32
      %parallel_loop3A_484 = vector.broadcast %parallel_loop3A_483 : i32 to vector<16xi32>
      %parallel_loop3A_485 = arith.muli %parallel_loop3A_482, %parallel_loop3A_484 : vector<16xi32>
      %parallel_loop3A_486 = arith.index_cast %parallel_loop3A_416 : i32 to index
      %parallel_loop3A_487 = arith.constant 112 : index
      %parallel_loop3A_488 = tpu.vector_load %arg5[%parallel_loop3A_486, %parallel_loop3A_487] {strides = array<i32>} : memref<200x128xi32, #tpu.memory_space<vmem>>, vector<16xi32>,
      tpu.vector_store %arg5[%parallel_loop3A_486, %parallel_loop3A_487], %parallel_loop3A_485 {strides = array<i32>} : memref<200x128xi32, #tpu.memory_space<vmem>>, vector<16xi32>,
    } {sc.loop_unroll_factor = 4 : i64, sc.parallel_access}
    %dma_start3A = arith.constant 0 : i32
    %dma_start3A_5 = arith.constant 0 : i32
    %dma_start3A_6 = tpu.memref_slice %arg5[%dma_start3A, %dma_start3A_5] : memref<200x128xi32, #tpu.memory_space<vmem>> -> memref<1x128xi32, #tpu.memory_space<vmem>>
    %dma_start3A_7 = tpu.memref_squeeze %dma_start3A_6 : memref<1x128xi32, #tpu.memory_space<vmem>> -> memref<128xi32, #tpu.memory_space<vmem>>
    %dma_start3A_8 = arith.constant 0 : i32
    %dma_start3A_9 = arith.constant 0 : i32
    %dma_start3A_10 = tpu.memref_slice %arg3[%dma_start3A_8, %dma_start3A_9] : memref<2000000x64xf32, #tpu.memory_space<hbm>> -> memref<2000000x64xf32, #tpu.memory_space<hbm>>
    tpu.enqueue_indirect_dma source(%dma_start3A_10 : memref<2000000x64xf32, #tpu.memory_space<hbm>>) target(%arg6 : memref<128x64xf32, #tpu.memory_space<vmem>>) offsets(%dma_start3A_7 : memref<128xi32, #tpu.memory_space<vmem>>) semaphore(%arg14 : memref<!tpu.dma_semaphore, #tpu.memory_space<semaphore_mem>>)
    %scan3A = arith.constant 0 : i32
    %scan3A_11 = arith.constant 50 : i32
    %scan3A_12 = arith.addi %scan3A, %scan3A_11 : i32
    %scan3A_13 = arith.constant 1 : i32
    scf.for %scan3A_416 = %scan3A to %scan3A_12 step %scan3A_13  : i32 {
      %mul3A_417 = arith.constant 1 : i32
      %mul3A_418 = arith.muli %scan3A_416, %mul3A_417 : i32
      %add3A_419 = arith.constant 0 : i32
      %add3A_420 = arith.addi %add3A_419, %mul3A_418 : i32
      %mul3A_421 = arith.constant 4 : i32
      %mul3A_422 = arith.muli %add3A_420, %mul3A_421 : i32
      %add3A_423 = arith.constant 0 : i32
      %add3A_424 = arith.addi %mul3A_422, %add3A_423 : i32
      %add3A_425 = arith.constant 1 : i32
      %add3A_426 = arith.addi %add3A_424, %add3A_425 : i32
      %lt3A_427 = arith.constant 200 : i32
      %lt3A_428 = arith.cmpi slt, %add3A_426, %lt3A_427 : i32
      %convert_element_type3A = arith.extui %lt3A_428 : i1 to i32
      %cond3A = arith.constant 0 : i32
      %cond3A_429 = arith.cmpi ne, %convert_element_type3A, %cond3A : i32
      scf.if %cond3A_429 {
        %add3A_1854 = arith.constant 1 : i32
        %add3A_1855 = arith.addi %add3A_424, %add3A_1854 : i32
        %ge3A = arith.constant 4 : i32
        %ge3A_1856 = arith.cmpi sge, %add3A_1855, %ge3A : i32
        %convert_element_type3A_1857 = arith.extui %ge3A_1856 : i1 to i32
        %cond3A_1858 = arith.constant 0 : i32
        %cond3A_1859 = arith.cmpi ne, %convert_element_type3A_1857, %cond3A_1858 : i32
        scf.if %cond3A_1859 {
          %add3A_1868 = arith.constant 1 : i32
          %add3A_1869 = arith.addi %add3A_424, %add3A_1868 : i32
          %sub3A_1870 = arith.constant 4 : i32
          %sub3A_1871 = arith.subi %add3A_1869, %sub3A_1870 : i32
          %add3A_1872 = arith.addi %mul3A_2, %sub3A_1871 : i32
          %jit3A_1873 = arith.constant 256 : i32
          %div3A_1874 = arith.divsi %add3A_1872, %jit3A_1873 : i32
          %sign3A_1875 = arith.constant 0 : i32
          %sign3A_1876 = arith.cmpi sgt, %add3A_1872, %sign3A_1875 : i32
          %sign3A_1877 = arith.extui %sign3A_1876 : i1 to i32
          %sign3A_1878 = arith.constant 0 : i32
          %sign3A_1879 = arith.cmpi slt, %add3A_1872, %sign3A_1878 : i32
          %sign3A_1880 = arith.extui %sign3A_1879 : i1 to i32
          %sign3A_1881 = arith.subi %sign3A_1877, %sign3A_1880 : i32
          %sign3A_1882 = arith.constant 0 : i32
          %sign3A_1883 = arith.cmpi sgt, %jit3A_1873, %sign3A_1882 : i32
          %sign3A_1884 = arith.extui %sign3A_1883 : i1 to i32
          %sign3A_1885 = arith.constant 0 : i32
          %sign3A_1886 = arith.cmpi slt, %jit3A_1873, %sign3A_1885 : i32
          %sign3A_1887 = arith.extui %sign3A_1886 : i1 to i32
          %sign3A_1888 = arith.subi %sign3A_1884, %sign3A_1887 : i32
          %ne3A_1889 = arith.cmpi ne, %sign3A_1881, %sign3A_1888 : i32
          %rem3A_1890 = arith.remsi %add3A_1872, %jit3A_1873 : i32
          %ne3A_1891 = arith.constant 0 : i32
          %ne3A_1892 = arith.cmpi ne, %rem3A_1890, %ne3A_1891 : i32
          %and3A_1893 = arith.andi %ne3A_1889, %ne3A_1892 : i1
          %sub3A_1894 = arith.constant 1 : i32
          %sub3A_1895 = arith.subi %div3A_1874, %sub3A_1894 : i32
          %select_n3A_1896 = arith.select %and3A_1893, %sub3A_1895, %div3A_1874 : i32
          %jit3A_1897 = arith.constant 256 : i32
          %eq3A_1898 = arith.constant 0 : i32
          %eq3A_1899 = arith.cmpi eq, %jit3A_1897, %eq3A_1898 : i32
          %jit3A_1900 = arith.constant 1 : i32
          %select_n3A_1901 = arith.select %eq3A_1899, %jit3A_1900, %jit3A_1897 : i32
          %rem3A_1902 = arith.remsi %add3A_1872, %select_n3A_1901 : i32
          %ne3A_1903 = arith.constant 0 : i32
          %ne3A_1904 = arith.cmpi ne, %rem3A_1902, %ne3A_1903 : i32
          %lt3A_1905 = arith.constant 0 : i32
          %lt3A_1906 = arith.cmpi slt, %rem3A_1902, %lt3A_1905 : i32
          %lt3A_1907 = arith.constant 0 : i32
          %lt3A_1908 = arith.cmpi slt, %select_n3A_1901, %lt3A_1907 : i32
          %ne3A_1909 = arith.xori %lt3A_1906, %lt3A_1908 : i1
          %and3A_1910 = arith.andi %ne3A_1909, %ne3A_1904 : i1
          %add3A_1911 = arith.addi %rem3A_1902, %select_n3A_1901 : i32
          %select_n3A_1912 = arith.select %and3A_1910, %add3A_1911, %rem3A_1902 : i32
          %jit3A_1913 = arith.constant 8 : i32
          %div3A_1914 = arith.divsi %select_n3A_1912, %jit3A_1913 : i32
          %sign3A_1915 = arith.constant 0 : i32
          %sign3A_1916 = arith.cmpi sgt, %select_n3A_1912, %sign3A_1915 : i32
          %sign3A_1917 = arith.extui %sign3A_1916 : i1 to i32
          %sign3A_1918 = arith.constant 0 : i32
          %sign3A_1919 = arith.cmpi slt, %select_n3A_1912, %sign3A_1918 : i32
          %sign3A_1920 = arith.extui %sign3A_1919 : i1 to i32
          %sign3A_1921 = arith.subi %sign3A_1917, %sign3A_1920 : i32
          %sign3A_1922 = arith.constant 0 : i32
          %sign3A_1923 = arith.cmpi sgt, %jit3A_1913, %sign3A_1922 : i32
          %sign3A_1924 = arith.extui %sign3A_1923 : i1 to i32
          %sign3A_1925 = arith.constant 0 : i32
          %sign3A_1926 = arith.cmpi slt, %jit3A_1913, %sign3A_1925 : i32
          %sign3A_1927 = arith.extui %sign3A_1926 : i1 to i32
          %sign3A_1928 = arith.subi %sign3A_1924, %sign3A_1927 : i32
          %ne3A_1929 = arith.cmpi ne, %sign3A_1921, %sign3A_1928 : i32
          %rem3A_1930 = arith.remsi %select_n3A_1912, %jit3A_1913 : i32
          %ne3A_1931 = arith.constant 0 : i32
          %ne3A_1932 = arith.cmpi ne, %rem3A_1930, %ne3A_1931 : i32
          %and3A_1933 = arith.andi %ne3A_1929, %ne3A_1932 : i1
          %sub3A_1934 = arith.constant 1 : i32
          %sub3A_1935 = arith.subi %div3A_1914, %sub3A_1934 : i32
          %select_n3A_1936 = arith.select %and3A_1933, %sub3A_1935, %div3A_1914 : i32
          %jit3A_1937 = arith.constant 8 : i32
          %eq3A_1938 = arith.constant 0 : i32
          %eq3A_1939 = arith.cmpi eq, %jit3A_1937, %eq3A_1938 : i32
          %jit3A_1940 = arith.constant 1 : i32
          %select_n3A_1941 = arith.select %eq3A_1939, %jit3A_1940, %jit3A_1937 : i32
          %rem3A_1942 = arith.remsi %add3A_1872, %select_n3A_1941 : i32
          %ne3A_1943 = arith.constant 0 : i32
          %ne3A_1944 = arith.cmpi ne, %rem3A_1942, %ne3A_1943 : i32
          %lt3A_1945 = arith.constant 0 : i32
          %lt3A_1946 = arith.cmpi slt, %rem3A_1942, %lt3A_1945 : i32
          %lt3A_1947 = arith.constant 0 : i32
          %lt3A_1948 = arith.cmpi slt, %select_n3A_1941, %lt3A_1947 : i32
          %ne3A_1949 = arith.xori %lt3A_1946, %lt3A_1948 : i1
          %and3A_1950 = arith.andi %ne3A_1949, %ne3A_1944 : i1
          %add3A_1951 = arith.addi %rem3A_1942, %select_n3A_1941 : i32
          %select_n3A_1952 = arith.select %and3A_1950, %add3A_1951, %rem3A_1942 : i32
          %mul3A_1953 = arith.constant 8 : i32
          %mul3A_1954 = arith.muli %select_n3A_1896, %mul3A_1953 : i32
          %add3A_1955 = arith.addi %mul3A_1954, %select_n3A_1952 : i32
          %dma_wait3A_1956 = arith.constant 0 : i32
          %dma_wait3A_1957 = arith.constant 0 : i32
          %dma_wait3A_1958 = arith.constant 0 : i32
          %dma_wait3A_1959 = tpu.memref_slice %arg11[%dma_wait3A_1956, %dma_wait3A_1957, %dma_wait3A_1958] : memref<8x8x129xf32, #tpu.memory_space<vmem>> -> memref<8x8x128xf32, #tpu.memory_space<vmem>>
          %dma_wait3A_1960 = arith.constant 0 : i32
          %dma_wait3A_1961 = arith.constant 0 : i32
          %dma_wait3A_1962 = arith.constant 0 : i32
          %dma_wait3A_1963 = tpu.memref_slice %arg4[%add3A_1955, %dma_wait3A_1960, %select_n3A_1936, %dma_wait3A_1961, %dma_wait3A_1962] : memref<200x8x32x8x128xf32, #tpu.memory_space<hbm>> -> memref<1x8x1x8x128xf32, #tpu.memory_space<hbm>>
          %dma_wait3A_1964 = tpu.memref_squeeze %dma_wait3A_1963 : memref<1x8x1x8x128xf32, #tpu.memory_space<hbm>> -> memref<8x8x128xf32, #tpu.memory_space<hbm>>
          %dma_wait3A_1965 = arith.constant 0 : i32
          %dma_wait3A_1966 = arith.constant 0 : i32
          %dma_wait3A_1967 = arith.constant 0 : i32
          %dma_wait3A_1968 = tpu.memref_slice %arg4[%add3A_1955, %dma_wait3A_1965, %select_n3A_1936, %dma_wait3A_1966, %dma_wait3A_1967] : memref<200x8x32x8x128xf32, #tpu.memory_space<hbm>> -> memref<1x8x1x8x128xf32, #tpu.memory_space<hbm>>
          %dma_wait3A_1969 = tpu.memref_squeeze %dma_wait3A_1968 : memref<1x8x1x8x128xf32, #tpu.memory_space<hbm>> -> memref<8x8x128xf32, #tpu.memory_space<hbm>>
          %dma_wait3A_1970 = arith.constant 0 : i32
          %dma_wait3A_1971 = arith.constant 0 : i32
          %dma_wait3A_1972 = arith.constant 0 : i32
          %dma_wait3A_1973 = tpu.memref_slice %arg11[%dma_wait3A_1970, %dma_wait3A_1971, %dma_wait3A_1972] : memref<8x8x129xf32, #tpu.memory_space<vmem>> -> memref<8x8x128xf32, #tpu.memory_space<vmem>>
          tpu.wait_dma2 semaphore(%arg19 : memref<!tpu.dma_semaphore, #tpu.memory_space<semaphore_mem>>) src(%dma_wait3A_1973 : memref<8x8x128xf32, #tpu.memory_space<vmem>>) dst(%dma_wait3A_1969 : memref<8x8x128xf32, #tpu.memory_space<hbm>>)
        } else {
        }
        %add3A_1860 = arith.constant 1 : i32
        %add3A_1861 = arith.addi %add3A_424, %add3A_1860 : i32
        %dma_start3A_1862 = arith.constant 0 : i32
        %dma_start3A_1863 = tpu.memref_slice %arg5[%add3A_1861, %dma_start3A_1862] : memref<200x128xi32, #tpu.memory_space<vmem>> -> memref<1x128xi32, #tpu.memory_space<vmem>>
        %dma_start3A_1864 = tpu.memref_squeeze %dma_start3A_1863 : memref<1x128xi32, #tpu.memory_space<vmem>> -> memref<128xi32, #tpu.memory_space<vmem>>
        %dma_start3A_1865 = arith.constant 0 : i32
        %dma_start3A_1866 = arith.constant 0 : i32
        %dma_start3A_1867 = tpu.memref_slice %arg3[%dma_start3A_1865, %dma_start3A_1866] : memref<2000000x64xf32, #tpu.memory_space<hbm>> -> memref<2000000x64xf32, #tpu.memory_space<hbm>>
        tpu.enqueue_indirect_dma source(%dma_start3A_1867 : memref<2000000x64xf32, #tpu.memory_space<hbm>>) target(%arg7 : memref<128x64xf32, #tpu.memory_space<vmem>>) offsets(%dma_start3A_1864 : memref<128xi32, #tpu.memory_space<vmem>>) semaphore(%arg15 : memref<!tpu.dma_semaphore, #tpu.memory_space<semaphore_mem>>)
      } else {
      }
      %dma_wait3A_430 = arith.constant 0 : i32
      %dma_wait3A_431 = tpu.memref_slice %arg5[%add3A_424, %dma_wait3A_430] : memref<200x128xi32, #tpu.memory_space<vmem>> -> memref<1x128xi32, #tpu.memory_space<vmem>>
      %dma_wait3A_432 = tpu.memref_squeeze %dma_wait3A_431 : memref<1x128xi32, #tpu.memory_space<vmem>> -> memref<128xi32, #tpu.memory_space<vmem>>
      %dma_wait3A_433 = arith.constant 0 : i32
      %dma_wait3A_434 = arith.constant 0 : i32
      %dma_wait3A_435 = tpu.memref_slice %arg3[%dma_wait3A_433, %dma_wait3A_434] : memref<2000000x64xf32, #tpu.memory_space<hbm>> -> memref<2000000x64xf32, #tpu.memory_space<hbm>>
      tpu.wait_indirect_dma semaphore(%arg14 : memref<!tpu.dma_semaphore, #tpu.memory_space<semaphore_mem>>) src(%dma_wait3A_435 : memref<2000000x64xf32, #tpu.memory_space<hbm>>) dst(%arg6 : memref<128x64xf32, #tpu.memory_space<vmem>>)
      %iota3A = tpu.iota {dimensions = array<i32: 0>} : vector<16xi32>
      %add3A_436 = arith.constant 0 : i32
      %add3A_437 = vector.broadcast %add3A_436 : i32 to vector<16xi32>
      %add3A_438 = arith.addi %add3A_437, %iota3A : vector<16xi32>
      %jit3A_439 = arith.constant 8 : i32
      %div3A_440 = vector.broadcast %jit3A_439 : i32 to vector<16xi32>
      %div3A_441 = arith.divsi %add3A_438, %div3A_440 : vector<16xi32>
      %sign3A_442 = arith.constant 0 : i32
      %sign3A_443 = vector.broadcast %sign3A_442 : i32 to vector<16xi32>
      %sign3A_444 = arith.cmpi sgt, %add3A_438, %sign3A_443 : vector<16xi32>
      %sign3A_445 = arith.extui %sign3A_444 : vector<16xi1> to vector<16xi32>
      %sign3A_446 = arith.constant 0 : i32
      %sign3A_447 = vector.broadcast %sign3A_446 : i32 to vector<16xi32>
      %sign3A_448 = arith.cmpi slt, %add3A_438, %sign3A_447 : vector<16xi32>
      %sign3A_449 = arith.extui %sign3A_448 : vector<16xi1> to vector<16xi32>
      %sign3A_450 = arith.subi %sign3A_445, %sign3A_449 : vector<16xi32>
      %sign3A_451 = arith.constant 0 : i32
      %sign3A_452 = arith.cmpi sgt, %jit3A_439, %sign3A_451 : i32
      %sign3A_453 = arith.extui %sign3A_452 : i1 to i32
      %sign3A_454 = arith.constant 0 : i32
      %sign3A_455 = arith.cmpi slt, %jit3A_439, %sign3A_454 : i32
      %sign3A_456 = arith.extui %sign3A_455 : i1 to i32
      %sign3A_457 = arith.subi %sign3A_453, %sign3A_456 : i32
      %ne3A_458 = vector.broadcast %sign3A_457 : i32 to vector<16xi32>
      %ne3A_459 = arith.cmpi ne, %sign3A_450, %ne3A_458 : vector<16xi32>
      %rem3A_460 = vector.broadcast %jit3A_439 : i32 to vector<16xi32>
      %rem3A_461 = arith.remsi %add3A_438, %rem3A_460 : vector<16xi32>
      %ne3A_462 = arith.constant 0 : i32
      %ne3A_463 = vector.broadcast %ne3A_462 : i32 to vector<16xi32>
      %ne3A_464 = arith.cmpi ne, %rem3A_461, %ne3A_463 : vector<16xi32>
      %and3A_465 = arith.andi %ne3A_459, %ne3A_464 : vector<16xi1>
      %sub3A_466 = arith.constant 1 : i32
      %sub3A_467 = vector.broadcast %sub3A_466 : i32 to vector<16xi32>
      %sub3A_468 = arith.subi %div3A_441, %sub3A_467 : vector<16xi32>
      %select_n3A_469 = arith.select %and3A_465, %sub3A_468, %div3A_441 : vector<16xi1>, vector<16xi32>
      %add3A_470 = arith.constant 16 : i32
      %add3A_471 = vector.broadcast %add3A_470 : i32 to vector<16xi32>
      %add3A_472 = arith.addi %add3A_471, %iota3A : vector<16xi32>
      %jit3A_473 = arith.constant 8 : i32
      %div3A_474 = vector.broadcast %jit3A_473 : i32 to vector<16xi32>
      %div3A_475 = arith.divsi %add3A_472, %div3A_474 : vector<16xi32>
      %sign3A_476 = arith.constant 0 : i32
      %sign3A_477 = vector.broadcast %sign3A_476 : i32 to vector<16xi32>
      %sign3A_478 = arith.cmpi sgt, %add3A_472, %sign3A_477 : vector<16xi32>
      %sign3A_479 = arith.extui %sign3A_478 : vector<16xi1> to vector<16xi32>
      %sign3A_480 = arith.constant 0 : i32
      %sign3A_481 = vector.broadcast %sign3A_480 : i32 to vector<16xi32>
      %sign3A_482 = arith.cmpi slt, %add3A_472, %sign3A_481 : vector<16xi32>
      %sign3A_483 = arith.extui %sign3A_482 : vector<16xi1> to vector<16xi32>
      %sign3A_484 = arith.subi %sign3A_479, %sign3A_483 : vector<16xi32>
      %sign3A_485 = arith.constant 0 : i32
      %sign3A_486 = arith.cmpi sgt, %jit3A_473, %sign3A_485 : i32
      %sign3A_487 = arith.extui %sign3A_486 : i1 to i32
      %sign3A_488 = arith.constant 0 : i32
      %sign3A_489 = arith.cmpi slt, %jit3A_473, %sign3A_488 : i32
      %sign3A_490 = arith.extui %sign3A_489 : i1 to i32
      %sign3A_491 = arith.subi %sign3A_487, %sign3A_490 : i32
      %ne3A_492 = vector.broadcast %sign3A_491 : i32 to vector<16xi32>
      %ne3A_493 = arith.cmpi ne, %sign3A_484, %ne3A_492 : vector<16xi32>
      %rem3A_494 = vector.broadcast %jit3A_473 : i32 to vector<16xi32>
      %rem3A_495 = arith.remsi %add3A_472, %rem3A_494 : vector<16xi32>
      %ne3A_496 = arith.constant 0 : i32
      %ne3A_497 = vector.broadcast %ne3A_496 : i32 to vector<16xi32>
      %ne3A_498 = arith.cmpi ne, %rem3A_495, %ne3A_497 : vector<16xi32>
      %and3A_499 = arith.andi %ne3A_493, %ne3A_498 : vector<16xi1>
      %sub3A_500 = arith.constant 1 : i32
      %sub3A_501 = vector.broadcast %sub3A_500 : i32 to vector<16xi32>
      %sub3A_502 = arith.subi %div3A_475, %sub3A_501 : vector<16xi32>
      %select_n3A_503 = arith.select %and3A_499, %sub3A_502, %div3A_475 : vector<16xi1>, vector<16xi32>
      %add3A_504 = arith.constant 32 : i32
      %add3A_505 = vector.broadcast %add3A_504 : i32 to vector<16xi32>
      %add3A_506 = arith.addi %add3A_505, %iota3A : vector<16xi32>
      %jit3A_507 = arith.constant 8 : i32
      %div3A_508 = vector.broadcast %jit3A_507 : i32 to vector<16xi32>
      %div3A_509 = arith.divsi %add3A_506, %div3A_508 : vector<16xi32>
      %sign3A_510 = arith.constant 0 : i32
      %sign3A_511 = vector.broadcast %sign3A_510 : i32 to vector<16xi32>
      %sign3A_512 = arith.cmpi sgt, %add3A_506, %sign3A_511 : vector<16xi32>
      %sign3A_513 = arith.extui %sign3A_512 : vector<16xi1> to vector<16xi32>
      %sign3A_514 = arith.constant 0 : i32
      %sign3A_515 = vector.broadcast %sign3A_514 : i32 to vector<16xi32>
      %sign3A_516 = arith.cmpi slt, %add3A_506, %sign3A_515 : vector<16xi32>
      %sign3A_517 = arith.extui %sign3A_516 : vector<16xi1> to vector<16xi32>
      %sign3A_518 = arith.subi %sign3A_513, %sign3A_517 : vector<16xi32>
      %sign3A_519 = arith.constant 0 : i32
      %sign3A_520 = arith.cmpi sgt, %jit3A_507, %sign3A_519 : i32
      %sign3A_521 = arith.extui %sign3A_520 : i1 to i32
      %sign3A_522 = arith.constant 0 : i32
      %sign3A_523 = arith.cmpi slt, %jit3A_507, %sign3A_522 : i32
      %sign3A_524 = arith.extui %sign3A_523 : i1 to i32
      %sign3A_525 = arith.subi %sign3A_521, %sign3A_524 : i32
      %ne3A_526 = vector.broadcast %sign3A_525 : i32 to vector<16xi32>
      %ne3A_527 = arith.cmpi ne, %sign3A_518, %ne3A_526 : vector<16xi32>
      %rem3A_528 = vector.broadcast %jit3A_507 : i32 to vector<16xi32>
      %rem3A_529 = arith.remsi %add3A_506, %rem3A_528 : vector<16xi32>
      %ne3A_530 = arith.constant 0 : i32
      %ne3A_531 = vector.broadcast %ne3A_530 : i32 to vector<16xi32>
      %ne3A_532 = arith.cmpi ne, %rem3A_529, %ne3A_531 : vector<16xi32>
      %and3A_533 = arith.andi %ne3A_527, %ne3A_532 : vector<16xi1>
      %sub3A_534 = arith.constant 1 : i32
      %sub3A_535 = vector.broadcast %sub3A_534 : i32 to vector<16xi32>
      %sub3A_536 = arith.subi %div3A_509, %sub3A_535 : vector<16xi32>
      %select_n3A_537 = arith.select %and3A_533, %sub3A_536, %div3A_509 : vector<16xi1>, vector<16xi32>
      %add3A_538 = arith.constant 48 : i32
      %add3A_539 = vector.broadcast %add3A_538 : i32 to vector<16xi32>
      %add3A_540 = arith.addi %add3A_539, %iota3A : vector<16xi32>
      %jit3A_541 = arith.constant 8 : i32
      %div3A_542 = vector.broadcast %jit3A_541 : i32 to vector<16xi32>
      %div3A_543 = arith.divsi %add3A_540, %div3A_542 : vector<16xi32>
      %sign3A_544 = arith.constant 0 : i32
      %sign3A_545 = vector.broadcast %sign3A_544 : i32 to vector<16xi32>
      %sign3A_546 = arith.cmpi sgt, %add3A_540, %sign3A_545 : vector<16xi32>
      %sign3A_547 = arith.extui %sign3A_546 : vector<16xi1> to vector<16xi32>
      %sign3A_548 = arith.constant 0 : i32
      %sign3A_549 = vector.broadcast %sign3A_548 : i32 to vector<16xi32>
      %sign3A_550 = arith.cmpi slt, %add3A_540, %sign3A_549 : vector<16xi32>
      %sign3A_551 = arith.extui %sign3A_550 : vector<16xi1> to vector<16xi32>
      %sign3A_552 = arith.subi %sign3A_547, %sign3A_551 : vector<16xi32>
      %sign3A_553 = arith.constant 0 : i32
      %sign3A_554 = arith.cmpi sgt, %jit3A_541, %sign3A_553 : i32
      %sign3A_555 = arith.extui %sign3A_554 : i1 to i32
      %sign3A_556 = arith.constant 0 : i32
      %sign3A_557 = arith.cmpi slt, %jit3A_541, %sign3A_556 : i32
      %sign3A_558 = arith.extui %sign3A_557 : i1 to i32
      %sign3A_559 = arith.subi %sign3A_555, %sign3A_558 : i32
      %ne3A_560 = vector.broadcast %sign3A_559 : i32 to vector<16xi32>
      %ne3A_561 = arith.cmpi ne, %sign3A_552, %ne3A_560 : vector<16xi32>
      %rem3A_562 = vector.broadcast %jit3A_541 : i32 to vector<16xi32>
      %rem3A_563 = arith.remsi %add3A_540, %rem3A_562 : vector<16xi32>
      %ne3A_564 = arith.constant 0 : i32
      %ne3A_565 = vector.broadcast %ne3A_564 : i32 to vector<16xi32>
      %ne3A_566 = arith.cmpi ne, %rem3A_563, %ne3A_565 : vector<16xi32>
      %and3A_567 = arith.andi %ne3A_561, %ne3A_566 : vector<16xi1>
      %sub3A_568 = arith.constant 1 : i32
      %sub3A_569 = vector.broadcast %sub3A_568 : i32 to vector<16xi32>
      %sub3A_570 = arith.subi %div3A_543, %sub3A_569 : vector<16xi32>
      %select_n3A_571 = arith.select %and3A_567, %sub3A_570, %div3A_543 : vector<16xi1>, vector<16xi32>
      %add3A_572 = arith.constant 0 : i32
      %add3A_573 = vector.broadcast %add3A_572 : i32 to vector<16xi32>
      %add3A_574 = arith.addi %add3A_573, %iota3A : vector<16xi32>
      %jit3A_575 = arith.constant 8 : i32
      %eq3A_576 = arith.constant 0 : i32
      %eq3A_577 = arith.cmpi eq, %jit3A_575, %eq3A_576 : i32
      %jit3A_578 = arith.constant 1 : i32
      %select_n3A_579 = arith.select %eq3A_577, %jit3A_578, %jit3A_575 : i32
      %rem3A_580 = vector.broadcast %select_n3A_579 : i32 to vector<16xi32>
      %rem3A_581 = arith.remsi %add3A_574, %rem3A_580 : vector<16xi32>
      %ne3A_582 = arith.constant 0 : i32
      %ne3A_583 = vector.broadcast %ne3A_582 : i32 to vector<16xi32>
      %ne3A_584 = arith.cmpi ne, %rem3A_581, %ne3A_583 : vector<16xi32>
      %lt3A_585 = arith.constant 0 : i32
      %lt3A_586 = vector.broadcast %lt3A_585 : i32 to vector<16xi32>
      %lt3A_587 = arith.cmpi slt, %rem3A_581, %lt3A_586 : vector<16xi32>
      %lt3A_588 = arith.constant 0 : i32
      %lt3A_589 = arith.cmpi slt, %select_n3A_579, %lt3A_588 : i32
      %ne3A_590 = vector.broadcast %lt3A_589 : i1 to vector<16xi1>
      %ne3A_591 = vector.broadcast %ne3A_590 : vector<16xi1> to vector<16xi1>
      %ne3A_592 = arith.xori %lt3A_587, %ne3A_591 : vector<16xi1>
      %and3A_593 = arith.andi %ne3A_592, %ne3A_584 : vector<16xi1>
      %add3A_594 = vector.broadcast %select_n3A_579 : i32 to vector<16xi32>
      %add3A_595 = arith.addi %rem3A_581, %add3A_594 : vector<16xi32>
      %select_n3A_596 = arith.select %and3A_593, %add3A_595, %rem3A_581 : vector<16xi1>, vector<16xi32>
      %add3A_597 = arith.constant 16 : i32
      %add3A_598 = vector.broadcast %add3A_597 : i32 to vector<16xi32>
      %add3A_599 = arith.addi %add3A_598, %iota3A : vector<16xi32>
      %jit3A_600 = arith.constant 8 : i32
      %eq3A_601 = arith.constant 0 : i32
      %eq3A_602 = arith.cmpi eq, %jit3A_600, %eq3A_601 : i32
      %jit3A_603 = arith.constant 1 : i32
      %select_n3A_604 = arith.select %eq3A_602, %jit3A_603, %jit3A_600 : i32
      %rem3A_605 = vector.broadcast %select_n3A_604 : i32 to vector<16xi32>
      %rem3A_606 = arith.remsi %add3A_599, %rem3A_605 : vector<16xi32>
      %ne3A_607 = arith.constant 0 : i32
      %ne3A_608 = vector.broadcast %ne3A_607 : i32 to vector<16xi32>
      %ne3A_609 = arith.cmpi ne, %rem3A_606, %ne3A_608 : vector<16xi32>
      %lt3A_610 = arith.constant 0 : i32
      %lt3A_611 = vector.broadcast %lt3A_610 : i32 to vector<16xi32>
      %lt3A_612 = arith.cmpi slt, %rem3A_606, %lt3A_611 : vector<16xi32>
      %lt3A_613 = arith.constant 0 : i32
      %lt3A_614 = arith.cmpi slt, %select_n3A_604, %lt3A_613 : i32
      %ne3A_615 = vector.broadcast %lt3A_614 : i1 to vector<16xi1>
      %ne3A_616 = vector.broadcast %ne3A_615 : vector<16xi1> to vector<16xi1>
      %ne3A_617 = arith.xori %lt3A_612, %ne3A_616 : vector<16xi1>
      %and3A_618 = arith.andi %ne3A_617, %ne3A_609 : vector<16xi1>
      %add3A_619 = vector.broadcast %select_n3A_604 : i32 to vector<16xi32>
      %add3A_620 = arith.addi %rem3A_606, %add3A_619 : vector<16xi32>
      %select_n3A_621 = arith.select %and3A_618, %add3A_620, %rem3A_606 : vector<16xi1>, vector<16xi32>
      %add3A_622 = arith.constant 32 : i32
      %add3A_623 = vector.broadcast %add3A_622 : i32 to vector<16xi32>
      %add3A_624 = arith.addi %add3A_623, %iota3A : vector<16xi32>
      %jit3A_625 = arith.constant 8 : i32
      %eq3A_626 = arith.constant 0 : i32
      %eq3A_627 = arith.cmpi eq, %jit3A_625, %eq3A_626 : i32
      %jit3A_628 = arith.constant 1 : i32
      %select_n3A_629 = arith.select %eq3A_627, %jit3A_628, %jit3A_625 : i32
      %rem3A_630 = vector.broadcast %select_n3A_629 : i32 to vector<16xi32>
      %rem3A_631 = arith.remsi %add3A_624, %rem3A_630 : vector<16xi32>
      %ne3A_632 = arith.constant 0 : i32
      %ne3A_633 = vector.broadcast %ne3A_632 : i32 to vector<16xi32>
      %ne3A_634 = arith.cmpi ne, %rem3A_631, %ne3A_633 : vector<16xi32>
      %lt3A_635 = arith.constant 0 : i32
      %lt3A_636 = vector.broadcast %lt3A_635 : i32 to vector<16xi32>
      %lt3A_637 = arith.cmpi slt, %rem3A_631, %lt3A_636 : vector<16xi32>
      %lt3A_638 = arith.constant 0 : i32
      %lt3A_639 = arith.cmpi slt, %select_n3A_629, %lt3A_638 : i32
      %ne3A_640 = vector.broadcast %lt3A_639 : i1 to vector<16xi1>
      %ne3A_641 = vector.broadcast %ne3A_640 : vector<16xi1> to vector<16xi1>
      %ne3A_642 = arith.xori %lt3A_637, %ne3A_641 : vector<16xi1>
      %and3A_643 = arith.andi %ne3A_642, %ne3A_634 : vector<16xi1>
      %add3A_644 = vector.broadcast %select_n3A_629 : i32 to vector<16xi32>
      %add3A_645 = arith.addi %rem3A_631, %add3A_644 : vector<16xi32>
      %select_n3A_646 = arith.select %and3A_643, %add3A_645, %rem3A_631 : vector<16xi1>, vector<16xi32>
      %add3A_647 = arith.constant 48 : i32
      %add3A_648 = vector.broadcast %add3A_647 : i32 to vector<16xi32>
      %add3A_649 = arith.addi %add3A_648, %iota3A : vector<16xi32>
      %jit3A_650 = arith.constant 8 : i32
      %eq3A_651 = arith.constant 0 : i32
      %eq3A_652 = arith.cmpi eq, %jit3A_650, %eq3A_651 : i32
      %jit3A_653 = arith.constant 1 : i32
      %select_n3A_654 = arith.select %eq3A_652, %jit3A_653, %jit3A_650 : i32
      %rem3A_655 = vector.broadcast %select_n3A_654 : i32 to vector<16xi32>
      %rem3A_656 = arith.remsi %add3A_649, %rem3A_655 : vector<16xi32>
      %ne3A_657 = arith.constant 0 : i32
      %ne3A_658 = vector.broadcast %ne3A_657 : i32 to vector<16xi32>
      %ne3A_659 = arith.cmpi ne, %rem3A_656, %ne3A_658 : vector<16xi32>
      %lt3A_660 = arith.constant 0 : i32
      %lt3A_661 = vector.broadcast %lt3A_660 : i32 to vector<16xi32>
      %lt3A_662 = arith.cmpi slt, %rem3A_656, %lt3A_661 : vector<16xi32>
      %lt3A_663 = arith.constant 0 : i32
      %lt3A_664 = arith.cmpi slt, %select_n3A_654, %lt3A_663 : i32
      %ne3A_665 = vector.broadcast %lt3A_664 : i1 to vector<16xi1>
      %ne3A_666 = vector.broadcast %ne3A_665 : vector<16xi1> to vector<16xi1>
      %ne3A_667 = arith.xori %lt3A_662, %ne3A_666 : vector<16xi1>
      %and3A_668 = arith.andi %ne3A_667, %ne3A_659 : vector<16xi1>
      %add3A_669 = vector.broadcast %select_n3A_654 : i32 to vector<16xi32>
      %add3A_670 = arith.addi %rem3A_656, %add3A_669 : vector<16xi32>
      %select_n3A_671 = arith.select %and3A_668, %add3A_670, %rem3A_656 : vector<16xi1>, vector<16xi32>
      %parallel_loop3A_672 = arith.constant 0 : i32
      %parallel_loop3A_673 = arith.constant 128 : i32
      %parallel_loop3A_674 = arith.constant 2 : i32
      scf.for %parallel_loop3A_1854 = %parallel_loop3A_672 to %parallel_loop3A_673 step %parallel_loop3A_674  : i32 {
        %parallel_loop3A_1855 = arith.constant 0 : i32
        %parallel_loop3A_1856 = vector.broadcast %parallel_loop3A_1855 : i32 to vector<16xi32>
        %parallel_loop3A_1857 = arith.muli %iota3A, %parallel_loop3A_1856 : vector<16xi32>
        %parallel_loop3A_1858 = vector.broadcast %parallel_loop3A_1854 : i32 to vector<16xi32>
        %parallel_loop3A_1859 = arith.addi %parallel_loop3A_1857, %parallel_loop3A_1858 : vector<16xi32>
        %parallel_loop3A_1860 = arith.constant 0 : i32
        %parallel_loop3A_1861 = arith.addi %parallel_loop3A_1854, %parallel_loop3A_1860 : i32
        %parallel_loop3A_1862 = arith.index_cast %parallel_loop3A_1861 : i32 to index
        %parallel_loop3A_1863 = arith.constant 0 : index
        %parallel_loop3A_1864 = tpu.vector_load %arg6[%parallel_loop3A_1862, %parallel_loop3A_1863] {strides = array<i32>} : memref<128x64xf32, #tpu.memory_space<vmem>>, vector<16xf32>,
        %parallel_loop3A_1865 = arith.constant 0 : i32
        %parallel_loop3A_1866 = vector.broadcast %parallel_loop3A_1865 : i32 to vector<16xi32>
        %parallel_loop3A_1867 = arith.addi %parallel_loop3A_1859, %parallel_loop3A_1866 : vector<16xi32>
        %parallel_loop3A_1868 = arith.constant 8.000000e+00 : f32
        %parallel_loop3A_1869 = vector.broadcast %parallel_loop3A_1868 : f32 to vector<16xf32>
        %parallel_loop3A_1870 = arith.mulf %parallel_loop3A_1864, %parallel_loop3A_1869 : vector<16xf32>
        tpu.vector_store_idx %arg10[%select_n3A_469, %select_n3A_596, %parallel_loop3A_1867], %parallel_loop3A_1870 : memref<8x8x129xf32, #tpu.memory_space<vmem>>[vector<16xi32>, vector<16xi32>, vector<16xi32>], vector<16xf32>,
        %parallel_loop3A_1871 = arith.constant 0 : i32
        %parallel_loop3A_1872 = arith.addi %parallel_loop3A_1854, %parallel_loop3A_1871 : i32
        %parallel_loop3A_1873 = arith.index_cast %parallel_loop3A_1872 : i32 to index
        %parallel_loop3A_1874 = arith.constant 16 : index
        %parallel_loop3A_1875 = tpu.vector_load %arg6[%parallel_loop3A_1873, %parallel_loop3A_1874] {strides = array<i32>} : memref<128x64xf32, #tpu.memory_space<vmem>>, vector<16xf32>,
        %parallel_loop3A_1876 = arith.constant 0 : i32
        %parallel_loop3A_1877 = vector.broadcast %parallel_loop3A_1876 : i32 to vector<16xi32>
        %parallel_loop3A_1878 = arith.addi %parallel_loop3A_1859, %parallel_loop3A_1877 : vector<16xi32>
        %parallel_loop3A_1879 = arith.constant 8.000000e+00 : f32
        %parallel_loop3A_1880 = vector.broadcast %parallel_loop3A_1879 : f32 to vector<16xf32>
        %parallel_loop3A_1881 = arith.mulf %parallel_loop3A_1875, %parallel_loop3A_1880 : vector<16xf32>
        tpu.vector_store_idx %arg10[%select_n3A_503, %select_n3A_621, %parallel_loop3A_1878], %parallel_loop3A_1881 : memref<8x8x129xf32, #tpu.memory_space<vmem>>[vector<16xi32>, vector<16xi32>, vector<16xi32>], vector<16xf32>,
        %parallel_loop3A_1882 = arith.constant 0 : i32
        %parallel_loop3A_1883 = arith.addi %parallel_loop3A_1854, %parallel_loop3A_1882 : i32
        %parallel_loop3A_1884 = arith.index_cast %parallel_loop3A_1883 : i32 to index
        %parallel_loop3A_1885 = arith.constant 32 : index
        %parallel_loop3A_1886 = tpu.vector_load %arg6[%parallel_loop3A_1884, %parallel_loop3A_1885] {strides = array<i32>} : memref<128x64xf32, #tpu.memory_space<vmem>>, vector<16xf32>,
        %parallel_loop3A_1887 = arith.constant 0 : i32
        %parallel_loop3A_1888 = vector.broadcast %parallel_loop3A_1887 : i32 to vector<16xi32>
        %parallel_loop3A_1889 = arith.addi %parallel_loop3A_1859, %parallel_loop3A_1888 : vector<16xi32>
        %parallel_loop3A_1890 = arith.constant 8.000000e+00 : f32
        %parallel_loop3A_1891 = vector.broadcast %parallel_loop3A_1890 : f32 to vector<16xf32>
        %parallel_loop3A_1892 = arith.mulf %parallel_loop3A_1886, %parallel_loop3A_1891 : vector<16xf32>
        tpu.vector_store_idx %arg10[%select_n3A_537, %select_n3A_646, %parallel_loop3A_1889], %parallel_loop3A_1892 : memref<8x8x129xf32, #tpu.memory_space<vmem>>[vector<16xi32>, vector<16xi32>, vector<16xi32>], vector<16xf32>,
        %parallel_loop3A_1893 = arith.constant 0 : i32
        %parallel_loop3A_1894 = arith.addi %parallel_loop3A_1854, %parallel_loop3A_1893 : i32
        %parallel_loop3A_1895 = arith.index_cast %parallel_loop3A_1894 : i32 to index
        %parallel_loop3A_1896 = arith.constant 48 : index
        %parallel_loop3A_1897 = tpu.vector_load %arg6[%parallel_loop3A_1895, %parallel_loop3A_1896] {strides = array<i32>} : memref<128x64xf32, #tpu.memory_space<vmem>>, vector<16xf32>,
        %parallel_loop3A_1898 = arith.constant 0 : i32
        %parallel_loop3A_1899 = vector.broadcast %parallel_loop3A_1898 : i32 to vector<16xi32>
        %parallel_loop3A_1900 = arith.addi %parallel_loop3A_1859, %parallel_loop3A_1899 : vector<16xi32>
        %parallel_loop3A_1901 = arith.constant 8.000000e+00 : f32
        %parallel_loop3A_1902 = vector.broadcast %parallel_loop3A_1901 : f32 to vector<16xf32>
        %parallel_loop3A_1903 = arith.mulf %parallel_loop3A_1897, %parallel_loop3A_1902 : vector<16xf32>
        tpu.vector_store_idx %arg10[%select_n3A_571, %select_n3A_671, %parallel_loop3A_1900], %parallel_loop3A_1903 : memref<8x8x129xf32, #tpu.memory_space<vmem>>[vector<16xi32>, vector<16xi32>, vector<16xi32>], vector<16xf32>,
        %parallel_loop3A_1904 = arith.constant 1 : i32
        %parallel_loop3A_1905 = arith.addi %parallel_loop3A_1854, %parallel_loop3A_1904 : i32
        %parallel_loop3A_1906 = arith.index_cast %parallel_loop3A_1905 : i32 to index
        %parallel_loop3A_1907 = arith.constant 0 : index
        %parallel_loop3A_1908 = tpu.vector_load %arg6[%parallel_loop3A_1906, %parallel_loop3A_1907] {strides = array<i32>} : memref<128x64xf32, #tpu.memory_space<vmem>>, vector<16xf32>,
        %parallel_loop3A_1909 = arith.constant 1 : i32
        %parallel_loop3A_1910 = vector.broadcast %parallel_loop3A_1909 : i32 to vector<16xi32>
        %parallel_loop3A_1911 = arith.addi %parallel_loop3A_1859, %parallel_loop3A_1910 : vector<16xi32>
        %parallel_loop3A_1912 = arith.constant 8.000000e+00 : f32
        %parallel_loop3A_1913 = vector.broadcast %parallel_loop3A_1912 : f32 to vector<16xf32>
        %parallel_loop3A_1914 = arith.mulf %parallel_loop3A_1908, %parallel_loop3A_1913 : vector<16xf32>
        tpu.vector_store_idx %arg10[%select_n3A_469, %select_n3A_596, %parallel_loop3A_1911], %parallel_loop3A_1914 : memref<8x8x129xf32, #tpu.memory_space<vmem>>[vector<16xi32>, vector<16xi32>, vector<16xi32>], vector<16xf32>,
        %parallel_loop3A_1915 = arith.constant 1 : i32
        %parallel_loop3A_1916 = arith.addi %parallel_loop3A_1854, %parallel_loop3A_1915 : i32
        %parallel_loop3A_1917 = arith.index_cast %parallel_loop3A_1916 : i32 to index
        %parallel_loop3A_1918 = arith.constant 16 : index
        %parallel_loop3A_1919 = tpu.vector_load %arg6[%parallel_loop3A_1917, %parallel_loop3A_1918] {strides = array<i32>} : memref<128x64xf32, #tpu.memory_space<vmem>>, vector<16xf32>,
        %parallel_loop3A_1920 = arith.constant 1 : i32
        %parallel_loop3A_1921 = vector.broadcast %parallel_loop3A_1920 : i32 to vector<16xi32>
        %parallel_loop3A_1922 = arith.addi %parallel_loop3A_1859, %parallel_loop3A_1921 : vector<16xi32>
        %parallel_loop3A_1923 = arith.constant 8.000000e+00 : f32
        %parallel_loop3A_1924 = vector.broadcast %parallel_loop3A_1923 : f32 to vector<16xf32>
        %parallel_loop3A_1925 = arith.mulf %parallel_loop3A_1919, %parallel_loop3A_1924 : vector<16xf32>
        tpu.vector_store_idx %arg10[%select_n3A_503, %select_n3A_621, %parallel_loop3A_1922], %parallel_loop3A_1925 : memref<8x8x129xf32, #tpu.memory_space<vmem>>[vector<16xi32>, vector<16xi32>, vector<16xi32>], vector<16xf32>,
        %parallel_loop3A_1926 = arith.constant 1 : i32
        %parallel_loop3A_1927 = arith.addi %parallel_loop3A_1854, %parallel_loop3A_1926 : i32
        %parallel_loop3A_1928 = arith.index_cast %parallel_loop3A_1927 : i32 to index
        %parallel_loop3A_1929 = arith.constant 32 : index
        %parallel_loop3A_1930 = tpu.vector_load %arg6[%parallel_loop3A_1928, %parallel_loop3A_1929] {strides = array<i32>} : memref<128x64xf32, #tpu.memory_space<vmem>>, vector<16xf32>,
        %parallel_loop3A_1931 = arith.constant 1 : i32
        %parallel_loop3A_1932 = vector.broadcast %parallel_loop3A_1931 : i32 to vector<16xi32>
        %parallel_loop3A_1933 = arith.addi %parallel_loop3A_1859, %parallel_loop3A_1932 : vector<16xi32>
        %parallel_loop3A_1934 = arith.constant 8.000000e+00 : f32
        %parallel_loop3A_1935 = vector.broadcast %parallel_loop3A_1934 : f32 to vector<16xf32>
        %parallel_loop3A_1936 = arith.mulf %parallel_loop3A_1930, %parallel_loop3A_1935 : vector<16xf32>
        tpu.vector_store_idx %arg10[%select_n3A_537, %select_n3A_646, %parallel_loop3A_1933], %parallel_loop3A_1936 : memref<8x8x129xf32, #tpu.memory_space<vmem>>[vector<16xi32>, vector<16xi32>, vector<16xi32>], vector<16xf32>,
        %parallel_loop3A_1937 = arith.constant 1 : i32
        %parallel_loop3A_1938 = arith.addi %parallel_loop3A_1854, %parallel_loop3A_1937 : i32
        %parallel_loop3A_1939 = arith.index_cast %parallel_loop3A_1938 : i32 to index
        %parallel_loop3A_1940 = arith.constant 48 : index
        %parallel_loop3A_1941 = tpu.vector_load %arg6[%parallel_loop3A_1939, %parallel_loop3A_1940] {strides = array<i32>} : memref<128x64xf32, #tpu.memory_space<vmem>>, vector<16xf32>,
        %parallel_loop3A_1942 = arith.constant 1 : i32
        %parallel_loop3A_1943 = vector.broadcast %parallel_loop3A_1942 : i32 to vector<16xi32>
        %parallel_loop3A_1944 = arith.addi %parallel_loop3A_1859, %parallel_loop3A_1943 : vector<16xi32>
        %parallel_loop3A_1945 = arith.constant 8.000000e+00 : f32
        %parallel_loop3A_1946 = vector.broadcast %parallel_loop3A_1945 : f32 to vector<16xf32>
        %parallel_loop3A_1947 = arith.mulf %parallel_loop3A_1941, %parallel_loop3A_1946 : vector<16xf32>
        tpu.vector_store_idx %arg10[%select_n3A_571, %select_n3A_671, %parallel_loop3A_1944], %parallel_loop3A_1947 : memref<8x8x129xf32, #tpu.memory_space<vmem>>[vector<16xi32>, vector<16xi32>, vector<16xi32>], vector<16xf32>,
      } {sc.loop_unroll_factor = 8 : i64, sc.parallel_access}
      %add3A_675 = arith.addi %mul3A_2, %add3A_424 : i32
      %jit3A_676 = arith.constant 256 : i32
      %div3A_677 = arith.divsi %add3A_675, %jit3A_676 : i32
      %sign3A_678 = arith.constant 0 : i32
      %sign3A_679 = arith.cmpi sgt, %add3A_675, %sign3A_678 : i32
      %sign3A_680 = arith.extui %sign3A_679 : i1 to i32
      %sign3A_681 = arith.constant 0 : i32
      %sign3A_682 = arith.cmpi slt, %add3A_675, %sign3A_681 : i32
      %sign3A_683 = arith.extui %sign3A_682 : i1 to i32
      %sign3A_684 = arith.subi %sign3A_680, %sign3A_683 : i32
      %sign3A_685 = arith.constant 0 : i32
      %sign3A_686 = arith.cmpi sgt, %jit3A_676, %sign3A_685 : i32
      %sign3A_687 = arith.extui %sign3A_686 : i1 to i32
      %sign3A_688 = arith.constant 0 : i32
      %sign3A_689 = arith.cmpi slt, %jit3A_676, %sign3A_688 : i32
      %sign3A_690 = arith.extui %sign3A_689 : i1 to i32
      %sign3A_691 = arith.subi %sign3A_687, %sign3A_690 : i32
      %ne3A_692 = arith.cmpi ne, %sign3A_684, %sign3A_691 : i32
      %rem3A_693 = arith.remsi %add3A_675, %jit3A_676 : i32
      %ne3A_694 = arith.constant 0 : i32
      %ne3A_695 = arith.cmpi ne, %rem3A_693, %ne3A_694 : i32
      %and3A_696 = arith.andi %ne3A_692, %ne3A_695 : i1
      %sub3A_697 = arith.constant 1 : i32
      %sub3A_698 = arith.subi %div3A_677, %sub3A_697 : i32
      %select_n3A_699 = arith.select %and3A_696, %sub3A_698, %div3A_677 : i32
      %jit3A_700 = arith.constant 256 : i32
      %eq3A_701 = arith.constant 0 : i32
      %eq3A_702 = arith.cmpi eq, %jit3A_700, %eq3A_701 : i32
      %jit3A_703 = arith.constant 1 : i32
      %select_n3A_704 = arith.select %eq3A_702, %jit3A_703, %jit3A_700 : i32
      %rem3A_705 = arith.remsi %add3A_675, %select_n3A_704 : i32
      %ne3A_706 = arith.constant 0 : i32
      %ne3A_707 = arith.cmpi ne, %rem3A_705, %ne3A_706 : i32
      %lt3A_708 = arith.constant 0 : i32
      %lt3A_709 = arith.cmpi slt, %rem3A_705, %lt3A_708 : i32
      %lt3A_710 = arith.constant 0 : i32
      %lt3A_711 = arith.cmpi slt, %select_n3A_704, %lt3A_710 : i32
      %ne3A_712 = arith.xori %lt3A_709, %lt3A_711 : i1
      %and3A_713 = arith.andi %ne3A_712, %ne3A_707 : i1
      %add3A_714 = arith.addi %rem3A_705, %select_n3A_704 : i32
      %select_n3A_715 = arith.select %and3A_713, %add3A_714, %rem3A_705 : i32
      %jit3A_716 = arith.constant 8 : i32
      %div3A_717 = arith.divsi %select_n3A_715, %jit3A_716 : i32
      %sign3A_718 = arith.constant 0 : i32
      %sign3A_719 = arith.cmpi sgt, %select_n3A_715, %sign3A_718 : i32
      %sign3A_720 = arith.extui %sign3A_719 : i1 to i32
      %sign3A_721 = arith.constant 0 : i32
      %sign3A_722 = arith.cmpi slt, %select_n3A_715, %sign3A_721 : i32
      %sign3A_723 = arith.extui %sign3A_722 : i1 to i32
      %sign3A_724 = arith.subi %sign3A_720, %sign3A_723 : i32
      %sign3A_725 = arith.constant 0 : i32
      %sign3A_726 = arith.cmpi sgt, %jit3A_716, %sign3A_725 : i32
      %sign3A_727 = arith.extui %sign3A_726 : i1 to i32
      %sign3A_728 = arith.constant 0 : i32
      %sign3A_729 = arith.cmpi slt, %jit3A_716, %sign3A_728 : i32
      %sign3A_730 = arith.extui %sign3A_729 : i1 to i32
      %sign3A_731 = arith.subi %sign3A_727, %sign3A_730 : i32
      %ne3A_732 = arith.cmpi ne, %sign3A_724, %sign3A_731 : i32
      %rem3A_733 = arith.remsi %select_n3A_715, %jit3A_716 : i32
      %ne3A_734 = arith.constant 0 : i32
      %ne3A_735 = arith.cmpi ne, %rem3A_733, %ne3A_734 : i32
      %and3A_736 = arith.andi %ne3A_732, %ne3A_735 : i1
      %sub3A_737 = arith.constant 1 : i32
      %sub3A_738 = arith.subi %div3A_717, %sub3A_737 : i32
      %select_n3A_739 = arith.select %and3A_736, %sub3A_738, %div3A_717 : i32
      %jit3A_740 = arith.constant 8 : i32
      %eq3A_741 = arith.constant 0 : i32
      %eq3A_742 = arith.cmpi eq, %jit3A_740, %eq3A_741 : i32
      %jit3A_743 = arith.constant 1 : i32
      %select_n3A_744 = arith.select %eq3A_742, %jit3A_743, %jit3A_740 : i32
      %rem3A_745 = arith.remsi %add3A_675, %select_n3A_744 : i32
      %ne3A_746 = arith.constant 0 : i32
      %ne3A_747 = arith.cmpi ne, %rem3A_745, %ne3A_746 : i32
      %lt3A_748 = arith.constant 0 : i32
      %lt3A_749 = arith.cmpi slt, %rem3A_745, %lt3A_748 : i32
      %lt3A_750 = arith.constant 0 : i32
      %lt3A_751 = arith.cmpi slt, %select_n3A_744, %lt3A_750 : i32
      %ne3A_752 = arith.xori %lt3A_749, %lt3A_751 : i1
      %and3A_753 = arith.andi %ne3A_752, %ne3A_747 : i1
      %add3A_754 = arith.addi %rem3A_745, %select_n3A_744 : i32
      %select_n3A_755 = arith.select %and3A_753, %add3A_754, %rem3A_745 : i32
      %mul3A_756 = arith.constant 8 : i32
      %mul3A_757 = arith.muli %select_n3A_699, %mul3A_756 : i32
      %add3A_758 = arith.addi %mul3A_757, %select_n3A_755 : i32
      %dma_start3A_759 = arith.constant 0 : i32
      %dma_start3A_760 = arith.constant 0 : i32
      %dma_start3A_761 = arith.constant 0 : i32
      %dma_start3A_762 = tpu.memref_slice %arg10[%dma_start3A_759, %dma_start3A_760, %dma_start3A_761] : memref<8x8x129xf32, #tpu.memory_space<vmem>> -> memref<8x8x128xf32, #tpu.memory_space<vmem>>
      %dma_start3A_763 = arith.constant 0 : i32
      %dma_start3A_764 = arith.constant 0 : i32
      %dma_start3A_765 = arith.constant 0 : i32
      %dma_start3A_766 = tpu.memref_slice %arg4[%add3A_758, %dma_start3A_763, %select_n3A_739, %dma_start3A_764, %dma_start3A_765] : memref<200x8x32x8x128xf32, #tpu.memory_space<hbm>> -> memref<1x8x1x8x128xf32, #tpu.memory_space<hbm>>
      %dma_start3A_767 = tpu.memref_squeeze %dma_start3A_766 : memref<1x8x1x8x128xf32, #tpu.memory_space<hbm>> -> memref<8x8x128xf32, #tpu.memory_space<hbm>>
      %dma_start3A_768 = arith.constant 0 : i32
      %dma_start3A_769 = arith.constant 0 : i32
      %dma_start3A_770 = arith.constant 0 : i32
      %dma_start3A_771 = tpu.memref_slice %arg4[%add3A_758, %dma_start3A_768, %select_n3A_739, %dma_start3A_769, %dma_start3A_770] : memref<200x8x32x8x128xf32, #tpu.memory_space<hbm>> -> memref<1x8x1x8x128xf32, #tpu.memory_space<hbm>>
      %dma_start3A_772 = tpu.memref_squeeze %dma_start3A_771 : memref<1x8x1x8x128xf32, #tpu.memory_space<hbm>> -> memref<8x8x128xf32, #tpu.memory_space<hbm>>
      %dma_start3A_773 = arith.constant 0 : i32
      %dma_start3A_774 = arith.constant 0 : i32
      %dma_start3A_775 = arith.constant 0 : i32
      %dma_start3A_776 = tpu.memref_slice %arg10[%dma_start3A_773, %dma_start3A_774, %dma_start3A_775] : memref<8x8x129xf32, #tpu.memory_space<vmem>> -> memref<8x8x128xf32, #tpu.memory_space<vmem>>
      tpu.enqueue_dma source(%dma_start3A_776 : memref<8x8x128xf32, #tpu.memory_space<vmem>>) target(%dma_start3A_772 : memref<8x8x128xf32, #tpu.memory_space<hbm>>) target_semaphore(%arg18 : memref<!tpu.dma_semaphore, #tpu.memory_space<semaphore_mem>>)
      %mul3A_777 = arith.constant 4 : i32
      %mul3A_778 = arith.muli %add3A_420, %mul3A_777 : i32
      %add3A_779 = arith.constant 1 : i32
      %add3A_780 = arith.addi %mul3A_778, %add3A_779 : i32
      %add3A_781 = arith.constant 1 : i32
      %add3A_782 = arith.addi %add3A_780, %add3A_781 : i32
      %lt3A_783 = arith.constant 200 : i32
      %lt3A_784 = arith.cmpi slt, %add3A_782, %lt3A_783 : i32
      %convert_element_type3A_785 = arith.extui %lt3A_784 : i1 to i32
      %cond3A_786 = arith.constant 0 : i32
      %cond3A_787 = arith.cmpi ne, %convert_element_type3A_785, %cond3A_786 : i32
      scf.if %cond3A_787 {
        %add3A_1854 = arith.constant 1 : i32
        %add3A_1855 = arith.addi %add3A_780, %add3A_1854 : i32
        %ge3A = arith.constant 4 : i32
        %ge3A_1856 = arith.cmpi sge, %add3A_1855, %ge3A : i32
        %convert_element_type3A_1857 = arith.extui %ge3A_1856 : i1 to i32
        %cond3A_1858 = arith.constant 0 : i32
        %cond3A_1859 = arith.cmpi ne, %convert_element_type3A_1857, %cond3A_1858 : i32
        scf.if %cond3A_1859 {
          %add3A_1868 = arith.constant 1 : i32
          %add3A_1869 = arith.addi %add3A_780, %add3A_1868 : i32
          %sub3A_1870 = arith.constant 4 : i32
          %sub3A_1871 = arith.subi %add3A_1869, %sub3A_1870 : i32
          %add3A_1872 = arith.addi %mul3A_2, %sub3A_1871 : i32
          %jit3A_1873 = arith.constant 256 : i32
          %div3A_1874 = arith.divsi %add3A_1872, %jit3A_1873 : i32
          %sign3A_1875 = arith.constant 0 : i32
          %sign3A_1876 = arith.cmpi sgt, %add3A_1872, %sign3A_1875 : i32
          %sign3A_1877 = arith.extui %sign3A_1876 : i1 to i32
          %sign3A_1878 = arith.constant 0 : i32
          %sign3A_1879 = arith.cmpi slt, %add3A_1872, %sign3A_1878 : i32
          %sign3A_1880 = arith.extui %sign3A_1879 : i1 to i32
          %sign3A_1881 = arith.subi %sign3A_1877, %sign3A_1880 : i32
          %sign3A_1882 = arith.constant 0 : i32
          %sign3A_1883 = arith.cmpi sgt, %jit3A_1873, %sign3A_1882 : i32
          %sign3A_1884 = arith.extui %sign3A_1883 : i1 to i32
          %sign3A_1885 = arith.constant 0 : i32
          %sign3A_1886 = arith.cmpi slt, %jit3A_1873, %sign3A_1885 : i32
          %sign3A_1887 = arith.extui %sign3A_1886 : i1 to i32
          %sign3A_1888 = arith.subi %sign3A_1884, %sign3A_1887 : i32
          %ne3A_1889 = arith.cmpi ne, %sign3A_1881, %sign3A_1888 : i32
          %rem3A_1890 = arith.remsi %add3A_1872, %jit3A_1873 : i32
          %ne3A_1891 = arith.constant 0 : i32
          %ne3A_1892 = arith.cmpi ne, %rem3A_1890, %ne3A_1891 : i32
          %and3A_1893 = arith.andi %ne3A_1889, %ne3A_1892 : i1
          %sub3A_1894 = arith.constant 1 : i32
          %sub3A_1895 = arith.subi %div3A_1874, %sub3A_1894 : i32
          %select_n3A_1896 = arith.select %and3A_1893, %sub3A_1895, %div3A_1874 : i32
          %jit3A_1897 = arith.constant 256 : i32
          %eq3A_1898 = arith.constant 0 : i32
          %eq3A_1899 = arith.cmpi eq, %jit3A_1897, %eq3A_1898 : i32
          %jit3A_1900 = arith.constant 1 : i32
          %select_n3A_1901 = arith.select %eq3A_1899, %jit3A_1900, %jit3A_1897 : i32
          %rem3A_1902 = arith.remsi %add3A_1872, %select_n3A_1901 : i32
          %ne3A_1903 = arith.constant 0 : i32
          %ne3A_1904 = arith.cmpi ne, %rem3A_1902, %ne3A_1903 : i32
          %lt3A_1905 = arith.constant 0 : i32
          %lt3A_1906 = arith.cmpi slt, %rem3A_1902, %lt3A_1905 : i32
          %lt3A_1907 = arith.constant 0 : i32
          %lt3A_1908 = arith.cmpi slt, %select_n3A_1901, %lt3A_1907 : i32
          %ne3A_1909 = arith.xori %lt3A_1906, %lt3A_1908 : i1
          %and3A_1910 = arith.andi %ne3A_1909, %ne3A_1904 : i1
          %add3A_1911 = arith.addi %rem3A_1902, %select_n3A_1901 : i32
          %select_n3A_1912 = arith.select %and3A_1910, %add3A_1911, %rem3A_1902 : i32
          %jit3A_1913 = arith.constant 8 : i32
          %div3A_1914 = arith.divsi %select_n3A_1912, %jit3A_1913 : i32
          %sign3A_1915 = arith.constant 0 : i32
          %sign3A_1916 = arith.cmpi sgt, %select_n3A_1912, %sign3A_1915 : i32
          %sign3A_1917 = arith.extui %sign3A_1916 : i1 to i32
          %sign3A_1918 = arith.constant 0 : i32
          %sign3A_1919 = arith.cmpi slt, %select_n3A_1912, %sign3A_1918 : i32
          %sign3A_1920 = arith.extui %sign3A_1919 : i1 to i32
          %sign3A_1921 = arith.subi %sign3A_1917, %sign3A_1920 : i32
          %sign3A_1922 = arith.constant 0 : i32
          %sign3A_1923 = arith.cmpi sgt, %jit3A_1913, %sign3A_1922 : i32
          %sign3A_1924 = arith.extui %sign3A_1923 : i1 to i32
          %sign3A_1925 = arith.constant 0 : i32
          %sign3A_1926 = arith.cmpi slt, %jit3A_1913, %sign3A_1925 : i32
          %sign3A_1927 = arith.extui %sign3A_1926 : i1 to i32
          %sign3A_1928 = arith.subi %sign3A_1924, %sign3A_1927 : i32
          %ne3A_1929 = arith.cmpi ne, %sign3A_1921, %sign3A_1928 : i32
          %rem3A_1930 = arith.remsi %select_n3A_1912, %jit3A_1913 : i32
          %ne3A_1931 = arith.constant 0 : i32
          %ne3A_1932 = arith.cmpi ne, %rem3A_1930, %ne3A_1931 : i32
          %and3A_1933 = arith.andi %ne3A_1929, %ne3A_1932 : i1
          %sub3A_1934 = arith.constant 1 : i32
          %sub3A_1935 = arith.subi %div3A_1914, %sub3A_1934 : i32
          %select_n3A_1936 = arith.select %and3A_1933, %sub3A_1935, %div3A_1914 : i32
          %jit3A_1937 = arith.constant 8 : i32
          %eq3A_1938 = arith.constant 0 : i32
          %eq3A_1939 = arith.cmpi eq, %jit3A_1937, %eq3A_1938 : i32
          %jit3A_1940 = arith.constant 1 : i32
          %select_n3A_1941 = arith.select %eq3A_1939, %jit3A_1940, %jit3A_1937 : i32
          %rem3A_1942 = arith.remsi %add3A_1872, %select_n3A_1941 : i32
          %ne3A_1943 = arith.constant 0 : i32
          %ne3A_1944 = arith.cmpi ne, %rem3A_1942, %ne3A_1943 : i32
          %lt3A_1945 = arith.constant 0 : i32
          %lt3A_1946 = arith.cmpi slt, %rem3A_1942, %lt3A_1945 : i32
          %lt3A_1947 = arith.constant 0 : i32
          %lt3A_1948 = arith.cmpi slt, %select_n3A_1941, %lt3A_1947 : i32
          %ne3A_1949 = arith.xori %lt3A_1946, %lt3A_1948 : i1
          %and3A_1950 = arith.andi %ne3A_1949, %ne3A_1944 : i1
          %add3A_1951 = arith.addi %rem3A_1942, %select_n3A_1941 : i32
          %select_n3A_1952 = arith.select %and3A_1950, %add3A_1951, %rem3A_1942 : i32
          %mul3A_1953 = arith.constant 8 : i32
          %mul3A_1954 = arith.muli %select_n3A_1896, %mul3A_1953 : i32
          %add3A_1955 = arith.addi %mul3A_1954, %select_n3A_1952 : i32
          %dma_wait3A_1956 = arith.constant 0 : i32
          %dma_wait3A_1957 = arith.constant 0 : i32
          %dma_wait3A_1958 = arith.constant 0 : i32
          %dma_wait3A_1959 = tpu.memref_slice %arg12[%dma_wait3A_1956, %dma_wait3A_1957, %dma_wait3A_1958] : memref<8x8x129xf32, #tpu.memory_space<vmem>> -> memref<8x8x128xf32, #tpu.memory_space<vmem>>
          %dma_wait3A_1960 = arith.constant 0 : i32
          %dma_wait3A_1961 = arith.constant 0 : i32
          %dma_wait3A_1962 = arith.constant 0 : i32
          %dma_wait3A_1963 = tpu.memref_slice %arg4[%add3A_1955, %dma_wait3A_1960, %select_n3A_1936, %dma_wait3A_1961, %dma_wait3A_1962] : memref<200x8x32x8x128xf32, #tpu.memory_space<hbm>> -> memref<1x8x1x8x128xf32, #tpu.memory_space<hbm>>
          %dma_wait3A_1964 = tpu.memref_squeeze %dma_wait3A_1963 : memref<1x8x1x8x128xf32, #tpu.memory_space<hbm>> -> memref<8x8x128xf32, #tpu.memory_space<hbm>>
          %dma_wait3A_1965 = arith.constant 0 : i32
          %dma_wait3A_1966 = arith.constant 0 : i32
          %dma_wait3A_1967 = arith.constant 0 : i32
          %dma_wait3A_1968 = tpu.memref_slice %arg4[%add3A_1955, %dma_wait3A_1965, %select_n3A_1936, %dma_wait3A_1966, %dma_wait3A_1967] : memref<200x8x32x8x128xf32, #tpu.memory_space<hbm>> -> memref<1x8x1x8x128xf32, #tpu.memory_space<hbm>>
          %dma_wait3A_1969 = tpu.memref_squeeze %dma_wait3A_1968 : memref<1x8x1x8x128xf32, #tpu.memory_space<hbm>> -> memref<8x8x128xf32, #tpu.memory_space<hbm>>
          %dma_wait3A_1970 = arith.constant 0 : i32
          %dma_wait3A_1971 = arith.constant 0 : i32
          %dma_wait3A_1972 = arith.constant 0 : i32
          %dma_wait3A_1973 = tpu.memref_slice %arg12[%dma_wait3A_1970, %dma_wait3A_1971, %dma_wait3A_1972] : memref<8x8x129xf32, #tpu.memory_space<vmem>> -> memref<8x8x128xf32, #tpu.memory_space<vmem>>
          tpu.wait_dma2 semaphore(%arg20 : memref<!tpu.dma_semaphore, #tpu.memory_space<semaphore_mem>>) src(%dma_wait3A_1973 : memref<8x8x128xf32, #tpu.memory_space<vmem>>) dst(%dma_wait3A_1969 : memref<8x8x128xf32, #tpu.memory_space<hbm>>)
        } else {
        }
        %add3A_1860 = arith.constant 1 : i32
        %add3A_1861 = arith.addi %add3A_780, %add3A_1860 : i32
        %dma_start3A_1862 = arith.constant 0 : i32
        %dma_start3A_1863 = tpu.memref_slice %arg5[%add3A_1861, %dma_start3A_1862] : memref<200x128xi32, #tpu.memory_space<vmem>> -> memref<1x128xi32, #tpu.memory_space<vmem>>
        %dma_start3A_1864 = tpu.memref_squeeze %dma_start3A_1863 : memref<1x128xi32, #tpu.memory_space<vmem>> -> memref<128xi32, #tpu.memory_space<vmem>>
        %dma_start3A_1865 = arith.constant 0 : i32
        %dma_start3A_1866 = arith.constant 0 : i32
        %dma_start3A_1867 = tpu.memref_slice %arg3[%dma_start3A_1865, %dma_start3A_1866] : memref<2000000x64xf32, #tpu.memory_space<hbm>> -> memref<2000000x64xf32, #tpu.memory_space<hbm>>
        tpu.enqueue_indirect_dma source(%dma_start3A_1867 : memref<2000000x64xf32, #tpu.memory_space<hbm>>) target(%arg8 : memref<128x64xf32, #tpu.memory_space<vmem>>) offsets(%dma_start3A_1864 : memref<128xi32, #tpu.memory_space<vmem>>) semaphore(%arg16 : memref<!tpu.dma_semaphore, #tpu.memory_space<semaphore_mem>>)
      } else {
      }
      %dma_wait3A_788 = arith.constant 0 : i32
      %dma_wait3A_789 = tpu.memref_slice %arg5[%add3A_780, %dma_wait3A_788] : memref<200x128xi32, #tpu.memory_space<vmem>> -> memref<1x128xi32, #tpu.memory_space<vmem>>
      %dma_wait3A_790 = tpu.memref_squeeze %dma_wait3A_789 : memref<1x128xi32, #tpu.memory_space<vmem>> -> memref<128xi32, #tpu.memory_space<vmem>>
      %dma_wait3A_791 = arith.constant 0 : i32
      %dma_wait3A_792 = arith.constant 0 : i32
      %dma_wait3A_793 = tpu.memref_slice %arg3[%dma_wait3A_791, %dma_wait3A_792] : memref<2000000x64xf32, #tpu.memory_space<hbm>> -> memref<2000000x64xf32, #tpu.memory_space<hbm>>
      tpu.wait_indirect_dma semaphore(%arg15 : memref<!tpu.dma_semaphore, #tpu.memory_space<semaphore_mem>>) src(%dma_wait3A_793 : memref<2000000x64xf32, #tpu.memory_space<hbm>>) dst(%arg7 : memref<128x64xf32, #tpu.memory_space<vmem>>)
      %iota3A_794 = tpu.iota {dimensions = array<i32: 0>} : vector<16xi32>
      %add3A_795 = arith.constant 0 : i32
      %add3A_796 = vector.broadcast %add3A_795 : i32 to vector<16xi32>
      %add3A_797 = arith.addi %add3A_796, %iota3A_794 : vector<16xi32>
      %jit3A_798 = arith.constant 8 : i32
      %div3A_799 = vector.broadcast %jit3A_798 : i32 to vector<16xi32>
      %div3A_800 = arith.divsi %add3A_797, %div3A_799 : vector<16xi32>
      %sign3A_801 = arith.constant 0 : i32
      %sign3A_802 = vector.broadcast %sign3A_801 : i32 to vector<16xi32>
      %sign3A_803 = arith.cmpi sgt, %add3A_797, %sign3A_802 : vector<16xi32>
      %sign3A_804 = arith.extui %sign3A_803 : vector<16xi1> to vector<16xi32>
      %sign3A_805 = arith.constant 0 : i32
      %sign3A_806 = vector.broadcast %sign3A_805 : i32 to vector<16xi32>
      %sign3A_807 = arith.cmpi slt, %add3A_797, %sign3A_806 : vector<16xi32>
      %sign3A_808 = arith.extui %sign3A_807 : vector<16xi1> to vector<16xi32>
      %sign3A_809 = arith.subi %sign3A_804, %sign3A_808 : vector<16xi32>
      %sign3A_810 = arith.constant 0 : i32
      %sign3A_811 = arith.cmpi sgt, %jit3A_798, %sign3A_810 : i32
      %sign3A_812 = arith.extui %sign3A_811 : i1 to i32
      %sign3A_813 = arith.constant 0 : i32
      %sign3A_814 = arith.cmpi slt, %jit3A_798, %sign3A_813 : i32
      %sign3A_815 = arith.extui %sign3A_814 : i1 to i32
      %sign3A_816 = arith.subi %sign3A_812, %sign3A_815 : i32
      %ne3A_817 = vector.broadcast %sign3A_816 : i32 to vector<16xi32>
      %ne3A_818 = arith.cmpi ne, %sign3A_809, %ne3A_817 : vector<16xi32>
      %rem3A_819 = vector.broadcast %jit3A_798 : i32 to vector<16xi32>
      %rem3A_820 = arith.remsi %add3A_797, %rem3A_819 : vector<16xi32>
      %ne3A_821 = arith.constant 0 : i32
      %ne3A_822 = vector.broadcast %ne3A_821 : i32 to vector<16xi32>
      %ne3A_823 = arith.cmpi ne, %rem3A_820, %ne3A_822 : vector<16xi32>
      %and3A_824 = arith.andi %ne3A_818, %ne3A_823 : vector<16xi1>
      %sub3A_825 = arith.constant 1 : i32
      %sub3A_826 = vector.broadcast %sub3A_825 : i32 to vector<16xi32>
      %sub3A_827 = arith.subi %div3A_800, %sub3A_826 : vector<16xi32>
      %select_n3A_828 = arith.select %and3A_824, %sub3A_827, %div3A_800 : vector<16xi1>, vector<16xi32>
      %add3A_829 = arith.constant 16 : i32
      %add3A_830 = vector.broadcast %add3A_829 : i32 to vector<16xi32>
      %add3A_831 = arith.addi %add3A_830, %iota3A_794 : vector<16xi32>
      %jit3A_832 = arith.constant 8 : i32
      %div3A_833 = vector.broadcast %jit3A_832 : i32 to vector<16xi32>
      %div3A_834 = arith.divsi %add3A_831, %div3A_833 : vector<16xi32>
      %sign3A_835 = arith.constant 0 : i32
      %sign3A_836 = vector.broadcast %sign3A_835 : i32 to vector<16xi32>
      %sign3A_837 = arith.cmpi sgt, %add3A_831, %sign3A_836 : vector<16xi32>
      %sign3A_838 = arith.extui %sign3A_837 : vector<16xi1> to vector<16xi32>
      %sign3A_839 = arith.constant 0 : i32
      %sign3A_840 = vector.broadcast %sign3A_839 : i32 to vector<16xi32>
      %sign3A_841 = arith.cmpi slt, %add3A_831, %sign3A_840 : vector<16xi32>
      %sign3A_842 = arith.extui %sign3A_841 : vector<16xi1> to vector<16xi32>
      %sign3A_843 = arith.subi %sign3A_838, %sign3A_842 : vector<16xi32>
      %sign3A_844 = arith.constant 0 : i32
      %sign3A_845 = arith.cmpi sgt, %jit3A_832, %sign3A_844 : i32
      %sign3A_846 = arith.extui %sign3A_845 : i1 to i32
      %sign3A_847 = arith.constant 0 : i32
      %sign3A_848 = arith.cmpi slt, %jit3A_832, %sign3A_847 : i32
      %sign3A_849 = arith.extui %sign3A_848 : i1 to i32
      %sign3A_850 = arith.subi %sign3A_846, %sign3A_849 : i32
      %ne3A_851 = vector.broadcast %sign3A_850 : i32 to vector<16xi32>
      %ne3A_852 = arith.cmpi ne, %sign3A_843, %ne3A_851 : vector<16xi32>
      %rem3A_853 = vector.broadcast %jit3A_832 : i32 to vector<16xi32>
      %rem3A_854 = arith.remsi %add3A_831, %rem3A_853 : vector<16xi32>
      %ne3A_855 = arith.constant 0 : i32
      %ne3A_856 = vector.broadcast %ne3A_855 : i32 to vector<16xi32>
      %ne3A_857 = arith.cmpi ne, %rem3A_854, %ne3A_856 : vector<16xi32>
      %and3A_858 = arith.andi %ne3A_852, %ne3A_857 : vector<16xi1>
      %sub3A_859 = arith.constant 1 : i32
      %sub3A_860 = vector.broadcast %sub3A_859 : i32 to vector<16xi32>
      %sub3A_861 = arith.subi %div3A_834, %sub3A_860 : vector<16xi32>
      %select_n3A_862 = arith.select %and3A_858, %sub3A_861, %div3A_834 : vector<16xi1>, vector<16xi32>
      %add3A_863 = arith.constant 32 : i32
      %add3A_864 = vector.broadcast %add3A_863 : i32 to vector<16xi32>
      %add3A_865 = arith.addi %add3A_864, %iota3A_794 : vector<16xi32>
      %jit3A_866 = arith.constant 8 : i32
      %div3A_867 = vector.broadcast %jit3A_866 : i32 to vector<16xi32>
      %div3A_868 = arith.divsi %add3A_865, %div3A_867 : vector<16xi32>
      %sign3A_869 = arith.constant 0 : i32
      %sign3A_870 = vector.broadcast %sign3A_869 : i32 to vector<16xi32>
      %sign3A_871 = arith.cmpi sgt, %add3A_865, %sign3A_870 : vector<16xi32>
      %sign3A_872 = arith.extui %sign3A_871 : vector<16xi1> to vector<16xi32>
      %sign3A_873 = arith.constant 0 : i32
      %sign3A_874 = vector.broadcast %sign3A_873 : i32 to vector<16xi32>
      %sign3A_875 = arith.cmpi slt, %add3A_865, %sign3A_874 : vector<16xi32>
      %sign3A_876 = arith.extui %sign3A_875 : vector<16xi1> to vector<16xi32>
      %sign3A_877 = arith.subi %sign3A_872, %sign3A_876 : vector<16xi32>
      %sign3A_878 = arith.constant 0 : i32
      %sign3A_879 = arith.cmpi sgt, %jit3A_866, %sign3A_878 : i32
      %sign3A_880 = arith.extui %sign3A_879 : i1 to i32
      %sign3A_881 = arith.constant 0 : i32
      %sign3A_882 = arith.cmpi slt, %jit3A_866, %sign3A_881 : i32
      %sign3A_883 = arith.extui %sign3A_882 : i1 to i32
      %sign3A_884 = arith.subi %sign3A_880, %sign3A_883 : i32
      %ne3A_885 = vector.broadcast %sign3A_884 : i32 to vector<16xi32>
      %ne3A_886 = arith.cmpi ne, %sign3A_877, %ne3A_885 : vector<16xi32>
      %rem3A_887 = vector.broadcast %jit3A_866 : i32 to vector<16xi32>
      %rem3A_888 = arith.remsi %add3A_865, %rem3A_887 : vector<16xi32>
      %ne3A_889 = arith.constant 0 : i32
      %ne3A_890 = vector.broadcast %ne3A_889 : i32 to vector<16xi32>
      %ne3A_891 = arith.cmpi ne, %rem3A_888, %ne3A_890 : vector<16xi32>
      %and3A_892 = arith.andi %ne3A_886, %ne3A_891 : vector<16xi1>
      %sub3A_893 = arith.constant 1 : i32
      %sub3A_894 = vector.broadcast %sub3A_893 : i32 to vector<16xi32>
      %sub3A_895 = arith.subi %div3A_868, %sub3A_894 : vector<16xi32>
      %select_n3A_896 = arith.select %and3A_892, %sub3A_895, %div3A_868 : vector<16xi1>, vector<16xi32>
      %add3A_897 = arith.constant 48 : i32
      %add3A_898 = vector.broadcast %add3A_897 : i32 to vector<16xi32>
      %add3A_899 = arith.addi %add3A_898, %iota3A_794 : vector<16xi32>
      %jit3A_900 = arith.constant 8 : i32
      %div3A_901 = vector.broadcast %jit3A_900 : i32 to vector<16xi32>
      %div3A_902 = arith.divsi %add3A_899, %div3A_901 : vector<16xi32>
      %sign3A_903 = arith.constant 0 : i32
      %sign3A_904 = vector.broadcast %sign3A_903 : i32 to vector<16xi32>
      %sign3A_905 = arith.cmpi sgt, %add3A_899, %sign3A_904 : vector<16xi32>
      %sign3A_906 = arith.extui %sign3A_905 : vector<16xi1> to vector<16xi32>
      %sign3A_907 = arith.constant 0 : i32
      %sign3A_908 = vector.broadcast %sign3A_907 : i32 to vector<16xi32>
      %sign3A_909 = arith.cmpi slt, %add3A_899, %sign3A_908 : vector<16xi32>
      %sign3A_910 = arith.extui %sign3A_909 : vector<16xi1> to vector<16xi32>
      %sign3A_911 = arith.subi %sign3A_906, %sign3A_910 : vector<16xi32>
      %sign3A_912 = arith.constant 0 : i32
      %sign3A_913 = arith.cmpi sgt, %jit3A_900, %sign3A_912 : i32
      %sign3A_914 = arith.extui %sign3A_913 : i1 to i32
      %sign3A_915 = arith.constant 0 : i32
      %sign3A_916 = arith.cmpi slt, %jit3A_900, %sign3A_915 : i32
      %sign3A_917 = arith.extui %sign3A_916 : i1 to i32
      %sign3A_918 = arith.subi %sign3A_914, %sign3A_917 : i32
      %ne3A_919 = vector.broadcast %sign3A_918 : i32 to vector<16xi32>
      %ne3A_920 = arith.cmpi ne, %sign3A_911, %ne3A_919 : vector<16xi32>
      %rem3A_921 = vector.broadcast %jit3A_900 : i32 to vector<16xi32>
      %rem3A_922 = arith.remsi %add3A_899, %rem3A_921 : vector<16xi32>
      %ne3A_923 = arith.constant 0 : i32
      %ne3A_924 = vector.broadcast %ne3A_923 : i32 to vector<16xi32>
      %ne3A_925 = arith.cmpi ne, %rem3A_922, %ne3A_924 : vector<16xi32>
      %and3A_926 = arith.andi %ne3A_920, %ne3A_925 : vector<16xi1>
      %sub3A_927 = arith.constant 1 : i32
      %sub3A_928 = vector.broadcast %sub3A_927 : i32 to vector<16xi32>
      %sub3A_929 = arith.subi %div3A_902, %sub3A_928 : vector<16xi32>
      %select_n3A_930 = arith.select %and3A_926, %sub3A_929, %div3A_902 : vector<16xi1>, vector<16xi32>
      %add3A_931 = arith.constant 0 : i32
      %add3A_932 = vector.broadcast %add3A_931 : i32 to vector<16xi32>
      %add3A_933 = arith.addi %add3A_932, %iota3A_794 : vector<16xi32>
      %jit3A_934 = arith.constant 8 : i32
      %eq3A_935 = arith.constant 0 : i32
      %eq3A_936 = arith.cmpi eq, %jit3A_934, %eq3A_935 : i32
      %jit3A_937 = arith.constant 1 : i32
      %select_n3A_938 = arith.select %eq3A_936, %jit3A_937, %jit3A_934 : i32
      %rem3A_939 = vector.broadcast %select_n3A_938 : i32 to vector<16xi32>
      %rem3A_940 = arith.remsi %add3A_933, %rem3A_939 : vector<16xi32>
      %ne3A_941 = arith.constant 0 : i32
      %ne3A_942 = vector.broadcast %ne3A_941 : i32 to vector<16xi32>
      %ne3A_943 = arith.cmpi ne, %rem3A_940, %ne3A_942 : vector<16xi32>
      %lt3A_944 = arith.constant 0 : i32
      %lt3A_945 = vector.broadcast %lt3A_944 : i32 to vector<16xi32>
      %lt3A_946 = arith.cmpi slt, %rem3A_940, %lt3A_945 : vector<16xi32>
      %lt3A_947 = arith.constant 0 : i32
      %lt3A_948 = arith.cmpi slt, %select_n3A_938, %lt3A_947 : i32
      %ne3A_949 = vector.broadcast %lt3A_948 : i1 to vector<16xi1>
      %ne3A_950 = vector.broadcast %ne3A_949 : vector<16xi1> to vector<16xi1>
      %ne3A_951 = arith.xori %lt3A_946, %ne3A_950 : vector<16xi1>
      %and3A_952 = arith.andi %ne3A_951, %ne3A_943 : vector<16xi1>
      %add3A_953 = vector.broadcast %select_n3A_938 : i32 to vector<16xi32>
      %add3A_954 = arith.addi %rem3A_940, %add3A_953 : vector<16xi32>
      %select_n3A_955 = arith.select %and3A_952, %add3A_954, %rem3A_940 : vector<16xi1>, vector<16xi32>
      %add3A_956 = arith.constant 16 : i32
      %add3A_957 = vector.broadcast %add3A_956 : i32 to vector<16xi32>
      %add3A_958 = arith.addi %add3A_957, %iota3A_794 : vector<16xi32>
      %jit3A_959 = arith.constant 8 : i32
      %eq3A_960 = arith.constant 0 : i32
      %eq3A_961 = arith.cmpi eq, %jit3A_959, %eq3A_960 : i32
      %jit3A_962 = arith.constant 1 : i32
      %select_n3A_963 = arith.select %eq3A_961, %jit3A_962, %jit3A_959 : i32
      %rem3A_964 = vector.broadcast %select_n3A_963 : i32 to vector<16xi32>
      %rem3A_965 = arith.remsi %add3A_958, %rem3A_964 : vector<16xi32>
      %ne3A_966 = arith.constant 0 : i32
      %ne3A_967 = vector.broadcast %ne3A_966 : i32 to vector<16xi32>
      %ne3A_968 = arith.cmpi ne, %rem3A_965, %ne3A_967 : vector<16xi32>
      %lt3A_969 = arith.constant 0 : i32
      %lt3A_970 = vector.broadcast %lt3A_969 : i32 to vector<16xi32>
      %lt3A_971 = arith.cmpi slt, %rem3A_965, %lt3A_970 : vector<16xi32>
      %lt3A_972 = arith.constant 0 : i32
      %lt3A_973 = arith.cmpi slt, %select_n3A_963, %lt3A_972 : i32
      %ne3A_974 = vector.broadcast %lt3A_973 : i1 to vector<16xi1>
      %ne3A_975 = vector.broadcast %ne3A_974 : vector<16xi1> to vector<16xi1>
      %ne3A_976 = arith.xori %lt3A_971, %ne3A_975 : vector<16xi1>
      %and3A_977 = arith.andi %ne3A_976, %ne3A_968 : vector<16xi1>
      %add3A_978 = vector.broadcast %select_n3A_963 : i32 to vector<16xi32>
      %add3A_979 = arith.addi %rem3A_965, %add3A_978 : vector<16xi32>
      %select_n3A_980 = arith.select %and3A_977, %add3A_979, %rem3A_965 : vector<16xi1>, vector<16xi32>
      %add3A_981 = arith.constant 32 : i32
      %add3A_982 = vector.broadcast %add3A_981 : i32 to vector<16xi32>
      %add3A_983 = arith.addi %add3A_982, %iota3A_794 : vector<16xi32>
      %jit3A_984 = arith.constant 8 : i32
      %eq3A_985 = arith.constant 0 : i32
      %eq3A_986 = arith.cmpi eq, %jit3A_984, %eq3A_985 : i32
      %jit3A_987 = arith.constant 1 : i32
      %select_n3A_988 = arith.select %eq3A_986, %jit3A_987, %jit3A_984 : i32
      %rem3A_989 = vector.broadcast %select_n3A_988 : i32 to vector<16xi32>
      %rem3A_990 = arith.remsi %add3A_983, %rem3A_989 : vector<16xi32>
      %ne3A_991 = arith.constant 0 : i32
      %ne3A_992 = vector.broadcast %ne3A_991 : i32 to vector<16xi32>
      %ne3A_993 = arith.cmpi ne, %rem3A_990, %ne3A_992 : vector<16xi32>
      %lt3A_994 = arith.constant 0 : i32
      %lt3A_995 = vector.broadcast %lt3A_994 : i32 to vector<16xi32>
      %lt3A_996 = arith.cmpi slt, %rem3A_990, %lt3A_995 : vector<16xi32>
      %lt3A_997 = arith.constant 0 : i32
      %lt3A_998 = arith.cmpi slt, %select_n3A_988, %lt3A_997 : i32
      %ne3A_999 = vector.broadcast %lt3A_998 : i1 to vector<16xi1>
      %ne3A_1000 = vector.broadcast %ne3A_999 : vector<16xi1> to vector<16xi1>
      %ne3A_1001 = arith.xori %lt3A_996, %ne3A_1000 : vector<16xi1>
      %and3A_1002 = arith.andi %ne3A_1001, %ne3A_993 : vector<16xi1>
      %add3A_1003 = vector.broadcast %select_n3A_988 : i32 to vector<16xi32>
      %add3A_1004 = arith.addi %rem3A_990, %add3A_1003 : vector<16xi32>
      %select_n3A_1005 = arith.select %and3A_1002, %add3A_1004, %rem3A_990 : vector<16xi1>, vector<16xi32>
      %add3A_1006 = arith.constant 48 : i32
      %add3A_1007 = vector.broadcast %add3A_1006 : i32 to vector<16xi32>
      %add3A_1008 = arith.addi %add3A_1007, %iota3A_794 : vector<16xi32>
      %jit3A_1009 = arith.constant 8 : i32
      %eq3A_1010 = arith.constant 0 : i32
      %eq3A_1011 = arith.cmpi eq, %jit3A_1009, %eq3A_1010 : i32
      %jit3A_1012 = arith.constant 1 : i32
      %select_n3A_1013 = arith.select %eq3A_1011, %jit3A_1012, %jit3A_1009 : i32
      %rem3A_1014 = vector.broadcast %select_n3A_1013 : i32 to vector<16xi32>
      %rem3A_1015 = arith.remsi %add3A_1008, %rem3A_1014 : vector<16xi32>
      %ne3A_1016 = arith.constant 0 : i32
      %ne3A_1017 = vector.broadcast %ne3A_1016 : i32 to vector<16xi32>
      %ne3A_1018 = arith.cmpi ne, %rem3A_1015, %ne3A_1017 : vector<16xi32>
      %lt3A_1019 = arith.constant 0 : i32
      %lt3A_1020 = vector.broadcast %lt3A_1019 : i32 to vector<16xi32>
      %lt3A_1021 = arith.cmpi slt, %rem3A_1015, %lt3A_1020 : vector<16xi32>
      %lt3A_1022 = arith.constant 0 : i32
      %lt3A_1023 = arith.cmpi slt, %select_n3A_1013, %lt3A_1022 : i32
      %ne3A_1024 = vector.broadcast %lt3A_1023 : i1 to vector<16xi1>
      %ne3A_1025 = vector.broadcast %ne3A_1024 : vector<16xi1> to vector<16xi1>
      %ne3A_1026 = arith.xori %lt3A_1021, %ne3A_1025 : vector<16xi1>
      %and3A_1027 = arith.andi %ne3A_1026, %ne3A_1018 : vector<16xi1>
      %add3A_1028 = vector.broadcast %select_n3A_1013 : i32 to vector<16xi32>
      %add3A_1029 = arith.addi %rem3A_1015, %add3A_1028 : vector<16xi32>
      %select_n3A_1030 = arith.select %and3A_1027, %add3A_1029, %rem3A_1015 : vector<16xi1>, vector<16xi32>
      %parallel_loop3A_1031 = arith.constant 0 : i32
      %parallel_loop3A_1032 = arith.constant 128 : i32
      %parallel_loop3A_1033 = arith.constant 2 : i32
      scf.for %parallel_loop3A_1854 = %parallel_loop3A_1031 to %parallel_loop3A_1032 step %parallel_loop3A_1033  : i32 {
        %parallel_loop3A_1855 = arith.constant 0 : i32
        %parallel_loop3A_1856 = vector.broadcast %parallel_loop3A_1855 : i32 to vector<16xi32>
        %parallel_loop3A_1857 = arith.muli %iota3A_794, %parallel_loop3A_1856 : vector<16xi32>
        %parallel_loop3A_1858 = vector.broadcast %parallel_loop3A_1854 : i32 to vector<16xi32>
        %parallel_loop3A_1859 = arith.addi %parallel_loop3A_1857, %parallel_loop3A_1858 : vector<16xi32>
        %parallel_loop3A_1860 = arith.constant 0 : i32
        %parallel_loop3A_1861 = arith.addi %parallel_loop3A_1854, %parallel_loop3A_1860 : i32
        %parallel_loop3A_1862 = arith.index_cast %parallel_loop3A_1861 : i32 to index
        %parallel_loop3A_1863 = arith.constant 0 : index
        %parallel_loop3A_1864 = tpu.vector_load %arg7[%parallel_loop3A_1862, %parallel_loop3A_1863] {strides = array<i32>} : memref<128x64xf32, #tpu.memory_space<vmem>>, vector<16xf32>,
        %parallel_loop3A_1865 = arith.constant 0 : i32
        %parallel_loop3A_1866 = vector.broadcast %parallel_loop3A_1865 : i32 to vector<16xi32>
        %parallel_loop3A_1867 = arith.addi %parallel_loop3A_1859, %parallel_loop3A_1866 : vector<16xi32>
        %parallel_loop3A_1868 = arith.constant 8.000000e+00 : f32
        %parallel_loop3A_1869 = vector.broadcast %parallel_loop3A_1868 : f32 to vector<16xf32>
        %parallel_loop3A_1870 = arith.mulf %parallel_loop3A_1864, %parallel_loop3A_1869 : vector<16xf32>
        tpu.vector_store_idx %arg11[%select_n3A_828, %select_n3A_955, %parallel_loop3A_1867], %parallel_loop3A_1870 : memref<8x8x129xf32, #tpu.memory_space<vmem>>[vector<16xi32>, vector<16xi32>, vector<16xi32>], vector<16xf32>,
        %parallel_loop3A_1871 = arith.constant 0 : i32
        %parallel_loop3A_1872 = arith.addi %parallel_loop3A_1854, %parallel_loop3A_1871 : i32
        %parallel_loop3A_1873 = arith.index_cast %parallel_loop3A_1872 : i32 to index
        %parallel_loop3A_1874 = arith.constant 16 : index
        %parallel_loop3A_1875 = tpu.vector_load %arg7[%parallel_loop3A_1873, %parallel_loop3A_1874] {strides = array<i32>} : memref<128x64xf32, #tpu.memory_space<vmem>>, vector<16xf32>,
        %parallel_loop3A_1876 = arith.constant 0 : i32
        %parallel_loop3A_1877 = vector.broadcast %parallel_loop3A_1876 : i32 to vector<16xi32>
        %parallel_loop3A_1878 = arith.addi %parallel_loop3A_1859, %parallel_loop3A_1877 : vector<16xi32>
        %parallel_loop3A_1879 = arith.constant 8.000000e+00 : f32
        %parallel_loop3A_1880 = vector.broadcast %parallel_loop3A_1879 : f32 to vector<16xf32>
        %parallel_loop3A_1881 = arith.mulf %parallel_loop3A_1875, %parallel_loop3A_1880 : vector<16xf32>
        tpu.vector_store_idx %arg11[%select_n3A_862, %select_n3A_980, %parallel_loop3A_1878], %parallel_loop3A_1881 : memref<8x8x129xf32, #tpu.memory_space<vmem>>[vector<16xi32>, vector<16xi32>, vector<16xi32>], vector<16xf32>,
        %parallel_loop3A_1882 = arith.constant 0 : i32
        %parallel_loop3A_1883 = arith.addi %parallel_loop3A_1854, %parallel_loop3A_1882 : i32
        %parallel_loop3A_1884 = arith.index_cast %parallel_loop3A_1883 : i32 to index
        %parallel_loop3A_1885 = arith.constant 32 : index
        %parallel_loop3A_1886 = tpu.vector_load %arg7[%parallel_loop3A_1884, %parallel_loop3A_1885] {strides = array<i32>} : memref<128x64xf32, #tpu.memory_space<vmem>>, vector<16xf32>,
        %parallel_loop3A_1887 = arith.constant 0 : i32
        %parallel_loop3A_1888 = vector.broadcast %parallel_loop3A_1887 : i32 to vector<16xi32>
        %parallel_loop3A_1889 = arith.addi %parallel_loop3A_1859, %parallel_loop3A_1888 : vector<16xi32>
        %parallel_loop3A_1890 = arith.constant 8.000000e+00 : f32
        %parallel_loop3A_1891 = vector.broadcast %parallel_loop3A_1890 : f32 to vector<16xf32>
        %parallel_loop3A_1892 = arith.mulf %parallel_loop3A_1886, %parallel_loop3A_1891 : vector<16xf32>
        tpu.vector_store_idx %arg11[%select_n3A_896, %select_n3A_1005, %parallel_loop3A_1889], %parallel_loop3A_1892 : memref<8x8x129xf32, #tpu.memory_space<vmem>>[vector<16xi32>, vector<16xi32>, vector<16xi32>], vector<16xf32>,
        %parallel_loop3A_1893 = arith.constant 0 : i32
        %parallel_loop3A_1894 = arith.addi %parallel_loop3A_1854, %parallel_loop3A_1893 : i32
        %parallel_loop3A_1895 = arith.index_cast %parallel_loop3A_1894 : i32 to index
        %parallel_loop3A_1896 = arith.constant 48 : index
        %parallel_loop3A_1897 = tpu.vector_load %arg7[%parallel_loop3A_1895, %parallel_loop3A_1896] {strides = array<i32>} : memref<128x64xf32, #tpu.memory_space<vmem>>, vector<16xf32>,
        %parallel_loop3A_1898 = arith.constant 0 : i32
        %parallel_loop3A_1899 = vector.broadcast %parallel_loop3A_1898 : i32 to vector<16xi32>
        %parallel_loop3A_1900 = arith.addi %parallel_loop3A_1859, %parallel_loop3A_1899 : vector<16xi32>
        %parallel_loop3A_1901 = arith.constant 8.000000e+00 : f32
        %parallel_loop3A_1902 = vector.broadcast %parallel_loop3A_1901 : f32 to vector<16xf32>
        %parallel_loop3A_1903 = arith.mulf %parallel_loop3A_1897, %parallel_loop3A_1902 : vector<16xf32>
        tpu.vector_store_idx %arg11[%select_n3A_930, %select_n3A_1030, %parallel_loop3A_1900], %parallel_loop3A_1903 : memref<8x8x129xf32, #tpu.memory_space<vmem>>[vector<16xi32>, vector<16xi32>, vector<16xi32>], vector<16xf32>,
        %parallel_loop3A_1904 = arith.constant 1 : i32
        %parallel_loop3A_1905 = arith.addi %parallel_loop3A_1854, %parallel_loop3A_1904 : i32
        %parallel_loop3A_1906 = arith.index_cast %parallel_loop3A_1905 : i32 to index
        %parallel_loop3A_1907 = arith.constant 0 : index
        %parallel_loop3A_1908 = tpu.vector_load %arg7[%parallel_loop3A_1906, %parallel_loop3A_1907] {strides = array<i32>} : memref<128x64xf32, #tpu.memory_space<vmem>>, vector<16xf32>,
        %parallel_loop3A_1909 = arith.constant 1 : i32
        %parallel_loop3A_1910 = vector.broadcast %parallel_loop3A_1909 : i32 to vector<16xi32>
        %parallel_loop3A_1911 = arith.addi %parallel_loop3A_1859, %parallel_loop3A_1910 : vector<16xi32>
        %parallel_loop3A_1912 = arith.constant 8.000000e+00 : f32
        %parallel_loop3A_1913 = vector.broadcast %parallel_loop3A_1912 : f32 to vector<16xf32>
        %parallel_loop3A_1914 = arith.mulf %parallel_loop3A_1908, %parallel_loop3A_1913 : vector<16xf32>
        tpu.vector_store_idx %arg11[%select_n3A_828, %select_n3A_955, %parallel_loop3A_1911], %parallel_loop3A_1914 : memref<8x8x129xf32, #tpu.memory_space<vmem>>[vector<16xi32>, vector<16xi32>, vector<16xi32>], vector<16xf32>,
        %parallel_loop3A_1915 = arith.constant 1 : i32
        %parallel_loop3A_1916 = arith.addi %parallel_loop3A_1854, %parallel_loop3A_1915 : i32
        %parallel_loop3A_1917 = arith.index_cast %parallel_loop3A_1916 : i32 to index
        %parallel_loop3A_1918 = arith.constant 16 : index
        %parallel_loop3A_1919 = tpu.vector_load %arg7[%parallel_loop3A_1917, %parallel_loop3A_1918] {strides = array<i32>} : memref<128x64xf32, #tpu.memory_space<vmem>>, vector<16xf32>,
        %parallel_loop3A_1920 = arith.constant 1 : i32
        %parallel_loop3A_1921 = vector.broadcast %parallel_loop3A_1920 : i32 to vector<16xi32>
        %parallel_loop3A_1922 = arith.addi %parallel_loop3A_1859, %parallel_loop3A_1921 : vector<16xi32>
        %parallel_loop3A_1923 = arith.constant 8.000000e+00 : f32
        %parallel_loop3A_1924 = vector.broadcast %parallel_loop3A_1923 : f32 to vector<16xf32>
        %parallel_loop3A_1925 = arith.mulf %parallel_loop3A_1919, %parallel_loop3A_1924 : vector<16xf32>
        tpu.vector_store_idx %arg11[%select_n3A_862, %select_n3A_980, %parallel_loop3A_1922], %parallel_loop3A_1925 : memref<8x8x129xf32, #tpu.memory_space<vmem>>[vector<16xi32>, vector<16xi32>, vector<16xi32>], vector<16xf32>,
        %parallel_loop3A_1926 = arith.constant 1 : i32
        %parallel_loop3A_1927 = arith.addi %parallel_loop3A_1854, %parallel_loop3A_1926 : i32
        %parallel_loop3A_1928 = arith.index_cast %parallel_loop3A_1927 : i32 to index
        %parallel_loop3A_1929 = arith.constant 32 : index
        %parallel_loop3A_1930 = tpu.vector_load %arg7[%parallel_loop3A_1928, %parallel_loop3A_1929] {strides = array<i32>} : memref<128x64xf32, #tpu.memory_space<vmem>>, vector<16xf32>,
        %parallel_loop3A_1931 = arith.constant 1 : i32
        %parallel_loop3A_1932 = vector.broadcast %parallel_loop3A_1931 : i32 to vector<16xi32>
        %parallel_loop3A_1933 = arith.addi %parallel_loop3A_1859, %parallel_loop3A_1932 : vector<16xi32>
        %parallel_loop3A_1934 = arith.constant 8.000000e+00 : f32
        %parallel_loop3A_1935 = vector.broadcast %parallel_loop3A_1934 : f32 to vector<16xf32>
        %parallel_loop3A_1936 = arith.mulf %parallel_loop3A_1930, %parallel_loop3A_1935 : vector<16xf32>
        tpu.vector_store_idx %arg11[%select_n3A_896, %select_n3A_1005, %parallel_loop3A_1933], %parallel_loop3A_1936 : memref<8x8x129xf32, #tpu.memory_space<vmem>>[vector<16xi32>, vector<16xi32>, vector<16xi32>], vector<16xf32>,
        %parallel_loop3A_1937 = arith.constant 1 : i32
        %parallel_loop3A_1938 = arith.addi %parallel_loop3A_1854, %parallel_loop3A_1937 : i32
        %parallel_loop3A_1939 = arith.index_cast %parallel_loop3A_1938 : i32 to index
        %parallel_loop3A_1940 = arith.constant 48 : index
        %parallel_loop3A_1941 = tpu.vector_load %arg7[%parallel_loop3A_1939, %parallel_loop3A_1940] {strides = array<i32>} : memref<128x64xf32, #tpu.memory_space<vmem>>, vector<16xf32>,
        %parallel_loop3A_1942 = arith.constant 1 : i32
        %parallel_loop3A_1943 = vector.broadcast %parallel_loop3A_1942 : i32 to vector<16xi32>
        %parallel_loop3A_1944 = arith.addi %parallel_loop3A_1859, %parallel_loop3A_1943 : vector<16xi32>
        %parallel_loop3A_1945 = arith.constant 8.000000e+00 : f32
        %parallel_loop3A_1946 = vector.broadcast %parallel_loop3A_1945 : f32 to vector<16xf32>
        %parallel_loop3A_1947 = arith.mulf %parallel_loop3A_1941, %parallel_loop3A_1946 : vector<16xf32>
        tpu.vector_store_idx %arg11[%select_n3A_930, %select_n3A_1030, %parallel_loop3A_1944], %parallel_loop3A_1947 : memref<8x8x129xf32, #tpu.memory_space<vmem>>[vector<16xi32>, vector<16xi32>, vector<16xi32>], vector<16xf32>,
      } {sc.loop_unroll_factor = 8 : i64, sc.parallel_access}
      %add3A_1034 = arith.addi %mul3A_2, %add3A_780 : i32
      %jit3A_1035 = arith.constant 256 : i32
      %div3A_1036 = arith.divsi %add3A_1034, %jit3A_1035 : i32
      %sign3A_1037 = arith.constant 0 : i32
      %sign3A_1038 = arith.cmpi sgt, %add3A_1034, %sign3A_1037 : i32
      %sign3A_1039 = arith.extui %sign3A_1038 : i1 to i32
      %sign3A_1040 = arith.constant 0 : i32
      %sign3A_1041 = arith.cmpi slt, %add3A_1034, %sign3A_1040 : i32
      %sign3A_1042 = arith.extui %sign3A_1041 : i1 to i32
      %sign3A_1043 = arith.subi %sign3A_1039, %sign3A_1042 : i32
      %sign3A_1044 = arith.constant 0 : i32
      %sign3A_1045 = arith.cmpi sgt, %jit3A_1035, %sign3A_1044 : i32
      %sign3A_1046 = arith.extui %sign3A_1045 : i1 to i32
      %sign3A_1047 = arith.constant 0 : i32
      %sign3A_1048 = arith.cmpi slt, %jit3A_1035, %sign3A_1047 : i32
      %sign3A_1049 = arith.extui %sign3A_1048 : i1 to i32
      %sign3A_1050 = arith.subi %sign3A_1046, %sign3A_1049 : i32
      %ne3A_1051 = arith.cmpi ne, %sign3A_1043, %sign3A_1050 : i32
      %rem3A_1052 = arith.remsi %add3A_1034, %jit3A_1035 : i32
      %ne3A_1053 = arith.constant 0 : i32
      %ne3A_1054 = arith.cmpi ne, %rem3A_1052, %ne3A_1053 : i32
      %and3A_1055 = arith.andi %ne3A_1051, %ne3A_1054 : i1
      %sub3A_1056 = arith.constant 1 : i32
      %sub3A_1057 = arith.subi %div3A_1036, %sub3A_1056 : i32
      %select_n3A_1058 = arith.select %and3A_1055, %sub3A_1057, %div3A_1036 : i32
      %jit3A_1059 = arith.constant 256 : i32
      %eq3A_1060 = arith.constant 0 : i32
      %eq3A_1061 = arith.cmpi eq, %jit3A_1059, %eq3A_1060 : i32
      %jit3A_1062 = arith.constant 1 : i32
      %select_n3A_1063 = arith.select %eq3A_1061, %jit3A_1062, %jit3A_1059 : i32
      %rem3A_1064 = arith.remsi %add3A_1034, %select_n3A_1063 : i32
      %ne3A_1065 = arith.constant 0 : i32
      %ne3A_1066 = arith.cmpi ne, %rem3A_1064, %ne3A_1065 : i32
      %lt3A_1067 = arith.constant 0 : i32
      %lt3A_1068 = arith.cmpi slt, %rem3A_1064, %lt3A_1067 : i32
      %lt3A_1069 = arith.constant 0 : i32
      %lt3A_1070 = arith.cmpi slt, %select_n3A_1063, %lt3A_1069 : i32
      %ne3A_1071 = arith.xori %lt3A_1068, %lt3A_1070 : i1
      %and3A_1072 = arith.andi %ne3A_1071, %ne3A_1066 : i1
      %add3A_1073 = arith.addi %rem3A_1064, %select_n3A_1063 : i32
      %select_n3A_1074 = arith.select %and3A_1072, %add3A_1073, %rem3A_1064 : i32
      %jit3A_1075 = arith.constant 8 : i32
      %div3A_1076 = arith.divsi %select_n3A_1074, %jit3A_1075 : i32
      %sign3A_1077 = arith.constant 0 : i32
      %sign3A_1078 = arith.cmpi sgt, %select_n3A_1074, %sign3A_1077 : i32
      %sign3A_1079 = arith.extui %sign3A_1078 : i1 to i32
      %sign3A_1080 = arith.constant 0 : i32
      %sign3A_1081 = arith.cmpi slt, %select_n3A_1074, %sign3A_1080 : i32
      %sign3A_1082 = arith.extui %sign3A_1081 : i1 to i32
      %sign3A_1083 = arith.subi %sign3A_1079, %sign3A_1082 : i32
      %sign3A_1084 = arith.constant 0 : i32
      %sign3A_1085 = arith.cmpi sgt, %jit3A_1075, %sign3A_1084 : i32
      %sign3A_1086 = arith.extui %sign3A_1085 : i1 to i32
      %sign3A_1087 = arith.constant 0 : i32
      %sign3A_1088 = arith.cmpi slt, %jit3A_1075, %sign3A_1087 : i32
      %sign3A_1089 = arith.extui %sign3A_1088 : i1 to i32
      %sign3A_1090 = arith.subi %sign3A_1086, %sign3A_1089 : i32
      %ne3A_1091 = arith.cmpi ne, %sign3A_1083, %sign3A_1090 : i32
      %rem3A_1092 = arith.remsi %select_n3A_1074, %jit3A_1075 : i32
      %ne3A_1093 = arith.constant 0 : i32
      %ne3A_1094 = arith.cmpi ne, %rem3A_1092, %ne3A_1093 : i32
      %and3A_1095 = arith.andi %ne3A_1091, %ne3A_1094 : i1
      %sub3A_1096 = arith.constant 1 : i32
      %sub3A_1097 = arith.subi %div3A_1076, %sub3A_1096 : i32
      %select_n3A_1098 = arith.select %and3A_1095, %sub3A_1097, %div3A_1076 : i32
      %jit3A_1099 = arith.constant 8 : i32
      %eq3A_1100 = arith.constant 0 : i32
      %eq3A_1101 = arith.cmpi eq, %jit3A_1099, %eq3A_1100 : i32
      %jit3A_1102 = arith.constant 1 : i32
      %select_n3A_1103 = arith.select %eq3A_1101, %jit3A_1102, %jit3A_1099 : i32
      %rem3A_1104 = arith.remsi %add3A_1034, %select_n3A_1103 : i32
      %ne3A_1105 = arith.constant 0 : i32
      %ne3A_1106 = arith.cmpi ne, %rem3A_1104, %ne3A_1105 : i32
      %lt3A_1107 = arith.constant 0 : i32
      %lt3A_1108 = arith.cmpi slt, %rem3A_1104, %lt3A_1107 : i32
      %lt3A_1109 = arith.constant 0 : i32
      %lt3A_1110 = arith.cmpi slt, %select_n3A_1103, %lt3A_1109 : i32
      %ne3A_1111 = arith.xori %lt3A_1108, %lt3A_1110 : i1
      %and3A_1112 = arith.andi %ne3A_1111, %ne3A_1106 : i1
      %add3A_1113 = arith.addi %rem3A_1104, %select_n3A_1103 : i32
      %select_n3A_1114 = arith.select %and3A_1112, %add3A_1113, %rem3A_1104 : i32
      %mul3A_1115 = arith.constant 8 : i32
      %mul3A_1116 = arith.muli %select_n3A_1058, %mul3A_1115 : i32
      %add3A_1117 = arith.addi %mul3A_1116, %select_n3A_1114 : i32
      %dma_start3A_1118 = arith.constant 0 : i32
      %dma_start3A_1119 = arith.constant 0 : i32
      %dma_start3A_1120 = arith.constant 0 : i32
      %dma_start3A_1121 = tpu.memref_slice %arg11[%dma_start3A_1118, %dma_start3A_1119, %dma_start3A_1120] : memref<8x8x129xf32, #tpu.memory_space<vmem>> -> memref<8x8x128xf32, #tpu.memory_space<vmem>>
      %dma_start3A_1122 = arith.constant 0 : i32
      %dma_start3A_1123 = arith.constant 0 : i32
      %dma_start3A_1124 = arith.constant 0 : i32
      %dma_start3A_1125 = tpu.memref_slice %arg4[%add3A_1117, %dma_start3A_1122, %select_n3A_1098, %dma_start3A_1123, %dma_start3A_1124] : memref<200x8x32x8x128xf32, #tpu.memory_space<hbm>> -> memref<1x8x1x8x128xf32, #tpu.memory_space<hbm>>
      %dma_start3A_1126 = tpu.memref_squeeze %dma_start3A_1125 : memref<1x8x1x8x128xf32, #tpu.memory_space<hbm>> -> memref<8x8x128xf32, #tpu.memory_space<hbm>>
      %dma_start3A_1127 = arith.constant 0 : i32
      %dma_start3A_1128 = arith.constant 0 : i32
      %dma_start3A_1129 = arith.constant 0 : i32
      %dma_start3A_1130 = tpu.memref_slice %arg4[%add3A_1117, %dma_start3A_1127, %select_n3A_1098, %dma_start3A_1128, %dma_start3A_1129] : memref<200x8x32x8x128xf32, #tpu.memory_space<hbm>> -> memref<1x8x1x8x128xf32, #tpu.memory_space<hbm>>
      %dma_start3A_1131 = tpu.memref_squeeze %dma_start3A_1130 : memref<1x8x1x8x128xf32, #tpu.memory_space<hbm>> -> memref<8x8x128xf32, #tpu.memory_space<hbm>>
      %dma_start3A_1132 = arith.constant 0 : i32
      %dma_start3A_1133 = arith.constant 0 : i32
      %dma_start3A_1134 = arith.constant 0 : i32
      %dma_start3A_1135 = tpu.memref_slice %arg11[%dma_start3A_1132, %dma_start3A_1133, %dma_start3A_1134] : memref<8x8x129xf32, #tpu.memory_space<vmem>> -> memref<8x8x128xf32, #tpu.memory_space<vmem>>
      tpu.enqueue_dma source(%dma_start3A_1135 : memref<8x8x128xf32, #tpu.memory_space<vmem>>) target(%dma_start3A_1131 : memref<8x8x128xf32, #tpu.memory_space<hbm>>) target_semaphore(%arg19 : memref<!tpu.dma_semaphore, #tpu.memory_space<semaphore_mem>>)
      %mul3A_1136 = arith.constant 4 : i32
      %mul3A_1137 = arith.muli %add3A_420, %mul3A_1136 : i32
      %add3A_1138 = arith.constant 2 : i32
      %add3A_1139 = arith.addi %mul3A_1137, %add3A_1138 : i32
      %add3A_1140 = arith.constant 1 : i32
      %add3A_1141 = arith.addi %add3A_1139, %add3A_1140 : i32
      %lt3A_1142 = arith.constant 200 : i32
      %lt3A_1143 = arith.cmpi slt, %add3A_1141, %lt3A_1142 : i32
      %convert_element_type3A_1144 = arith.extui %lt3A_1143 : i1 to i32
      %cond3A_1145 = arith.constant 0 : i32
      %cond3A_1146 = arith.cmpi ne, %convert_element_type3A_1144, %cond3A_1145 : i32
      scf.if %cond3A_1146 {
        %add3A_1854 = arith.constant 1 : i32
        %add3A_1855 = arith.addi %add3A_1139, %add3A_1854 : i32
        %ge3A = arith.constant 4 : i32
        %ge3A_1856 = arith.cmpi sge, %add3A_1855, %ge3A : i32
        %convert_element_type3A_1857 = arith.extui %ge3A_1856 : i1 to i32
        %cond3A_1858 = arith.constant 0 : i32
        %cond3A_1859 = arith.cmpi ne, %convert_element_type3A_1857, %cond3A_1858 : i32
        scf.if %cond3A_1859 {
          %add3A_1868 = arith.constant 1 : i32
          %add3A_1869 = arith.addi %add3A_1139, %add3A_1868 : i32
          %sub3A_1870 = arith.constant 4 : i32
          %sub3A_1871 = arith.subi %add3A_1869, %sub3A_1870 : i32
          %add3A_1872 = arith.addi %mul3A_2, %sub3A_1871 : i32
          %jit3A_1873 = arith.constant 256 : i32
          %div3A_1874 = arith.divsi %add3A_1872, %jit3A_1873 : i32
          %sign3A_1875 = arith.constant 0 : i32
          %sign3A_1876 = arith.cmpi sgt, %add3A_1872, %sign3A_1875 : i32
          %sign3A_1877 = arith.extui %sign3A_1876 : i1 to i32
          %sign3A_1878 = arith.constant 0 : i32
          %sign3A_1879 = arith.cmpi slt, %add3A_1872, %sign3A_1878 : i32
          %sign3A_1880 = arith.extui %sign3A_1879 : i1 to i32
          %sign3A_1881 = arith.subi %sign3A_1877, %sign3A_1880 : i32
          %sign3A_1882 = arith.constant 0 : i32
          %sign3A_1883 = arith.cmpi sgt, %jit3A_1873, %sign3A_1882 : i32
          %sign3A_1884 = arith.extui %sign3A_1883 : i1 to i32
          %sign3A_1885 = arith.constant 0 : i32
          %sign3A_1886 = arith.cmpi slt, %jit3A_1873, %sign3A_1885 : i32
          %sign3A_1887 = arith.extui %sign3A_1886 : i1 to i32
          %sign3A_1888 = arith.subi %sign3A_1884, %sign3A_1887 : i32
          %ne3A_1889 = arith.cmpi ne, %sign3A_1881, %sign3A_1888 : i32
          %rem3A_1890 = arith.remsi %add3A_1872, %jit3A_1873 : i32
          %ne3A_1891 = arith.constant 0 : i32
          %ne3A_1892 = arith.cmpi ne, %rem3A_1890, %ne3A_1891 : i32
          %and3A_1893 = arith.andi %ne3A_1889, %ne3A_1892 : i1
          %sub3A_1894 = arith.constant 1 : i32
          %sub3A_1895 = arith.subi %div3A_1874, %sub3A_1894 : i32
          %select_n3A_1896 = arith.select %and3A_1893, %sub3A_1895, %div3A_1874 : i32
          %jit3A_1897 = arith.constant 256 : i32
          %eq3A_1898 = arith.constant 0 : i32
          %eq3A_1899 = arith.cmpi eq, %jit3A_1897, %eq3A_1898 : i32
          %jit3A_1900 = arith.constant 1 : i32
          %select_n3A_1901 = arith.select %eq3A_1899, %jit3A_1900, %jit3A_1897 : i32
          %rem3A_1902 = arith.remsi %add3A_1872, %select_n3A_1901 : i32
          %ne3A_1903 = arith.constant 0 : i32
          %ne3A_1904 = arith.cmpi ne, %rem3A_1902, %ne3A_1903 : i32
          %lt3A_1905 = arith.constant 0 : i32
          %lt3A_1906 = arith.cmpi slt, %rem3A_1902, %lt3A_1905 : i32
          %lt3A_1907 = arith.constant 0 : i32
          %lt3A_1908 = arith.cmpi slt, %select_n3A_1901, %lt3A_1907 : i32
          %ne3A_1909 = arith.xori %lt3A_1906, %lt3A_1908 : i1
          %and3A_1910 = arith.andi %ne3A_1909, %ne3A_1904 : i1
          %add3A_1911 = arith.addi %rem3A_1902, %select_n3A_1901 : i32
          %select_n3A_1912 = arith.select %and3A_1910, %add3A_1911, %rem3A_1902 : i32
          %jit3A_1913 = arith.constant 8 : i32
          %div3A_1914 = arith.divsi %select_n3A_1912, %jit3A_1913 : i32
          %sign3A_1915 = arith.constant 0 : i32
          %sign3A_1916 = arith.cmpi sgt, %select_n3A_1912, %sign3A_1915 : i32
          %sign3A_1917 = arith.extui %sign3A_1916 : i1 to i32
          %sign3A_1918 = arith.constant 0 : i32
          %sign3A_1919 = arith.cmpi slt, %select_n3A_1912, %sign3A_1918 : i32
          %sign3A_1920 = arith.extui %sign3A_1919 : i1 to i32
          %sign3A_1921 = arith.subi %sign3A_1917, %sign3A_1920 : i32
          %sign3A_1922 = arith.constant 0 : i32
          %sign3A_1923 = arith.cmpi sgt, %jit3A_1913, %sign3A_1922 : i32
          %sign3A_1924 = arith.extui %sign3A_1923 : i1 to i32
          %sign3A_1925 = arith.constant 0 : i32
          %sign3A_1926 = arith.cmpi slt, %jit3A_1913, %sign3A_1925 : i32
          %sign3A_1927 = arith.extui %sign3A_1926 : i1 to i32
          %sign3A_1928 = arith.subi %sign3A_1924, %sign3A_1927 : i32
          %ne3A_1929 = arith.cmpi ne, %sign3A_1921, %sign3A_1928 : i32
          %rem3A_1930 = arith.remsi %select_n3A_1912, %jit3A_1913 : i32
          %ne3A_1931 = arith.constant 0 : i32
          %ne3A_1932 = arith.cmpi ne, %rem3A_1930, %ne3A_1931 : i32
          %and3A_1933 = arith.andi %ne3A_1929, %ne3A_1932 : i1
          %sub3A_1934 = arith.constant 1 : i32
          %sub3A_1935 = arith.subi %div3A_1914, %sub3A_1934 : i32
          %select_n3A_1936 = arith.select %and3A_1933, %sub3A_1935, %div3A_1914 : i32
          %jit3A_1937 = arith.constant 8 : i32
          %eq3A_1938 = arith.constant 0 : i32
          %eq3A_1939 = arith.cmpi eq, %jit3A_1937, %eq3A_1938 : i32
          %jit3A_1940 = arith.constant 1 : i32
          %select_n3A_1941 = arith.select %eq3A_1939, %jit3A_1940, %jit3A_1937 : i32
          %rem3A_1942 = arith.remsi %add3A_1872, %select_n3A_1941 : i32
          %ne3A_1943 = arith.constant 0 : i32
          %ne3A_1944 = arith.cmpi ne, %rem3A_1942, %ne3A_1943 : i32
          %lt3A_1945 = arith.constant 0 : i32
          %lt3A_1946 = arith.cmpi slt, %rem3A_1942, %lt3A_1945 : i32
          %lt3A_1947 = arith.constant 0 : i32
          %lt3A_1948 = arith.cmpi slt, %select_n3A_1941, %lt3A_1947 : i32
          %ne3A_1949 = arith.xori %lt3A_1946, %lt3A_1948 : i1
          %and3A_1950 = arith.andi %ne3A_1949, %ne3A_1944 : i1
          %add3A_1951 = arith.addi %rem3A_1942, %select_n3A_1941 : i32
          %select_n3A_1952 = arith.select %and3A_1950, %add3A_1951, %rem3A_1942 : i32
          %mul3A_1953 = arith.constant 8 : i32
          %mul3A_1954 = arith.muli %select_n3A_1896, %mul3A_1953 : i32
          %add3A_1955 = arith.addi %mul3A_1954, %select_n3A_1952 : i32
          %dma_wait3A_1956 = arith.constant 0 : i32
          %dma_wait3A_1957 = arith.constant 0 : i32
          %dma_wait3A_1958 = arith.constant 0 : i32
          %dma_wait3A_1959 = tpu.memref_slice %arg13[%dma_wait3A_1956, %dma_wait3A_1957, %dma_wait3A_1958] : memref<8x8x129xf32, #tpu.memory_space<vmem>> -> memref<8x8x128xf32, #tpu.memory_space<vmem>>
          %dma_wait3A_1960 = arith.constant 0 : i32
          %dma_wait3A_1961 = arith.constant 0 : i32
          %dma_wait3A_1962 = arith.constant 0 : i32
          %dma_wait3A_1963 = tpu.memref_slice %arg4[%add3A_1955, %dma_wait3A_1960, %select_n3A_1936, %dma_wait3A_1961, %dma_wait3A_1962] : memref<200x8x32x8x128xf32, #tpu.memory_space<hbm>> -> memref<1x8x1x8x128xf32, #tpu.memory_space<hbm>>
          %dma_wait3A_1964 = tpu.memref_squeeze %dma_wait3A_1963 : memref<1x8x1x8x128xf32, #tpu.memory_space<hbm>> -> memref<8x8x128xf32, #tpu.memory_space<hbm>>
          %dma_wait3A_1965 = arith.constant 0 : i32
          %dma_wait3A_1966 = arith.constant 0 : i32
          %dma_wait3A_1967 = arith.constant 0 : i32
          %dma_wait3A_1968 = tpu.memref_slice %arg4[%add3A_1955, %dma_wait3A_1965, %select_n3A_1936, %dma_wait3A_1966, %dma_wait3A_1967] : memref<200x8x32x8x128xf32, #tpu.memory_space<hbm>> -> memref<1x8x1x8x128xf32, #tpu.memory_space<hbm>>
          %dma_wait3A_1969 = tpu.memref_squeeze %dma_wait3A_1968 : memref<1x8x1x8x128xf32, #tpu.memory_space<hbm>> -> memref<8x8x128xf32, #tpu.memory_space<hbm>>
          %dma_wait3A_1970 = arith.constant 0 : i32
          %dma_wait3A_1971 = arith.constant 0 : i32
          %dma_wait3A_1972 = arith.constant 0 : i32
          %dma_wait3A_1973 = tpu.memref_slice %arg13[%dma_wait3A_1970, %dma_wait3A_1971, %dma_wait3A_1972] : memref<8x8x129xf32, #tpu.memory_space<vmem>> -> memref<8x8x128xf32, #tpu.memory_space<vmem>>
          tpu.wait_dma2 semaphore(%arg21 : memref<!tpu.dma_semaphore, #tpu.memory_space<semaphore_mem>>) src(%dma_wait3A_1973 : memref<8x8x128xf32, #tpu.memory_space<vmem>>) dst(%dma_wait3A_1969 : memref<8x8x128xf32, #tpu.memory_space<hbm>>)
        } else {
        }
        %add3A_1860 = arith.constant 1 : i32
        %add3A_1861 = arith.addi %add3A_1139, %add3A_1860 : i32
        %dma_start3A_1862 = arith.constant 0 : i32
        %dma_start3A_1863 = tpu.memref_slice %arg5[%add3A_1861, %dma_start3A_1862] : memref<200x128xi32, #tpu.memory_space<vmem>> -> memref<1x128xi32, #tpu.memory_space<vmem>>
        %dma_start3A_1864 = tpu.memref_squeeze %dma_start3A_1863 : memref<1x128xi32, #tpu.memory_space<vmem>> -> memref<128xi32, #tpu.memory_space<vmem>>
        %dma_start3A_1865 = arith.constant 0 : i32
        %dma_start3A_1866 = arith.constant 0 : i32
        %dma_start3A_1867 = tpu.memref_slice %arg3[%dma_start3A_1865, %dma_start3A_1866] : memref<2000000x64xf32, #tpu.memory_space<hbm>> -> memref<2000000x64xf32, #tpu.memory_space<hbm>>
        tpu.enqueue_indirect_dma source(%dma_start3A_1867 : memref<2000000x64xf32, #tpu.memory_space<hbm>>) target(%arg9 : memref<128x64xf32, #tpu.memory_space<vmem>>) offsets(%dma_start3A_1864 : memref<128xi32, #tpu.memory_space<vmem>>) semaphore(%arg17 : memref<!tpu.dma_semaphore, #tpu.memory_space<semaphore_mem>>)
      } else {
      }
      %dma_wait3A_1147 = arith.constant 0 : i32
      %dma_wait3A_1148 = tpu.memref_slice %arg5[%add3A_1139, %dma_wait3A_1147] : memref<200x128xi32, #tpu.memory_space<vmem>> -> memref<1x128xi32, #tpu.memory_space<vmem>>
      %dma_wait3A_1149 = tpu.memref_squeeze %dma_wait3A_1148 : memref<1x128xi32, #tpu.memory_space<vmem>> -> memref<128xi32, #tpu.memory_space<vmem>>
      %dma_wait3A_1150 = arith.constant 0 : i32
      %dma_wait3A_1151 = arith.constant 0 : i32
      %dma_wait3A_1152 = tpu.memref_slice %arg3[%dma_wait3A_1150, %dma_wait3A_1151] : memref<2000000x64xf32, #tpu.memory_space<hbm>> -> memref<2000000x64xf32, #tpu.memory_space<hbm>>
      tpu.wait_indirect_dma semaphore(%arg16 : memref<!tpu.dma_semaphore, #tpu.memory_space<semaphore_mem>>) src(%dma_wait3A_1152 : memref<2000000x64xf32, #tpu.memory_space<hbm>>) dst(%arg8 : memref<128x64xf32, #tpu.memory_space<vmem>>)
      %iota3A_1153 = tpu.iota {dimensions = array<i32: 0>} : vector<16xi32>
      %add3A_1154 = arith.constant 0 : i32
      %add3A_1155 = vector.broadcast %add3A_1154 : i32 to vector<16xi32>
      %add3A_1156 = arith.addi %add3A_1155, %iota3A_1153 : vector<16xi32>
      %jit3A_1157 = arith.constant 8 : i32
      %div3A_1158 = vector.broadcast %jit3A_1157 : i32 to vector<16xi32>
      %div3A_1159 = arith.divsi %add3A_1156, %div3A_1158 : vector<16xi32>
      %sign3A_1160 = arith.constant 0 : i32
      %sign3A_1161 = vector.broadcast %sign3A_1160 : i32 to vector<16xi32>
      %sign3A_1162 = arith.cmpi sgt, %add3A_1156, %sign3A_1161 : vector<16xi32>
      %sign3A_1163 = arith.extui %sign3A_1162 : vector<16xi1> to vector<16xi32>
      %sign3A_1164 = arith.constant 0 : i32
      %sign3A_1165 = vector.broadcast %sign3A_1164 : i32 to vector<16xi32>
      %sign3A_1166 = arith.cmpi slt, %add3A_1156, %sign3A_1165 : vector<16xi32>
      %sign3A_1167 = arith.extui %sign3A_1166 : vector<16xi1> to vector<16xi32>
      %sign3A_1168 = arith.subi %sign3A_1163, %sign3A_1167 : vector<16xi32>
      %sign3A_1169 = arith.constant 0 : i32
      %sign3A_1170 = arith.cmpi sgt, %jit3A_1157, %sign3A_1169 : i32
      %sign3A_1171 = arith.extui %sign3A_1170 : i1 to i32
      %sign3A_1172 = arith.constant 0 : i32
      %sign3A_1173 = arith.cmpi slt, %jit3A_1157, %sign3A_1172 : i32
      %sign3A_1174 = arith.extui %sign3A_1173 : i1 to i32
      %sign3A_1175 = arith.subi %sign3A_1171, %sign3A_1174 : i32
      %ne3A_1176 = vector.broadcast %sign3A_1175 : i32 to vector<16xi32>
      %ne3A_1177 = arith.cmpi ne, %sign3A_1168, %ne3A_1176 : vector<16xi32>
      %rem3A_1178 = vector.broadcast %jit3A_1157 : i32 to vector<16xi32>
      %rem3A_1179 = arith.remsi %add3A_1156, %rem3A_1178 : vector<16xi32>
      %ne3A_1180 = arith.constant 0 : i32
      %ne3A_1181 = vector.broadcast %ne3A_1180 : i32 to vector<16xi32>
      %ne3A_1182 = arith.cmpi ne, %rem3A_1179, %ne3A_1181 : vector<16xi32>
      %and3A_1183 = arith.andi %ne3A_1177, %ne3A_1182 : vector<16xi1>
      %sub3A_1184 = arith.constant 1 : i32
      %sub3A_1185 = vector.broadcast %sub3A_1184 : i32 to vector<16xi32>
      %sub3A_1186 = arith.subi %div3A_1159, %sub3A_1185 : vector<16xi32>
      %select_n3A_1187 = arith.select %and3A_1183, %sub3A_1186, %div3A_1159 : vector<16xi1>, vector<16xi32>
      %add3A_1188 = arith.constant 16 : i32
      %add3A_1189 = vector.broadcast %add3A_1188 : i32 to vector<16xi32>
      %add3A_1190 = arith.addi %add3A_1189, %iota3A_1153 : vector<16xi32>
      %jit3A_1191 = arith.constant 8 : i32
      %div3A_1192 = vector.broadcast %jit3A_1191 : i32 to vector<16xi32>
      %div3A_1193 = arith.divsi %add3A_1190, %div3A_1192 : vector<16xi32>
      %sign3A_1194 = arith.constant 0 : i32
      %sign3A_1195 = vector.broadcast %sign3A_1194 : i32 to vector<16xi32>
      %sign3A_1196 = arith.cmpi sgt, %add3A_1190, %sign3A_1195 : vector<16xi32>
      %sign3A_1197 = arith.extui %sign3A_1196 : vector<16xi1> to vector<16xi32>
      %sign3A_1198 = arith.constant 0 : i32
      %sign3A_1199 = vector.broadcast %sign3A_1198 : i32 to vector<16xi32>
      %sign3A_1200 = arith.cmpi slt, %add3A_1190, %sign3A_1199 : vector<16xi32>
      %sign3A_1201 = arith.extui %sign3A_1200 : vector<16xi1> to vector<16xi32>
      %sign3A_1202 = arith.subi %sign3A_1197, %sign3A_1201 : vector<16xi32>
      %sign3A_1203 = arith.constant 0 : i32
      %sign3A_1204 = arith.cmpi sgt, %jit3A_1191, %sign3A_1203 : i32
      %sign3A_1205 = arith.extui %sign3A_1204 : i1 to i32
      %sign3A_1206 = arith.constant 0 : i32
      %sign3A_1207 = arith.cmpi slt, %jit3A_1191, %sign3A_1206 : i32
      %sign3A_1208 = arith.extui %sign3A_1207 : i1 to i32
      %sign3A_1209 = arith.subi %sign3A_1205, %sign3A_1208 : i32
      %ne3A_1210 = vector.broadcast %sign3A_1209 : i32 to vector<16xi32>
      %ne3A_1211 = arith.cmpi ne, %sign3A_1202, %ne3A_1210 : vector<16xi32>
      %rem3A_1212 = vector.broadcast %jit3A_1191 : i32 to vector<16xi32>
      %rem3A_1213 = arith.remsi %add3A_1190, %rem3A_1212 : vector<16xi32>
      %ne3A_1214 = arith.constant 0 : i32
      %ne3A_1215 = vector.broadcast %ne3A_1214 : i32 to vector<16xi32>
      %ne3A_1216 = arith.cmpi ne, %rem3A_1213, %ne3A_1215 : vector<16xi32>
      %and3A_1217 = arith.andi %ne3A_1211, %ne3A_1216 : vector<16xi1>
      %sub3A_1218 = arith.constant 1 : i32
      %sub3A_1219 = vector.broadcast %sub3A_1218 : i32 to vector<16xi32>
      %sub3A_1220 = arith.subi %div3A_1193, %sub3A_1219 : vector<16xi32>
      %select_n3A_1221 = arith.select %and3A_1217, %sub3A_1220, %div3A_1193 : vector<16xi1>, vector<16xi32>
      %add3A_1222 = arith.constant 32 : i32
      %add3A_1223 = vector.broadcast %add3A_1222 : i32 to vector<16xi32>
      %add3A_1224 = arith.addi %add3A_1223, %iota3A_1153 : vector<16xi32>
      %jit3A_1225 = arith.constant 8 : i32
      %div3A_1226 = vector.broadcast %jit3A_1225 : i32 to vector<16xi32>
      %div3A_1227 = arith.divsi %add3A_1224, %div3A_1226 : vector<16xi32>
      %sign3A_1228 = arith.constant 0 : i32
      %sign3A_1229 = vector.broadcast %sign3A_1228 : i32 to vector<16xi32>
      %sign3A_1230 = arith.cmpi sgt, %add3A_1224, %sign3A_1229 : vector<16xi32>
      %sign3A_1231 = arith.extui %sign3A_1230 : vector<16xi1> to vector<16xi32>
      %sign3A_1232 = arith.constant 0 : i32
      %sign3A_1233 = vector.broadcast %sign3A_1232 : i32 to vector<16xi32>
      %sign3A_1234 = arith.cmpi slt, %add3A_1224, %sign3A_1233 : vector<16xi32>
      %sign3A_1235 = arith.extui %sign3A_1234 : vector<16xi1> to vector<16xi32>
      %sign3A_1236 = arith.subi %sign3A_1231, %sign3A_1235 : vector<16xi32>
      %sign3A_1237 = arith.constant 0 : i32
      %sign3A_1238 = arith.cmpi sgt, %jit3A_1225, %sign3A_1237 : i32
      %sign3A_1239 = arith.extui %sign3A_1238 : i1 to i32
      %sign3A_1240 = arith.constant 0 : i32
      %sign3A_1241 = arith.cmpi slt, %jit3A_1225, %sign3A_1240 : i32
      %sign3A_1242 = arith.extui %sign3A_1241 : i1 to i32
      %sign3A_1243 = arith.subi %sign3A_1239, %sign3A_1242 : i32
      %ne3A_1244 = vector.broadcast %sign3A_1243 : i32 to vector<16xi32>
      %ne3A_1245 = arith.cmpi ne, %sign3A_1236, %ne3A_1244 : vector<16xi32>
      %rem3A_1246 = vector.broadcast %jit3A_1225 : i32 to vector<16xi32>
      %rem3A_1247 = arith.remsi %add3A_1224, %rem3A_1246 : vector<16xi32>
      %ne3A_1248 = arith.constant 0 : i32
      %ne3A_1249 = vector.broadcast %ne3A_1248 : i32 to vector<16xi32>
      %ne3A_1250 = arith.cmpi ne, %rem3A_1247, %ne3A_1249 : vector<16xi32>
      %and3A_1251 = arith.andi %ne3A_1245, %ne3A_1250 : vector<16xi1>
      %sub3A_1252 = arith.constant 1 : i32
      %sub3A_1253 = vector.broadcast %sub3A_1252 : i32 to vector<16xi32>
      %sub3A_1254 = arith.subi %div3A_1227, %sub3A_1253 : vector<16xi32>
      %select_n3A_1255 = arith.select %and3A_1251, %sub3A_1254, %div3A_1227 : vector<16xi1>, vector<16xi32>
      %add3A_1256 = arith.constant 48 : i32
      %add3A_1257 = vector.broadcast %add3A_1256 : i32 to vector<16xi32>
      %add3A_1258 = arith.addi %add3A_1257, %iota3A_1153 : vector<16xi32>
      %jit3A_1259 = arith.constant 8 : i32
      %div3A_1260 = vector.broadcast %jit3A_1259 : i32 to vector<16xi32>
      %div3A_1261 = arith.divsi %add3A_1258, %div3A_1260 : vector<16xi32>
      %sign3A_1262 = arith.constant 0 : i32
      %sign3A_1263 = vector.broadcast %sign3A_1262 : i32 to vector<16xi32>
      %sign3A_1264 = arith.cmpi sgt, %add3A_1258, %sign3A_1263 : vector<16xi32>
      %sign3A_1265 = arith.extui %sign3A_1264 : vector<16xi1> to vector<16xi32>
      %sign3A_1266 = arith.constant 0 : i32
      %sign3A_1267 = vector.broadcast %sign3A_1266 : i32 to vector<16xi32>
      %sign3A_1268 = arith.cmpi slt, %add3A_1258, %sign3A_1267 : vector<16xi32>
      %sign3A_1269 = arith.extui %sign3A_1268 : vector<16xi1> to vector<16xi32>
      %sign3A_1270 = arith.subi %sign3A_1265, %sign3A_1269 : vector<16xi32>
      %sign3A_1271 = arith.constant 0 : i32
      %sign3A_1272 = arith.cmpi sgt, %jit3A_1259, %sign3A_1271 : i32
      %sign3A_1273 = arith.extui %sign3A_1272 : i1 to i32
      %sign3A_1274 = arith.constant 0 : i32
      %sign3A_1275 = arith.cmpi slt, %jit3A_1259, %sign3A_1274 : i32
      %sign3A_1276 = arith.extui %sign3A_1275 : i1 to i32
      %sign3A_1277 = arith.subi %sign3A_1273, %sign3A_1276 : i32
      %ne3A_1278 = vector.broadcast %sign3A_1277 : i32 to vector<16xi32>
      %ne3A_1279 = arith.cmpi ne, %sign3A_1270, %ne3A_1278 : vector<16xi32>
      %rem3A_1280 = vector.broadcast %jit3A_1259 : i32 to vector<16xi32>
      %rem3A_1281 = arith.remsi %add3A_1258, %rem3A_1280 : vector<16xi32>
      %ne3A_1282 = arith.constant 0 : i32
      %ne3A_1283 = vector.broadcast %ne3A_1282 : i32 to vector<16xi32>
      %ne3A_1284 = arith.cmpi ne, %rem3A_1281, %ne3A_1283 : vector<16xi32>
      %and3A_1285 = arith.andi %ne3A_1279, %ne3A_1284 : vector<16xi1>
      %sub3A_1286 = arith.constant 1 : i32
      %sub3A_1287 = vector.broadcast %sub3A_1286 : i32 to vector<16xi32>
      %sub3A_1288 = arith.subi %div3A_1261, %sub3A_1287 : vector<16xi32>
      %select_n3A_1289 = arith.select %and3A_1285, %sub3A_1288, %div3A_1261 : vector<16xi1>, vector<16xi32>
      %add3A_1290 = arith.constant 0 : i32
      %add3A_1291 = vector.broadcast %add3A_1290 : i32 to vector<16xi32>
      %add3A_1292 = arith.addi %add3A_1291, %iota3A_1153 : vector<16xi32>
      %jit3A_1293 = arith.constant 8 : i32
      %eq3A_1294 = arith.constant 0 : i32
      %eq3A_1295 = arith.cmpi eq, %jit3A_1293, %eq3A_1294 : i32
      %jit3A_1296 = arith.constant 1 : i32
      %select_n3A_1297 = arith.select %eq3A_1295, %jit3A_1296, %jit3A_1293 : i32
      %rem3A_1298 = vector.broadcast %select_n3A_1297 : i32 to vector<16xi32>
      %rem3A_1299 = arith.remsi %add3A_1292, %rem3A_1298 : vector<16xi32>
      %ne3A_1300 = arith.constant 0 : i32
      %ne3A_1301 = vector.broadcast %ne3A_1300 : i32 to vector<16xi32>
      %ne3A_1302 = arith.cmpi ne, %rem3A_1299, %ne3A_1301 : vector<16xi32>
      %lt3A_1303 = arith.constant 0 : i32
      %lt3A_1304 = vector.broadcast %lt3A_1303 : i32 to vector<16xi32>
      %lt3A_1305 = arith.cmpi slt, %rem3A_1299, %lt3A_1304 : vector<16xi32>
      %lt3A_1306 = arith.constant 0 : i32
      %lt3A_1307 = arith.cmpi slt, %select_n3A_1297, %lt3A_1306 : i32
      %ne3A_1308 = vector.broadcast %lt3A_1307 : i1 to vector<16xi1>
      %ne3A_1309 = vector.broadcast %ne3A_1308 : vector<16xi1> to vector<16xi1>
      %ne3A_1310 = arith.xori %lt3A_1305, %ne3A_1309 : vector<16xi1>
      %and3A_1311 = arith.andi %ne3A_1310, %ne3A_1302 : vector<16xi1>
      %add3A_1312 = vector.broadcast %select_n3A_1297 : i32 to vector<16xi32>
      %add3A_1313 = arith.addi %rem3A_1299, %add3A_1312 : vector<16xi32>
      %select_n3A_1314 = arith.select %and3A_1311, %add3A_1313, %rem3A_1299 : vector<16xi1>, vector<16xi32>
      %add3A_1315 = arith.constant 16 : i32
      %add3A_1316 = vector.broadcast %add3A_1315 : i32 to vector<16xi32>
      %add3A_1317 = arith.addi %add3A_1316, %iota3A_1153 : vector<16xi32>
      %jit3A_1318 = arith.constant 8 : i32
      %eq3A_1319 = arith.constant 0 : i32
      %eq3A_1320 = arith.cmpi eq, %jit3A_1318, %eq3A_1319 : i32
      %jit3A_1321 = arith.constant 1 : i32
      %select_n3A_1322 = arith.select %eq3A_1320, %jit3A_1321, %jit3A_1318 : i32
      %rem3A_1323 = vector.broadcast %select_n3A_1322 : i32 to vector<16xi32>
      %rem3A_1324 = arith.remsi %add3A_1317, %rem3A_1323 : vector<16xi32>
      %ne3A_1325 = arith.constant 0 : i32
      %ne3A_1326 = vector.broadcast %ne3A_1325 : i32 to vector<16xi32>
      %ne3A_1327 = arith.cmpi ne, %rem3A_1324, %ne3A_1326 : vector<16xi32>
      %lt3A_1328 = arith.constant 0 : i32
      %lt3A_1329 = vector.broadcast %lt3A_1328 : i32 to vector<16xi32>
      %lt3A_1330 = arith.cmpi slt, %rem3A_1324, %lt3A_1329 : vector<16xi32>
      %lt3A_1331 = arith.constant 0 : i32
      %lt3A_1332 = arith.cmpi slt, %select_n3A_1322, %lt3A_1331 : i32
      %ne3A_1333 = vector.broadcast %lt3A_1332 : i1 to vector<16xi1>
      %ne3A_1334 = vector.broadcast %ne3A_1333 : vector<16xi1> to vector<16xi1>
      %ne3A_1335 = arith.xori %lt3A_1330, %ne3A_1334 : vector<16xi1>
      %and3A_1336 = arith.andi %ne3A_1335, %ne3A_1327 : vector<16xi1>
      %add3A_1337 = vector.broadcast %select_n3A_1322 : i32 to vector<16xi32>
      %add3A_1338 = arith.addi %rem3A_1324, %add3A_1337 : vector<16xi32>
      %select_n3A_1339 = arith.select %and3A_1336, %add3A_1338, %rem3A_1324 : vector<16xi1>, vector<16xi32>
      %add3A_1340 = arith.constant 32 : i32
      %add3A_1341 = vector.broadcast %add3A_1340 : i32 to vector<16xi32>
      %add3A_1342 = arith.addi %add3A_1341, %iota3A_1153 : vector<16xi32>
      %jit3A_1343 = arith.constant 8 : i32
      %eq3A_1344 = arith.constant 0 : i32
      %eq3A_1345 = arith.cmpi eq, %jit3A_1343, %eq3A_1344 : i32
      %jit3A_1346 = arith.constant 1 : i32
      %select_n3A_1347 = arith.select %eq3A_1345, %jit3A_1346, %jit3A_1343 : i32
      %rem3A_1348 = vector.broadcast %select_n3A_1347 : i32 to vector<16xi32>
      %rem3A_1349 = arith.remsi %add3A_1342, %rem3A_1348 : vector<16xi32>
      %ne3A_1350 = arith.constant 0 : i32
      %ne3A_1351 = vector.broadcast %ne3A_1350 : i32 to vector<16xi32>
      %ne3A_1352 = arith.cmpi ne, %rem3A_1349, %ne3A_1351 : vector<16xi32>
      %lt3A_1353 = arith.constant 0 : i32
      %lt3A_1354 = vector.broadcast %lt3A_1353 : i32 to vector<16xi32>
      %lt3A_1355 = arith.cmpi slt, %rem3A_1349, %lt3A_1354 : vector<16xi32>
      %lt3A_1356 = arith.constant 0 : i32
      %lt3A_1357 = arith.cmpi slt, %select_n3A_1347, %lt3A_1356 : i32
      %ne3A_1358 = vector.broadcast %lt3A_1357 : i1 to vector<16xi1>
      %ne3A_1359 = vector.broadcast %ne3A_1358 : vector<16xi1> to vector<16xi1>
      %ne3A_1360 = arith.xori %lt3A_1355, %ne3A_1359 : vector<16xi1>
      %and3A_1361 = arith.andi %ne3A_1360, %ne3A_1352 : vector<16xi1>
      %add3A_1362 = vector.broadcast %select_n3A_1347 : i32 to vector<16xi32>
      %add3A_1363 = arith.addi %rem3A_1349, %add3A_1362 : vector<16xi32>
      %select_n3A_1364 = arith.select %and3A_1361, %add3A_1363, %rem3A_1349 : vector<16xi1>, vector<16xi32>
      %add3A_1365 = arith.constant 48 : i32
      %add3A_1366 = vector.broadcast %add3A_1365 : i32 to vector<16xi32>
      %add3A_1367 = arith.addi %add3A_1366, %iota3A_1153 : vector<16xi32>
      %jit3A_1368 = arith.constant 8 : i32
      %eq3A_1369 = arith.constant 0 : i32
      %eq3A_1370 = arith.cmpi eq, %jit3A_1368, %eq3A_1369 : i32
      %jit3A_1371 = arith.constant 1 : i32
      %select_n3A_1372 = arith.select %eq3A_1370, %jit3A_1371, %jit3A_1368 : i32
      %rem3A_1373 = vector.broadcast %select_n3A_1372 : i32 to vector<16xi32>
      %rem3A_1374 = arith.remsi %add3A_1367, %rem3A_1373 : vector<16xi32>
      %ne3A_1375 = arith.constant 0 : i32
      %ne3A_1376 = vector.broadcast %ne3A_1375 : i32 to vector<16xi32>
      %ne3A_1377 = arith.cmpi ne, %rem3A_1374, %ne3A_1376 : vector<16xi32>
      %lt3A_1378 = arith.constant 0 : i32
      %lt3A_1379 = vector.broadcast %lt3A_1378 : i32 to vector<16xi32>
      %lt3A_1380 = arith.cmpi slt, %rem3A_1374, %lt3A_1379 : vector<16xi32>
      %lt3A_1381 = arith.constant 0 : i32
      %lt3A_1382 = arith.cmpi slt, %select_n3A_1372, %lt3A_1381 : i32
      %ne3A_1383 = vector.broadcast %lt3A_1382 : i1 to vector<16xi1>
      %ne3A_1384 = vector.broadcast %ne3A_1383 : vector<16xi1> to vector<16xi1>
      %ne3A_1385 = arith.xori %lt3A_1380, %ne3A_1384 : vector<16xi1>
      %and3A_1386 = arith.andi %ne3A_1385, %ne3A_1377 : vector<16xi1>
      %add3A_1387 = vector.broadcast %select_n3A_1372 : i32 to vector<16xi32>
      %add3A_1388 = arith.addi %rem3A_1374, %add3A_1387 : vector<16xi32>
      %select_n3A_1389 = arith.select %and3A_1386, %add3A_1388, %rem3A_1374 : vector<16xi1>, vector<16xi32>
      %parallel_loop3A_1390 = arith.constant 0 : i32
      %parallel_loop3A_1391 = arith.constant 128 : i32
      %parallel_loop3A_1392 = arith.constant 2 : i32
      scf.for %parallel_loop3A_1854 = %parallel_loop3A_1390 to %parallel_loop3A_1391 step %parallel_loop3A_1392  : i32 {
        %parallel_loop3A_1855 = arith.constant 0 : i32
        %parallel_loop3A_1856 = vector.broadcast %parallel_loop3A_1855 : i32 to vector<16xi32>
        %parallel_loop3A_1857 = arith.muli %iota3A_1153, %parallel_loop3A_1856 : vector<16xi32>
        %parallel_loop3A_1858 = vector.broadcast %parallel_loop3A_1854 : i32 to vector<16xi32>
        %parallel_loop3A_1859 = arith.addi %parallel_loop3A_1857, %parallel_loop3A_1858 : vector<16xi32>
        %parallel_loop3A_1860 = arith.constant 0 : i32
        %parallel_loop3A_1861 = arith.addi %parallel_loop3A_1854, %parallel_loop3A_1860 : i32
        %parallel_loop3A_1862 = arith.index_cast %parallel_loop3A_1861 : i32 to index
        %parallel_loop3A_1863 = arith.constant 0 : index
        %parallel_loop3A_1864 = tpu.vector_load %arg8[%parallel_loop3A_1862, %parallel_loop3A_1863] {strides = array<i32>} : memref<128x64xf32, #tpu.memory_space<vmem>>, vector<16xf32>,
        %parallel_loop3A_1865 = arith.constant 0 : i32
        %parallel_loop3A_1866 = vector.broadcast %parallel_loop3A_1865 : i32 to vector<16xi32>
        %parallel_loop3A_1867 = arith.addi %parallel_loop3A_1859, %parallel_loop3A_1866 : vector<16xi32>
        %parallel_loop3A_1868 = arith.constant 8.000000e+00 : f32
        %parallel_loop3A_1869 = vector.broadcast %parallel_loop3A_1868 : f32 to vector<16xf32>
        %parallel_loop3A_1870 = arith.mulf %parallel_loop3A_1864, %parallel_loop3A_1869 : vector<16xf32>
        tpu.vector_store_idx %arg12[%select_n3A_1187, %select_n3A_1314, %parallel_loop3A_1867], %parallel_loop3A_1870 : memref<8x8x129xf32, #tpu.memory_space<vmem>>[vector<16xi32>, vector<16xi32>, vector<16xi32>], vector<16xf32>,
        %parallel_loop3A_1871 = arith.constant 0 : i32
        %parallel_loop3A_1872 = arith.addi %parallel_loop3A_1854, %parallel_loop3A_1871 : i32
        %parallel_loop3A_1873 = arith.index_cast %parallel_loop3A_1872 : i32 to index
        %parallel_loop3A_1874 = arith.constant 16 : index
        %parallel_loop3A_1875 = tpu.vector_load %arg8[%parallel_loop3A_1873, %parallel_loop3A_1874] {strides = array<i32>} : memref<128x64xf32, #tpu.memory_space<vmem>>, vector<16xf32>,
        %parallel_loop3A_1876 = arith.constant 0 : i32
        %parallel_loop3A_1877 = vector.broadcast %parallel_loop3A_1876 : i32 to vector<16xi32>
        %parallel_loop3A_1878 = arith.addi %parallel_loop3A_1859, %parallel_loop3A_1877 : vector<16xi32>
        %parallel_loop3A_1879 = arith.constant 8.000000e+00 : f32
        %parallel_loop3A_1880 = vector.broadcast %parallel_loop3A_1879 : f32 to vector<16xf32>
        %parallel_loop3A_1881 = arith.mulf %parallel_loop3A_1875, %parallel_loop3A_1880 : vector<16xf32>
        tpu.vector_store_idx %arg12[%select_n3A_1221, %select_n3A_1339, %parallel_loop3A_1878], %parallel_loop3A_1881 : memref<8x8x129xf32, #tpu.memory_space<vmem>>[vector<16xi32>, vector<16xi32>, vector<16xi32>], vector<16xf32>,
        %parallel_loop3A_1882 = arith.constant 0 : i32
        %parallel_loop3A_1883 = arith.addi %parallel_loop3A_1854, %parallel_loop3A_1882 : i32
        %parallel_loop3A_1884 = arith.index_cast %parallel_loop3A_1883 : i32 to index
        %parallel_loop3A_1885 = arith.constant 32 : index
        %parallel_loop3A_1886 = tpu.vector_load %arg8[%parallel_loop3A_1884, %parallel_loop3A_1885] {strides = array<i32>} : memref<128x64xf32, #tpu.memory_space<vmem>>, vector<16xf32>,
        %parallel_loop3A_1887 = arith.constant 0 : i32
        %parallel_loop3A_1888 = vector.broadcast %parallel_loop3A_1887 : i32 to vector<16xi32>
        %parallel_loop3A_1889 = arith.addi %parallel_loop3A_1859, %parallel_loop3A_1888 : vector<16xi32>
        %parallel_loop3A_1890 = arith.constant 8.000000e+00 : f32
        %parallel_loop3A_1891 = vector.broadcast %parallel_loop3A_1890 : f32 to vector<16xf32>
        %parallel_loop3A_1892 = arith.mulf %parallel_loop3A_1886, %parallel_loop3A_1891 : vector<16xf32>
        tpu.vector_store_idx %arg12[%select_n3A_1255, %select_n3A_1364, %parallel_loop3A_1889], %parallel_loop3A_1892 : memref<8x8x129xf32, #tpu.memory_space<vmem>>[vector<16xi32>, vector<16xi32>, vector<16xi32>], vector<16xf32>,
        %parallel_loop3A_1893 = arith.constant 0 : i32
        %parallel_loop3A_1894 = arith.addi %parallel_loop3A_1854, %parallel_loop3A_1893 : i32
        %parallel_loop3A_1895 = arith.index_cast %parallel_loop3A_1894 : i32 to index
        %parallel_loop3A_1896 = arith.constant 48 : index
        %parallel_loop3A_1897 = tpu.vector_load %arg8[%parallel_loop3A_1895, %parallel_loop3A_1896] {strides = array<i32>} : memref<128x64xf32, #tpu.memory_space<vmem>>, vector<16xf32>,
        %parallel_loop3A_1898 = arith.constant 0 : i32
        %parallel_loop3A_1899 = vector.broadcast %parallel_loop3A_1898 : i32 to vector<16xi32>
        %parallel_loop3A_1900 = arith.addi %parallel_loop3A_1859, %parallel_loop3A_1899 : vector<16xi32>
        %parallel_loop3A_1901 = arith.constant 8.000000e+00 : f32
        %parallel_loop3A_1902 = vector.broadcast %parallel_loop3A_1901 : f32 to vector<16xf32>
        %parallel_loop3A_1903 = arith.mulf %parallel_loop3A_1897, %parallel_loop3A_1902 : vector<16xf32>
        tpu.vector_store_idx %arg12[%select_n3A_1289, %select_n3A_1389, %parallel_loop3A_1900], %parallel_loop3A_1903 : memref<8x8x129xf32, #tpu.memory_space<vmem>>[vector<16xi32>, vector<16xi32>, vector<16xi32>], vector<16xf32>,
        %parallel_loop3A_1904 = arith.constant 1 : i32
        %parallel_loop3A_1905 = arith.addi %parallel_loop3A_1854, %parallel_loop3A_1904 : i32
        %parallel_loop3A_1906 = arith.index_cast %parallel_loop3A_1905 : i32 to index
        %parallel_loop3A_1907 = arith.constant 0 : index
        %parallel_loop3A_1908 = tpu.vector_load %arg8[%parallel_loop3A_1906, %parallel_loop3A_1907] {strides = array<i32>} : memref<128x64xf32, #tpu.memory_space<vmem>>, vector<16xf32>,
        %parallel_loop3A_1909 = arith.constant 1 : i32
        %parallel_loop3A_1910 = vector.broadcast %parallel_loop3A_1909 : i32 to vector<16xi32>
        %parallel_loop3A_1911 = arith.addi %parallel_loop3A_1859, %parallel_loop3A_1910 : vector<16xi32>
        %parallel_loop3A_1912 = arith.constant 8.000000e+00 : f32
        %parallel_loop3A_1913 = vector.broadcast %parallel_loop3A_1912 : f32 to vector<16xf32>
        %parallel_loop3A_1914 = arith.mulf %parallel_loop3A_1908, %parallel_loop3A_1913 : vector<16xf32>
        tpu.vector_store_idx %arg12[%select_n3A_1187, %select_n3A_1314, %parallel_loop3A_1911], %parallel_loop3A_1914 : memref<8x8x129xf32, #tpu.memory_space<vmem>>[vector<16xi32>, vector<16xi32>, vector<16xi32>], vector<16xf32>,
        %parallel_loop3A_1915 = arith.constant 1 : i32
        %parallel_loop3A_1916 = arith.addi %parallel_loop3A_1854, %parallel_loop3A_1915 : i32
        %parallel_loop3A_1917 = arith.index_cast %parallel_loop3A_1916 : i32 to index
        %parallel_loop3A_1918 = arith.constant 16 : index
        %parallel_loop3A_1919 = tpu.vector_load %arg8[%parallel_loop3A_1917, %parallel_loop3A_1918] {strides = array<i32>} : memref<128x64xf32, #tpu.memory_space<vmem>>, vector<16xf32>,
        %parallel_loop3A_1920 = arith.constant 1 : i32
        %parallel_loop3A_1921 = vector.broadcast %parallel_loop3A_1920 : i32 to vector<16xi32>
        %parallel_loop3A_1922 = arith.addi %parallel_loop3A_1859, %parallel_loop3A_1921 : vector<16xi32>
        %parallel_loop3A_1923 = arith.constant 8.000000e+00 : f32
        %parallel_loop3A_1924 = vector.broadcast %parallel_loop3A_1923 : f32 to vector<16xf32>
        %parallel_loop3A_1925 = arith.mulf %parallel_loop3A_1919, %parallel_loop3A_1924 : vector<16xf32>
        tpu.vector_store_idx %arg12[%select_n3A_1221, %select_n3A_1339, %parallel_loop3A_1922], %parallel_loop3A_1925 : memref<8x8x129xf32, #tpu.memory_space<vmem>>[vector<16xi32>, vector<16xi32>, vector<16xi32>], vector<16xf32>,
        %parallel_loop3A_1926 = arith.constant 1 : i32
        %parallel_loop3A_1927 = arith.addi %parallel_loop3A_1854, %parallel_loop3A_1926 : i32
        %parallel_loop3A_1928 = arith.index_cast %parallel_loop3A_1927 : i32 to index
        %parallel_loop3A_1929 = arith.constant 32 : index
        %parallel_loop3A_1930 = tpu.vector_load %arg8[%parallel_loop3A_1928, %parallel_loop3A_1929] {strides = array<i32>} : memref<128x64xf32, #tpu.memory_space<vmem>>, vector<16xf32>,
        %parallel_loop3A_1931 = arith.constant 1 : i32
        %parallel_loop3A_1932 = vector.broadcast %parallel_loop3A_1931 : i32 to vector<16xi32>
        %parallel_loop3A_1933 = arith.addi %parallel_loop3A_1859, %parallel_loop3A_1932 : vector<16xi32>
        %parallel_loop3A_1934 = arith.constant 8.000000e+00 : f32
        %parallel_loop3A_1935 = vector.broadcast %parallel_loop3A_1934 : f32 to vector<16xf32>
        %parallel_loop3A_1936 = arith.mulf %parallel_loop3A_1930, %parallel_loop3A_1935 : vector<16xf32>
        tpu.vector_store_idx %arg12[%select_n3A_1255, %select_n3A_1364, %parallel_loop3A_1933], %parallel_loop3A_1936 : memref<8x8x129xf32, #tpu.memory_space<vmem>>[vector<16xi32>, vector<16xi32>, vector<16xi32>], vector<16xf32>,
        %parallel_loop3A_1937 = arith.constant 1 : i32
        %parallel_loop3A_1938 = arith.addi %parallel_loop3A_1854, %parallel_loop3A_1937 : i32
        %parallel_loop3A_1939 = arith.index_cast %parallel_loop3A_1938 : i32 to index
        %parallel_loop3A_1940 = arith.constant 48 : index
        %parallel_loop3A_1941 = tpu.vector_load %arg8[%parallel_loop3A_1939, %parallel_loop3A_1940] {strides = array<i32>} : memref<128x64xf32, #tpu.memory_space<vmem>>, vector<16xf32>,
        %parallel_loop3A_1942 = arith.constant 1 : i32
        %parallel_loop3A_1943 = vector.broadcast %parallel_loop3A_1942 : i32 to vector<16xi32>
        %parallel_loop3A_1944 = arith.addi %parallel_loop3A_1859, %parallel_loop3A_1943 : vector<16xi32>
        %parallel_loop3A_1945 = arith.constant 8.000000e+00 : f32
        %parallel_loop3A_1946 = vector.broadcast %parallel_loop3A_1945 : f32 to vector<16xf32>
        %parallel_loop3A_1947 = arith.mulf %parallel_loop3A_1941, %parallel_loop3A_1946 : vector<16xf32>
        tpu.vector_store_idx %arg12[%select_n3A_1289, %select_n3A_1389, %parallel_loop3A_1944], %parallel_loop3A_1947 : memref<8x8x129xf32, #tpu.memory_space<vmem>>[vector<16xi32>, vector<16xi32>, vector<16xi32>], vector<16xf32>,
      } {sc.loop_unroll_factor = 8 : i64, sc.parallel_access}
      %add3A_1393 = arith.addi %mul3A_2, %add3A_1139 : i32
      %jit3A_1394 = arith.constant 256 : i32
      %div3A_1395 = arith.divsi %add3A_1393, %jit3A_1394 : i32
      %sign3A_1396 = arith.constant 0 : i32
      %sign3A_1397 = arith.cmpi sgt, %add3A_1393, %sign3A_1396 : i32
      %sign3A_1398 = arith.extui %sign3A_1397 : i1 to i32
      %sign3A_1399 = arith.constant 0 : i32
      %sign3A_1400 = arith.cmpi slt, %add3A_1393, %sign3A_1399 : i32
      %sign3A_1401 = arith.extui %sign3A_1400 : i1 to i32
      %sign3A_1402 = arith.subi %sign3A_1398, %sign3A_1401 : i32
      %sign3A_1403 = arith.constant 0 : i32
      %sign3A_1404 = arith.cmpi sgt, %jit3A_1394, %sign3A_1403 : i32
      %sign3A_1405 = arith.extui %sign3A_1404 : i1 to i32
      %sign3A_1406 = arith.constant 0 : i32
      %sign3A_1407 = arith.cmpi slt, %jit3A_1394, %sign3A_1406 : i32
      %sign3A_1408 = arith.extui %sign3A_1407 : i1 to i32
      %sign3A_1409 = arith.subi %sign3A_1405, %sign3A_1408 : i32
      %ne3A_1410 = arith.cmpi ne, %sign3A_1402, %sign3A_1409 : i32
      %rem3A_1411 = arith.remsi %add3A_1393, %jit3A_1394 : i32
      %ne3A_1412 = arith.constant 0 : i32
      %ne3A_1413 = arith.cmpi ne, %rem3A_1411, %ne3A_1412 : i32
      %and3A_1414 = arith.andi %ne3A_1410, %ne3A_1413 : i1
      %sub3A_1415 = arith.constant 1 : i32
      %sub3A_1416 = arith.subi %div3A_1395, %sub3A_1415 : i32
      %select_n3A_1417 = arith.select %and3A_1414, %sub3A_1416, %div3A_1395 : i32
      %jit3A_1418 = arith.constant 256 : i32
      %eq3A_1419 = arith.constant 0 : i32
      %eq3A_1420 = arith.cmpi eq, %jit3A_1418, %eq3A_1419 : i32
      %jit3A_1421 = arith.constant 1 : i32
      %select_n3A_1422 = arith.select %eq3A_1420, %jit3A_1421, %jit3A_1418 : i32
      %rem3A_1423 = arith.remsi %add3A_1393, %select_n3A_1422 : i32
      %ne3A_1424 = arith.constant 0 : i32
      %ne3A_1425 = arith.cmpi ne, %rem3A_1423, %ne3A_1424 : i32
      %lt3A_1426 = arith.constant 0 : i32
      %lt3A_1427 = arith.cmpi slt, %rem3A_1423, %lt3A_1426 : i32
      %lt3A_1428 = arith.constant 0 : i32
      %lt3A_1429 = arith.cmpi slt, %select_n3A_1422, %lt3A_1428 : i32
      %ne3A_1430 = arith.xori %lt3A_1427, %lt3A_1429 : i1
      %and3A_1431 = arith.andi %ne3A_1430, %ne3A_1425 : i1
      %add3A_1432 = arith.addi %rem3A_1423, %select_n3A_1422 : i32
      %select_n3A_1433 = arith.select %and3A_1431, %add3A_1432, %rem3A_1423 : i32
      %jit3A_1434 = arith.constant 8 : i32
      %div3A_1435 = arith.divsi %select_n3A_1433, %jit3A_1434 : i32
      %sign3A_1436 = arith.constant 0 : i32
      %sign3A_1437 = arith.cmpi sgt, %select_n3A_1433, %sign3A_1436 : i32
      %sign3A_1438 = arith.extui %sign3A_1437 : i1 to i32
      %sign3A_1439 = arith.constant 0 : i32
      %sign3A_1440 = arith.cmpi slt, %select_n3A_1433, %sign3A_1439 : i32
      %sign3A_1441 = arith.extui %sign3A_1440 : i1 to i32
      %sign3A_1442 = arith.subi %sign3A_1438, %sign3A_1441 : i32
      %sign3A_1443 = arith.constant 0 : i32
      %sign3A_1444 = arith.cmpi sgt, %jit3A_1434, %sign3A_1443 : i32
      %sign3A_1445 = arith.extui %sign3A_1444 : i1 to i32
      %sign3A_1446 = arith.constant 0 : i32
      %sign3A_1447 = arith.cmpi slt, %jit3A_1434, %sign3A_1446 : i32
      %sign3A_1448 = arith.extui %sign3A_1447 : i1 to i32
      %sign3A_1449 = arith.subi %sign3A_1445, %sign3A_1448 : i32
      %ne3A_1450 = arith.cmpi ne, %sign3A_1442, %sign3A_1449 : i32
      %rem3A_1451 = arith.remsi %select_n3A_1433, %jit3A_1434 : i32
      %ne3A_1452 = arith.constant 0 : i32
      %ne3A_1453 = arith.cmpi ne, %rem3A_1451, %ne3A_1452 : i32
      %and3A_1454 = arith.andi %ne3A_1450, %ne3A_1453 : i1
      %sub3A_1455 = arith.constant 1 : i32
      %sub3A_1456 = arith.subi %div3A_1435, %sub3A_1455 : i32
      %select_n3A_1457 = arith.select %and3A_1454, %sub3A_1456, %div3A_1435 : i32
      %jit3A_1458 = arith.constant 8 : i32
      %eq3A_1459 = arith.constant 0 : i32
      %eq3A_1460 = arith.cmpi eq, %jit3A_1458, %eq3A_1459 : i32
      %jit3A_1461 = arith.constant 1 : i32
      %select_n3A_1462 = arith.select %eq3A_1460, %jit3A_1461, %jit3A_1458 : i32
      %rem3A_1463 = arith.remsi %add3A_1393, %select_n3A_1462 : i32
      %ne3A_1464 = arith.constant 0 : i32
      %ne3A_1465 = arith.cmpi ne, %rem3A_1463, %ne3A_1464 : i32
      %lt3A_1466 = arith.constant 0 : i32
      %lt3A_1467 = arith.cmpi slt, %rem3A_1463, %lt3A_1466 : i32
      %lt3A_1468 = arith.constant 0 : i32
      %lt3A_1469 = arith.cmpi slt, %select_n3A_1462, %lt3A_1468 : i32
      %ne3A_1470 = arith.xori %lt3A_1467, %lt3A_1469 : i1
      %and3A_1471 = arith.andi %ne3A_1470, %ne3A_1465 : i1
      %add3A_1472 = arith.addi %rem3A_1463, %select_n3A_1462 : i32
      %select_n3A_1473 = arith.select %and3A_1471, %add3A_1472, %rem3A_1463 : i32
      %mul3A_1474 = arith.constant 8 : i32
      %mul3A_1475 = arith.muli %select_n3A_1417, %mul3A_1474 : i32
      %add3A_1476 = arith.addi %mul3A_1475, %select_n3A_1473 : i32
      %dma_start3A_1477 = arith.constant 0 : i32
      %dma_start3A_1478 = arith.constant 0 : i32
      %dma_start3A_1479 = arith.constant 0 : i32
      %dma_start3A_1480 = tpu.memref_slice %arg12[%dma_start3A_1477, %dma_start3A_1478, %dma_start3A_1479] : memref<8x8x129xf32, #tpu.memory_space<vmem>> -> memref<8x8x128xf32, #tpu.memory_space<vmem>>
      %dma_start3A_1481 = arith.constant 0 : i32
      %dma_start3A_1482 = arith.constant 0 : i32
      %dma_start3A_1483 = arith.constant 0 : i32
      %dma_start3A_1484 = tpu.memref_slice %arg4[%add3A_1476, %dma_start3A_1481, %select_n3A_1457, %dma_start3A_1482, %dma_start3A_1483] : memref<200x8x32x8x128xf32, #tpu.memory_space<hbm>> -> memref<1x8x1x8x128xf32, #tpu.memory_space<hbm>>
      %dma_start3A_1485 = tpu.memref_squeeze %dma_start3A_1484 : memref<1x8x1x8x128xf32, #tpu.memory_space<hbm>> -> memref<8x8x128xf32, #tpu.memory_space<hbm>>
      %dma_start3A_1486 = arith.constant 0 : i32
      %dma_start3A_1487 = arith.constant 0 : i32
      %dma_start3A_1488 = arith.constant 0 : i32
      %dma_start3A_1489 = tpu.memref_slice %arg4[%add3A_1476, %dma_start3A_1486, %select_n3A_1457, %dma_start3A_1487, %dma_start3A_1488] : memref<200x8x32x8x128xf32, #tpu.memory_space<hbm>> -> memref<1x8x1x8x128xf32, #tpu.memory_space<hbm>>
      %dma_start3A_1490 = tpu.memref_squeeze %dma_start3A_1489 : memref<1x8x1x8x128xf32, #tpu.memory_space<hbm>> -> memref<8x8x128xf32, #tpu.memory_space<hbm>>
      %dma_start3A_1491 = arith.constant 0 : i32
      %dma_start3A_1492 = arith.constant 0 : i32
      %dma_start3A_1493 = arith.constant 0 : i32
      %dma_start3A_1494 = tpu.memref_slice %arg12[%dma_start3A_1491, %dma_start3A_1492, %dma_start3A_1493] : memref<8x8x129xf32, #tpu.memory_space<vmem>> -> memref<8x8x128xf32, #tpu.memory_space<vmem>>
      tpu.enqueue_dma source(%dma_start3A_1494 : memref<8x8x128xf32, #tpu.memory_space<vmem>>) target(%dma_start3A_1490 : memref<8x8x128xf32, #tpu.memory_space<hbm>>) target_semaphore(%arg20 : memref<!tpu.dma_semaphore, #tpu.memory_space<semaphore_mem>>)
      %mul3A_1495 = arith.constant 4 : i32
      %mul3A_1496 = arith.muli %add3A_420, %mul3A_1495 : i32
      %add3A_1497 = arith.constant 3 : i32
      %add3A_1498 = arith.addi %mul3A_1496, %add3A_1497 : i32
      %add3A_1499 = arith.constant 1 : i32
      %add3A_1500 = arith.addi %add3A_1498, %add3A_1499 : i32
      %lt3A_1501 = arith.constant 200 : i32
      %lt3A_1502 = arith.cmpi slt, %add3A_1500, %lt3A_1501 : i32
      %convert_element_type3A_1503 = arith.extui %lt3A_1502 : i1 to i32
      %cond3A_1504 = arith.constant 0 : i32
      %cond3A_1505 = arith.cmpi ne, %convert_element_type3A_1503, %cond3A_1504 : i32
      scf.if %cond3A_1505 {
        %add3A_1854 = arith.constant 1 : i32
        %add3A_1855 = arith.addi %add3A_1498, %add3A_1854 : i32
        %ge3A = arith.constant 4 : i32
        %ge3A_1856 = arith.cmpi sge, %add3A_1855, %ge3A : i32
        %convert_element_type3A_1857 = arith.extui %ge3A_1856 : i1 to i32
        %cond3A_1858 = arith.constant 0 : i32
        %cond3A_1859 = arith.cmpi ne, %convert_element_type3A_1857, %cond3A_1858 : i32
        scf.if %cond3A_1859 {
          %add3A_1868 = arith.constant 1 : i32
          %add3A_1869 = arith.addi %add3A_1498, %add3A_1868 : i32
          %sub3A_1870 = arith.constant 4 : i32
          %sub3A_1871 = arith.subi %add3A_1869, %sub3A_1870 : i32
          %add3A_1872 = arith.addi %mul3A_2, %sub3A_1871 : i32
          %jit3A_1873 = arith.constant 256 : i32
          %div3A_1874 = arith.divsi %add3A_1872, %jit3A_1873 : i32
          %sign3A_1875 = arith.constant 0 : i32
          %sign3A_1876 = arith.cmpi sgt, %add3A_1872, %sign3A_1875 : i32
          %sign3A_1877 = arith.extui %sign3A_1876 : i1 to i32
          %sign3A_1878 = arith.constant 0 : i32
          %sign3A_1879 = arith.cmpi slt, %add3A_1872, %sign3A_1878 : i32
          %sign3A_1880 = arith.extui %sign3A_1879 : i1 to i32
          %sign3A_1881 = arith.subi %sign3A_1877, %sign3A_1880 : i32
          %sign3A_1882 = arith.constant 0 : i32
          %sign3A_1883 = arith.cmpi sgt, %jit3A_1873, %sign3A_1882 : i32
          %sign3A_1884 = arith.extui %sign3A_1883 : i1 to i32
          %sign3A_1885 = arith.constant 0 : i32
          %sign3A_1886 = arith.cmpi slt, %jit3A_1873, %sign3A_1885 : i32
          %sign3A_1887 = arith.extui %sign3A_1886 : i1 to i32
          %sign3A_1888 = arith.subi %sign3A_1884, %sign3A_1887 : i32
          %ne3A_1889 = arith.cmpi ne, %sign3A_1881, %sign3A_1888 : i32
          %rem3A_1890 = arith.remsi %add3A_1872, %jit3A_1873 : i32
          %ne3A_1891 = arith.constant 0 : i32
          %ne3A_1892 = arith.cmpi ne, %rem3A_1890, %ne3A_1891 : i32
          %and3A_1893 = arith.andi %ne3A_1889, %ne3A_1892 : i1
          %sub3A_1894 = arith.constant 1 : i32
          %sub3A_1895 = arith.subi %div3A_1874, %sub3A_1894 : i32
          %select_n3A_1896 = arith.select %and3A_1893, %sub3A_1895, %div3A_1874 : i32
          %jit3A_1897 = arith.constant 256 : i32
          %eq3A_1898 = arith.constant 0 : i32
          %eq3A_1899 = arith.cmpi eq, %jit3A_1897, %eq3A_1898 : i32
          %jit3A_1900 = arith.constant 1 : i32
          %select_n3A_1901 = arith.select %eq3A_1899, %jit3A_1900, %jit3A_1897 : i32
          %rem3A_1902 = arith.remsi %add3A_1872, %select_n3A_1901 : i32
          %ne3A_1903 = arith.constant 0 : i32
          %ne3A_1904 = arith.cmpi ne, %rem3A_1902, %ne3A_1903 : i32
          %lt3A_1905 = arith.constant 0 : i32
          %lt3A_1906 = arith.cmpi slt, %rem3A_1902, %lt3A_1905 : i32
          %lt3A_1907 = arith.constant 0 : i32
          %lt3A_1908 = arith.cmpi slt, %select_n3A_1901, %lt3A_1907 : i32
          %ne3A_1909 = arith.xori %lt3A_1906, %lt3A_1908 : i1
          %and3A_1910 = arith.andi %ne3A_1909, %ne3A_1904 : i1
          %add3A_1911 = arith.addi %rem3A_1902, %select_n3A_1901 : i32
          %select_n3A_1912 = arith.select %and3A_1910, %add3A_1911, %rem3A_1902 : i32
          %jit3A_1913 = arith.constant 8 : i32
          %div3A_1914 = arith.divsi %select_n3A_1912, %jit3A_1913 : i32
          %sign3A_1915 = arith.constant 0 : i32
          %sign3A_1916 = arith.cmpi sgt, %select_n3A_1912, %sign3A_1915 : i32
          %sign3A_1917 = arith.extui %sign3A_1916 : i1 to i32
          %sign3A_1918 = arith.constant 0 : i32
          %sign3A_1919 = arith.cmpi slt, %select_n3A_1912, %sign3A_1918 : i32
          %sign3A_1920 = arith.extui %sign3A_1919 : i1 to i32
          %sign3A_1921 = arith.subi %sign3A_1917, %sign3A_1920 : i32
          %sign3A_1922 = arith.constant 0 : i32
          %sign3A_1923 = arith.cmpi sgt, %jit3A_1913, %sign3A_1922 : i32
          %sign3A_1924 = arith.extui %sign3A_1923 : i1 to i32
          %sign3A_1925 = arith.constant 0 : i32
          %sign3A_1926 = arith.cmpi slt, %jit3A_1913, %sign3A_1925 : i32
          %sign3A_1927 = arith.extui %sign3A_1926 : i1 to i32
          %sign3A_1928 = arith.subi %sign3A_1924, %sign3A_1927 : i32
          %ne3A_1929 = arith.cmpi ne, %sign3A_1921, %sign3A_1928 : i32
          %rem3A_1930 = arith.remsi %select_n3A_1912, %jit3A_1913 : i32
          %ne3A_1931 = arith.constant 0 : i32
          %ne3A_1932 = arith.cmpi ne, %rem3A_1930, %ne3A_1931 : i32
          %and3A_1933 = arith.andi %ne3A_1929, %ne3A_1932 : i1
          %sub3A_1934 = arith.constant 1 : i32
          %sub3A_1935 = arith.subi %div3A_1914, %sub3A_1934 : i32
          %select_n3A_1936 = arith.select %and3A_1933, %sub3A_1935, %div3A_1914 : i32
          %jit3A_1937 = arith.constant 8 : i32
          %eq3A_1938 = arith.constant 0 : i32
          %eq3A_1939 = arith.cmpi eq, %jit3A_1937, %eq3A_1938 : i32
          %jit3A_1940 = arith.constant 1 : i32
          %select_n3A_1941 = arith.select %eq3A_1939, %jit3A_1940, %jit3A_1937 : i32
          %rem3A_1942 = arith.remsi %add3A_1872, %select_n3A_1941 : i32
          %ne3A_1943 = arith.constant 0 : i32
          %ne3A_1944 = arith.cmpi ne, %rem3A_1942, %ne3A_1943 : i32
          %lt3A_1945 = arith.constant 0 : i32
          %lt3A_1946 = arith.cmpi slt, %rem3A_1942, %lt3A_1945 : i32
          %lt3A_1947 = arith.constant 0 : i32
          %lt3A_1948 = arith.cmpi slt, %select_n3A_1941, %lt3A_1947 : i32
          %ne3A_1949 = arith.xori %lt3A_1946, %lt3A_1948 : i1
          %and3A_1950 = arith.andi %ne3A_1949, %ne3A_1944 : i1
          %add3A_1951 = arith.addi %rem3A_1942, %select_n3A_1941 : i32
          %select_n3A_1952 = arith.select %and3A_1950, %add3A_1951, %rem3A_1942 : i32
          %mul3A_1953 = arith.constant 8 : i32
          %mul3A_1954 = arith.muli %select_n3A_1896, %mul3A_1953 : i32
          %add3A_1955 = arith.addi %mul3A_1954, %select_n3A_1952 : i32
          %dma_wait3A_1956 = arith.constant 0 : i32
          %dma_wait3A_1957 = arith.constant 0 : i32
          %dma_wait3A_1958 = arith.constant 0 : i32
          %dma_wait3A_1959 = tpu.memref_slice %arg10[%dma_wait3A_1956, %dma_wait3A_1957, %dma_wait3A_1958] : memref<8x8x129xf32, #tpu.memory_space<vmem>> -> memref<8x8x128xf32, #tpu.memory_space<vmem>>
          %dma_wait3A_1960 = arith.constant 0 : i32
          %dma_wait3A_1961 = arith.constant 0 : i32
          %dma_wait3A_1962 = arith.constant 0 : i32
          %dma_wait3A_1963 = tpu.memref_slice %arg4[%add3A_1955, %dma_wait3A_1960, %select_n3A_1936, %dma_wait3A_1961, %dma_wait3A_1962] : memref<200x8x32x8x128xf32, #tpu.memory_space<hbm>> -> memref<1x8x1x8x128xf32, #tpu.memory_space<hbm>>
          %dma_wait3A_1964 = tpu.memref_squeeze %dma_wait3A_1963 : memref<1x8x1x8x128xf32, #tpu.memory_space<hbm>> -> memref<8x8x128xf32, #tpu.memory_space<hbm>>
          %dma_wait3A_1965 = arith.constant 0 : i32
          %dma_wait3A_1966 = arith.constant 0 : i32
          %dma_wait3A_1967 = arith.constant 0 : i32
          %dma_wait3A_1968 = tpu.memref_slice %arg4[%add3A_1955, %dma_wait3A_1965, %select_n3A_1936, %dma_wait3A_1966, %dma_wait3A_1967] : memref<200x8x32x8x128xf32, #tpu.memory_space<hbm>> -> memref<1x8x1x8x128xf32, #tpu.memory_space<hbm>>
          %dma_wait3A_1969 = tpu.memref_squeeze %dma_wait3A_1968 : memref<1x8x1x8x128xf32, #tpu.memory_space<hbm>> -> memref<8x8x128xf32, #tpu.memory_space<hbm>>
          %dma_wait3A_1970 = arith.constant 0 : i32
          %dma_wait3A_1971 = arith.constant 0 : i32
          %dma_wait3A_1972 = arith.constant 0 : i32
          %dma_wait3A_1973 = tpu.memref_slice %arg10[%dma_wait3A_1970, %dma_wait3A_1971, %dma_wait3A_1972] : memref<8x8x129xf32, #tpu.memory_space<vmem>> -> memref<8x8x128xf32, #tpu.memory_space<vmem>>
          tpu.wait_dma2 semaphore(%arg18 : memref<!tpu.dma_semaphore, #tpu.memory_space<semaphore_mem>>) src(%dma_wait3A_1973 : memref<8x8x128xf32, #tpu.memory_space<vmem>>) dst(%dma_wait3A_1969 : memref<8x8x128xf32, #tpu.memory_space<hbm>>)
        } else {
        }
        %add3A_1860 = arith.constant 1 : i32
        %add3A_1861 = arith.addi %add3A_1498, %add3A_1860 : i32
        %dma_start3A_1862 = arith.constant 0 : i32
        %dma_start3A_1863 = tpu.memref_slice %arg5[%add3A_1861, %dma_start3A_1862] : memref<200x128xi32, #tpu.memory_space<vmem>> -> memref<1x128xi32, #tpu.memory_space<vmem>>
        %dma_start3A_1864 = tpu.memref_squeeze %dma_start3A_1863 : memref<1x128xi32, #tpu.memory_space<vmem>> -> memref<128xi32, #tpu.memory_space<vmem>>
        %dma_start3A_1865 = arith.constant 0 : i32
        %dma_start3A_1866 = arith.constant 0 : i32
        %dma_start3A_1867 = tpu.memref_slice %arg3[%dma_start3A_1865, %dma_start3A_1866] : memref<2000000x64xf32, #tpu.memory_space<hbm>> -> memref<2000000x64xf32, #tpu.memory_space<hbm>>
        tpu.enqueue_indirect_dma source(%dma_start3A_1867 : memref<2000000x64xf32, #tpu.memory_space<hbm>>) target(%arg6 : memref<128x64xf32, #tpu.memory_space<vmem>>) offsets(%dma_start3A_1864 : memref<128xi32, #tpu.memory_space<vmem>>) semaphore(%arg14 : memref<!tpu.dma_semaphore, #tpu.memory_space<semaphore_mem>>)
      } else {
      }
      %dma_wait3A_1506 = arith.constant 0 : i32
      %dma_wait3A_1507 = tpu.memref_slice %arg5[%add3A_1498, %dma_wait3A_1506] : memref<200x128xi32, #tpu.memory_space<vmem>> -> memref<1x128xi32, #tpu.memory_space<vmem>>
      %dma_wait3A_1508 = tpu.memref_squeeze %dma_wait3A_1507 : memref<1x128xi32, #tpu.memory_space<vmem>> -> memref<128xi32, #tpu.memory_space<vmem>>
      %dma_wait3A_1509 = arith.constant 0 : i32
      %dma_wait3A_1510 = arith.constant 0 : i32
      %dma_wait3A_1511 = tpu.memref_slice %arg3[%dma_wait3A_1509, %dma_wait3A_1510] : memref<2000000x64xf32, #tpu.memory_space<hbm>> -> memref<2000000x64xf32, #tpu.memory_space<hbm>>
      tpu.wait_indirect_dma semaphore(%arg17 : memref<!tpu.dma_semaphore, #tpu.memory_space<semaphore_mem>>) src(%dma_wait3A_1511 : memref<2000000x64xf32, #tpu.memory_space<hbm>>) dst(%arg9 : memref<128x64xf32, #tpu.memory_space<vmem>>)
      %iota3A_1512 = tpu.iota {dimensions = array<i32: 0>} : vector<16xi32>
      %add3A_1513 = arith.constant 0 : i32
      %add3A_1514 = vector.broadcast %add3A_1513 : i32 to vector<16xi32>
      %add3A_1515 = arith.addi %add3A_1514, %iota3A_1512 : vector<16xi32>
      %jit3A_1516 = arith.constant 8 : i32
      %div3A_1517 = vector.broadcast %jit3A_1516 : i32 to vector<16xi32>
      %div3A_1518 = arith.divsi %add3A_1515, %div3A_1517 : vector<16xi32>
      %sign3A_1519 = arith.constant 0 : i32
      %sign3A_1520 = vector.broadcast %sign3A_1519 : i32 to vector<16xi32>
      %sign3A_1521 = arith.cmpi sgt, %add3A_1515, %sign3A_1520 : vector<16xi32>
      %sign3A_1522 = arith.extui %sign3A_1521 : vector<16xi1> to vector<16xi32>
      %sign3A_1523 = arith.constant 0 : i32
      %sign3A_1524 = vector.broadcast %sign3A_1523 : i32 to vector<16xi32>
      %sign3A_1525 = arith.cmpi slt, %add3A_1515, %sign3A_1524 : vector<16xi32>
      %sign3A_1526 = arith.extui %sign3A_1525 : vector<16xi1> to vector<16xi32>
      %sign3A_1527 = arith.subi %sign3A_1522, %sign3A_1526 : vector<16xi32>
      %sign3A_1528 = arith.constant 0 : i32
      %sign3A_1529 = arith.cmpi sgt, %jit3A_1516, %sign3A_1528 : i32
      %sign3A_1530 = arith.extui %sign3A_1529 : i1 to i32
      %sign3A_1531 = arith.constant 0 : i32
      %sign3A_1532 = arith.cmpi slt, %jit3A_1516, %sign3A_1531 : i32
      %sign3A_1533 = arith.extui %sign3A_1532 : i1 to i32
      %sign3A_1534 = arith.subi %sign3A_1530, %sign3A_1533 : i32
      %ne3A_1535 = vector.broadcast %sign3A_1534 : i32 to vector<16xi32>
      %ne3A_1536 = arith.cmpi ne, %sign3A_1527, %ne3A_1535 : vector<16xi32>
      %rem3A_1537 = vector.broadcast %jit3A_1516 : i32 to vector<16xi32>
      %rem3A_1538 = arith.remsi %add3A_1515, %rem3A_1537 : vector<16xi32>
      %ne3A_1539 = arith.constant 0 : i32
      %ne3A_1540 = vector.broadcast %ne3A_1539 : i32 to vector<16xi32>
      %ne3A_1541 = arith.cmpi ne, %rem3A_1538, %ne3A_1540 : vector<16xi32>
      %and3A_1542 = arith.andi %ne3A_1536, %ne3A_1541 : vector<16xi1>
      %sub3A_1543 = arith.constant 1 : i32
      %sub3A_1544 = vector.broadcast %sub3A_1543 : i32 to vector<16xi32>
      %sub3A_1545 = arith.subi %div3A_1518, %sub3A_1544 : vector<16xi32>
      %select_n3A_1546 = arith.select %and3A_1542, %sub3A_1545, %div3A_1518 : vector<16xi1>, vector<16xi32>
      %add3A_1547 = arith.constant 16 : i32
      %add3A_1548 = vector.broadcast %add3A_1547 : i32 to vector<16xi32>
      %add3A_1549 = arith.addi %add3A_1548, %iota3A_1512 : vector<16xi32>
      %jit3A_1550 = arith.constant 8 : i32
      %div3A_1551 = vector.broadcast %jit3A_1550 : i32 to vector<16xi32>
      %div3A_1552 = arith.divsi %add3A_1549, %div3A_1551 : vector<16xi32>
      %sign3A_1553 = arith.constant 0 : i32
      %sign3A_1554 = vector.broadcast %sign3A_1553 : i32 to vector<16xi32>
      %sign3A_1555 = arith.cmpi sgt, %add3A_1549, %sign3A_1554 : vector<16xi32>
      %sign3A_1556 = arith.extui %sign3A_1555 : vector<16xi1> to vector<16xi32>
      %sign3A_1557 = arith.constant 0 : i32
      %sign3A_1558 = vector.broadcast %sign3A_1557 : i32 to vector<16xi32>
      %sign3A_1559 = arith.cmpi slt, %add3A_1549, %sign3A_1558 : vector<16xi32>
      %sign3A_1560 = arith.extui %sign3A_1559 : vector<16xi1> to vector<16xi32>
      %sign3A_1561 = arith.subi %sign3A_1556, %sign3A_1560 : vector<16xi32>
      %sign3A_1562 = arith.constant 0 : i32
      %sign3A_1563 = arith.cmpi sgt, %jit3A_1550, %sign3A_1562 : i32
      %sign3A_1564 = arith.extui %sign3A_1563 : i1 to i32
      %sign3A_1565 = arith.constant 0 : i32
      %sign3A_1566 = arith.cmpi slt, %jit3A_1550, %sign3A_1565 : i32
      %sign3A_1567 = arith.extui %sign3A_1566 : i1 to i32
      %sign3A_1568 = arith.subi %sign3A_1564, %sign3A_1567 : i32
      %ne3A_1569 = vector.broadcast %sign3A_1568 : i32 to vector<16xi32>
      %ne3A_1570 = arith.cmpi ne, %sign3A_1561, %ne3A_1569 : vector<16xi32>
      %rem3A_1571 = vector.broadcast %jit3A_1550 : i32 to vector<16xi32>
      %rem3A_1572 = arith.remsi %add3A_1549, %rem3A_1571 : vector<16xi32>
      %ne3A_1573 = arith.constant 0 : i32
      %ne3A_1574 = vector.broadcast %ne3A_1573 : i32 to vector<16xi32>
      %ne3A_1575 = arith.cmpi ne, %rem3A_1572, %ne3A_1574 : vector<16xi32>
      %and3A_1576 = arith.andi %ne3A_1570, %ne3A_1575 : vector<16xi1>
      %sub3A_1577 = arith.constant 1 : i32
      %sub3A_1578 = vector.broadcast %sub3A_1577 : i32 to vector<16xi32>
      %sub3A_1579 = arith.subi %div3A_1552, %sub3A_1578 : vector<16xi32>
      %select_n3A_1580 = arith.select %and3A_1576, %sub3A_1579, %div3A_1552 : vector<16xi1>, vector<16xi32>
      %add3A_1581 = arith.constant 32 : i32
      %add3A_1582 = vector.broadcast %add3A_1581 : i32 to vector<16xi32>
      %add3A_1583 = arith.addi %add3A_1582, %iota3A_1512 : vector<16xi32>
      %jit3A_1584 = arith.constant 8 : i32
      %div3A_1585 = vector.broadcast %jit3A_1584 : i32 to vector<16xi32>
      %div3A_1586 = arith.divsi %add3A_1583, %div3A_1585 : vector<16xi32>
      %sign3A_1587 = arith.constant 0 : i32
      %sign3A_1588 = vector.broadcast %sign3A_1587 : i32 to vector<16xi32>
      %sign3A_1589 = arith.cmpi sgt, %add3A_1583, %sign3A_1588 : vector<16xi32>
      %sign3A_1590 = arith.extui %sign3A_1589 : vector<16xi1> to vector<16xi32>
      %sign3A_1591 = arith.constant 0 : i32
      %sign3A_1592 = vector.broadcast %sign3A_1591 : i32 to vector<16xi32>
      %sign3A_1593 = arith.cmpi slt, %add3A_1583, %sign3A_1592 : vector<16xi32>
      %sign3A_1594 = arith.extui %sign3A_1593 : vector<16xi1> to vector<16xi32>
      %sign3A_1595 = arith.subi %sign3A_1590, %sign3A_1594 : vector<16xi32>
      %sign3A_1596 = arith.constant 0 : i32
      %sign3A_1597 = arith.cmpi sgt, %jit3A_1584, %sign3A_1596 : i32
      %sign3A_1598 = arith.extui %sign3A_1597 : i1 to i32
      %sign3A_1599 = arith.constant 0 : i32
      %sign3A_1600 = arith.cmpi slt, %jit3A_1584, %sign3A_1599 : i32
      %sign3A_1601 = arith.extui %sign3A_1600 : i1 to i32
      %sign3A_1602 = arith.subi %sign3A_1598, %sign3A_1601 : i32
      %ne3A_1603 = vector.broadcast %sign3A_1602 : i32 to vector<16xi32>
      %ne3A_1604 = arith.cmpi ne, %sign3A_1595, %ne3A_1603 : vector<16xi32>
      %rem3A_1605 = vector.broadcast %jit3A_1584 : i32 to vector<16xi32>
      %rem3A_1606 = arith.remsi %add3A_1583, %rem3A_1605 : vector<16xi32>
      %ne3A_1607 = arith.constant 0 : i32
      %ne3A_1608 = vector.broadcast %ne3A_1607 : i32 to vector<16xi32>
      %ne3A_1609 = arith.cmpi ne, %rem3A_1606, %ne3A_1608 : vector<16xi32>
      %and3A_1610 = arith.andi %ne3A_1604, %ne3A_1609 : vector<16xi1>
      %sub3A_1611 = arith.constant 1 : i32
      %sub3A_1612 = vector.broadcast %sub3A_1611 : i32 to vector<16xi32>
      %sub3A_1613 = arith.subi %div3A_1586, %sub3A_1612 : vector<16xi32>
      %select_n3A_1614 = arith.select %and3A_1610, %sub3A_1613, %div3A_1586 : vector<16xi1>, vector<16xi32>
      %add3A_1615 = arith.constant 48 : i32
      %add3A_1616 = vector.broadcast %add3A_1615 : i32 to vector<16xi32>
      %add3A_1617 = arith.addi %add3A_1616, %iota3A_1512 : vector<16xi32>
      %jit3A_1618 = arith.constant 8 : i32
      %div3A_1619 = vector.broadcast %jit3A_1618 : i32 to vector<16xi32>
      %div3A_1620 = arith.divsi %add3A_1617, %div3A_1619 : vector<16xi32>
      %sign3A_1621 = arith.constant 0 : i32
      %sign3A_1622 = vector.broadcast %sign3A_1621 : i32 to vector<16xi32>
      %sign3A_1623 = arith.cmpi sgt, %add3A_1617, %sign3A_1622 : vector<16xi32>
      %sign3A_1624 = arith.extui %sign3A_1623 : vector<16xi1> to vector<16xi32>
      %sign3A_1625 = arith.constant 0 : i32
      %sign3A_1626 = vector.broadcast %sign3A_1625 : i32 to vector<16xi32>
      %sign3A_1627 = arith.cmpi slt, %add3A_1617, %sign3A_1626 : vector<16xi32>
      %sign3A_1628 = arith.extui %sign3A_1627 : vector<16xi1> to vector<16xi32>
      %sign3A_1629 = arith.subi %sign3A_1624, %sign3A_1628 : vector<16xi32>
      %sign3A_1630 = arith.constant 0 : i32
      %sign3A_1631 = arith.cmpi sgt, %jit3A_1618, %sign3A_1630 : i32
      %sign3A_1632 = arith.extui %sign3A_1631 : i1 to i32
      %sign3A_1633 = arith.constant 0 : i32
      %sign3A_1634 = arith.cmpi slt, %jit3A_1618, %sign3A_1633 : i32
      %sign3A_1635 = arith.extui %sign3A_1634 : i1 to i32
      %sign3A_1636 = arith.subi %sign3A_1632, %sign3A_1635 : i32
      %ne3A_1637 = vector.broadcast %sign3A_1636 : i32 to vector<16xi32>
      %ne3A_1638 = arith.cmpi ne, %sign3A_1629, %ne3A_1637 : vector<16xi32>
      %rem3A_1639 = vector.broadcast %jit3A_1618 : i32 to vector<16xi32>
      %rem3A_1640 = arith.remsi %add3A_1617, %rem3A_1639 : vector<16xi32>
      %ne3A_1641 = arith.constant 0 : i32
      %ne3A_1642 = vector.broadcast %ne3A_1641 : i32 to vector<16xi32>
      %ne3A_1643 = arith.cmpi ne, %rem3A_1640, %ne3A_1642 : vector<16xi32>
      %and3A_1644 = arith.andi %ne3A_1638, %ne3A_1643 : vector<16xi1>
      %sub3A_1645 = arith.constant 1 : i32
      %sub3A_1646 = vector.broadcast %sub3A_1645 : i32 to vector<16xi32>
      %sub3A_1647 = arith.subi %div3A_1620, %sub3A_1646 : vector<16xi32>
      %select_n3A_1648 = arith.select %and3A_1644, %sub3A_1647, %div3A_1620 : vector<16xi1>, vector<16xi32>
      %add3A_1649 = arith.constant 0 : i32
      %add3A_1650 = vector.broadcast %add3A_1649 : i32 to vector<16xi32>
      %add3A_1651 = arith.addi %add3A_1650, %iota3A_1512 : vector<16xi32>
      %jit3A_1652 = arith.constant 8 : i32
      %eq3A_1653 = arith.constant 0 : i32
      %eq3A_1654 = arith.cmpi eq, %jit3A_1652, %eq3A_1653 : i32
      %jit3A_1655 = arith.constant 1 : i32
      %select_n3A_1656 = arith.select %eq3A_1654, %jit3A_1655, %jit3A_1652 : i32
      %rem3A_1657 = vector.broadcast %select_n3A_1656 : i32 to vector<16xi32>
      %rem3A_1658 = arith.remsi %add3A_1651, %rem3A_1657 : vector<16xi32>
      %ne3A_1659 = arith.constant 0 : i32
      %ne3A_1660 = vector.broadcast %ne3A_1659 : i32 to vector<16xi32>
      %ne3A_1661 = arith.cmpi ne, %rem3A_1658, %ne3A_1660 : vector<16xi32>
      %lt3A_1662 = arith.constant 0 : i32
      %lt3A_1663 = vector.broadcast %lt3A_1662 : i32 to vector<16xi32>
      %lt3A_1664 = arith.cmpi slt, %rem3A_1658, %lt3A_1663 : vector<16xi32>
      %lt3A_1665 = arith.constant 0 : i32
      %lt3A_1666 = arith.cmpi slt, %select_n3A_1656, %lt3A_1665 : i32
      %ne3A_1667 = vector.broadcast %lt3A_1666 : i1 to vector<16xi1>
      %ne3A_1668 = vector.broadcast %ne3A_1667 : vector<16xi1> to vector<16xi1>
      %ne3A_1669 = arith.xori %lt3A_1664, %ne3A_1668 : vector<16xi1>
      %and3A_1670 = arith.andi %ne3A_1669, %ne3A_1661 : vector<16xi1>
      %add3A_1671 = vector.broadcast %select_n3A_1656 : i32 to vector<16xi32>
      %add3A_1672 = arith.addi %rem3A_1658, %add3A_1671 : vector<16xi32>
      %select_n3A_1673 = arith.select %and3A_1670, %add3A_1672, %rem3A_1658 : vector<16xi1>, vector<16xi32>
      %add3A_1674 = arith.constant 16 : i32
      %add3A_1675 = vector.broadcast %add3A_1674 : i32 to vector<16xi32>
      %add3A_1676 = arith.addi %add3A_1675, %iota3A_1512 : vector<16xi32>
      %jit3A_1677 = arith.constant 8 : i32
      %eq3A_1678 = arith.constant 0 : i32
      %eq3A_1679 = arith.cmpi eq, %jit3A_1677, %eq3A_1678 : i32
      %jit3A_1680 = arith.constant 1 : i32
      %select_n3A_1681 = arith.select %eq3A_1679, %jit3A_1680, %jit3A_1677 : i32
      %rem3A_1682 = vector.broadcast %select_n3A_1681 : i32 to vector<16xi32>
      %rem3A_1683 = arith.remsi %add3A_1676, %rem3A_1682 : vector<16xi32>
      %ne3A_1684 = arith.constant 0 : i32
      %ne3A_1685 = vector.broadcast %ne3A_1684 : i32 to vector<16xi32>
      %ne3A_1686 = arith.cmpi ne, %rem3A_1683, %ne3A_1685 : vector<16xi32>
      %lt3A_1687 = arith.constant 0 : i32
      %lt3A_1688 = vector.broadcast %lt3A_1687 : i32 to vector<16xi32>
      %lt3A_1689 = arith.cmpi slt, %rem3A_1683, %lt3A_1688 : vector<16xi32>
      %lt3A_1690 = arith.constant 0 : i32
      %lt3A_1691 = arith.cmpi slt, %select_n3A_1681, %lt3A_1690 : i32
      %ne3A_1692 = vector.broadcast %lt3A_1691 : i1 to vector<16xi1>
      %ne3A_1693 = vector.broadcast %ne3A_1692 : vector<16xi1> to vector<16xi1>
      %ne3A_1694 = arith.xori %lt3A_1689, %ne3A_1693 : vector<16xi1>
      %and3A_1695 = arith.andi %ne3A_1694, %ne3A_1686 : vector<16xi1>
      %add3A_1696 = vector.broadcast %select_n3A_1681 : i32 to vector<16xi32>
      %add3A_1697 = arith.addi %rem3A_1683, %add3A_1696 : vector<16xi32>
      %select_n3A_1698 = arith.select %and3A_1695, %add3A_1697, %rem3A_1683 : vector<16xi1>, vector<16xi32>
      %add3A_1699 = arith.constant 32 : i32
      %add3A_1700 = vector.broadcast %add3A_1699 : i32 to vector<16xi32>
      %add3A_1701 = arith.addi %add3A_1700, %iota3A_1512 : vector<16xi32>
      %jit3A_1702 = arith.constant 8 : i32
      %eq3A_1703 = arith.constant 0 : i32
      %eq3A_1704 = arith.cmpi eq, %jit3A_1702, %eq3A_1703 : i32
      %jit3A_1705 = arith.constant 1 : i32
      %select_n3A_1706 = arith.select %eq3A_1704, %jit3A_1705, %jit3A_1702 : i32
      %rem3A_1707 = vector.broadcast %select_n3A_1706 : i32 to vector<16xi32>
      %rem3A_1708 = arith.remsi %add3A_1701, %rem3A_1707 : vector<16xi32>
      %ne3A_1709 = arith.constant 0 : i32
      %ne3A_1710 = vector.broadcast %ne3A_1709 : i32 to vector<16xi32>
      %ne3A_1711 = arith.cmpi ne, %rem3A_1708, %ne3A_1710 : vector<16xi32>
      %lt3A_1712 = arith.constant 0 : i32
      %lt3A_1713 = vector.broadcast %lt3A_1712 : i32 to vector<16xi32>
      %lt3A_1714 = arith.cmpi slt, %rem3A_1708, %lt3A_1713 : vector<16xi32>
      %lt3A_1715 = arith.constant 0 : i32
      %lt3A_1716 = arith.cmpi slt, %select_n3A_1706, %lt3A_1715 : i32
      %ne3A_1717 = vector.broadcast %lt3A_1716 : i1 to vector<16xi1>
      %ne3A_1718 = vector.broadcast %ne3A_1717 : vector<16xi1> to vector<16xi1>
      %ne3A_1719 = arith.xori %lt3A_1714, %ne3A_1718 : vector<16xi1>
      %and3A_1720 = arith.andi %ne3A_1719, %ne3A_1711 : vector<16xi1>
      %add3A_1721 = vector.broadcast %select_n3A_1706 : i32 to vector<16xi32>
      %add3A_1722 = arith.addi %rem3A_1708, %add3A_1721 : vector<16xi32>
      %select_n3A_1723 = arith.select %and3A_1720, %add3A_1722, %rem3A_1708 : vector<16xi1>, vector<16xi32>
      %add3A_1724 = arith.constant 48 : i32
      %add3A_1725 = vector.broadcast %add3A_1724 : i32 to vector<16xi32>
      %add3A_1726 = arith.addi %add3A_1725, %iota3A_1512 : vector<16xi32>
      %jit3A_1727 = arith.constant 8 : i32
      %eq3A_1728 = arith.constant 0 : i32
      %eq3A_1729 = arith.cmpi eq, %jit3A_1727, %eq3A_1728 : i32
      %jit3A_1730 = arith.constant 1 : i32
      %select_n3A_1731 = arith.select %eq3A_1729, %jit3A_1730, %jit3A_1727 : i32
      %rem3A_1732 = vector.broadcast %select_n3A_1731 : i32 to vector<16xi32>
      %rem3A_1733 = arith.remsi %add3A_1726, %rem3A_1732 : vector<16xi32>
      %ne3A_1734 = arith.constant 0 : i32
      %ne3A_1735 = vector.broadcast %ne3A_1734 : i32 to vector<16xi32>
      %ne3A_1736 = arith.cmpi ne, %rem3A_1733, %ne3A_1735 : vector<16xi32>
      %lt3A_1737 = arith.constant 0 : i32
      %lt3A_1738 = vector.broadcast %lt3A_1737 : i32 to vector<16xi32>
      %lt3A_1739 = arith.cmpi slt, %rem3A_1733, %lt3A_1738 : vector<16xi32>
      %lt3A_1740 = arith.constant 0 : i32
      %lt3A_1741 = arith.cmpi slt, %select_n3A_1731, %lt3A_1740 : i32
      %ne3A_1742 = vector.broadcast %lt3A_1741 : i1 to vector<16xi1>
      %ne3A_1743 = vector.broadcast %ne3A_1742 : vector<16xi1> to vector<16xi1>
      %ne3A_1744 = arith.xori %lt3A_1739, %ne3A_1743 : vector<16xi1>
      %and3A_1745 = arith.andi %ne3A_1744, %ne3A_1736 : vector<16xi1>
      %add3A_1746 = vector.broadcast %select_n3A_1731 : i32 to vector<16xi32>
      %add3A_1747 = arith.addi %rem3A_1733, %add3A_1746 : vector<16xi32>
      %select_n3A_1748 = arith.select %and3A_1745, %add3A_1747, %rem3A_1733 : vector<16xi1>, vector<16xi32>
      %parallel_loop3A_1749 = arith.constant 0 : i32
      %parallel_loop3A_1750 = arith.constant 128 : i32
      %parallel_loop3A_1751 = arith.constant 2 : i32
      scf.for %parallel_loop3A_1854 = %parallel_loop3A_1749 to %parallel_loop3A_1750 step %parallel_loop3A_1751  : i32 {
        %parallel_loop3A_1855 = arith.constant 0 : i32
        %parallel_loop3A_1856 = vector.broadcast %parallel_loop3A_1855 : i32 to vector<16xi32>
        %parallel_loop3A_1857 = arith.muli %iota3A_1512, %parallel_loop3A_1856 : vector<16xi32>
        %parallel_loop3A_1858 = vector.broadcast %parallel_loop3A_1854 : i32 to vector<16xi32>
        %parallel_loop3A_1859 = arith.addi %parallel_loop3A_1857, %parallel_loop3A_1858 : vector<16xi32>
        %parallel_loop3A_1860 = arith.constant 0 : i32
        %parallel_loop3A_1861 = arith.addi %parallel_loop3A_1854, %parallel_loop3A_1860 : i32
        %parallel_loop3A_1862 = arith.index_cast %parallel_loop3A_1861 : i32 to index
        %parallel_loop3A_1863 = arith.constant 0 : index
        %parallel_loop3A_1864 = tpu.vector_load %arg9[%parallel_loop3A_1862, %parallel_loop3A_1863] {strides = array<i32>} : memref<128x64xf32, #tpu.memory_space<vmem>>, vector<16xf32>,
        %parallel_loop3A_1865 = arith.constant 0 : i32
        %parallel_loop3A_1866 = vector.broadcast %parallel_loop3A_1865 : i32 to vector<16xi32>
        %parallel_loop3A_1867 = arith.addi %parallel_loop3A_1859, %parallel_loop3A_1866 : vector<16xi32>
        %parallel_loop3A_1868 = arith.constant 8.000000e+00 : f32
        %parallel_loop3A_1869 = vector.broadcast %parallel_loop3A_1868 : f32 to vector<16xf32>
        %parallel_loop3A_1870 = arith.mulf %parallel_loop3A_1864, %parallel_loop3A_1869 : vector<16xf32>
        tpu.vector_store_idx %arg13[%select_n3A_1546, %select_n3A_1673, %parallel_loop3A_1867], %parallel_loop3A_1870 : memref<8x8x129xf32, #tpu.memory_space<vmem>>[vector<16xi32>, vector<16xi32>, vector<16xi32>], vector<16xf32>,
        %parallel_loop3A_1871 = arith.constant 0 : i32
        %parallel_loop3A_1872 = arith.addi %parallel_loop3A_1854, %parallel_loop3A_1871 : i32
        %parallel_loop3A_1873 = arith.index_cast %parallel_loop3A_1872 : i32 to index
        %parallel_loop3A_1874 = arith.constant 16 : index
        %parallel_loop3A_1875 = tpu.vector_load %arg9[%parallel_loop3A_1873, %parallel_loop3A_1874] {strides = array<i32>} : memref<128x64xf32, #tpu.memory_space<vmem>>, vector<16xf32>,
        %parallel_loop3A_1876 = arith.constant 0 : i32
        %parallel_loop3A_1877 = vector.broadcast %parallel_loop3A_1876 : i32 to vector<16xi32>
        %parallel_loop3A_1878 = arith.addi %parallel_loop3A_1859, %parallel_loop3A_1877 : vector<16xi32>
        %parallel_loop3A_1879 = arith.constant 8.000000e+00 : f32
        %parallel_loop3A_1880 = vector.broadcast %parallel_loop3A_1879 : f32 to vector<16xf32>
        %parallel_loop3A_1881 = arith.mulf %parallel_loop3A_1875, %parallel_loop3A_1880 : vector<16xf32>
        tpu.vector_store_idx %arg13[%select_n3A_1580, %select_n3A_1698, %parallel_loop3A_1878], %parallel_loop3A_1881 : memref<8x8x129xf32, #tpu.memory_space<vmem>>[vector<16xi32>, vector<16xi32>, vector<16xi32>], vector<16xf32>,
        %parallel_loop3A_1882 = arith.constant 0 : i32
        %parallel_loop3A_1883 = arith.addi %parallel_loop3A_1854, %parallel_loop3A_1882 : i32
        %parallel_loop3A_1884 = arith.index_cast %parallel_loop3A_1883 : i32 to index
        %parallel_loop3A_1885 = arith.constant 32 : index
        %parallel_loop3A_1886 = tpu.vector_load %arg9[%parallel_loop3A_1884, %parallel_loop3A_1885] {strides = array<i32>} : memref<128x64xf32, #tpu.memory_space<vmem>>, vector<16xf32>,
        %parallel_loop3A_1887 = arith.constant 0 : i32
        %parallel_loop3A_1888 = vector.broadcast %parallel_loop3A_1887 : i32 to vector<16xi32>
        %parallel_loop3A_1889 = arith.addi %parallel_loop3A_1859, %parallel_loop3A_1888 : vector<16xi32>
        %parallel_loop3A_1890 = arith.constant 8.000000e+00 : f32
        %parallel_loop3A_1891 = vector.broadcast %parallel_loop3A_1890 : f32 to vector<16xf32>
        %parallel_loop3A_1892 = arith.mulf %parallel_loop3A_1886, %parallel_loop3A_1891 : vector<16xf32>
        tpu.vector_store_idx %arg13[%select_n3A_1614, %select_n3A_1723, %parallel_loop3A_1889], %parallel_loop3A_1892 : memref<8x8x129xf32, #tpu.memory_space<vmem>>[vector<16xi32>, vector<16xi32>, vector<16xi32>], vector<16xf32>,
        %parallel_loop3A_1893 = arith.constant 0 : i32
        %parallel_loop3A_1894 = arith.addi %parallel_loop3A_1854, %parallel_loop3A_1893 : i32
        %parallel_loop3A_1895 = arith.index_cast %parallel_loop3A_1894 : i32 to index
        %parallel_loop3A_1896 = arith.constant 48 : index
        %parallel_loop3A_1897 = tpu.vector_load %arg9[%parallel_loop3A_1895, %parallel_loop3A_1896] {strides = array<i32>} : memref<128x64xf32, #tpu.memory_space<vmem>>, vector<16xf32>,
        %parallel_loop3A_1898 = arith.constant 0 : i32
        %parallel_loop3A_1899 = vector.broadcast %parallel_loop3A_1898 : i32 to vector<16xi32>
        %parallel_loop3A_1900 = arith.addi %parallel_loop3A_1859, %parallel_loop3A_1899 : vector<16xi32>
        %parallel_loop3A_1901 = arith.constant 8.000000e+00 : f32
        %parallel_loop3A_1902 = vector.broadcast %parallel_loop3A_1901 : f32 to vector<16xf32>
        %parallel_loop3A_1903 = arith.mulf %parallel_loop3A_1897, %parallel_loop3A_1902 : vector<16xf32>
        tpu.vector_store_idx %arg13[%select_n3A_1648, %select_n3A_1748, %parallel_loop3A_1900], %parallel_loop3A_1903 : memref<8x8x129xf32, #tpu.memory_space<vmem>>[vector<16xi32>, vector<16xi32>, vector<16xi32>], vector<16xf32>,
        %parallel_loop3A_1904 = arith.constant 1 : i32
        %parallel_loop3A_1905 = arith.addi %parallel_loop3A_1854, %parallel_loop3A_1904 : i32
        %parallel_loop3A_1906 = arith.index_cast %parallel_loop3A_1905 : i32 to index
        %parallel_loop3A_1907 = arith.constant 0 : index
        %parallel_loop3A_1908 = tpu.vector_load %arg9[%parallel_loop3A_1906, %parallel_loop3A_1907] {strides = array<i32>} : memref<128x64xf32, #tpu.memory_space<vmem>>, vector<16xf32>,
        %parallel_loop3A_1909 = arith.constant 1 : i32
        %parallel_loop3A_1910 = vector.broadcast %parallel_loop3A_1909 : i32 to vector<16xi32>
        %parallel_loop3A_1911 = arith.addi %parallel_loop3A_1859, %parallel_loop3A_1910 : vector<16xi32>
        %parallel_loop3A_1912 = arith.constant 8.000000e+00 : f32
        %parallel_loop3A_1913 = vector.broadcast %parallel_loop3A_1912 : f32 to vector<16xf32>
        %parallel_loop3A_1914 = arith.mulf %parallel_loop3A_1908, %parallel_loop3A_1913 : vector<16xf32>
        tpu.vector_store_idx %arg13[%select_n3A_1546, %select_n3A_1673, %parallel_loop3A_1911], %parallel_loop3A_1914 : memref<8x8x129xf32, #tpu.memory_space<vmem>>[vector<16xi32>, vector<16xi32>, vector<16xi32>], vector<16xf32>,
        %parallel_loop3A_1915 = arith.constant 1 : i32
        %parallel_loop3A_1916 = arith.addi %parallel_loop3A_1854, %parallel_loop3A_1915 : i32
        %parallel_loop3A_1917 = arith.index_cast %parallel_loop3A_1916 : i32 to index
        %parallel_loop3A_1918 = arith.constant 16 : index
        %parallel_loop3A_1919 = tpu.vector_load %arg9[%parallel_loop3A_1917, %parallel_loop3A_1918] {strides = array<i32>} : memref<128x64xf32, #tpu.memory_space<vmem>>, vector<16xf32>,
        %parallel_loop3A_1920 = arith.constant 1 : i32
        %parallel_loop3A_1921 = vector.broadcast %parallel_loop3A_1920 : i32 to vector<16xi32>
        %parallel_loop3A_1922 = arith.addi %parallel_loop3A_1859, %parallel_loop3A_1921 : vector<16xi32>
        %parallel_loop3A_1923 = arith.constant 8.000000e+00 : f32
        %parallel_loop3A_1924 = vector.broadcast %parallel_loop3A_1923 : f32 to vector<16xf32>
        %parallel_loop3A_1925 = arith.mulf %parallel_loop3A_1919, %parallel_loop3A_1924 : vector<16xf32>
        tpu.vector_store_idx %arg13[%select_n3A_1580, %select_n3A_1698, %parallel_loop3A_1922], %parallel_loop3A_1925 : memref<8x8x129xf32, #tpu.memory_space<vmem>>[vector<16xi32>, vector<16xi32>, vector<16xi32>], vector<16xf32>,
        %parallel_loop3A_1926 = arith.constant 1 : i32
        %parallel_loop3A_1927 = arith.addi %parallel_loop3A_1854, %parallel_loop3A_1926 : i32
        %parallel_loop3A_1928 = arith.index_cast %parallel_loop3A_1927 : i32 to index
        %parallel_loop3A_1929 = arith.constant 32 : index
        %parallel_loop3A_1930 = tpu.vector_load %arg9[%parallel_loop3A_1928, %parallel_loop3A_1929] {strides = array<i32>} : memref<128x64xf32, #tpu.memory_space<vmem>>, vector<16xf32>,
        %parallel_loop3A_1931 = arith.constant 1 : i32
        %parallel_loop3A_1932 = vector.broadcast %parallel_loop3A_1931 : i32 to vector<16xi32>
        %parallel_loop3A_1933 = arith.addi %parallel_loop3A_1859, %parallel_loop3A_1932 : vector<16xi32>
        %parallel_loop3A_1934 = arith.constant 8.000000e+00 : f32
        %parallel_loop3A_1935 = vector.broadcast %parallel_loop3A_1934 : f32 to vector<16xf32>
        %parallel_loop3A_1936 = arith.mulf %parallel_loop3A_1930, %parallel_loop3A_1935 : vector<16xf32>
        tpu.vector_store_idx %arg13[%select_n3A_1614, %select_n3A_1723, %parallel_loop3A_1933], %parallel_loop3A_1936 : memref<8x8x129xf32, #tpu.memory_space<vmem>>[vector<16xi32>, vector<16xi32>, vector<16xi32>], vector<16xf32>,
        %parallel_loop3A_1937 = arith.constant 1 : i32
        %parallel_loop3A_1938 = arith.addi %parallel_loop3A_1854, %parallel_loop3A_1937 : i32
        %parallel_loop3A_1939 = arith.index_cast %parallel_loop3A_1938 : i32 to index
        %parallel_loop3A_1940 = arith.constant 48 : index
        %parallel_loop3A_1941 = tpu.vector_load %arg9[%parallel_loop3A_1939, %parallel_loop3A_1940] {strides = array<i32>} : memref<128x64xf32, #tpu.memory_space<vmem>>, vector<16xf32>,
        %parallel_loop3A_1942 = arith.constant 1 : i32
        %parallel_loop3A_1943 = vector.broadcast %parallel_loop3A_1942 : i32 to vector<16xi32>
        %parallel_loop3A_1944 = arith.addi %parallel_loop3A_1859, %parallel_loop3A_1943 : vector<16xi32>
        %parallel_loop3A_1945 = arith.constant 8.000000e+00 : f32
        %parallel_loop3A_1946 = vector.broadcast %parallel_loop3A_1945 : f32 to vector<16xf32>
        %parallel_loop3A_1947 = arith.mulf %parallel_loop3A_1941, %parallel_loop3A_1946 : vector<16xf32>
        tpu.vector_store_idx %arg13[%select_n3A_1648, %select_n3A_1748, %parallel_loop3A_1944], %parallel_loop3A_1947 : memref<8x8x129xf32, #tpu.memory_space<vmem>>[vector<16xi32>, vector<16xi32>, vector<16xi32>], vector<16xf32>,
      } {sc.loop_unroll_factor = 8 : i64, sc.parallel_access}
      %add3A_1752 = arith.addi %mul3A_2, %add3A_1498 : i32
      %jit3A_1753 = arith.constant 256 : i32
      %div3A_1754 = arith.divsi %add3A_1752, %jit3A_1753 : i32
      %sign3A_1755 = arith.constant 0 : i32
      %sign3A_1756 = arith.cmpi sgt, %add3A_1752, %sign3A_1755 : i32
      %sign3A_1757 = arith.extui %sign3A_1756 : i1 to i32
      %sign3A_1758 = arith.constant 0 : i32
      %sign3A_1759 = arith.cmpi slt, %add3A_1752, %sign3A_1758 : i32
      %sign3A_1760 = arith.extui %sign3A_1759 : i1 to i32
      %sign3A_1761 = arith.subi %sign3A_1757, %sign3A_1760 : i32
      %sign3A_1762 = arith.constant 0 : i32
      %sign3A_1763 = arith.cmpi sgt, %jit3A_1753, %sign3A_1762 : i32
      %sign3A_1764 = arith.extui %sign3A_1763 : i1 to i32
      %sign3A_1765 = arith.constant 0 : i32
      %sign3A_1766 = arith.cmpi slt, %jit3A_1753, %sign3A_1765 : i32
      %sign3A_1767 = arith.extui %sign3A_1766 : i1 to i32
      %sign3A_1768 = arith.subi %sign3A_1764, %sign3A_1767 : i32
      %ne3A_1769 = arith.cmpi ne, %sign3A_1761, %sign3A_1768 : i32
      %rem3A_1770 = arith.remsi %add3A_1752, %jit3A_1753 : i32
      %ne3A_1771 = arith.constant 0 : i32
      %ne3A_1772 = arith.cmpi ne, %rem3A_1770, %ne3A_1771 : i32
      %and3A_1773 = arith.andi %ne3A_1769, %ne3A_1772 : i1
      %sub3A_1774 = arith.constant 1 : i32
      %sub3A_1775 = arith.subi %div3A_1754, %sub3A_1774 : i32
      %select_n3A_1776 = arith.select %and3A_1773, %sub3A_1775, %div3A_1754 : i32
      %jit3A_1777 = arith.constant 256 : i32
      %eq3A_1778 = arith.constant 0 : i32
      %eq3A_1779 = arith.cmpi eq, %jit3A_1777, %eq3A_1778 : i32
      %jit3A_1780 = arith.constant 1 : i32
      %select_n3A_1781 = arith.select %eq3A_1779, %jit3A_1780, %jit3A_1777 : i32
      %rem3A_1782 = arith.remsi %add3A_1752, %select_n3A_1781 : i32
      %ne3A_1783 = arith.constant 0 : i32
      %ne3A_1784 = arith.cmpi ne, %rem3A_1782, %ne3A_1783 : i32
      %lt3A_1785 = arith.constant 0 : i32
      %lt3A_1786 = arith.cmpi slt, %rem3A_1782, %lt3A_1785 : i32
      %lt3A_1787 = arith.constant 0 : i32
      %lt3A_1788 = arith.cmpi slt, %select_n3A_1781, %lt3A_1787 : i32
      %ne3A_1789 = arith.xori %lt3A_1786, %lt3A_1788 : i1
      %and3A_1790 = arith.andi %ne3A_1789, %ne3A_1784 : i1
      %add3A_1791 = arith.addi %rem3A_1782, %select_n3A_1781 : i32
      %select_n3A_1792 = arith.select %and3A_1790, %add3A_1791, %rem3A_1782 : i32
      %jit3A_1793 = arith.constant 8 : i32
      %div3A_1794 = arith.divsi %select_n3A_1792, %jit3A_1793 : i32
      %sign3A_1795 = arith.constant 0 : i32
      %sign3A_1796 = arith.cmpi sgt, %select_n3A_1792, %sign3A_1795 : i32
      %sign3A_1797 = arith.extui %sign3A_1796 : i1 to i32
      %sign3A_1798 = arith.constant 0 : i32
      %sign3A_1799 = arith.cmpi slt, %select_n3A_1792, %sign3A_1798 : i32
      %sign3A_1800 = arith.extui %sign3A_1799 : i1 to i32
      %sign3A_1801 = arith.subi %sign3A_1797, %sign3A_1800 : i32
      %sign3A_1802 = arith.constant 0 : i32
      %sign3A_1803 = arith.cmpi sgt, %jit3A_1793, %sign3A_1802 : i32
      %sign3A_1804 = arith.extui %sign3A_1803 : i1 to i32
      %sign3A_1805 = arith.constant 0 : i32
      %sign3A_1806 = arith.cmpi slt, %jit3A_1793, %sign3A_1805 : i32
      %sign3A_1807 = arith.extui %sign3A_1806 : i1 to i32
      %sign3A_1808 = arith.subi %sign3A_1804, %sign3A_1807 : i32
      %ne3A_1809 = arith.cmpi ne, %sign3A_1801, %sign3A_1808 : i32
      %rem3A_1810 = arith.remsi %select_n3A_1792, %jit3A_1793 : i32
      %ne3A_1811 = arith.constant 0 : i32
      %ne3A_1812 = arith.cmpi ne, %rem3A_1810, %ne3A_1811 : i32
      %and3A_1813 = arith.andi %ne3A_1809, %ne3A_1812 : i1
      %sub3A_1814 = arith.constant 1 : i32
      %sub3A_1815 = arith.subi %div3A_1794, %sub3A_1814 : i32
      %select_n3A_1816 = arith.select %and3A_1813, %sub3A_1815, %div3A_1794 : i32
      %jit3A_1817 = arith.constant 8 : i32
      %eq3A_1818 = arith.constant 0 : i32
      %eq3A_1819 = arith.cmpi eq, %jit3A_1817, %eq3A_1818 : i32
      %jit3A_1820 = arith.constant 1 : i32
      %select_n3A_1821 = arith.select %eq3A_1819, %jit3A_1820, %jit3A_1817 : i32
      %rem3A_1822 = arith.remsi %add3A_1752, %select_n3A_1821 : i32
      %ne3A_1823 = arith.constant 0 : i32
      %ne3A_1824 = arith.cmpi ne, %rem3A_1822, %ne3A_1823 : i32
      %lt3A_1825 = arith.constant 0 : i32
      %lt3A_1826 = arith.cmpi slt, %rem3A_1822, %lt3A_1825 : i32
      %lt3A_1827 = arith.constant 0 : i32
      %lt3A_1828 = arith.cmpi slt, %select_n3A_1821, %lt3A_1827 : i32
      %ne3A_1829 = arith.xori %lt3A_1826, %lt3A_1828 : i1
      %and3A_1830 = arith.andi %ne3A_1829, %ne3A_1824 : i1
      %add3A_1831 = arith.addi %rem3A_1822, %select_n3A_1821 : i32
      %select_n3A_1832 = arith.select %and3A_1830, %add3A_1831, %rem3A_1822 : i32
      %mul3A_1833 = arith.constant 8 : i32
      %mul3A_1834 = arith.muli %select_n3A_1776, %mul3A_1833 : i32
      %add3A_1835 = arith.addi %mul3A_1834, %select_n3A_1832 : i32
      %dma_start3A_1836 = arith.constant 0 : i32
      %dma_start3A_1837 = arith.constant 0 : i32
      %dma_start3A_1838 = arith.constant 0 : i32
      %dma_start3A_1839 = tpu.memref_slice %arg13[%dma_start3A_1836, %dma_start3A_1837, %dma_start3A_1838] : memref<8x8x129xf32, #tpu.memory_space<vmem>> -> memref<8x8x128xf32, #tpu.memory_space<vmem>>
      %dma_start3A_1840 = arith.constant 0 : i32
      %dma_start3A_1841 = arith.constant 0 : i32
      %dma_start3A_1842 = arith.constant 0 : i32
      %dma_start3A_1843 = tpu.memref_slice %arg4[%add3A_1835, %dma_start3A_1840, %select_n3A_1816, %dma_start3A_1841, %dma_start3A_1842] : memref<200x8x32x8x128xf32, #tpu.memory_space<hbm>> -> memref<1x8x1x8x128xf32, #tpu.memory_space<hbm>>
      %dma_start3A_1844 = tpu.memref_squeeze %dma_start3A_1843 : memref<1x8x1x8x128xf32, #tpu.memory_space<hbm>> -> memref<8x8x128xf32, #tpu.memory_space<hbm>>
      %dma_start3A_1845 = arith.constant 0 : i32
      %dma_start3A_1846 = arith.constant 0 : i32
      %dma_start3A_1847 = arith.constant 0 : i32
      %dma_start3A_1848 = tpu.memref_slice %arg4[%add3A_1835, %dma_start3A_1845, %select_n3A_1816, %dma_start3A_1846, %dma_start3A_1847] : memref<200x8x32x8x128xf32, #tpu.memory_space<hbm>> -> memref<1x8x1x8x128xf32, #tpu.memory_space<hbm>>
      %dma_start3A_1849 = tpu.memref_squeeze %dma_start3A_1848 : memref<1x8x1x8x128xf32, #tpu.memory_space<hbm>> -> memref<8x8x128xf32, #tpu.memory_space<hbm>>
      %dma_start3A_1850 = arith.constant 0 : i32
      %dma_start3A_1851 = arith.constant 0 : i32
      %dma_start3A_1852 = arith.constant 0 : i32
      %dma_start3A_1853 = tpu.memref_slice %arg13[%dma_start3A_1850, %dma_start3A_1851, %dma_start3A_1852] : memref<8x8x129xf32, #tpu.memory_space<vmem>> -> memref<8x8x128xf32, #tpu.memory_space<vmem>>
      tpu.enqueue_dma source(%dma_start3A_1853 : memref<8x8x128xf32, #tpu.memory_space<vmem>>) target(%dma_start3A_1849 : memref<8x8x128xf32, #tpu.memory_space<hbm>>) target_semaphore(%arg21 : memref<!tpu.dma_semaphore, #tpu.memory_space<semaphore_mem>>)
    }
    %scan3A_14 = arith.constant 50 : i32
    %add3A_15 = arith.constant 196 : i32
    %add3A_16 = arith.addi %mul3A_2, %add3A_15 : i32
    %jit3A = arith.constant 256 : i32
    %div3A = arith.divsi %add3A_16, %jit3A : i32
    %sign3A = arith.constant 0 : i32
    %sign3A_17 = arith.cmpi sgt, %add3A_16, %sign3A : i32
    %sign3A_18 = arith.extui %sign3A_17 : i1 to i32
    %sign3A_19 = arith.constant 0 : i32
    %sign3A_20 = arith.cmpi slt, %add3A_16, %sign3A_19 : i32
    %sign3A_21 = arith.extui %sign3A_20 : i1 to i32
    %sign3A_22 = arith.subi %sign3A_18, %sign3A_21 : i32
    %sign3A_23 = arith.constant 0 : i32
    %sign3A_24 = arith.cmpi sgt, %jit3A, %sign3A_23 : i32
    %sign3A_25 = arith.extui %sign3A_24 : i1 to i32
    %sign3A_26 = arith.constant 0 : i32
    %sign3A_27 = arith.cmpi slt, %jit3A, %sign3A_26 : i32
    %sign3A_28 = arith.extui %sign3A_27 : i1 to i32
    %sign3A_29 = arith.subi %sign3A_25, %sign3A_28 : i32
    %ne3A = arith.cmpi ne, %sign3A_22, %sign3A_29 : i32
    %rem3A = arith.remsi %add3A_16, %jit3A : i32
    %ne3A_30 = arith.constant 0 : i32
    %ne3A_31 = arith.cmpi ne, %rem3A, %ne3A_30 : i32
    %and3A = arith.andi %ne3A, %ne3A_31 : i1
    %sub3A = arith.constant 1 : i32
    %sub3A_32 = arith.subi %div3A, %sub3A : i32
    %select_n3A = arith.select %and3A, %sub3A_32, %div3A : i32
    %jit3A_33 = arith.constant 256 : i32
    %eq3A = arith.constant 0 : i32
    %eq3A_34 = arith.cmpi eq, %jit3A_33, %eq3A : i32
    %jit3A_35 = arith.constant 1 : i32
    %select_n3A_36 = arith.select %eq3A_34, %jit3A_35, %jit3A_33 : i32
    %rem3A_37 = arith.remsi %add3A_16, %select_n3A_36 : i32
    %ne3A_38 = arith.constant 0 : i32
    %ne3A_39 = arith.cmpi ne, %rem3A_37, %ne3A_38 : i32
    %lt3A = arith.constant 0 : i32
    %lt3A_40 = arith.cmpi slt, %rem3A_37, %lt3A : i32
    %lt3A_41 = arith.constant 0 : i32
    %lt3A_42 = arith.cmpi slt, %select_n3A_36, %lt3A_41 : i32
    %ne3A_43 = arith.xori %lt3A_40, %lt3A_42 : i1
    %and3A_44 = arith.andi %ne3A_43, %ne3A_39 : i1
    %add3A_45 = arith.addi %rem3A_37, %select_n3A_36 : i32
    %select_n3A_46 = arith.select %and3A_44, %add3A_45, %rem3A_37 : i32
    %jit3A_47 = arith.constant 8 : i32
    %div3A_48 = arith.divsi %select_n3A_46, %jit3A_47 : i32
    %sign3A_49 = arith.constant 0 : i32
    %sign3A_50 = arith.cmpi sgt, %select_n3A_46, %sign3A_49 : i32
    %sign3A_51 = arith.extui %sign3A_50 : i1 to i32
    %sign3A_52 = arith.constant 0 : i32
    %sign3A_53 = arith.cmpi slt, %select_n3A_46, %sign3A_52 : i32
    %sign3A_54 = arith.extui %sign3A_53 : i1 to i32
    %sign3A_55 = arith.subi %sign3A_51, %sign3A_54 : i32
    %sign3A_56 = arith.constant 0 : i32
    %sign3A_57 = arith.cmpi sgt, %jit3A_47, %sign3A_56 : i32
    %sign3A_58 = arith.extui %sign3A_57 : i1 to i32
    %sign3A_59 = arith.constant 0 : i32
    %sign3A_60 = arith.cmpi slt, %jit3A_47, %sign3A_59 : i32
    %sign3A_61 = arith.extui %sign3A_60 : i1 to i32
    %sign3A_62 = arith.subi %sign3A_58, %sign3A_61 : i32
    %ne3A_63 = arith.cmpi ne, %sign3A_55, %sign3A_62 : i32
    %rem3A_64 = arith.remsi %select_n3A_46, %jit3A_47 : i32
    %ne3A_65 = arith.constant 0 : i32
    %ne3A_66 = arith.cmpi ne, %rem3A_64, %ne3A_65 : i32
    %and3A_67 = arith.andi %ne3A_63, %ne3A_66 : i1
    %sub3A_68 = arith.constant 1 : i32
    %sub3A_69 = arith.subi %div3A_48, %sub3A_68 : i32
    %select_n3A_70 = arith.select %and3A_67, %sub3A_69, %div3A_48 : i32
    %jit3A_71 = arith.constant 8 : i32
    %eq3A_72 = arith.constant 0 : i32
    %eq3A_73 = arith.cmpi eq, %jit3A_71, %eq3A_72 : i32
    %jit3A_74 = arith.constant 1 : i32
    %select_n3A_75 = arith.select %eq3A_73, %jit3A_74, %jit3A_71 : i32
    %rem3A_76 = arith.remsi %add3A_16, %select_n3A_75 : i32
    %ne3A_77 = arith.constant 0 : i32
    %ne3A_78 = arith.cmpi ne, %rem3A_76, %ne3A_77 : i32
    %lt3A_79 = arith.constant 0 : i32
    %lt3A_80 = arith.cmpi slt, %rem3A_76, %lt3A_79 : i32
    %lt3A_81 = arith.constant 0 : i32
    %lt3A_82 = arith.cmpi slt, %select_n3A_75, %lt3A_81 : i32
    %ne3A_83 = arith.xori %lt3A_80, %lt3A_82 : i1
    %and3A_84 = arith.andi %ne3A_83, %ne3A_78 : i1
    %add3A_85 = arith.addi %rem3A_76, %select_n3A_75 : i32
    %select_n3A_86 = arith.select %and3A_84, %add3A_85, %rem3A_76 : i32
    %mul3A_87 = arith.constant 8 : i32
    %mul3A_88 = arith.muli %select_n3A, %mul3A_87 : i32
    %add3A_89 = arith.addi %mul3A_88, %select_n3A_86 : i32
    %dma_wait3A = arith.constant 0 : i32
    %dma_wait3A_90 = arith.constant 0 : i32
    %dma_wait3A_91 = arith.constant 0 : i32
    %dma_wait3A_92 = tpu.memref_slice %arg10[%dma_wait3A, %dma_wait3A_90, %dma_wait3A_91] : memref<8x8x129xf32, #tpu.memory_space<vmem>> -> memref<8x8x128xf32, #tpu.memory_space<vmem>>
    %dma_wait3A_93 = arith.constant 0 : i32
    %dma_wait3A_94 = arith.constant 0 : i32
    %dma_wait3A_95 = arith.constant 0 : i32
    %dma_wait3A_96 = tpu.memref_slice %arg4[%add3A_89, %dma_wait3A_93, %select_n3A_70, %dma_wait3A_94, %dma_wait3A_95] : memref<200x8x32x8x128xf32, #tpu.memory_space<hbm>> -> memref<1x8x1x8x128xf32, #tpu.memory_space<hbm>>
    %dma_wait3A_97 = tpu.memref_squeeze %dma_wait3A_96 : memref<1x8x1x8x128xf32, #tpu.memory_space<hbm>> -> memref<8x8x128xf32, #tpu.memory_space<hbm>>
    %dma_wait3A_98 = arith.constant 0 : i32
    %dma_wait3A_99 = arith.constant 0 : i32
    %dma_wait3A_100 = arith.constant 0 : i32
    %dma_wait3A_101 = tpu.memref_slice %arg4[%add3A_89, %dma_wait3A_98, %select_n3A_70, %dma_wait3A_99, %dma_wait3A_100] : memref<200x8x32x8x128xf32, #tpu.memory_space<hbm>> -> memref<1x8x1x8x128xf32, #tpu.memory_space<hbm>>
    %dma_wait3A_102 = tpu.memref_squeeze %dma_wait3A_101 : memref<1x8x1x8x128xf32, #tpu.memory_space<hbm>> -> memref<8x8x128xf32, #tpu.memory_space<hbm>>
    %dma_wait3A_103 = arith.constant 0 : i32
    %dma_wait3A_104 = arith.constant 0 : i32
    %dma_wait3A_105 = arith.constant 0 : i32
    %dma_wait3A_106 = tpu.memref_slice %arg10[%dma_wait3A_103, %dma_wait3A_104, %dma_wait3A_105] : memref<8x8x129xf32, #tpu.memory_space<vmem>> -> memref<8x8x128xf32, #tpu.memory_space<vmem>>
    tpu.wait_dma2 semaphore(%arg18 : memref<!tpu.dma_semaphore, #tpu.memory_space<semaphore_mem>>) src(%dma_wait3A_106 : memref<8x8x128xf32, #tpu.memory_space<vmem>>) dst(%dma_wait3A_102 : memref<8x8x128xf32, #tpu.memory_space<hbm>>)
    %add3A_107 = arith.constant 197 : i32
    %add3A_108 = arith.addi %mul3A_2, %add3A_107 : i32
    %jit3A_109 = arith.constant 256 : i32
    %div3A_110 = arith.divsi %add3A_108, %jit3A_109 : i32
    %sign3A_111 = arith.constant 0 : i32
    %sign3A_112 = arith.cmpi sgt, %add3A_108, %sign3A_111 : i32
    %sign3A_113 = arith.extui %sign3A_112 : i1 to i32
    %sign3A_114 = arith.constant 0 : i32
    %sign3A_115 = arith.cmpi slt, %add3A_108, %sign3A_114 : i32
    %sign3A_116 = arith.extui %sign3A_115 : i1 to i32
    %sign3A_117 = arith.subi %sign3A_113, %sign3A_116 : i32
    %sign3A_118 = arith.constant 0 : i32
    %sign3A_119 = arith.cmpi sgt, %jit3A_109, %sign3A_118 : i32
    %sign3A_120 = arith.extui %sign3A_119 : i1 to i32
    %sign3A_121 = arith.constant 0 : i32
    %sign3A_122 = arith.cmpi slt, %jit3A_109, %sign3A_121 : i32
    %sign3A_123 = arith.extui %sign3A_122 : i1 to i32
    %sign3A_124 = arith.subi %sign3A_120, %sign3A_123 : i32
    %ne3A_125 = arith.cmpi ne, %sign3A_117, %sign3A_124 : i32
    %rem3A_126 = arith.remsi %add3A_108, %jit3A_109 : i32
    %ne3A_127 = arith.constant 0 : i32
    %ne3A_128 = arith.cmpi ne, %rem3A_126, %ne3A_127 : i32
    %and3A_129 = arith.andi %ne3A_125, %ne3A_128 : i1
    %sub3A_130 = arith.constant 1 : i32
    %sub3A_131 = arith.subi %div3A_110, %sub3A_130 : i32
    %select_n3A_132 = arith.select %and3A_129, %sub3A_131, %div3A_110 : i32
    %jit3A_133 = arith.constant 256 : i32
    %eq3A_134 = arith.constant 0 : i32
    %eq3A_135 = arith.cmpi eq, %jit3A_133, %eq3A_134 : i32
    %jit3A_136 = arith.constant 1 : i32
    %select_n3A_137 = arith.select %eq3A_135, %jit3A_136, %jit3A_133 : i32
    %rem3A_138 = arith.remsi %add3A_108, %select_n3A_137 : i32
    %ne3A_139 = arith.constant 0 : i32
    %ne3A_140 = arith.cmpi ne, %rem3A_138, %ne3A_139 : i32
    %lt3A_141 = arith.constant 0 : i32
    %lt3A_142 = arith.cmpi slt, %rem3A_138, %lt3A_141 : i32
    %lt3A_143 = arith.constant 0 : i32
    %lt3A_144 = arith.cmpi slt, %select_n3A_137, %lt3A_143 : i32
    %ne3A_145 = arith.xori %lt3A_142, %lt3A_144 : i1
    %and3A_146 = arith.andi %ne3A_145, %ne3A_140 : i1
    %add3A_147 = arith.addi %rem3A_138, %select_n3A_137 : i32
    %select_n3A_148 = arith.select %and3A_146, %add3A_147, %rem3A_138 : i32
    %jit3A_149 = arith.constant 8 : i32
    %div3A_150 = arith.divsi %select_n3A_148, %jit3A_149 : i32
    %sign3A_151 = arith.constant 0 : i32
    %sign3A_152 = arith.cmpi sgt, %select_n3A_148, %sign3A_151 : i32
    %sign3A_153 = arith.extui %sign3A_152 : i1 to i32
    %sign3A_154 = arith.constant 0 : i32
    %sign3A_155 = arith.cmpi slt, %select_n3A_148, %sign3A_154 : i32
    %sign3A_156 = arith.extui %sign3A_155 : i1 to i32
    %sign3A_157 = arith.subi %sign3A_153, %sign3A_156 : i32
    %sign3A_158 = arith.constant 0 : i32
    %sign3A_159 = arith.cmpi sgt, %jit3A_149, %sign3A_158 : i32
    %sign3A_160 = arith.extui %sign3A_159 : i1 to i32
    %sign3A_161 = arith.constant 0 : i32
    %sign3A_162 = arith.cmpi slt, %jit3A_149, %sign3A_161 : i32
    %sign3A_163 = arith.extui %sign3A_162 : i1 to i32
    %sign3A_164 = arith.subi %sign3A_160, %sign3A_163 : i32
    %ne3A_165 = arith.cmpi ne, %sign3A_157, %sign3A_164 : i32
    %rem3A_166 = arith.remsi %select_n3A_148, %jit3A_149 : i32
    %ne3A_167 = arith.constant 0 : i32
    %ne3A_168 = arith.cmpi ne, %rem3A_166, %ne3A_167 : i32
    %and3A_169 = arith.andi %ne3A_165, %ne3A_168 : i1
    %sub3A_170 = arith.constant 1 : i32
    %sub3A_171 = arith.subi %div3A_150, %sub3A_170 : i32
    %select_n3A_172 = arith.select %and3A_169, %sub3A_171, %div3A_150 : i32
    %jit3A_173 = arith.constant 8 : i32
    %eq3A_174 = arith.constant 0 : i32
    %eq3A_175 = arith.cmpi eq, %jit3A_173, %eq3A_174 : i32
    %jit3A_176 = arith.constant 1 : i32
    %select_n3A_177 = arith.select %eq3A_175, %jit3A_176, %jit3A_173 : i32
    %rem3A_178 = arith.remsi %add3A_108, %select_n3A_177 : i32
    %ne3A_179 = arith.constant 0 : i32
    %ne3A_180 = arith.cmpi ne, %rem3A_178, %ne3A_179 : i32
    %lt3A_181 = arith.constant 0 : i32
    %lt3A_182 = arith.cmpi slt, %rem3A_178, %lt3A_181 : i32
    %lt3A_183 = arith.constant 0 : i32
    %lt3A_184 = arith.cmpi slt, %select_n3A_177, %lt3A_183 : i32
    %ne3A_185 = arith.xori %lt3A_182, %lt3A_184 : i1
    %and3A_186 = arith.andi %ne3A_185, %ne3A_180 : i1
    %add3A_187 = arith.addi %rem3A_178, %select_n3A_177 : i32
    %select_n3A_188 = arith.select %and3A_186, %add3A_187, %rem3A_178 : i32
    %mul3A_189 = arith.constant 8 : i32
    %mul3A_190 = arith.muli %select_n3A_132, %mul3A_189 : i32
    %add3A_191 = arith.addi %mul3A_190, %select_n3A_188 : i32
    %dma_wait3A_192 = arith.constant 0 : i32
    %dma_wait3A_193 = arith.constant 0 : i32
    %dma_wait3A_194 = arith.constant 0 : i32
    %dma_wait3A_195 = tpu.memref_slice %arg11[%dma_wait3A_192, %dma_wait3A_193, %dma_wait3A_194] : memref<8x8x129xf32, #tpu.memory_space<vmem>> -> memref<8x8x128xf32, #tpu.memory_space<vmem>>
    %dma_wait3A_196 = arith.constant 0 : i32
    %dma_wait3A_197 = arith.constant 0 : i32
    %dma_wait3A_198 = arith.constant 0 : i32
    %dma_wait3A_199 = tpu.memref_slice %arg4[%add3A_191, %dma_wait3A_196, %select_n3A_172, %dma_wait3A_197, %dma_wait3A_198] : memref<200x8x32x8x128xf32, #tpu.memory_space<hbm>> -> memref<1x8x1x8x128xf32, #tpu.memory_space<hbm>>
    %dma_wait3A_200 = tpu.memref_squeeze %dma_wait3A_199 : memref<1x8x1x8x128xf32, #tpu.memory_space<hbm>> -> memref<8x8x128xf32, #tpu.memory_space<hbm>>
    %dma_wait3A_201 = arith.constant 0 : i32
    %dma_wait3A_202 = arith.constant 0 : i32
    %dma_wait3A_203 = arith.constant 0 : i32
    %dma_wait3A_204 = tpu.memref_slice %arg4[%add3A_191, %dma_wait3A_201, %select_n3A_172, %dma_wait3A_202, %dma_wait3A_203] : memref<200x8x32x8x128xf32, #tpu.memory_space<hbm>> -> memref<1x8x1x8x128xf32, #tpu.memory_space<hbm>>
    %dma_wait3A_205 = tpu.memref_squeeze %dma_wait3A_204 : memref<1x8x1x8x128xf32, #tpu.memory_space<hbm>> -> memref<8x8x128xf32, #tpu.memory_space<hbm>>
    %dma_wait3A_206 = arith.constant 0 : i32
    %dma_wait3A_207 = arith.constant 0 : i32
    %dma_wait3A_208 = arith.constant 0 : i32
    %dma_wait3A_209 = tpu.memref_slice %arg11[%dma_wait3A_206, %dma_wait3A_207, %dma_wait3A_208] : memref<8x8x129xf32, #tpu.memory_space<vmem>> -> memref<8x8x128xf32, #tpu.memory_space<vmem>>
    tpu.wait_dma2 semaphore(%arg19 : memref<!tpu.dma_semaphore, #tpu.memory_space<semaphore_mem>>) src(%dma_wait3A_209 : memref<8x8x128xf32, #tpu.memory_space<vmem>>) dst(%dma_wait3A_205 : memref<8x8x128xf32, #tpu.memory_space<hbm>>)
    %add3A_210 = arith.constant 198 : i32
    %add3A_211 = arith.addi %mul3A_2, %add3A_210 : i32
    %jit3A_212 = arith.constant 256 : i32
    %div3A_213 = arith.divsi %add3A_211, %jit3A_212 : i32
    %sign3A_214 = arith.constant 0 : i32
    %sign3A_215 = arith.cmpi sgt, %add3A_211, %sign3A_214 : i32
    %sign3A_216 = arith.extui %sign3A_215 : i1 to i32
    %sign3A_217 = arith.constant 0 : i32
    %sign3A_218 = arith.cmpi slt, %add3A_211, %sign3A_217 : i32
    %sign3A_219 = arith.extui %sign3A_218 : i1 to i32
    %sign3A_220 = arith.subi %sign3A_216, %sign3A_219 : i32
    %sign3A_221 = arith.constant 0 : i32
    %sign3A_222 = arith.cmpi sgt, %jit3A_212, %sign3A_221 : i32
    %sign3A_223 = arith.extui %sign3A_222 : i1 to i32
    %sign3A_224 = arith.constant 0 : i32
    %sign3A_225 = arith.cmpi slt, %jit3A_212, %sign3A_224 : i32
    %sign3A_226 = arith.extui %sign3A_225 : i1 to i32
    %sign3A_227 = arith.subi %sign3A_223, %sign3A_226 : i32
    %ne3A_228 = arith.cmpi ne, %sign3A_220, %sign3A_227 : i32
    %rem3A_229 = arith.remsi %add3A_211, %jit3A_212 : i32
    %ne3A_230 = arith.constant 0 : i32
    %ne3A_231 = arith.cmpi ne, %rem3A_229, %ne3A_230 : i32
    %and3A_232 = arith.andi %ne3A_228, %ne3A_231 : i1
    %sub3A_233 = arith.constant 1 : i32
    %sub3A_234 = arith.subi %div3A_213, %sub3A_233 : i32
    %select_n3A_235 = arith.select %and3A_232, %sub3A_234, %div3A_213 : i32
    %jit3A_236 = arith.constant 256 : i32
    %eq3A_237 = arith.constant 0 : i32
    %eq3A_238 = arith.cmpi eq, %jit3A_236, %eq3A_237 : i32
    %jit3A_239 = arith.constant 1 : i32
    %select_n3A_240 = arith.select %eq3A_238, %jit3A_239, %jit3A_236 : i32
    %rem3A_241 = arith.remsi %add3A_211, %select_n3A_240 : i32
    %ne3A_242 = arith.constant 0 : i32
    %ne3A_243 = arith.cmpi ne, %rem3A_241, %ne3A_242 : i32
    %lt3A_244 = arith.constant 0 : i32
    %lt3A_245 = arith.cmpi slt, %rem3A_241, %lt3A_244 : i32
    %lt3A_246 = arith.constant 0 : i32
    %lt3A_247 = arith.cmpi slt, %select_n3A_240, %lt3A_246 : i32
    %ne3A_248 = arith.xori %lt3A_245, %lt3A_247 : i1
    %and3A_249 = arith.andi %ne3A_248, %ne3A_243 : i1
    %add3A_250 = arith.addi %rem3A_241, %select_n3A_240 : i32
    %select_n3A_251 = arith.select %and3A_249, %add3A_250, %rem3A_241 : i32
    %jit3A_252 = arith.constant 8 : i32
    %div3A_253 = arith.divsi %select_n3A_251, %jit3A_252 : i32
    %sign3A_254 = arith.constant 0 : i32
    %sign3A_255 = arith.cmpi sgt, %select_n3A_251, %sign3A_254 : i32
    %sign3A_256 = arith.extui %sign3A_255 : i1 to i32
    %sign3A_257 = arith.constant 0 : i32
    %sign3A_258 = arith.cmpi slt, %select_n3A_251, %sign3A_257 : i32
    %sign3A_259 = arith.extui %sign3A_258 : i1 to i32
    %sign3A_260 = arith.subi %sign3A_256, %sign3A_259 : i32
    %sign3A_261 = arith.constant 0 : i32
    %sign3A_262 = arith.cmpi sgt, %jit3A_252, %sign3A_261 : i32
    %sign3A_263 = arith.extui %sign3A_262 : i1 to i32
    %sign3A_264 = arith.constant 0 : i32
    %sign3A_265 = arith.cmpi slt, %jit3A_252, %sign3A_264 : i32
    %sign3A_266 = arith.extui %sign3A_265 : i1 to i32
    %sign3A_267 = arith.subi %sign3A_263, %sign3A_266 : i32
    %ne3A_268 = arith.cmpi ne, %sign3A_260, %sign3A_267 : i32
    %rem3A_269 = arith.remsi %select_n3A_251, %jit3A_252 : i32
    %ne3A_270 = arith.constant 0 : i32
    %ne3A_271 = arith.cmpi ne, %rem3A_269, %ne3A_270 : i32
    %and3A_272 = arith.andi %ne3A_268, %ne3A_271 : i1
    %sub3A_273 = arith.constant 1 : i32
    %sub3A_274 = arith.subi %div3A_253, %sub3A_273 : i32
    %select_n3A_275 = arith.select %and3A_272, %sub3A_274, %div3A_253 : i32
    %jit3A_276 = arith.constant 8 : i32
    %eq3A_277 = arith.constant 0 : i32
    %eq3A_278 = arith.cmpi eq, %jit3A_276, %eq3A_277 : i32
    %jit3A_279 = arith.constant 1 : i32
    %select_n3A_280 = arith.select %eq3A_278, %jit3A_279, %jit3A_276 : i32
    %rem3A_281 = arith.remsi %add3A_211, %select_n3A_280 : i32
    %ne3A_282 = arith.constant 0 : i32
    %ne3A_283 = arith.cmpi ne, %rem3A_281, %ne3A_282 : i32
    %lt3A_284 = arith.constant 0 : i32
    %lt3A_285 = arith.cmpi slt, %rem3A_281, %lt3A_284 : i32
    %lt3A_286 = arith.constant 0 : i32
    %lt3A_287 = arith.cmpi slt, %select_n3A_280, %lt3A_286 : i32
    %ne3A_288 = arith.xori %lt3A_285, %lt3A_287 : i1
    %and3A_289 = arith.andi %ne3A_288, %ne3A_283 : i1
    %add3A_290 = arith.addi %rem3A_281, %select_n3A_280 : i32
    %select_n3A_291 = arith.select %and3A_289, %add3A_290, %rem3A_281 : i32
    %mul3A_292 = arith.constant 8 : i32
    %mul3A_293 = arith.muli %select_n3A_235, %mul3A_292 : i32
    %add3A_294 = arith.addi %mul3A_293, %select_n3A_291 : i32
    %dma_wait3A_295 = arith.constant 0 : i32
    %dma_wait3A_296 = arith.constant 0 : i32
    %dma_wait3A_297 = arith.constant 0 : i32
    %dma_wait3A_298 = tpu.memref_slice %arg12[%dma_wait3A_295, %dma_wait3A_296, %dma_wait3A_297] : memref<8x8x129xf32, #tpu.memory_space<vmem>> -> memref<8x8x128xf32, #tpu.memory_space<vmem>>
    %dma_wait3A_299 = arith.constant 0 : i32
    %dma_wait3A_300 = arith.constant 0 : i32
    %dma_wait3A_301 = arith.constant 0 : i32
    %dma_wait3A_302 = tpu.memref_slice %arg4[%add3A_294, %dma_wait3A_299, %select_n3A_275, %dma_wait3A_300, %dma_wait3A_301] : memref<200x8x32x8x128xf32, #tpu.memory_space<hbm>> -> memref<1x8x1x8x128xf32, #tpu.memory_space<hbm>>
    %dma_wait3A_303 = tpu.memref_squeeze %dma_wait3A_302 : memref<1x8x1x8x128xf32, #tpu.memory_space<hbm>> -> memref<8x8x128xf32, #tpu.memory_space<hbm>>
    %dma_wait3A_304 = arith.constant 0 : i32
    %dma_wait3A_305 = arith.constant 0 : i32
    %dma_wait3A_306 = arith.constant 0 : i32
    %dma_wait3A_307 = tpu.memref_slice %arg4[%add3A_294, %dma_wait3A_304, %select_n3A_275, %dma_wait3A_305, %dma_wait3A_306] : memref<200x8x32x8x128xf32, #tpu.memory_space<hbm>> -> memref<1x8x1x8x128xf32, #tpu.memory_space<hbm>>
    %dma_wait3A_308 = tpu.memref_squeeze %dma_wait3A_307 : memref<1x8x1x8x128xf32, #tpu.memory_space<hbm>> -> memref<8x8x128xf32, #tpu.memory_space<hbm>>
    %dma_wait3A_309 = arith.constant 0 : i32
    %dma_wait3A_310 = arith.constant 0 : i32
    %dma_wait3A_311 = arith.constant 0 : i32
    %dma_wait3A_312 = tpu.memref_slice %arg12[%dma_wait3A_309, %dma_wait3A_310, %dma_wait3A_311] : memref<8x8x129xf32, #tpu.memory_space<vmem>> -> memref<8x8x128xf32, #tpu.memory_space<vmem>>
    tpu.wait_dma2 semaphore(%arg20 : memref<!tpu.dma_semaphore, #tpu.memory_space<semaphore_mem>>) src(%dma_wait3A_312 : memref<8x8x128xf32, #tpu.memory_space<vmem>>) dst(%dma_wait3A_308 : memref<8x8x128xf32, #tpu.memory_space<hbm>>)
    %add3A_313 = arith.constant 199 : i32
    %add3A_314 = arith.addi %mul3A_2, %add3A_313 : i32
    %jit3A_315 = arith.constant 256 : i32
    %div3A_316 = arith.divsi %add3A_314, %jit3A_315 : i32
    %sign3A_317 = arith.constant 0 : i32
    %sign3A_318 = arith.cmpi sgt, %add3A_314, %sign3A_317 : i32
    %sign3A_319 = arith.extui %sign3A_318 : i1 to i32
    %sign3A_320 = arith.constant 0 : i32
    %sign3A_321 = arith.cmpi slt, %add3A_314, %sign3A_320 : i32
    %sign3A_322 = arith.extui %sign3A_321 : i1 to i32
    %sign3A_323 = arith.subi %sign3A_319, %sign3A_322 : i32
    %sign3A_324 = arith.constant 0 : i32
    %sign3A_325 = arith.cmpi sgt, %jit3A_315, %sign3A_324 : i32
    %sign3A_326 = arith.extui %sign3A_325 : i1 to i32
    %sign3A_327 = arith.constant 0 : i32
    %sign3A_328 = arith.cmpi slt, %jit3A_315, %sign3A_327 : i32
    %sign3A_329 = arith.extui %sign3A_328 : i1 to i32
    %sign3A_330 = arith.subi %sign3A_326, %sign3A_329 : i32
    %ne3A_331 = arith.cmpi ne, %sign3A_323, %sign3A_330 : i32
    %rem3A_332 = arith.remsi %add3A_314, %jit3A_315 : i32
    %ne3A_333 = arith.constant 0 : i32
    %ne3A_334 = arith.cmpi ne, %rem3A_332, %ne3A_333 : i32
    %and3A_335 = arith.andi %ne3A_331, %ne3A_334 : i1
    %sub3A_336 = arith.constant 1 : i32
    %sub3A_337 = arith.subi %div3A_316, %sub3A_336 : i32
    %select_n3A_338 = arith.select %and3A_335, %sub3A_337, %div3A_316 : i32
    %jit3A_339 = arith.constant 256 : i32
    %eq3A_340 = arith.constant 0 : i32
    %eq3A_341 = arith.cmpi eq, %jit3A_339, %eq3A_340 : i32
    %jit3A_342 = arith.constant 1 : i32
    %select_n3A_343 = arith.select %eq3A_341, %jit3A_342, %jit3A_339 : i32
    %rem3A_344 = arith.remsi %add3A_314, %select_n3A_343 : i32
    %ne3A_345 = arith.constant 0 : i32
    %ne3A_346 = arith.cmpi ne, %rem3A_344, %ne3A_345 : i32
    %lt3A_347 = arith.constant 0 : i32
    %lt3A_348 = arith.cmpi slt, %rem3A_344, %lt3A_347 : i32
    %lt3A_349 = arith.constant 0 : i32
    %lt3A_350 = arith.cmpi slt, %select_n3A_343, %lt3A_349 : i32
    %ne3A_351 = arith.xori %lt3A_348, %lt3A_350 : i1
    %and3A_352 = arith.andi %ne3A_351, %ne3A_346 : i1
    %add3A_353 = arith.addi %rem3A_344, %select_n3A_343 : i32
    %select_n3A_354 = arith.select %and3A_352, %add3A_353, %rem3A_344 : i32
    %jit3A_355 = arith.constant 8 : i32
    %div3A_356 = arith.divsi %select_n3A_354, %jit3A_355 : i32
    %sign3A_357 = arith.constant 0 : i32
    %sign3A_358 = arith.cmpi sgt, %select_n3A_354, %sign3A_357 : i32
    %sign3A_359 = arith.extui %sign3A_358 : i1 to i32
    %sign3A_360 = arith.constant 0 : i32
    %sign3A_361 = arith.cmpi slt, %select_n3A_354, %sign3A_360 : i32
    %sign3A_362 = arith.extui %sign3A_361 : i1 to i32
    %sign3A_363 = arith.subi %sign3A_359, %sign3A_362 : i32
    %sign3A_364 = arith.constant 0 : i32
    %sign3A_365 = arith.cmpi sgt, %jit3A_355, %sign3A_364 : i32
    %sign3A_366 = arith.extui %sign3A_365 : i1 to i32
    %sign3A_367 = arith.constant 0 : i32
    %sign3A_368 = arith.cmpi slt, %jit3A_355, %sign3A_367 : i32
    %sign3A_369 = arith.extui %sign3A_368 : i1 to i32
    %sign3A_370 = arith.subi %sign3A_366, %sign3A_369 : i32
    %ne3A_371 = arith.cmpi ne, %sign3A_363, %sign3A_370 : i32
    %rem3A_372 = arith.remsi %select_n3A_354, %jit3A_355 : i32
    %ne3A_373 = arith.constant 0 : i32
    %ne3A_374 = arith.cmpi ne, %rem3A_372, %ne3A_373 : i32
    %and3A_375 = arith.andi %ne3A_371, %ne3A_374 : i1
    %sub3A_376 = arith.constant 1 : i32
    %sub3A_377 = arith.subi %div3A_356, %sub3A_376 : i32
    %select_n3A_378 = arith.select %and3A_375, %sub3A_377, %div3A_356 : i32
    %jit3A_379 = arith.constant 8 : i32
    %eq3A_380 = arith.constant 0 : i32
    %eq3A_381 = arith.cmpi eq, %jit3A_379, %eq3A_380 : i32
    %jit3A_382 = arith.constant 1 : i32
    %select_n3A_383 = arith.select %eq3A_381, %jit3A_382, %jit3A_379 : i32
    %rem3A_384 = arith.remsi %add3A_314, %select_n3A_383 : i32
    %ne3A_385 = arith.constant 0 : i32
    %ne3A_386 = arith.cmpi ne, %rem3A_384, %ne3A_385 : i32
    %lt3A_387 = arith.constant 0 : i32
    %lt3A_388 = arith.cmpi slt, %rem3A_384, %lt3A_387 : i32
    %lt3A_389 = arith.constant 0 : i32
    %lt3A_390 = arith.cmpi slt, %select_n3A_383, %lt3A_389 : i32
    %ne3A_391 = arith.xori %lt3A_388, %lt3A_390 : i1
    %and3A_392 = arith.andi %ne3A_391, %ne3A_386 : i1
    %add3A_393 = arith.addi %rem3A_384, %select_n3A_383 : i32
    %select_n3A_394 = arith.select %and3A_392, %add3A_393, %rem3A_384 : i32
    %mul3A_395 = arith.constant 8 : i32
    %mul3A_396 = arith.muli %select_n3A_338, %mul3A_395 : i32
    %add3A_397 = arith.addi %mul3A_396, %select_n3A_394 : i32
    %dma_wait3A_398 = arith.constant 0 : i32
    %dma_wait3A_399 = arith.constant 0 : i32
    %dma_wait3A_400 = arith.constant 0 : i32
    %dma_wait3A_401 = tpu.memref_slice %arg13[%dma_wait3A_398, %dma_wait3A_399, %dma_wait3A_400] : memref<8x8x129xf32, #tpu.memory_space<vmem>> -> memref<8x8x128xf32, #tpu.memory_space<vmem>>
    %dma_wait3A_402 = arith.constant 0 : i32
    %dma_wait3A_403 = arith.constant 0 : i32
    %dma_wait3A_404 = arith.constant 0 : i32
    %dma_wait3A_405 = tpu.memref_slice %arg4[%add3A_397, %dma_wait3A_402, %select_n3A_378, %dma_wait3A_403, %dma_wait3A_404] : memref<200x8x32x8x128xf32, #tpu.memory_space<hbm>> -> memref<1x8x1x8x128xf32, #tpu.memory_space<hbm>>
    %dma_wait3A_406 = tpu.memref_squeeze %dma_wait3A_405 : memref<1x8x1x8x128xf32, #tpu.memory_space<hbm>> -> memref<8x8x128xf32, #tpu.memory_space<hbm>>
    %dma_wait3A_407 = arith.constant 0 : i32
    %dma_wait3A_408 = arith.constant 0 : i32
    %dma_wait3A_409 = arith.constant 0 : i32
    %dma_wait3A_410 = tpu.memref_slice %arg4[%add3A_397, %dma_wait3A_407, %select_n3A_378, %dma_wait3A_408, %dma_wait3A_409] : memref<200x8x32x8x128xf32, #tpu.memory_space<hbm>> -> memref<1x8x1x8x128xf32, #tpu.memory_space<hbm>>
    %dma_wait3A_411 = tpu.memref_squeeze %dma_wait3A_410 : memref<1x8x1x8x128xf32, #tpu.memory_space<hbm>> -> memref<8x8x128xf32, #tpu.memory_space<hbm>>
    %dma_wait3A_412 = arith.constant 0 : i32
    %dma_wait3A_413 = arith.constant 0 : i32
    %dma_wait3A_414 = arith.constant 0 : i32
    %dma_wait3A_415 = tpu.memref_slice %arg13[%dma_wait3A_412, %dma_wait3A_413, %dma_wait3A_414] : memref<8x8x129xf32, #tpu.memory_space<vmem>> -> memref<8x8x128xf32, #tpu.memory_space<vmem>>
    tpu.wait_dma2 semaphore(%arg21 : memref<!tpu.dma_semaphore, #tpu.memory_space<semaphore_mem>>) src(%dma_wait3A_415 : memref<8x8x128xf32, #tpu.memory_space<vmem>>) dst(%dma_wait3A_411 : memref<8x8x128xf32, #tpu.memory_space<hbm>>)
    return
  }
}

</mosaic_0001>

<sc_bundles>
// kernel: kernel.3.cloned.1.call-start
scs
__scs_entry_jumppad:
0x0: {  	(pc) =	sbr.rel $0x88, $3  }
0x1: {  	(tag) =	ssettag $0x0;
	lr =	simm.s32 $0x1  }
0x2: {  	[smem:$0x3F9F] =	sst lr;
	_ =	strace $0xD0000000  }
0x3: {  	_ = 	snop  }
0x4: {  	_ = 	snop  }
0x5: {  	_ = 	snop  }
0x6: {  	_ = 	snop  }
0x7: {  	_ = 	snop  }
__scs_overlays_trampoline_lowered:
0x8: {  	[smem:$0x3FAE] =	sst s0  }
0x9: {  	[smem:$0x3FAF] =	sst s1  }
0xa: {  	[smem:$0x3FB0] =	sst s2  }
0xb: {  	[smem:$0x3FB1] =	sst s3  }
0xc: {  	[smem:$0x3FB2] =	sst s4  }
0xd: {  	[smem:$0x3FB3] =	sst s5  }
0xe: {  	[smem:$0x3FB4] =	sst s6  }
0xf: {  	[smem:$0x3FB5] =	sst s7  }
0x10: {  	[smem:$0x3FB6] =	sst s8  }
0x11: {  	[smem:$0x3FB7] =	sst s9;
	s0 =	simm.s32 @!p0 $0x0  }
0x12: {  	s1 =	sld [smem:$0x3F9D];
	s0 =	simm.s32 @p0 $0x1  }
0x13: {  	[smem:$0x3FB8] =	sst s0;
	s0 =	simm.s32 @!p1 $0x0  }
0x14: {  	s2 =	sld [smem:$0x3F9C];
	s0 =	simm.s32 @p1 $0x1  }
0x15: {  	[smem:$0x3FB9] =	sst s0;
	s0 =	simm.s32 @!p2 $0x0  }
0x16: {  	s3 =	sld [smem:$0x3FDB];
	s0 =	simm.s32 @p2 $0x1  }
0x17: {  	s4 =	simm.s32 $0x1BF5;
	[smem:$0x3FBB] =	sst s0  }
0x18: {  	s0 =	sld [smem:$0x3F9E];
	_ =	swait.ge [sflag:s4], $0x0  }
0x19: {  	s7 =	sld [smem:$0x3F9F]  }
0x1a: {  	s8 =	sadd.s32 $0xFFFFE003, lr  }
0x1b: {  	s9 =	sadd.s32 $0xFFFFFEF7, lr;
	s5 =	simm.s32 $0xFFFFFFFF;
	p2 =	slt.u32 s8, $0xFFFFF086  }
0x1c: {  	p1 =	slt.u32 s9, $0xF7A;
	s5 =	simm.s32 @!p2 $0x0  }
0x1d: {  	s5 =	simm.s32 @p1 $0x1;
	p0 =	seq.s32 s7, s2  }
0x1e: {  	s7 =	smul.u32 @!p0 $0xF7A, s2;
	p2 =	seq.s32 @!p0 s5, $0x0  }
0x1f: {  	s9 =	smul.u32 $0xF7A, s1;
	s8 =	simm.s32 @!p0 $0x1BF5;
	p2 =	por !p2, p0  }
0x20: {  	[sflag:s8] =	ssyncset.s32 @!p0 $0xFFFFF086;
	s6 =	sadd.s32 @!p0 s3, s7;
	s7 =	simm.s32 @!p0 $0x108  }
0x21: {  	s3 =	sadd.s32 s3, s9;
	s6 =	sadd.s32 @!p0 $0x88, s6;
	s7 =	simm.s32 @p2 $0x1082  }
0x22: {  	[simem:s7], [sflag:s8] =	dma.local @!p0 [hbm:s6], $0xF7A  }
0x23: {  	s9 =	sor.u32 $0xD0000000, s2;
	s6 =	simm.s32 $0x108;
	_ =	swait.ge @!p0 [sflag:s8], $0x0  }
0x24: {  	s3 =	sadd.s32 $0x88, s3;
	s6 =	simm.s32 @!p1 $0x1082;
	[sflag:s4] =	ssyncset.s32 $0xFFFFF086  }
0x25: {  	[simem:s6], [sflag:s4] =	dma.local [hbm:s3], $0xF7A  }
0x26: {  	[smem:$0x3F9F] =	sst s1;
	(tag) =	ssettag s2;
	_ =	strace s9  }
0x27: {  	s1 =	sld [smem:$0x3FAF]  }
0x28: {  	s2 =	sld [smem:$0x3FB0]  }
0x29: {  	s4 =	sld [smem:$0x3FB2]  }
0x2a: {  	p0 =	seq.s32 s5, $0x0;
	s5 =	sld [smem:$0x3FB3]  }
0x2b: {  	s6 =	sld [smem:$0x3FB4]  }
0x2c: {  	s7 =	sld [smem:$0x3FB5]  }
0x2d: {  	s3 =	simm.s32 $0x108;
	s8 =	sld [smem:$0x3FB6]  }
0x2e: {  	s3 =	simm.s32 @!p0 $0x1082;
	s9 =	sld [smem:$0x3FB7]  }
0x2f: {  	lr =	sadd.s32 s0, s3;
	s0 =	sld [smem:$0x3FAE]  }
0x30: {  	s3 =	sld [smem:$0x3FB1]  }
0x31: {  	[smem:$0x3FBA] =	sst s10  }
0x32: {  	s10 =	sld [smem:$0x3FB8];
	_ =	sdelay $0x3  }
0x33: {  	p0 =	seq.s32 s10, $0x1;
	s10 =	sld [smem:$0x3FBA];
	_ =	sdelay $0x3  }
0x34: {  	[smem:$0x3FBA] =	sst s10  }
0x35: {  	s10 =	sld [smem:$0x3FB9];
	_ =	sdelay $0x3  }
0x36: {  	p1 =	seq.s32 s10, $0x1;
	s10 =	sld [smem:$0x3FBA];
	_ =	sdelay $0x3  }
0x37: {  	[smem:$0x3FBA] =	sst s10  }
0x38: {  	s10 =	sld [smem:$0x3FBB]  }
0x39: {  	_ = 	snop;
	(pc) =	sbr.ind lr, $3  }
0x3a: {  	_ = 	snop  }
0x3b: {  	_ = 	snop  }
0x3c: {  	p2 =	seq.s32 s10, $0x1;
	s10 =	sld [smem:$0x3FBA]  }
0x3d: {  	_ =	shalt  }
0x3e: {  	_ =	shalt  }
0x3f: {  	_ =	shalt  }
0x40: {  	_ =	shalt  }
0x41: {  	_ =	shalt  }
0x42: {  	_ =	shalt  }
0x43: {  	_ =	shalt  }
0x44: {  	_ =	shalt  }
0x45: {  	_ =	shalt  }
0x46: {  	_ =	shalt  }
0x47: {  	_ =	shalt  }
0x48: {  	_ =	shalt  }
0x49: {  	_ =	shalt  }
0x4a: {  	_ =	shalt  }
0x4b: {  	_ =	shalt  }
0x4c: {  	_ =	shalt  }
0x4d: {  	_ =	shalt  }
0x4e: {  	_ =	shalt  }
0x4f: {  	_ =	shalt  }
0x50: {  	_ =	shalt  }
0x51: {  	_ =	shalt  }
0x52: {  	_ =	shalt  }
0x53: {  	_ =	shalt  }
0x54: {  	_ =	shalt  }
0x55: {  	_ =	shalt  }
0x56: {  	_ =	shalt  }
0x57: {  	_ =	shalt  }
0x58: {  	_ =	shalt  }
0x59: {  	_ =	shalt  }
0x5a: {  	_ =	shalt  }
0x5b: {  	_ =	shalt  }
0x5c: {  	_ =	shalt  }
0x5d: {  	_ =	shalt  }
0x5e: {  	_ =	shalt  }
0x5f: {  	_ =	shalt  }
0x60: {  	_ =	shalt  }
0x61: {  	_ =	shalt  }
0x62: {  	_ =	shalt  }
0x63: {  	_ =	shalt  }
0x64: {  	_ =	shalt  }
0x65: {  	_ =	shalt  }
0x66: {  	_ =	shalt  }
0x67: {  	_ =	shalt  }
0x68: {  	_ =	shalt  }
0x69: {  	_ =	shalt  }
0x6a: {  	_ =	shalt  }
0x6b: {  	_ =	shalt  }
0x6c: {  	_ =	shalt  }
0x6d: {  	_ =	shalt  }
0x6e: {  	_ =	shalt  }
0x6f: {  	_ =	shalt  }
0x70: {  	_ =	shalt  }
0x71: {  	_ =	shalt  }
0x72: {  	_ =	shalt  }
0x73: {  	_ =	shalt  }
0x74: {  	_ =	shalt  }
0x75: {  	_ =	shalt  }
0x76: {  	_ =	shalt  }
0x77: {  	_ =	shalt  }
0x78: {  	_ =	shalt  }
0x79: {  	_ =	shalt  }
0x7a: {  	_ =	shalt  }
0x7b: {  	_ =	shalt  }
0x7c: {  	_ =	shalt  }
0x7d: {  	_ =	shalt  }
0x7e: {  	_ =	shalt  }
0x7f: {  	_ =	shalt  }
0x80: {  	_ =	shalt  }
0x81: {  	_ =	shalt  }
0x82: {  	_ =	shalt  }
0x83: {  	_ =	shalt  }
0x84: {  	_ =	shalt  }
0x85: {  	_ =	shalt  }
0x86: {  	_ =	shalt  }
0x87: {  	_ =	shalt  }
.Lfunc_end0:
.L_simem_size_0:
called_computation.1_lowered:
.L_overlay_start_0:
0x88: {  	s2 =	sld [smem:$0x3FD9]  }
0x89: {  	s3 =	sld [smem:$0x3FFE];
	_ =	sdelay $0x1  }
0x8a: {  	s1 =	srdreg.scid  }
0x8b: {  	s0 =	sand.u32 $0x1, s1  }
0x8c: {  	s17 =	sshll.u32 s0, $0xA;
	s2 =	sadd.s32 s3, s2  }
0x8d: {  	s2 =	sadd.s32 s2, s17  }
0x8e: {  	[smem:$0x3FC6] =	sst s2  }
0x8f: {  	_ = 	snop  }
0x90: {  	s2 =	sld [smem:$0x3FC9]  }
0x91: {  	s18 =	sld [smem:$0x3FD0];
	(tm) =	ssettm $0x1  }
0x92: {  	s4 =	sld [smem:$0x3FFB];
	_ =	sdelay $0x3  }
0x93: {  	_ =	strace s4  }
0x94: {  	s4 =	sld [smem:$0x3FFC];
	_ =	sdelay $0x3  }
0x95: {  	_ =	strace s4  }
0x96: {  	s4 =	sld [smem:$0x3FFD];
	_ =	sdelay $0x3  }
0x97: {  	_ =	strace s4  }
0x98: {  	_ =	strace $0x8FFFFFFF  }
0x99: {  	s19 =	sld [smem:$0x3FDB];
	_ =	sdelay $0x1  }
0x9a: {  	s5 =	simm.s32 $_scs_section_size  }
0x9b: {  	s6 =	simm.s32 $_size__tile_overlayer_lowered;
	s7 =	simm.s32 $_tile_overlayer_lowered  }
0x9c: {  	s22 =	simm.s32 $0x1BFF;
	s21 =	sshll.u32 s7, $0x1;
	s4 =	sadd.s32 s5, s19  }
0x9d: {  	s8 =	simm.s32 $0x0;
	s20 =	sshll.u32 s6, $0x1;
	s6 =	sadd.s32 s21, s4  }
0x9e: {  	[timem:s8], [sflag:s22] =	dma.local [hbm:s6], s20  }
0x9f: {  	_ =	swait.ge [sflag:s22], s20  }
0xa0: {  	s5 =	ssub.s32 $0x0, s20;
	[sflag:s22] =	ssyncset.done $0x0  }
0xa1: {  	[sflag:s22] =	ssyncadd.s32 s5;
	_ =	sdelay $0x1  }
0xa2: {  	s23 =	simm.s32 $0x1B8B  }
0xa3: {  	_ =	swait.ge [sflag:s23], $0x1  }
0xa4: {  	[sflag:s23] =	ssyncset.done $0x0  }
0xa5: {  	s25 =	simm.s32 $0x1B8E;
	s24 =	sld [smem:$0x3FFE];
	[sflag:s23] =	ssyncadd.s32 $0xFFFFFFFF  }
0xa6: {  	s26 =	simm.s32 $execute0_lowered;
	[smem:$0x3FD2] =	sst s25  }
0xa7: {  	s6 =	sshll.u32 s26, $0x1;
	_ =	strace $0x80000049;
	[dreg:$0x1] =	wrdreg $0xFFFFFFFF  }
0xa8: {  	s28 =	simm.s32 $_size_execute0_lowered;
	s4 =	sadd.s32 s4, s6;
	[dreg:$0x0] =	wrdreg $0x0  }
0xa9: {  	s6 =	sshll.u32 s28, $0x1;
	[dreg:$0x2] =	wrdreg s4  }
0xaa: {  	[dreg:$0x3] =	wrdreg s6  }
0xab: {  	[dreg:$0x4] =	wrdreg $0xC0  }
0xac: {  	_ =	task [dreg:s8], $0x5FFFF  }
0xad: {  	[dreg:$0x1] =	wrdreg $0xFFFFFFFF  }
0xae: {  	[dreg:$0x0] =	wrdreg $0x60  }
0xaf: {  	[dreg:$0x2] =	wrdreg s2  }
0xb0: {  	[dreg:$0x3] =	wrdreg s24  }
0xb1: {  	[dreg:$0x4] =	wrdreg s18  }
0xb2: {  	[dreg:$0x5] =	wrdreg $0x9  }
0xb3: {  	_ =	task.clear_ibuf [dreg:s8], $0x6FFFF;
	_ =	strace $0x90000049  }
0xb4: {  	s29 =	simm.s32 $0x9;
	_ =	strace $0x8000004B  }
0xb5: {  	_ =	swait.ge [sflag:s29], $0x1  }
0xb6: {  	[sflag:s29] =	ssyncadd.s32 $0xFFFFFFFF  }
0xb7: {  	_ =	strace $0x9000004B  }
0xb8: {  	_ =	sfence  }
0xb9: {  	s30 =	sld [smem:$0x0];
	_ =	sdelay $0x2  }
0xba: {  	s31 =	sshll.u32 s1, $0xD;
	s1 =	sshrl.u32 s1, $0x2  }
0xbb: {  	s3 =	sand.u32 $0x4000, s31;
	s1 =	sadd.s32 s1, s30  }
0xbc: {  	s0 =	sor.u32 s3, s0;
	s1 =	sshll.u32 s1, $0x11  }
0xbd: {  	s0 =	sor.u32 s1, s0  }
0xbe: {  	s0 =	sadd.s32 $0x8F2B, s0  }
0xbf: {  	[sflag:s0] =	ssyncadd.remote.s32 $0x1  }
0xc0: {  	_ =	sfence.sel $0xFFFF  }
0xc1: {  	[dreg:$0x0] =	wrdreg $0xFFFFFFFF;
	(pc) =	sbr.abs _section_cstart, $3  }
0xc2: {  	[dreg:$0x1] =	wrdreg $0xFFFFFFFF  }
0xc3: {  	_ =	task.clear_ibuf [dreg:s8], $0x2FFFF;
	_ =	strace $0x9FFFFFFF  }
0xc4: {  	(tm) =	ssettm $0x7FFFFFFF  }
0xc5: {  	_ =	shalt  }
tec
execute0_lowered:
.L_overlay_start_1:
0x0: {  	(tag) =	ssettag $0x1  }
0x1: {  	s0 =	rddreg [dreg:$0x0]  }
0x2: {  	s2 =	rddreg [dreg:$0x1];
	v0 =	vlaneseq.u32  }
0x3: {  	s1 =	rddreg [dreg:$0x2];
	v0 =	vmul.u32 $0x88, v0  }
0x4: {  	s4 =	srdreg.scid;
	s5 =	stileid.u32;
	s3 =	simm.s32 $0x0  }
0x5: {  	s9 =	simm.s32 $0x80;
	s11 =	simm.s32 $0x8400;
	s12 =	simm.s32 $0x1;
	v1 =	vadd.s32 $0x880, v0  }
0x6: {  	s13 =	simm.s32 $0xE400;
	s14 =	simm.s32 $0xA400;
	s15 =	simm.s32 $0x2;
	v2 =	vadd.s32 $0x1100, v0;
	v3 =	vadd.s32 $0x1980, v0;
	v4 =	vor.u32 $0x1, v0  }
0x7: {  	s16 =	simm.s32 $0x10600;
	s17 =	simm.s32 $0xC400;
	s18 =	simm.s32 $0x3;
	v5 =	vadd.s32 $0x881, v0;
	v6 =	vadd.s32 $0x1101, v0;
	v7 =	vadd.s32 $0x1981, v0  }
0x8: {  	s19 =	simm.s32 $0x12800;
	s20 =	simm.s32 $0x4;
	s21 =	simm.s32 $0x14A00;
	v8 =	vor.u32 $0x2, v0;
	v9 =	vadd.s32 $0x882, v0;
	v10 =	vadd.s32 $0x1102, v0  }
0x9: {  	s22 =	simm.s32 $0x5;
	s4 =	sand.u32 $0x1, s4;
	s5 =	sshll.u32 s5, $0x1;
	v11 =	vadd.s32 $0x1982, v0;
	v12 =	vor.u32 $0x3, v0;
	v13 =	vadd.s32 $0x883, v0  }
0xa: {  	s23 =	simm.s32 $0x6;
	s24 =	simm.s32 $0x7;
	s5 =	sor.u32 s4, s5;
	v14 =	vadd.s32 $0x1103, v0;
	v15 =	vadd.s32 $0x1983, v0;
	v16 =	vor.u32 $0x4, v0  }
0xb: {  	s25 =	simm.s32 $0x8;
	s6 =	ssub.s32 $0x2, s4;
	s8 =	smul.u32 $0xC80, s5;
	v17 =	vadd.s32 $0x884, v0;
	v18 =	vadd.s32 $0x1104, v0;
	v19 =	vadd.s32 $0x1984, v0  }
0xc: {  	s26 =	simm.s32 $0x0;
	s28 =	simm.s32 $0x0;
	s7 =	sshrl.u32 s6, $0x1;
	v20 =	vor.u32 $0x5, v0;
	v21 =	vadd.s32 $0x885, v0;
	v22 =	vadd.s32 $0x1105, v0  }
0xd: {  	[smem:$0x7FF] =	sst s3;
	v23 =	vadd.s32 $0x1985, v0;
	v24 =	vor.u32 $0x6, v0;
	v25 =	vadd.s32 $0x886, v0;
	s30 =	ssub.s32 s6, s7;
	s0 =	sadd.s32 s0, s8  }
0xe: {  	_ =	strace $0x8000004A;
	v26 =	vadd.s32 $0x1106, v0;
	v27 =	vadd.s32 $0x1986, v0;
	v28 =	vor.u32 $0x7, v0;
	s31 =	smax.u32 s30, $0x1;
	[dreg:$0x4] =	wrdreg s0  }
0xf: {  	s4 =	sadd.s32 $0xF42C00, s2;
	s5 =	smul.u32 $0xC8, s5;
	v29 =	vadd.s32 $0x887, v0;
	v30 =	vadd.s32 $0x1107, v0;
	v31 =	vadd.s32 $0x1987, v0;
	[dreg:$0x5] =	wrdreg s31  }
.LBB2_1:
0x10: {  	s0 =	rddreg [dreg:$0x4];
	s31 =	simm.s32 $0x9  }
0x11: {  	[tilespmem:s3], [sflag:$0x9] =	stream.linear.gather [hbm4b:s0+s3], $0x6400, $0x38;
	[tilespmem:$0x16C00] =	vst v63  }
0x12: {  	_ =	swait.ge [sflag:s31], $0x6400  }
0x13: {  	[sflag:s31] =	ssyncset.done $0x0  }
0x14: {  	s0 =	simm.s32 $0x100;
	[sflag:s31] =	ssyncadd.s32 $0xFFFF9C00  }
0x15: {  	v32 =	vld [tilespmem:s0+$0xFFFFFF10]  }
0x16: {  	v38 =	vld [tilespmem:s0+$0xF0]  }
0x17: {  	v33 =	vld [tilespmem:s0+$0xFFFFFF20]  }
0x18: {  	v39 =	vld [tilespmem:s0+$0xFFFFFF80]  }
0x19: {  	v34 =	vld [tilespmem:s0+$0xFFFFFF30]  }
0x1a: {  	v40 =	vld [tilespmem:s0+$0xFFFFFF90];
	v32 =	vshll.u32 v32, $0x1  }
0x1b: {  	v35 =	vld [tilespmem:s0+$0xFFFFFF40];
	v38 =	vshll.u32 v38, $0x1;
	[tilespmem:s0+$0xFFFFFF10] =	vst v32  }
0x1c: {  	v36 =	vld [tilespmem:s0+$0xFFFFFF50];
	v33 =	vshll.u32 v33, $0x1;
	[tilespmem:s0+$0xF0] =	vst v38  }
0x1d: {  	v37 =	vld [tilespmem:s0+$0xFFFFFF60];
	v51 =	vshll.u32 v39, $0x1;
	[tilespmem:s0+$0xFFFFFF20] =	vst v33  }
0x1e: {  	v41 =	vld [tilespmem:s0+$0xFFFFFFA0];
	v53 =	vshll.u32 v34, $0x1;
	[tilespmem:s0+$0xFFFFFF80] =	vst v51  }
0x1f: {  	v42 =	vld [tilespmem:s0+$0xFFFFFFB0];
	v54 =	vshll.u32 v40, $0x1;
	[tilespmem:s0+$0xFFFFFF30] =	vst v53  }
0x20: {  	v50 =	vld [tilespmem:s0+$0xFFFFFFC0];
	v56 =	vshll.u32 v35, $0x1;
	[tilespmem:s0+$0xFFFFFF90] =	vst v54  }
0x21: {  	v60 =	vld [tilespmem:s0+$0x0];
	v57 =	vshll.u32 v36, $0x1;
	[tilespmem:s0+$0xFFFFFF40] =	vst v56  }
0x22: {  	v52 =	vld [tilespmem:s0+$0xFFFFFFD0];
	v59 =	vshll.u32 v37, $0x1;
	[tilespmem:s0+$0xFFFFFF50] =	vst v57  }
0x23: {  	v47 =	vld [tilespmem:s0+$0x40];
	v62 =	vshll.u32 v41, $0x1;
	[tilespmem:s0+$0xFFFFFF60] =	vst v59  }
0x24: {  	v49 =	vld [tilespmem:s0+$0xFFFFFF70];
	v44 =	vshll.u32 v42, $0x1;
	[tilespmem:s0+$0xFFFFFFA0] =	vst v62  }
0x25: {  	v61 =	vld [tilespmem:s0+$0x10];
	v46 =	vshll.u32 v50, $0x1;
	[tilespmem:s0+$0xFFFFFFB0] =	vst v44  }
0x26: {  	v55 =	vld [tilespmem:s0+$0xFFFFFFE0];
	v48 =	vshll.u32 v60, $0x1;
	[tilespmem:s0+$0xFFFFFFC0] =	vst v46  }
0x27: {  	v58 =	vld [tilespmem:s0+$0xFFFFFFF0];
	v50 =	vshll.u32 v52, $0x1;
	[tilespmem:s0+$0x0] =	vst v48  }
0x28: {  	v63 =	vld [tilespmem:s0+$0x20];
	v60 =	vshll.u32 v47, $0x1;
	[tilespmem:s0+$0xFFFFFFD0] =	vst v50  }
0x29: {  	v45 =	vld [tilespmem:s0+$0x30];
	v32 =	vshll.u32 v49, $0x1;
	[tilespmem:s0+$0x40] =	vst v60  }
0x2a: {  	v52 =	vld [tilespmem:s0+$0x60];
	v51 =	vshll.u32 v61, $0x1;
	[tilespmem:s0+$0xFFFFFF70] =	vst v32  }
0x2b: {  	v49 =	vld [tilespmem:s0+$0x50];
	v53 =	vshll.u32 v55, $0x1;
	[tilespmem:s0+$0x10] =	vst v51  }
0x2c: {  	v54 =	vshll.u32 v58, $0x1;
	v57 =	vld [tilespmem:s0+$0x80];
	[tilespmem:s0+$0xFFFFFFE0] =	vst v53  }
0x2d: {  	v55 =	vld [tilespmem:s0+$0x70];
	v56 =	vshll.u32 v63, $0x1;
	[tilespmem:s0+$0xFFFFFFF0] =	vst v54  }
0x2e: {  	v58 =	vshll.u32 v45, $0x1;
	v59 =	vld [tilespmem:s0+$0x90];
	[tilespmem:s0+$0x20] =	vst v56  }
0x2f: {  	v61 =	vld [tilespmem:s0+$0xA0];
	[tilespmem:s0+$0x30] =	vst v58;
	v62 =	vshll.u32 v52, $0x1  }
0x30: {  	v32 =	vld [tilespmem:s0+$0xB0];
	v36 =	vshll.u32 v49, $0x1;
	[tilespmem:s0+$0x60] =	vst v62  }
0x31: {  	v33 =	vld [tilespmem:s0+$0xC0];
	v63 =	vshll.u32 v57, $0x1;
	[tilespmem:s0+$0x50] =	vst v36  }
0x32: {  	v34 =	vld [tilespmem:s0+$0xD0];
	v35 =	vshll.u32 v55, $0x1;
	[tilespmem:s0+$0x80] =	vst v63  }
0x33: {  	v37 =	vshll.u32 v59, $0x1;
	[tilespmem:s0+$0x70] =	vst v35;
	v35 =	vld [tilespmem:s0+$0xE0]  }
0x34: {  	s2 =	simm.s32 $0x0;
	s6 =	simm.s32 $0x300;
	v36 =	vld [tilespmem:s0+$0xFFFFFF00];
	[tilespmem:s0+$0x90] =	vst v37;
	v37 =	vshll.u32 v61, $0x1  }
.LBB2_2:
0x35: {  	v38 =	vld [tilespmem:s6+$0xF0];
	s2 =	sadd.s32 $0x4, s2;
	[tilespmem:s0+$0xA0] =	vst v37;
	v32 =	vshll.u32 v32, $0x1  }
0x36: {  	v37 =	vld [tilespmem:s6+$0xFFFFFF10];
	p0 =	slt.u32 s2, $0xC4;
	[tilespmem:s0+$0xB0] =	vst v32;
	v32 =	vshll.u32 v33, $0x1  }
0x37: {  	v33 =	vld [tilespmem:s6+$0xFFFFFF20];
	[tilespmem:s0+$0xC0] =	vst v32;
	v32 =	vshll.u32 v34, $0x1  }
0x38: {  	v34 =	vld [tilespmem:s6+$0xFFFFFF30];
	[tilespmem:s0+$0xD0] =	vst v32;
	v32 =	vshll.u32 v35, $0x1  }
0x39: {  	v35 =	vld [tilespmem:s6+$0xFFFFFF40];
	v36 =	vshll.u32 v36, $0x1;
	[tilespmem:s0+$0xE0] =	vst v32  }
0x3a: {  	v32 =	vld [tilespmem:s6+$0xFFFFFF50];
	v38 =	vshll.u32 v38, $0x1;
	[tilespmem:s0+$0xFFFFFF00] =	vst v36;
	s0 =	smov.u32 s6  }
0x3b: {  	v36 =	vshll.u32 v37, $0x1;
	v37 =	vld [tilespmem:s6+$0xFFFFFF60];
	[tilespmem:s6+$0xF0] =	vst v38  }
0x3c: {  	[tilespmem:s6+$0xFFFFFF10] =	vst v36;
	v33 =	vshll.u32 v33, $0x1;
	v36 =	vld [tilespmem:s6+$0xFFFFFF70]  }
0x3d: {  	[tilespmem:s6+$0xFFFFFF20] =	vst v33;
	v33 =	vshll.u32 v34, $0x1;
	v34 =	vld [tilespmem:s6+$0xFFFFFF80]  }
0x3e: {  	[tilespmem:s6+$0xFFFFFF30] =	vst v33;
	v33 =	vshll.u32 v35, $0x1;
	v35 =	vld [tilespmem:s6+$0xFFFFFF90]  }
0x3f: {  	[tilespmem:s6+$0xFFFFFF40] =	vst v33;
	v32 =	vshll.u32 v32, $0x1;
	v33 =	vld [tilespmem:s6+$0xFFFFFFA0]  }
0x40: {  	[tilespmem:s6+$0xFFFFFF50] =	vst v32;
	v32 =	vshll.u32 v37, $0x1;
	v37 =	vld [tilespmem:s6+$0xFFFFFFB0]  }
0x41: {  	[tilespmem:s6+$0xFFFFFF60] =	vst v32;
	v32 =	vshll.u32 v36, $0x1;
	v36 =	vld [tilespmem:s6+$0xFFFFFFC0]  }
0x42: {  	[tilespmem:s6+$0xFFFFFF70] =	vst v32;
	v32 =	vshll.u32 v34, $0x1;
	v34 =	vld [tilespmem:s6+$0xFFFFFFD0]  }
0x43: {  	[tilespmem:s6+$0xFFFFFF80] =	vst v32;
	v32 =	vshll.u32 v35, $0x1;
	v35 =	vld [tilespmem:s6+$0xFFFFFFE0]  }
0x44: {  	[tilespmem:s6+$0xFFFFFF90] =	vst v32;
	v32 =	vshll.u32 v33, $0x1;
	v33 =	vld [tilespmem:s6+$0xFFFFFFF0]  }
0x45: {  	[tilespmem:s6+$0xFFFFFFA0] =	vst v32;
	v32 =	vshll.u32 v37, $0x1;
	v37 =	vld [tilespmem:s6+$0x0]  }
0x46: {  	[tilespmem:s6+$0xFFFFFFB0] =	vst v32;
	v32 =	vshll.u32 v36, $0x1;
	v36 =	vld [tilespmem:s6+$0x10]  }
0x47: {  	[tilespmem:s6+$0xFFFFFFC0] =	vst v32;
	v32 =	vshll.u32 v34, $0x1;
	v34 =	vld [tilespmem:s6+$0x20]  }
0x48: {  	[tilespmem:s6+$0xFFFFFFD0] =	vst v32;
	v32 =	vshll.u32 v35, $0x1;
	v35 =	vld [tilespmem:s6+$0x30]  }
0x49: {  	[tilespmem:s6+$0xFFFFFFE0] =	vst v32;
	v32 =	vshll.u32 v33, $0x1;
	v33 =	vld [tilespmem:s6+$0x40]  }
0x4a: {  	[tilespmem:s6+$0xFFFFFFF0] =	vst v32;
	v32 =	vshll.u32 v37, $0x1;
	v37 =	vld [tilespmem:s6+$0x50]  }
0x4b: {  	[tilespmem:s6+$0x0] =	vst v32;
	v32 =	vshll.u32 v36, $0x1;
	v36 =	vld [tilespmem:s6+$0x60]  }
0x4c: {  	[tilespmem:s6+$0x10] =	vst v32;
	v32 =	vshll.u32 v34, $0x1;
	v34 =	vld [tilespmem:s6+$0x70]  }
0x4d: {  	[tilespmem:s6+$0x20] =	vst v32;
	v32 =	vshll.u32 v35, $0x1;
	v35 =	vld [tilespmem:s6+$0x80]  }
0x4e: {  	[tilespmem:s6+$0x30] =	vst v32;
	v32 =	vshll.u32 v33, $0x1;
	v38 =	vld [tilespmem:s6+$0x90]  }
0x4f: {  	[tilespmem:s6+$0x40] =	vst v32;
	v32 =	vshll.u32 v37, $0x1;
	v37 =	vld [tilespmem:s6+$0xA0]  }
.Ltmp0:
0x50: {  	[tilespmem:s6+$0x50] =	vst v32;
	v33 =	vshll.u32 v36, $0x1;
	v32 =	vld [tilespmem:s6+$0xB0];
	(pc) =	sbr.rel @p0 .LBB2_2-.Ltmp0, $4  }
0x51: {  	[tilespmem:s6+$0x60] =	vst v33;
	v34 =	vshll.u32 v34, $0x1;
	v33 =	vld [tilespmem:s6+$0xC0]  }
0x52: {  	[tilespmem:s6+$0x70] =	vst v34;
	v35 =	vshll.u32 v35, $0x1;
	v34 =	vld [tilespmem:s6+$0xD0]  }
0x53: {  	[tilespmem:s6+$0x80] =	vst v35;
	v38 =	vshll.u32 v38, $0x1;
	v35 =	vld [tilespmem:s6+$0xE0]  }
0x54: {  	s6 =	sadd.s32 $0x200, s6;
	v36 =	vld [tilespmem:s0+$0xFFFFFF00];
	[tilespmem:s0+$0x90] =	vst v38;
	v37 =	vshll.u32 v37, $0x1  }
0x55: {  	[tilespmem:s0+$0xA0] =	vst v37;
	v32 =	vshll.u32 v32, $0x1  }
0x56: {  	[tilespmem:s0+$0xB0] =	vst v32;
	v60 =	vshll.u32 v33, $0x1  }
0x57: {  	[tilespmem:s0+$0xC0] =	vst v60;
	v61 =	vshll.u32 v34, $0x1  }
0x58: {  	[tilespmem:s0+$0xD0] =	vst v61;
	v62 =	vshll.u32 v35, $0x1  }
0x59: {  	v63 =	vshll.u32 v36, $0x1;
	[tilespmem:s0+$0xE0] =	vst v62  }
0x5a: {  	s31 =	simm.s32 $0x6400;
	s29 =	simm.s32 $0x0;
	[tilespmem:s0+$0xFFFFFF00] =	vst v63  }
0x5b: {  	[tilespmem:s31], [sflag:$0x1] =	stream.indirect.gather [hbm4b:s4+s9], $0x40, s28, s9, $0xb8;
	[tilespmem:$0x16C00] =	vst v63  }
.LBB2_4:
0x5c: {  	p0 =	seq.s32 s29, $0x0  }
0x5d: {  	s30 =	sshll.u32 s29, $0x2;
	s2 =	simm.s32 @!p0 $0x6  }
0x5e: {  	s0 =	sor.u32 $0x1, s30;
	_ =	swait.ge @!p0 [sflag:s2], $0x2000  }
0x5f: {  	s6 =	sshll.u32 s0, $0x7;
	[sflag:s2] =	ssyncset.done @!p0 $0x0  }
0x60: {  	s7 =	sand.u32 $0x3FFFFF80, s6;
	[sflag:s2] =	ssyncadd.s32 @!p0 $0xFFFFE000  }
0x61: {  	[tilespmem:s11], [sflag:$0x2] =	stream.indirect.gather [hbm4b:s4+s9], $0x40, s7, s9, $0xb8;
	[tilespmem:$0x16C00] =	vst v63  }
0x62: {  	s8 =	simm.s32 $0xE;
	_ =	swait.ge [sflag:s12], $0x2000  }
0x63: {  	s10 =	simm.s32 $0x2;
	v32 =	vmov s8;
	s8 =	simm.s32 $0x6;
	[sflag:s12] =	ssyncset.done $0x0  }
0x64: {  	v33 =	vmov s10;
	v32 =	vand.u32 $0x78, v32;
	v36 =	vmov s8;
	s2 =	simm.s32 $0x6600;
	s7 =	simm.s32 $0x4;
	[sflag:s12] =	ssyncadd.s32 $0xFFFFE000  }
0x65: {  	s10 =	simm.s32 $0xA;
	v33 =	vand.u32 $0x70, v33;
	v35 =	vbroadcast v32, $0x0;
	v34 =	vmov s7;
	v38 =	vld [tilespmem:s2+$0x180]  }
0x66: {  	v57 =	vmov s10;
	v37 =	vbroadcast v33, $0x0;
	v34 =	vand.u32 $0x70, v34;
	v39 =	vld [tilespmem:s2+$0xFFFFFE80]  }
0x67: {  	v58 =	vand.u32 $0x70, v36;
	v41 =	vadd.s32 v24, v35;
	v36 =	vbroadcast v34, $0x0;
	v40 =	vld [tilespmem:s2+$0xFFFFFF00]  }
0x68: {  	v32 =	vand.u32 $0x78, v57;
	v43 =	vadd.s32 v8, v37;
	s7 =	simm.s32 $0xC;
	v34 =	vbroadcast v58, $0x0;
	v44 =	vld [tilespmem:s2+$0xFFFFFF80]  }
0x69: {  	v33 =	vbroadcast v32, $0x0;
	v42 =	vmov s7;
	v46 =	vld [tilespmem:s2+$0x0];
	v45 =	vadd.s32 v16, v36  }
0x6a: {  	s8 =	simm.s32 $0x8;
	v42 =	vand.u32 $0x78, v42;
	v48 =	vld [tilespmem:s2+$0x80];
	v47 =	vadd.s32 v24, v34;
	v38 =	vmul.f32 $8.000000000e+00, v38  }
0x6b: {  	v49 =	vadd.s32 s8, v0;
	v50 =	vld [tilespmem:s2+$0x100];
	v32 =	vbroadcast v42, $0x0;
	v39 =	vmul.f32 $8.000000000e+00, v39  }
0x6c: {  	v51 =	vadd.s32 v8, v33;
	v59 =	vld [tilespmem:s2+$0xFFFFFE00];
	v40 =	vmul.f32 $8.000000000e+00, v40;
	[tilespmem:v41+s13+$0x0] =	vst.idx.msk $0xffff, v38  }
0x6d: {  	v61 =	vadd.s32 v16, v32;
	v60 =	vmul.f32 $8.000000000e+00, v44;
	[tilespmem:v43+s13+$0x0] =	vst.idx.msk $0xffff, v39;
	v41 =	vld [tilespmem:s2+$0x190]  }
0x6e: {  	v62 =	vadd.s32 s28, v0;
	v52 =	vmul.f32 $8.000000000e+00, v46;
	[tilespmem:v45+s13+$0x0] =	vst.idx.msk $0xffff, v40;
	v63 =	vld [tilespmem:s2+$0xFFFFFE90]  }
0x6f: {  	v53 =	vmul.f32 $8.000000000e+00, v48;
	v46 =	vadd.s32 v25, v35;
	[tilespmem:v47+s13+$0x0] =	vst.idx.msk $0xffff, v60;
	v45 =	vld [tilespmem:s2+$0xFFFFFF10]  }
0x70: {  	v54 =	vadd.s32 v9, v37;
	v56 =	vmul.f32 $8.000000000e+00, v50;
	[tilespmem:v49+s13+$0x0] =	vst.idx.msk $0xffff, v52;
	v55 =	vld [tilespmem:s2+$0xFFFFFF90]  }
0x71: {  	v57 =	vadd.s32 v17, v36;
	v42 =	vmul.f32 $8.000000000e+00, v59;
	[tilespmem:v51+s13+$0x0] =	vst.idx.msk $0xffff, v53;
	v58 =	vld [tilespmem:s2+$0x10]  }
0x72: {  	v59 =	vadd.s32 v25, v34;
	[tilespmem:v61+s13+$0x0] =	vst.idx.msk $0xffff, v56;
	v51 =	vld [tilespmem:s2+$0x90];
	v60 =	vmul.f32 $8.000000000e+00, v41  }
0x73: {  	[tilespmem:v62+s13+$0x0] =	vst.idx.msk $0xffff, v42;
	v62 =	vadd.s32 s8, v1;
	v61 =	vmul.f32 $8.000000000e+00, v63;
	v63 =	vld [tilespmem:s2+$0x110]  }
0x74: {  	v43 =	vld [tilespmem:s2+$0xFFFFFE10];
	v52 =	vmul.f32 $8.000000000e+00, v45;
	v45 =	vadd.s32 v9, v33;
	[tilespmem:v46+s13+$0x0] =	vst.idx.msk $0xffff, v60  }
0x75: {  	v40 =	vadd.s32 v17, v32;
	v53 =	vmul.f32 $8.000000000e+00, v55;
	[tilespmem:v54+s13+$0x0] =	vst.idx.msk $0xffff, v61;
	v46 =	vld [tilespmem:s2+$0x1A0]  }
0x76: {  	v56 =	vmul.f32 $8.000000000e+00, v58;
	v54 =	vadd.s32 s28, v1;
	[tilespmem:v57+s13+$0x0] =	vst.idx.msk $0xffff, v52;
	v55 =	vld [tilespmem:s2+$0xFFFFFEA0]  }
0x77: {  	v58 =	vadd.s32 v26, v35;
	[tilespmem:v59+s13+$0x0] =	vst.idx.msk $0xffff, v53;
	v57 =	vmul.f32 $8.000000000e+00, v51;
	v49 =	vld [tilespmem:s2+$0xFFFFFF20]  }
0x78: {  	v59 =	vadd.s32 v10, v37;
	[tilespmem:v62+s13+$0x0] =	vst.idx.msk $0xffff, v56;
	v60 =	vld [tilespmem:s2+$0xFFFFFFA0];
	v61 =	vmul.f32 $8.000000000e+00, v63  }
0x79: {  	v62 =	vmul.f32 $8.000000000e+00, v43;
	v44 =	vld [tilespmem:s2+$0x20];
	v63 =	vadd.s32 v18, v36;
	[tilespmem:v45+s13+$0x0] =	vst.idx.msk $0xffff, v57  }
0x7a: {  	v38 =	vadd.s32 v26, v34;
	v45 =	vld [tilespmem:s2+$0xA0];
	[tilespmem:v40+s13+$0x0] =	vst.idx.msk $0xffff, v61;
	v53 =	vmul.f32 $8.000000000e+00, v46  }
0x7b: {  	[tilespmem:v54+s13+$0x0] =	vst.idx.msk $0xffff, v62;
	v54 =	vmul.f32 $8.000000000e+00, v55;
	v55 =	vadd.s32 s8, v2;
	v56 =	vld [tilespmem:s2+$0x120]  }
0x7c: {  	v47 =	vld [tilespmem:s2+$0xFFFFFE20];
	v57 =	vmul.f32 $8.000000000e+00, v49;
	v49 =	vadd.s32 v10, v33;
	[tilespmem:v58+s13+$0x0] =	vst.idx.msk $0xffff, v53  }
0x7d: {  	[tilespmem:v59+s13+$0x0] =	vst.idx.msk $0xffff, v54;
	v58 =	vmul.f32 $8.000000000e+00, v60;
	v59 =	vadd.s32 v18, v32;
	v60 =	vld [tilespmem:s2+$0x1B0]  }
0x7e: {  	v61 =	vadd.s32 s28, v2;
	[tilespmem:v63+s13+$0x0] =	vst.idx.msk $0xffff, v57;
	v63 =	vmul.f32 $8.000000000e+00, v44;
	v62 =	vld [tilespmem:s2+$0xFFFFFEB0]  }
0x7f: {  	v39 =	vadd.s32 v27, v35;
	v52 =	vld [tilespmem:s2+$0xFFFFFF30];
	v53 =	vmul.f32 $8.000000000e+00, v45;
	[tilespmem:v38+s13+$0x0] =	vst.idx.msk $0xffff, v58  }
0x80: {  	v45 =	vadd.s32 v11, v37;
	v48 =	vld [tilespmem:s2+$0xFFFFFFB0];
	[tilespmem:v55+s13+$0x0] =	vst.idx.msk $0xffff, v63;
	v54 =	vmul.f32 $8.000000000e+00, v56  }
0x81: {  	v55 =	vmul.f32 $8.000000000e+00, v47;
	v56 =	vadd.s32 v19, v36;
	[tilespmem:v49+s13+$0x0] =	vst.idx.msk $0xffff, v53;
	v57 =	vld [tilespmem:s2+$0x30]  }
0x82: {  	v58 =	vadd.s32 v27, v34;
	v49 =	vld [tilespmem:s2+$0xB0];
	[tilespmem:v59+s13+$0x0] =	vst.idx.msk $0xffff, v54;
	v59 =	vmul.f32 $8.000000000e+00, v60  }
0x83: {  	[tilespmem:v61+s13+$0x0] =	vst.idx.msk $0xffff, v55;
	v61 =	vadd.s32 s8, v3;
	v60 =	vmul.f32 $8.000000000e+00, v62;
	v62 =	vld [tilespmem:s2+$0x130]  }
0x84: {  	v63 =	vadd.s32 v11, v33;
	v50 =	vld [tilespmem:s2+$0xFFFFFE30];
	v44 =	vmul.f32 $8.000000000e+00, v52;
	[tilespmem:v39+s13+$0x0] =	vst.idx.msk $0xffff, v59  }
0x85: {  	v40 =	vadd.s32 v19, v32;
	[tilespmem:v45+s13+$0x0] =	vst.idx.msk $0xffff, v60;
	v53 =	vmul.f32 $8.000000000e+00, v48;
	v41 =	vld [tilespmem:s2+$0x1C0]  }
0x86: {  	v45 =	vadd.s32 s28, v3;
	[tilespmem:v56+s13+$0x0] =	vst.idx.msk $0xffff, v44;
	v48 =	vld [tilespmem:s2+$0xFFFFFEC0];
	v54 =	vmul.f32 $8.000000000e+00, v57  }
0x87: {  	v56 =	vadd.s32 v28, v35;
	v46 =	vld [tilespmem:s2+$0xFFFFFF40];
	v55 =	vmul.f32 $8.000000000e+00, v49;
	[tilespmem:v58+s13+$0x0] =	vst.idx.msk $0xffff, v53  }
0x88: {  	v57 =	vadd.s32 v12, v37;
	v58 =	vld [tilespmem:s2+$0xFFFFFFC0];
	[tilespmem:v61+s13+$0x0] =	vst.idx.msk $0xffff, v54;
	v59 =	vmul.f32 $8.000000000e+00, v62  }
0x89: {  	v60 =	vmul.f32 $8.000000000e+00, v50;
	v61 =	vadd.s32 v20, v36;
	[tilespmem:v63+s13+$0x0] =	vst.idx.msk $0xffff, v55;
	v62 =	vld [tilespmem:s2+$0x40]  }
0x8a: {  	v63 =	vadd.s32 v28, v34;
	v51 =	vld [tilespmem:s2+$0xC0];
	[tilespmem:v40+s13+$0x0] =	vst.idx.msk $0xffff, v59;
	v52 =	vmul.f32 $8.000000000e+00, v41  }
0x8b: {  	v42 =	vadd.s32 s8, v4;
	[tilespmem:v45+s13+$0x0] =	vst.idx.msk $0xffff, v60;
	v53 =	vmul.f32 $8.000000000e+00, v48;
	v54 =	vld [tilespmem:s2+$0x140]  }
0x8c: {  	v45 =	vld [tilespmem:s2+$0xFFFFFE40];
	v46 =	vmul.f32 $8.000000000e+00, v46;
	v48 =	vadd.s32 v12, v33;
	[tilespmem:v56+s13+$0x0] =	vst.idx.msk $0xffff, v52  }
0x8d: {  	v40 =	vadd.s32 v20, v32;
	[tilespmem:v57+s13+$0x0] =	vst.idx.msk $0xffff, v53;
	v55 =	vmul.f32 $8.000000000e+00, v58;
	v58 =	vld [tilespmem:s2+$0x1D0]  }
0x8e: {  	v56 =	vadd.s32 s28, v4;
	[tilespmem:v61+s13+$0x0] =	vst.idx.msk $0xffff, v46;
	v57 =	vld [tilespmem:s2+$0xFFFFFED0];
	v59 =	vmul.f32 $8.000000000e+00, v62  }
0x8f: {  	v61 =	vadd.s32 v29, v35;
	v46 =	vld [tilespmem:s2+$0xFFFFFF50];
	v60 =	vmul.f32 $8.000000000e+00, v51;
	[tilespmem:v63+s13+$0x0] =	vst.idx.msk $0xffff, v55  }
0x90: {  	v62 =	vadd.s32 v13, v37;
	v63 =	vld [tilespmem:s2+$0xFFFFFFD0];
	[tilespmem:v42+s13+$0x0] =	vst.idx.msk $0xffff, v59;
	v52 =	vmul.f32 $8.000000000e+00, v54  }
0x91: {  	v44 =	vadd.s32 v21, v36;
	v53 =	vmul.f32 $8.000000000e+00, v45;
	[tilespmem:v48+s13+$0x0] =	vst.idx.msk $0xffff, v60;
	v54 =	vld [tilespmem:s2+$0x50]  }
0x92: {  	v55 =	vadd.s32 v29, v34;
	v48 =	vld [tilespmem:s2+$0xD0];
	[tilespmem:v40+s13+$0x0] =	vst.idx.msk $0xffff, v52;
	v58 =	vmul.f32 $8.000000000e+00, v58  }
0x93: {  	v42 =	vadd.s32 s8, v5;
	[tilespmem:v56+s13+$0x0] =	vst.idx.msk $0xffff, v53;
	v59 =	vmul.f32 $8.000000000e+00, v57;
	v60 =	vld [tilespmem:s2+$0x150]  }
0x94: {  	v56 =	vadd.s32 v13, v33;
	v47 =	vld [tilespmem:s2+$0xFFFFFE50];
	v46 =	vmul.f32 $8.000000000e+00, v46;
	[tilespmem:v61+s13+$0x0] =	vst.idx.msk $0xffff, v58  }
0x95: {  	v40 =	vadd.s32 v21, v32;
	[tilespmem:v62+s13+$0x0] =	vst.idx.msk $0xffff, v59;
	v61 =	vmul.f32 $8.000000000e+00, v63;
	v62 =	vld [tilespmem:s2+$0x1E0]  }
0x96: {  	v63 =	vadd.s32 s28, v5;
	[tilespmem:v44+s13+$0x0] =	vst.idx.msk $0xffff, v46;
	v57 =	vld [tilespmem:s2+$0xFFFFFEE0];
	v58 =	vmul.f32 $8.000000000e+00, v54  }
0x97: {  	v46 =	vadd.s32 v30, v35;
	v45 =	vld [tilespmem:s2+$0xFFFFFF60];
	v59 =	vmul.f32 $8.000000000e+00, v48;
	[tilespmem:v55+s13+$0x0] =	vst.idx.msk $0xffff, v61  }
0x98: {  	v48 =	vadd.s32 v14, v37;
	v52 =	vld [tilespmem:s2+$0xFFFFFFE0];
	[tilespmem:v42+s13+$0x0] =	vst.idx.msk $0xffff, v58;
	v60 =	vmul.f32 $8.000000000e+00, v60  }
0x99: {  	v44 =	vadd.s32 v22, v36;
	v61 =	vmul.f32 $8.000000000e+00, v47;
	[tilespmem:v56+s13+$0x0] =	vst.idx.msk $0xffff, v59;
	v47 =	vld [tilespmem:s2+$0x60]  }
0x9a: {  	v38 =	vadd.s32 s28, v7;
	v53 =	vadd.s32 v30, v34;
	v54 =	vld [tilespmem:s2+$0xE0];
	[tilespmem:v40+s13+$0x0] =	vst.idx.msk $0xffff, v60;
	v62 =	vmul.f32 $8.000000000e+00, v62  }
0x9b: {  	v39 =	vadd.s32 s8, v7;
	v50 =	vadd.s32 s8, v6;
	[tilespmem:v63+s13+$0x0] =	vst.idx.msk $0xffff, v61;
	v63 =	vmul.f32 $8.000000000e+00, v57;
	v55 =	vld [tilespmem:s2+$0x160]  }
0x9c: {  	v41 =	vadd.s32 s28, v6;
	v56 =	vld [tilespmem:s2+$0xFFFFFE60];
	v45 =	vmul.f32 $8.000000000e+00, v45;
	v57 =	vadd.s32 v14, v33;
	[tilespmem:v46+s13+$0x0] =	vst.idx.msk $0xffff, v62  }
0x9d: {  	v51 =	vadd.s32 v31, v35;
	v58 =	vadd.s32 v22, v32;
	[tilespmem:v48+s13+$0x0] =	vst.idx.msk $0xffff, v63;
	v52 =	vmul.f32 $8.000000000e+00, v52;
	v59 =	vld [tilespmem:s2+$0x1F0]  }
0x9e: {  	s8 =	simm.s32 $0x14;
	v35 =	vadd.s32 v23, v36;
	v36 =	vadd.s32 v31, v34;
	[tilespmem:v44+s13+$0x0] =	vst.idx.msk $0xffff, v45;
	v43 =	vld [tilespmem:s2+$0xFFFFFEF0];
	v61 =	vmul.f32 $8.000000000e+00, v47  }
0x9f: {  	s10 =	simm.s32 $0x12;
	v37 =	vadd.s32 v15, v37;
	v60 =	vmov s8;
	s8 =	simm.s32 $0x1A;
	v49 =	vld [tilespmem:s2+$0xFFFFFF70];
	v62 =	vmul.f32 $8.000000000e+00, v54;
	[tilespmem:v53+s13+$0x0] =	vst.idx.msk $0xffff, v52  }
0xa0: {  	v42 =	vmov s8;
	v46 =	vmov s10;
	s10 =	simm.s32 $0x16;
	v44 =	vld [tilespmem:s2+$0xFFFFFFF0];
	[tilespmem:v50+s13+$0x0] =	vst.idx.msk $0xffff, v61;
	v63 =	vmul.f32 $8.000000000e+00, v55  }
0xa1: {  	v48 =	vmov s10;
	s10 =	simm.s32 $0x1C;
	v45 =	vand.u32 $0x70, v46;
	v52 =	vmul.f32 $8.000000000e+00, v56;
	[tilespmem:v57+s13+$0x0] =	vst.idx.msk $0xffff, v62;
	v46 =	vld [tilespmem:s2+$0x70]  }
0xa2: {  	s31 =	simm.s32 $0x10;
	s6 =	simm.s32 $0x1E;
	v47 =	vand.u32 $0x70, v60;
	v40 =	vmov s10;
	s10 =	simm.s32 $0x20;
	v50 =	vld [tilespmem:s2+$0xF0];
	[tilespmem:v58+s13+$0x0] =	vst.idx.msk $0xffff, v63;
	v34 =	vmul.f32 $8.000000000e+00, v59  }
.LBB2_5:
0xa3: {  	p1 =	slt.u32 s10, $0x70;
	v48 =	vand.u32 $0x70, v48;
	v53 =	vmov s6;
	[tilespmem:v41+s13+$0x0] =	vst.idx.msk $0xffff, v52;
	v41 =	vmul.f32 $8.000000000e+00, v43;
	v43 =	vld [tilespmem:s2+$0x170]  }
0xa4: {  	v33 =	vadd.s32 v15, v33;
	v52 =	vand.u32 $0x78, v53;
	v53 =	vld [tilespmem:s2+$0xFFFFFE70];
	v49 =	vmul.f32 $8.000000000e+00, v49;
	[tilespmem:v51+s13+$0x0] =	vst.idx.msk $0xffff, v34;
	s2 =	sadd.s32 $0x400, s2  }
0xa5: {  	v32 =	vadd.s32 v23, v32;
	v51 =	vld [tilespmem:s2+$0x180];
	v34 =	vbroadcast v52, $0x0;
	[tilespmem:v37+s13+$0x0] =	vst.idx.msk $0xffff, v41;
	v41 =	vmul.f32 $8.000000000e+00, v44  }
0xa6: {  	v42 =	vand.u32 $0x78, v42;
	v37 =	vbroadcast v45, $0x0;
	v44 =	vld [tilespmem:s2+$0xFFFFFE80];
	[tilespmem:v35+s13+$0x0] =	vst.idx.msk $0xffff, v49;
	v45 =	vmul.f32 $8.000000000e+00, v46  }
0xa7: {  	v35 =	vbroadcast v47, $0x0;
	v46 =	vld [tilespmem:s2+$0xFFFFFF00];
	v47 =	vadd.s32 v24, v34;
	[tilespmem:v36+s13+$0x0] =	vst.idx.msk $0xffff, v41;
	v41 =	vmul.f32 $8.000000000e+00, v50  }
0xa8: {  	v49 =	vadd.s32 v8, v37;
	v36 =	vbroadcast v48, $0x0;
	v50 =	vld [tilespmem:s2+$0xFFFFFF80];
	[tilespmem:v39+s13+$0x0] =	vst.idx.msk $0xffff, v45;
	v39 =	vmul.f32 $8.000000000e+00, v43  }
0xa9: {  	v40 =	vand.u32 $0x78, v40;
	v43 =	vadd.s32 v16, v35;
	v45 =	vld [tilespmem:s2+$0x0];
	v48 =	vmul.f32 $8.000000000e+00, v53;
	[tilespmem:v33+s13+$0x0] =	vst.idx.msk $0xffff, v41  }
0xaa: {  	s6 =	sadd.s32 $0x8, s31;
	v41 =	vadd.s32 v24, v36;
	v33 =	vbroadcast v42, $0x0;
	v52 =	vld [tilespmem:s2+$0x80];
	v42 =	vmul.f32 $8.000000000e+00, v51;
	[tilespmem:v32+s13+$0x0] =	vst.idx.msk $0xffff, v39  }
0xab: {  	v32 =	vbroadcast v40, $0x0;
	v39 =	vmul.f32 $8.000000000e+00, v44;
	v44 =	vadd.s32 s6, v0;
	v51 =	vld [tilespmem:s2+$0x100];
	[tilespmem:v38+s13+$0x0] =	vst.idx.msk $0xffff, v48  }
0xac: {  	v38 =	vld [tilespmem:s2+$0xFFFFFE00];
	v40 =	vmul.f32 $8.000000000e+00, v46;
	v46 =	vadd.s32 v8, v33;
	[tilespmem:v47+s13+$0x0] =	vst.idx.msk $0xffff, v42  }
0xad: {  	v42 =	vadd.s32 v16, v32;
	[tilespmem:v49+s13+$0x0] =	vst.idx.msk $0xffff, v39;
	v39 =	vmul.f32 $8.000000000e+00, v50;
	v47 =	vld [tilespmem:s2+$0x190]  }
0xae: {  	v48 =	vadd.s32 s31, v0;
	v49 =	vld [tilespmem:s2+$0xFFFFFE90];
	[tilespmem:v43+s13+$0x0] =	vst.idx.msk $0xffff, v40;
	v40 =	vmul.f32 $8.000000000e+00, v45  }
0xaf: {  	v43 =	vld [tilespmem:s2+$0xFFFFFF10];
	[tilespmem:v41+s13+$0x0] =	vst.idx.msk $0xffff, v39;
	v39 =	vmul.f32 $8.000000000e+00, v52;
	v41 =	vadd.s32 v25, v34  }
0xb0: {  	v45 =	vadd.s32 v9, v37;
	v50 =	vld [tilespmem:s2+$0xFFFFFF90];
	[tilespmem:v44+s13+$0x0] =	vst.idx.msk $0xffff, v40;
	v40 =	vmul.f32 $8.000000000e+00, v51  }
0xb1: {  	v44 =	vadd.s32 v17, v35;
	v38 =	vmul.f32 $8.000000000e+00, v38;
	v51 =	vld [tilespmem:s2+$0x10];
	[tilespmem:v46+s13+$0x0] =	vst.idx.msk $0xffff, v39  }
0xb2: {  	v39 =	vadd.s32 v25, v36;
	v46 =	vld [tilespmem:s2+$0x90];
	[tilespmem:v42+s13+$0x0] =	vst.idx.msk $0xffff, v40;
	v40 =	vmul.f32 $8.000000000e+00, v47  }
0xb3: {  	v42 =	vadd.s32 s6, v1;
	[tilespmem:v48+s13+$0x0] =	vst.idx.msk $0xffff, v38;
	v38 =	vmul.f32 $8.000000000e+00, v49;
	v47 =	vld [tilespmem:s2+$0x110]  }
0xb4: {  	v49 =	vadd.s32 v9, v33;
	v48 =	vld [tilespmem:s2+$0xFFFFFE10];
	v43 =	vmul.f32 $8.000000000e+00, v43;
	[tilespmem:v41+s13+$0x0] =	vst.idx.msk $0xffff, v40  }
0xb5: {  	v40 =	vadd.s32 v17, v32;
	[tilespmem:v45+s13+$0x0] =	vst.idx.msk $0xffff, v38;
	v38 =	vmul.f32 $8.000000000e+00, v50;
	v41 =	vld [tilespmem:s2+$0x1A0]  }
0xb6: {  	v45 =	vadd.s32 s31, v1;
	v50 =	vld [tilespmem:s2+$0xFFFFFEA0];
	[tilespmem:v44+s13+$0x0] =	vst.idx.msk $0xffff, v43;
	v43 =	vmul.f32 $8.000000000e+00, v51  }
0xb7: {  	v44 =	vld [tilespmem:s2+$0xFFFFFF20];
	[tilespmem:v39+s13+$0x0] =	vst.idx.msk $0xffff, v38;
	v38 =	vmul.f32 $8.000000000e+00, v46;
	v39 =	vadd.s32 v26, v34  }
0xb8: {  	v46 =	vadd.s32 v10, v37;
	v51 =	vld [tilespmem:s2+$0xFFFFFFA0];
	[tilespmem:v42+s13+$0x0] =	vst.idx.msk $0xffff, v43;
	v42 =	vmul.f32 $8.000000000e+00, v47  }
0xb9: {  	v47 =	vadd.s32 v18, v35;
	v43 =	vmul.f32 $8.000000000e+00, v48;
	v48 =	vld [tilespmem:s2+$0x20];
	[tilespmem:v49+s13+$0x0] =	vst.idx.msk $0xffff, v38  }
0xba: {  	v38 =	vadd.s32 v26, v36;
	v49 =	vld [tilespmem:s2+$0xA0];
	[tilespmem:v40+s13+$0x0] =	vst.idx.msk $0xffff, v42;
	v40 =	vmul.f32 $8.000000000e+00, v41  }
0xbb: {  	v42 =	vadd.s32 s6, v2;
	[tilespmem:v45+s13+$0x0] =	vst.idx.msk $0xffff, v43;
	v41 =	vmul.f32 $8.000000000e+00, v50;
	v43 =	vld [tilespmem:s2+$0x120]  }
0xbc: {  	v50 =	vadd.s32 v10, v33;
	v45 =	vld [tilespmem:s2+$0xFFFFFE20];
	v44 =	vmul.f32 $8.000000000e+00, v44;
	[tilespmem:v39+s13+$0x0] =	vst.idx.msk $0xffff, v40  }
0xbd: {  	v40 =	vadd.s32 v18, v32;
	[tilespmem:v46+s13+$0x0] =	vst.idx.msk $0xffff, v41;
	v39 =	vmul.f32 $8.000000000e+00, v51;
	v41 =	vld [tilespmem:s2+$0x1B0]  }
0xbe: {  	v46 =	vadd.s32 s31, v2;
	v51 =	vld [tilespmem:s2+$0xFFFFFEB0];
	[tilespmem:v47+s13+$0x0] =	vst.idx.msk $0xffff, v44;
	v44 =	vmul.f32 $8.000000000e+00, v48  }
0xbf: {  	v47 =	vld [tilespmem:s2+$0xFFFFFF30];
	[tilespmem:v38+s13+$0x0] =	vst.idx.msk $0xffff, v39;
	v38 =	vmul.f32 $8.000000000e+00, v49;
	v39 =	vadd.s32 v27, v34  }
0xc0: {  	v48 =	vadd.s32 v11, v37;
	v49 =	vld [tilespmem:s2+$0xFFFFFFB0];
	[tilespmem:v42+s13+$0x0] =	vst.idx.msk $0xffff, v44;
	v42 =	vmul.f32 $8.000000000e+00, v43  }
0xc1: {  	v44 =	vadd.s32 v19, v35;
	v43 =	vmul.f32 $8.000000000e+00, v45;
	v45 =	vld [tilespmem:s2+$0x30];
	[tilespmem:v50+s13+$0x0] =	vst.idx.msk $0xffff, v38  }
0xc2: {  	v38 =	vadd.s32 v27, v36;
	v50 =	vld [tilespmem:s2+$0xB0];
	[tilespmem:v40+s13+$0x0] =	vst.idx.msk $0xffff, v42;
	v40 =	vmul.f32 $8.000000000e+00, v41  }
0xc3: {  	v42 =	vadd.s32 s6, v3;
	[tilespmem:v46+s13+$0x0] =	vst.idx.msk $0xffff, v43;
	v41 =	vmul.f32 $8.000000000e+00, v51;
	v43 =	vld [tilespmem:s2+$0x130]  }
0xc4: {  	v51 =	vadd.s32 v11, v33;
	v46 =	vld [tilespmem:s2+$0xFFFFFE30];
	v47 =	vmul.f32 $8.000000000e+00, v47;
	[tilespmem:v39+s13+$0x0] =	vst.idx.msk $0xffff, v40  }
0xc5: {  	v40 =	vadd.s32 v19, v32;
	[tilespmem:v48+s13+$0x0] =	vst.idx.msk $0xffff, v41;
	v39 =	vmul.f32 $8.000000000e+00, v49;
	v41 =	vld [tilespmem:s2+$0x1C0]  }
0xc6: {  	v48 =	vadd.s32 s31, v3;
	v49 =	vld [tilespmem:s2+$0xFFFFFEC0];
	[tilespmem:v44+s13+$0x0] =	vst.idx.msk $0xffff, v47;
	v44 =	vmul.f32 $8.000000000e+00, v45  }
0xc7: {  	v45 =	vld [tilespmem:s2+$0xFFFFFF40];
	[tilespmem:v38+s13+$0x0] =	vst.idx.msk $0xffff, v39;
	v38 =	vmul.f32 $8.000000000e+00, v50;
	v39 =	vadd.s32 v28, v34  }
0xc8: {  	v47 =	vadd.s32 v12, v37;
	v50 =	vld [tilespmem:s2+$0xFFFFFFC0];
	[tilespmem:v42+s13+$0x0] =	vst.idx.msk $0xffff, v44;
	v42 =	vmul.f32 $8.000000000e+00, v43  }
0xc9: {  	v44 =	vadd.s32 v20, v35;
	v43 =	vmul.f32 $8.000000000e+00, v46;
	v46 =	vld [tilespmem:s2+$0x40];
	[tilespmem:v51+s13+$0x0] =	vst.idx.msk $0xffff, v38  }
0xca: {  	v38 =	vadd.s32 v28, v36;
	v51 =	vld [tilespmem:s2+$0xC0];
	[tilespmem:v40+s13+$0x0] =	vst.idx.msk $0xffff, v42;
	v40 =	vmul.f32 $8.000000000e+00, v41  }
0xcb: {  	v42 =	vadd.s32 s6, v4;
	[tilespmem:v48+s13+$0x0] =	vst.idx.msk $0xffff, v43;
	v41 =	vmul.f32 $8.000000000e+00, v49;
	v43 =	vld [tilespmem:s2+$0x140]  }
0xcc: {  	v49 =	vadd.s32 v12, v33;
	v48 =	vld [tilespmem:s2+$0xFFFFFE40];
	v45 =	vmul.f32 $8.000000000e+00, v45;
	[tilespmem:v39+s13+$0x0] =	vst.idx.msk $0xffff, v40  }
0xcd: {  	v40 =	vadd.s32 v20, v32;
	[tilespmem:v47+s13+$0x0] =	vst.idx.msk $0xffff, v41;
	v39 =	vmul.f32 $8.000000000e+00, v50;
	v41 =	vld [tilespmem:s2+$0x1D0]  }
0xce: {  	v47 =	vadd.s32 s31, v4;
	v50 =	vld [tilespmem:s2+$0xFFFFFED0];
	[tilespmem:v44+s13+$0x0] =	vst.idx.msk $0xffff, v45;
	v44 =	vmul.f32 $8.000000000e+00, v46  }
0xcf: {  	v45 =	vld [tilespmem:s2+$0xFFFFFF50];
	[tilespmem:v38+s13+$0x0] =	vst.idx.msk $0xffff, v39;
	v38 =	vmul.f32 $8.000000000e+00, v51;
	v39 =	vadd.s32 v29, v34  }
0xd0: {  	v46 =	vadd.s32 v13, v37;
	v51 =	vld [tilespmem:s2+$0xFFFFFFD0];
	[tilespmem:v42+s13+$0x0] =	vst.idx.msk $0xffff, v44;
	v42 =	vmul.f32 $8.000000000e+00, v43  }
0xd1: {  	v44 =	vadd.s32 v21, v35;
	v43 =	vmul.f32 $8.000000000e+00, v48;
	v48 =	vld [tilespmem:s2+$0x50];
	[tilespmem:v49+s13+$0x0] =	vst.idx.msk $0xffff, v38  }
0xd2: {  	v38 =	vadd.s32 v29, v36;
	v49 =	vld [tilespmem:s2+$0xD0];
	[tilespmem:v40+s13+$0x0] =	vst.idx.msk $0xffff, v42;
	v40 =	vmul.f32 $8.000000000e+00, v41  }
0xd3: {  	v42 =	vadd.s32 s6, v5;
	[tilespmem:v47+s13+$0x0] =	vst.idx.msk $0xffff, v43;
	v41 =	vmul.f32 $8.000000000e+00, v50;
	v43 =	vld [tilespmem:s2+$0x150]  }
0xd4: {  	v50 =	vadd.s32 v13, v33;
	v47 =	vld [tilespmem:s2+$0xFFFFFE50];
	v45 =	vmul.f32 $8.000000000e+00, v45;
	[tilespmem:v39+s13+$0x0] =	vst.idx.msk $0xffff, v40  }
0xd5: {  	v40 =	vadd.s32 v21, v32;
	[tilespmem:v46+s13+$0x0] =	vst.idx.msk $0xffff, v41;
	v39 =	vmul.f32 $8.000000000e+00, v51;
	v41 =	vld [tilespmem:s2+$0x1E0]  }
0xd6: {  	v46 =	vadd.s32 s31, v5;
	v51 =	vld [tilespmem:s2+$0xFFFFFEE0];
	[tilespmem:v44+s13+$0x0] =	vst.idx.msk $0xffff, v45;
	v44 =	vmul.f32 $8.000000000e+00, v48  }
0xd7: {  	v48 =	vadd.s32 v30, v34;
	v45 =	vld [tilespmem:s2+$0xFFFFFF60];
	[tilespmem:v38+s13+$0x0] =	vst.idx.msk $0xffff, v39;
	v38 =	vmul.f32 $8.000000000e+00, v49  }
0xd8: {  	v49 =	vadd.s32 v14, v37;
	v52 =	vld [tilespmem:s2+$0xFFFFFFE0];
	[tilespmem:v42+s13+$0x0] =	vst.idx.msk $0xffff, v44;
	v39 =	vmul.f32 $8.000000000e+00, v43  }
0xd9: {  	v44 =	vadd.s32 v22, v35;
	v42 =	vmul.f32 $8.000000000e+00, v47;
	v47 =	vld [tilespmem:s2+$0x60];
	[tilespmem:v50+s13+$0x0] =	vst.idx.msk $0xffff, v38  }
0xda: {  	v38 =	vadd.s32 s31, v7;
	v50 =	vadd.s32 v30, v36;
	v53 =	vld [tilespmem:s2+$0xE0];
	[tilespmem:v40+s13+$0x0] =	vst.idx.msk $0xffff, v39;
	v40 =	vmul.f32 $8.000000000e+00, v41  }
0xdb: {  	v41 =	vadd.s32 s31, v6;
	s31 =	smov.u32 s10;
	[tilespmem:v46+s13+$0x0] =	vst.idx.msk $0xffff, v42;
	v42 =	vmul.f32 $8.000000000e+00, v51;
	v46 =	vadd.s32 s6, v6;
	v54 =	vld [tilespmem:s2+$0x160]  }
0xdc: {  	s7 =	sadd.s32 $0x2, s10;
	v56 =	vadd.s32 v14, v33;
	v39 =	vadd.s32 s6, v7;
	v55 =	vld [tilespmem:s2+$0xFFFFFE60];
	v45 =	vmul.f32 $8.000000000e+00, v45;
	[tilespmem:v48+s13+$0x0] =	vst.idx.msk $0xffff, v40  }
0xdd: {  	v57 =	vmov s7;
	s7 =	sadd.s32 $0x6, s10;
	v58 =	vadd.s32 v22, v32;
	s6 =	sadd.s32 $0x4, s10;
	[tilespmem:v49+s13+$0x0] =	vst.idx.msk $0xffff, v42;
	v40 =	vmul.f32 $8.000000000e+00, v52;
	v59 =	vld [tilespmem:s2+$0x1F0]  }
.Ltmp1:
0xde: {  	v60 =	vmov s6;
	v48 =	vmov s7;
	s6 =	sadd.s32 $0xA, s10;
	v43 =	vld [tilespmem:s2+$0xFFFFFEF0];
	[tilespmem:v44+s13+$0x0] =	vst.idx.msk $0xffff, v45;
	v45 =	vmul.f32 $8.000000000e+00, v47;
	(pc) =	sbr.rel @p1 .LBB2_5-.Ltmp1, $4  }
0xdf: {  	v51 =	vadd.s32 v31, v34;
	v42 =	vmov s6;
	s6 =	sadd.s32 $0xC, s10;
	v49 =	vld [tilespmem:s2+$0xFFFFFF70];
	[tilespmem:v50+s13+$0x0] =	vst.idx.msk $0xffff, v40;
	v47 =	vmul.f32 $8.000000000e+00, v53  }
0xe0: {  	v37 =	vadd.s32 v15, v37;
	v40 =	vmov s6;
	v44 =	vld [tilespmem:s2+$0xFFFFFFF0];
	[tilespmem:v46+s13+$0x0] =	vst.idx.msk $0xffff, v45;
	v34 =	vmul.f32 $8.000000000e+00, v54  }
0xe1: {  	v35 =	vadd.s32 v23, v35;
	v45 =	vand.u32 $0x70, v57;
	v52 =	vmul.f32 $8.000000000e+00, v55;
	v46 =	vld [tilespmem:s2+$0x70];
	[tilespmem:v56+s13+$0x0] =	vst.idx.msk $0xffff, v47  }
0xe2: {  	v36 =	vadd.s32 v31, v36;
	s10 =	sadd.s32 $0x10, s10;
	s6 =	sadd.s32 $0xE, s31;
	v47 =	vand.u32 $0x70, v60;
	v50 =	vld [tilespmem:s2+$0xF0];
	[tilespmem:v58+s13+$0x0] =	vst.idx.msk $0xffff, v34;
	v34 =	vmul.f32 $8.000000000e+00, v59  }
0xe3: {  	_ =	sdelay $0x3  }
0xe4: {  	v48 =	vand.u32 $0x70, v48;
	v53 =	vmov s6;
	[tilespmem:v41+s13+$0x0] =	vst.idx.msk $0xffff, v52;
	v62 =	vmul.f32 $8.000000000e+00, v43;
	v43 =	vld [tilespmem:s2+$0x170]  }
0xe5: {  	v54 =	vadd.s32 v15, v33;
	s10 =	sadd.s32 $0x400, s2;
	v63 =	vand.u32 $0x78, v53;
	v57 =	vld [tilespmem:s2+$0xFFFFFE70];
	v49 =	vmul.f32 $8.000000000e+00, v49;
	[tilespmem:v51+s13+$0x0] =	vst.idx.msk $0xffff, v34  }
0xe6: {  	v59 =	vadd.s32 v23, v32;
	v51 =	vld [tilespmem:s10+$0x180];
	v33 =	vbroadcast v63, $0x0;
	[tilespmem:v37+s13+$0x0] =	vst.idx.msk $0xffff, v62;
	v58 =	vmul.f32 $8.000000000e+00, v44  }
0xe7: {  	v32 =	vbroadcast v45, $0x0;
	v42 =	vand.u32 $0x78, v42;
	v60 =	vld [tilespmem:s10+$0xFFFFFE80];
	[tilespmem:v35+s13+$0x0] =	vst.idx.msk $0xffff, v49;
	v61 =	vmul.f32 $8.000000000e+00, v46  }
0xe8: {  	v34 =	vbroadcast v47, $0x0;
	v46 =	vld [tilespmem:s10+$0xFFFFFF00];
	v47 =	vadd.s32 v24, v33;
	[tilespmem:v36+s13+$0x0] =	vst.idx.msk $0xffff, v58;
	v62 =	vmul.f32 $8.000000000e+00, v50  }
0xe9: {  	v49 =	vadd.s32 v8, v32;
	v35 =	vbroadcast v48, $0x0;
	v50 =	vld [tilespmem:s10+$0xFFFFFF80];
	[tilespmem:v39+s13+$0x0] =	vst.idx.msk $0xffff, v61;
	v63 =	vmul.f32 $8.000000000e+00, v43  }
0xea: {  	v40 =	vand.u32 $0x78, v40;
	v39 =	vadd.s32 v16, v34;
	v43 =	vld [tilespmem:s10+$0x0];
	v56 =	vmul.f32 $8.000000000e+00, v57;
	[tilespmem:v54+s13+$0x0] =	vst.idx.msk $0xffff, v62  }
0xeb: {  	s7 =	sadd.s32 $0x8, s31;
	v36 =	vbroadcast v42, $0x0;
	v48 =	vadd.s32 v24, v35;
	v57 =	vld [tilespmem:s10+$0x80];
	v58 =	vmul.f32 $8.000000000e+00, v51;
	[tilespmem:v59+s13+$0x0] =	vst.idx.msk $0xffff, v63  }
0xec: {  	v44 =	vadd.s32 s7, v0;
	v37 =	vbroadcast v40, $0x0;
	v59 =	vmul.f32 $8.000000000e+00, v60;
	v60 =	vld [tilespmem:s10+$0x100];
	[tilespmem:v38+s13+$0x0] =	vst.idx.msk $0xffff, v56  }
0xed: {  	v61 =	vld [tilespmem:s10+$0xFFFFFE00];
	v63 =	vadd.s32 v8, v36;
	v62 =	vmul.f32 $8.000000000e+00, v46;
	[tilespmem:v47+s13+$0x0] =	vst.idx.msk $0xffff, v58  }
0xee: {  	v42 =	vadd.s32 v16, v37;
	[tilespmem:v49+s13+$0x0] =	vst.idx.msk $0xffff, v59;
	v53 =	vmul.f32 $8.000000000e+00, v50;
	v46 =	vld [tilespmem:s10+$0x190]  }
0xef: {  	v54 =	vadd.s32 s31, v0;
	v49 =	vld [tilespmem:s10+$0xFFFFFE90];
	[tilespmem:v39+s13+$0x0] =	vst.idx.msk $0xffff, v62;
	v55 =	vmul.f32 $8.000000000e+00, v43  }
0xf0: {  	v40 =	vld [tilespmem:s10+$0xFFFFFF10];
	[tilespmem:v48+s13+$0x0] =	vst.idx.msk $0xffff, v53;
	v56 =	vmul.f32 $8.000000000e+00, v57;
	v57 =	vadd.s32 v25, v33  }
0xf1: {  	v58 =	vadd.s32 v9, v32;
	v59 =	vld [tilespmem:s10+$0xFFFFFF90];
	[tilespmem:v44+s13+$0x0] =	vst.idx.msk $0xffff, v55;
	v60 =	vmul.f32 $8.000000000e+00, v60  }
0xf2: {  	v38 =	vmul.f32 $8.000000000e+00, v61;
	v61 =	vadd.s32 v17, v34;
	v62 =	vld [tilespmem:s10+$0x10];
	[tilespmem:v63+s13+$0x0] =	vst.idx.msk $0xffff, v56  }
0xf3: {  	v63 =	vadd.s32 v25, v35;
	v45 =	vld [tilespmem:s10+$0x90];
	[tilespmem:v42+s13+$0x0] =	vst.idx.msk $0xffff, v60;
	v52 =	vmul.f32 $8.000000000e+00, v46  }
0xf4: {  	[tilespmem:v54+s13+$0x0] =	vst.idx.msk $0xffff, v38;
	v42 =	vadd.s32 s7, v1;
	v53 =	vmul.f32 $8.000000000e+00, v49;
	v46 =	vld [tilespmem:s10+$0x110]  }
0xf5: {  	v54 =	vadd.s32 v9, v36;
	v47 =	vld [tilespmem:s10+$0xFFFFFE10];
	v40 =	vmul.f32 $8.000000000e+00, v40;
	[tilespmem:v57+s13+$0x0] =	vst.idx.msk $0xffff, v52  }
0xf6: {  	v56 =	vadd.s32 v17, v37;
	[tilespmem:v58+s13+$0x0] =	vst.idx.msk $0xffff, v53;
	v55 =	vmul.f32 $8.000000000e+00, v59;
	v43 =	vld [tilespmem:s10+$0x1A0]  }
0xf7: {  	v57 =	vadd.s32 s31, v1;
	v58 =	vld [tilespmem:s10+$0xFFFFFEA0];
	[tilespmem:v61+s13+$0x0] =	vst.idx.msk $0xffff, v40;
	v59 =	vmul.f32 $8.000000000e+00, v62  }
0xf8: {  	v61 =	vadd.s32 v26, v33;
	v44 =	vld [tilespmem:s10+$0xFFFFFF20];
	[tilespmem:v63+s13+$0x0] =	vst.idx.msk $0xffff, v55;
	v60 =	vmul.f32 $8.000000000e+00, v45  }
0xf9: {  	v62 =	vadd.s32 v10, v32;
	v63 =	vld [tilespmem:s10+$0xFFFFFFA0];
	[tilespmem:v42+s13+$0x0] =	vst.idx.msk $0xffff, v59;
	v52 =	vmul.f32 $8.000000000e+00, v46  }
0xfa: {  	v53 =	vmul.f32 $8.000000000e+00, v47;
	v46 =	vadd.s32 v18, v34;
	v47 =	vld [tilespmem:s10+$0x20];
	[tilespmem:v54+s13+$0x0] =	vst.idx.msk $0xffff, v60  }
0xfb: {  	v54 =	vadd.s32 v26, v35;
	v49 =	vld [tilespmem:s10+$0xA0];
	[tilespmem:v56+s13+$0x0] =	vst.idx.msk $0xffff, v52;
	v55 =	vmul.f32 $8.000000000e+00, v43  }
0xfc: {  	[tilespmem:v57+s13+$0x0] =	vst.idx.msk $0xffff, v53;
	v57 =	vadd.s32 s7, v2;
	v56 =	vmul.f32 $8.000000000e+00, v58;
	v58 =	vld [tilespmem:s10+$0x120]  }
0xfd: {  	v59 =	vadd.s32 v10, v36;
	v48 =	vld [tilespmem:s10+$0xFFFFFE20];
	v44 =	vmul.f32 $8.000000000e+00, v44;
	[tilespmem:v61+s13+$0x0] =	vst.idx.msk $0xffff, v55  }
0xfe: {  	[tilespmem:v62+s13+$0x0] =	vst.idx.msk $0xffff, v56;
	v60 =	vmul.f32 $8.000000000e+00, v63;
	v61 =	vadd.s32 v18, v37;
	v41 =	vld [tilespmem:s10+$0x1B0]  }
0xff: {  	v62 =	vadd.s32 s31, v2;
	v63 =	vld [tilespmem:s10+$0xFFFFFEB0];
	[tilespmem:v46+s13+$0x0] =	vst.idx.msk $0xffff, v44;
	v52 =	vmul.f32 $8.000000000e+00, v47  }
0x100: {  	v39 =	vadd.s32 v27, v33;
	v46 =	vld [tilespmem:s10+$0xFFFFFF30];
	[tilespmem:v54+s13+$0x0] =	vst.idx.msk $0xffff, v60;
	v53 =	vmul.f32 $8.000000000e+00, v49  }
0x101: {  	v47 =	vadd.s32 v11, v32;
	v49 =	vld [tilespmem:s10+$0xFFFFFFB0];
	[tilespmem:v57+s13+$0x0] =	vst.idx.msk $0xffff, v52;
	v54 =	vmul.f32 $8.000000000e+00, v58  }
0x102: {  	v56 =	vadd.s32 v19, v34;
	v55 =	vmul.f32 $8.000000000e+00, v48;
	v57 =	vld [tilespmem:s10+$0x30];
	[tilespmem:v59+s13+$0x0] =	vst.idx.msk $0xffff, v53  }
0x103: {  	v58 =	vadd.s32 v27, v35;
	v50 =	vld [tilespmem:s10+$0xB0];
	[tilespmem:v61+s13+$0x0] =	vst.idx.msk $0xffff, v54;
	v59 =	vmul.f32 $8.000000000e+00, v41  }
0x104: {  	[tilespmem:v62+s13+$0x0] =	vst.idx.msk $0xffff, v55;
	v61 =	vadd.s32 s7, v3;
	v60 =	vmul.f32 $8.000000000e+00, v63;
	v62 =	vld [tilespmem:s10+$0x130]  }
0x105: {  	v45 =	vld [tilespmem:s10+$0xFFFFFE30];
	v63 =	vadd.s32 v11, v36;
	v46 =	vmul.f32 $8.000000000e+00, v46;
	[tilespmem:v39+s13+$0x0] =	vst.idx.msk $0xffff, v59  }
0x106: {  	v40 =	vadd.s32 v19, v37;
	[tilespmem:v47+s13+$0x0] =	vst.idx.msk $0xffff, v60;
	v53 =	vmul.f32 $8.000000000e+00, v49;
	v41 =	vld [tilespmem:s10+$0x1C0]  }
0x107: {  	v47 =	vadd.s32 s31, v3;
	v54 =	vld [tilespmem:s10+$0xFFFFFEC0];
	[tilespmem:v56+s13+$0x0] =	vst.idx.msk $0xffff, v46;
	v55 =	vmul.f32 $8.000000000e+00, v57  }
0x108: {  	v39 =	vadd.s32 v28, v33;
	v46 =	vld [tilespmem:s10+$0xFFFFFF40];
	[tilespmem:v58+s13+$0x0] =	vst.idx.msk $0xffff, v53;
	v56 =	vmul.f32 $8.000000000e+00, v50  }
0x109: {  	v57 =	vadd.s32 v12, v32;
	v58 =	vld [tilespmem:s10+$0xFFFFFFC0];
	[tilespmem:v61+s13+$0x0] =	vst.idx.msk $0xffff, v55;
	v59 =	vmul.f32 $8.000000000e+00, v62  }
0x10a: {  	v60 =	vmul.f32 $8.000000000e+00, v45;
	v61 =	vadd.s32 v20, v34;
	v62 =	vld [tilespmem:s10+$0x40];
	[tilespmem:v63+s13+$0x0] =	vst.idx.msk $0xffff, v56  }
0x10b: {  	v63 =	vadd.s32 v28, v35;
	v51 =	vld [tilespmem:s10+$0xC0];
	[tilespmem:v40+s13+$0x0] =	vst.idx.msk $0xffff, v59;
	v53 =	vmul.f32 $8.000000000e+00, v41  }
0x10c: {  	v55 =	vadd.s32 s7, v4;
	[tilespmem:v47+s13+$0x0] =	vst.idx.msk $0xffff, v60;
	v54 =	vmul.f32 $8.000000000e+00, v54;
	v56 =	vld [tilespmem:s10+$0x140]  }
0x10d: {  	v49 =	vadd.s32 v12, v36;
	v47 =	vld [tilespmem:s10+$0xFFFFFE40];
	v46 =	vmul.f32 $8.000000000e+00, v46;
	[tilespmem:v39+s13+$0x0] =	vst.idx.msk $0xffff, v53  }
0x10e: {  	v40 =	vadd.s32 v20, v37;
	[tilespmem:v57+s13+$0x0] =	vst.idx.msk $0xffff, v54;
	v57 =	vmul.f32 $8.000000000e+00, v58;
	v58 =	vld [tilespmem:s10+$0x1D0]  }
0x10f: {  	v48 =	vadd.s32 s31, v4;
	v50 =	vld [tilespmem:s10+$0xFFFFFED0];
	[tilespmem:v61+s13+$0x0] =	vst.idx.msk $0xffff, v46;
	v59 =	vmul.f32 $8.000000000e+00, v62  }
0x110: {  	v61 =	vadd.s32 v29, v33;
	v45 =	vld [tilespmem:s10+$0xFFFFFF50];
	[tilespmem:v63+s13+$0x0] =	vst.idx.msk $0xffff, v57;
	v60 =	vmul.f32 $8.000000000e+00, v51  }
0x111: {  	v62 =	vadd.s32 v13, v32;
	v63 =	vld [tilespmem:s10+$0xFFFFFFD0];
	[tilespmem:v55+s13+$0x0] =	vst.idx.msk $0xffff, v59;
	v53 =	vmul.f32 $8.000000000e+00, v56  }
0x112: {  	v54 =	vmul.f32 $8.000000000e+00, v47;
	v55 =	vadd.s32 v21, v34;
	v56 =	vld [tilespmem:s10+$0x50];
	[tilespmem:v49+s13+$0x0] =	vst.idx.msk $0xffff, v60  }
0x113: {  	v57 =	vadd.s32 v29, v35;
	v49 =	vld [tilespmem:s10+$0xD0];
	[tilespmem:v40+s13+$0x0] =	vst.idx.msk $0xffff, v53;
	v58 =	vmul.f32 $8.000000000e+00, v58  }
0x114: {  	v42 =	vadd.s32 s7, v5;
	[tilespmem:v48+s13+$0x0] =	vst.idx.msk $0xffff, v54;
	v59 =	vmul.f32 $8.000000000e+00, v50;
	v60 =	vld [tilespmem:s10+$0x150]  }
0x115: {  	v48 =	vld [tilespmem:s10+$0xFFFFFE50];
	v50 =	vadd.s32 v13, v36;
	v45 =	vmul.f32 $8.000000000e+00, v45;
	[tilespmem:v61+s13+$0x0] =	vst.idx.msk $0xffff, v58  }
0x116: {  	v40 =	vadd.s32 v21, v37;
	[tilespmem:v62+s13+$0x0] =	vst.idx.msk $0xffff, v59;
	v61 =	vmul.f32 $8.000000000e+00, v63;
	v62 =	vld [tilespmem:s10+$0x1E0]  }
0x117: {  	v63 =	vadd.s32 s31, v5;
	v54 =	vld [tilespmem:s10+$0xFFFFFEE0];
	[tilespmem:v55+s13+$0x0] =	vst.idx.msk $0xffff, v45;
	v55 =	vmul.f32 $8.000000000e+00, v56  }
0x118: {  	v45 =	vld [tilespmem:s10+$0xFFFFFF60];
	[tilespmem:v57+s13+$0x0] =	vst.idx.msk $0xffff, v61;
	v56 =	vmul.f32 $8.000000000e+00, v49;
	v57 =	vadd.s32 v30, v33  }
0x119: {  	v58 =	vadd.s32 v14, v32;
	v59 =	vld [tilespmem:s10+$0xFFFFFFE0];
	[tilespmem:v42+s13+$0x0] =	vst.idx.msk $0xffff, v55;
	v60 =	vmul.f32 $8.000000000e+00, v60  }
0x11a: {  	v44 =	vadd.s32 v22, v34;
	v61 =	vmul.f32 $8.000000000e+00, v48;
	v48 =	vld [tilespmem:s10+$0x60];
	[tilespmem:v50+s13+$0x0] =	vst.idx.msk $0xffff, v56  }
0x11b: {  	v38 =	vadd.s32 v30, v35;
	v50 =	vld [tilespmem:s10+$0xE0];
	[tilespmem:v40+s13+$0x0] =	vst.idx.msk $0xffff, v60;
	v62 =	vmul.f32 $8.000000000e+00, v62  }
0x11c: {  	[tilespmem:v63+s13+$0x0] =	vst.idx.msk $0xffff, v61;
	v63 =	vmul.f32 $8.000000000e+00, v54;
	v54 =	vadd.s32 s7, v6;
	v55 =	vld [tilespmem:s10+$0x160]  }
0x11d: {  	v56 =	vadd.s32 v14, v36;
	v46 =	vld [tilespmem:s10+$0xFFFFFE60];
	v45 =	vmul.f32 $8.000000000e+00, v45;
	[tilespmem:v57+s13+$0x0] =	vst.idx.msk $0xffff, v62  }
0x11e: {  	[tilespmem:v58+s13+$0x0] =	vst.idx.msk $0xffff, v63;
	v57 =	vmul.f32 $8.000000000e+00, v59;
	v58 =	vadd.s32 v22, v37;
	v59 =	vld [tilespmem:s10+$0x1F0]  }
0x11f: {  	v60 =	vadd.s32 s31, v6;
	v61 =	vld [tilespmem:s10+$0xFFFFFEF0];
	[tilespmem:v44+s13+$0x0] =	vst.idx.msk $0xffff, v45;
	v62 =	vmul.f32 $8.000000000e+00, v48  }
0x120: {  	v33 =	vadd.s32 v31, v33;
	v45 =	vld [tilespmem:s10+$0xFFFFFF70];
	[tilespmem:v38+s13+$0x0] =	vst.idx.msk $0xffff, v57;
	v63 =	vmul.f32 $8.000000000e+00, v50  }
0x121: {  	v32 =	vadd.s32 v15, v32;
	v39 =	vld [tilespmem:s10+$0xFFFFFFF0];
	[tilespmem:v54+s13+$0x0] =	vst.idx.msk $0xffff, v62;
	v48 =	vmul.f32 $8.000000000e+00, v55  }
0x122: {  	v34 =	vadd.s32 v23, v34;
	v50 =	vmul.f32 $8.000000000e+00, v46;
	v44 =	vld [tilespmem:s10+$0x70];
	[tilespmem:v56+s13+$0x0] =	vst.idx.msk $0xffff, v63  }
0x123: {  	v35 =	vadd.s32 v31, v35;
	v38 =	vld [tilespmem:s10+$0xF0];
	[tilespmem:v58+s13+$0x0] =	vst.idx.msk $0xffff, v48;
	v52 =	vmul.f32 $8.000000000e+00, v59  }
0x124: {  	v53 =	vadd.s32 s7, v7;
	[tilespmem:v60+s13+$0x0] =	vst.idx.msk $0xffff, v50;
	v54 =	vmul.f32 $8.000000000e+00, v61;
	v55 =	vld [tilespmem:s10+$0x170]  }
0x125: {  	v36 =	vadd.s32 v15, v36;
	v56 =	vld [tilespmem:s10+$0xFFFFFE70];
	v45 =	vmul.f32 $8.000000000e+00, v45;
	[tilespmem:v33+s13+$0x0] =	vst.idx.msk $0xffff, v52  }
0x126: {  	v58 =	vadd.s32 v23, v37;
	[tilespmem:v32+s13+$0x0] =	vst.idx.msk $0xffff, v54;
	v57 =	vmul.f32 $8.000000000e+00, v39  }
0x127: {  	v59 =	vadd.s32 s31, v7;
	[tilespmem:v34+s13+$0x0] =	vst.idx.msk $0xffff, v45;
	v60 =	vmul.f32 $8.000000000e+00, v44  }
0x128: {  	s8 =	sadd.s32 s5, s30;
	[tilespmem:v35+s13+$0x0] =	vst.idx.msk $0xffff, v57;
	v61 =	vmul.f32 $8.000000000e+00, v38  }
0x129: {  	s2 =	sshll.u32 s8, $0x4;
	s7 =	sshll.u32 s29, $0x11;
	s10 =	sshll.u32 s8, $0xA;
	[tilespmem:v53+s13+$0x0] =	vst.idx.msk $0xffff, v60;
	v62 =	vmul.f32 $8.000000000e+00, v55  }
0x12a: {  	s2 =	sand.u32 $0xF80, s2;
	s7 =	sand.u32 $0x20000, s7;
	s6 =	sand.u32 $0xFFC0000, s10;
	v63 =	vmul.f32 $8.000000000e+00, v56;
	[tilespmem:v36+s13+$0x0] =	vst.idx.msk $0xffff, v61  }
0x12b: {  	s2 =	sadd.s32 s1, s2;
	s6 =	sor.u32 s6, s7;
	[tilespmem:v58+s13+$0x0] =	vst.idx.msk $0xffff, v62  }
0x12c: {  	s7 =	simm.s32 $0xE400;
	s6 =	sadd.s32 s6, s2;
	[tilespmem:v59+s13+$0x0] =	vst.idx.msk $0xffff, v63  }
0x12d: {  	[hbm4b:s6+s3] =	stream.linear.scatter [tilespmem:s7], [sflag:$0x5], $0x80, $0x38;
	[tilespmem:$0x16C00] =	vst v63  }
0x12e: {  	s8 =	simm.s32 $0xE488;
	s10 =	sadd.s32 $0x10, s6  }
0x12f: {  	[hbm4b:s10+s3] =	stream.linear.scatter [tilespmem:s8], [sflag:$0x5], $0x80, $0x38;
	[tilespmem:$0x16C00] =	vst v63  }
0x130: {  	s8 =	simm.s32 $0xE510;
	s10 =	sadd.s32 $0x20, s6  }
0x131: {  	[hbm4b:s10+s3] =	stream.linear.scatter [tilespmem:s8], [sflag:$0x5], $0x80, $0x38;
	[tilespmem:$0x16C00] =	vst v63  }
0x132: {  	s8 =	simm.s32 $0xE598;
	s10 =	sadd.s32 $0x30, s6  }
0x133: {  	[hbm4b:s10+s3] =	stream.linear.scatter [tilespmem:s8], [sflag:$0x5], $0x80, $0x38;
	[tilespmem:$0x16C00] =	vst v63  }
0x134: {  	s8 =	simm.s32 $0xE620;
	s10 =	sadd.s32 $0x40, s6  }
0x135: {  	[hbm4b:s10+s3] =	stream.linear.scatter [tilespmem:s8], [sflag:$0x5], $0x80, $0x38;
	[tilespmem:$0x16C00] =	vst v63  }
0x136: {  	s2 =	simm.s32 $0x440;
	s8 =	simm.s32 $0xE6A8;
	s10 =	sadd.s32 $0x50, s6  }
0x137: {  	[hbm4b:s10+s3] =	stream.linear.scatter [tilespmem:s8], [sflag:$0x5], $0x80, $0x38;
	[tilespmem:$0x16C00] =	vst v63  }
0x138: {  	s31 =	sadd.s32 $0x70, s6;
	s8 =	simm.s32 $0xE730;
	s10 =	sadd.s32 $0x60, s6  }
0x139: {  	[hbm4b:s10+s3] =	stream.linear.scatter [tilespmem:s8], [sflag:$0x5], $0x80, $0x38;
	[tilespmem:$0x16C00] =	vst v63  }
0x13a: {  	s7 =	simm.s32 $0x2200;
	s6 =	sadd.s32 $0x1000, s6;
	s10 =	simm.s32 $0xE7B8  }
.LBB2_7:
0x13b: {  	[hbm4b:s31+s3] =	stream.linear.scatter [tilespmem:s10], [sflag:$0x5], $0x80, $0x38;
	[tilespmem:$0x16C00] =	vst v63  }
0x13c: {  	s10 =	smov.u32 s2;
	s2 =	smov.u32 s7  }
0x13d: {  	s8 =	sadd.s32 $0x1100, s7;
	s2 =	sshra.s32 s2, $0x2;
	s31 =	sadd.s32 $0xE400, s10  }
0x13e: {  	[hbm4b:s6+s3] =	stream.linear.scatter [tilespmem:s31], [sflag:$0x5], $0x80, $0x38;
	[tilespmem:$0x16C00] =	vst v63  }
0x13f: {  	p1 =	sne.s32 s7, $0x7700;
	s7 =	sadd.s32 $0xE488, s10;
	s31 =	sadd.s32 $0x10, s6  }
0x140: {  	[hbm4b:s31+s3] =	stream.linear.scatter [tilespmem:s7], [sflag:$0x5], $0x80, $0x38;
	[tilespmem:$0x16C00] =	vst v63  }
0x141: {  	s7 =	sadd.s32 $0xE510, s10;
	s31 =	sadd.s32 $0x20, s6  }
0x142: {  	[hbm4b:s31+s3] =	stream.linear.scatter [tilespmem:s7], [sflag:$0x5], $0x80, $0x38;
	[tilespmem:$0x16C00] =	vst v63  }
0x143: {  	s7 =	sadd.s32 $0xE598, s10;
	s31 =	sadd.s32 $0x30, s6  }
0x144: {  	[hbm4b:s31+s3] =	stream.linear.scatter [tilespmem:s7], [sflag:$0x5], $0x80, $0x38;
	[tilespmem:$0x16C00] =	vst v63  }
0x145: {  	s7 =	sadd.s32 $0xE620, s10;
	s31 =	sadd.s32 $0x40, s6  }
0x146: {  	[hbm4b:s31+s3] =	stream.linear.scatter [tilespmem:s7], [sflag:$0x5], $0x80, $0x38;
	[tilespmem:$0x16C00] =	vst v63  }
.Ltmp2:
0x147: {  	s7 =	sadd.s32 $0xE6A8, s10;
	s31 =	sadd.s32 $0x50, s6;
	(pc) =	sbr.rel @p1 .LBB2_7-.Ltmp2, $4  }
0x148: {  	[hbm4b:s31+s3] =	stream.linear.scatter [tilespmem:s7], [sflag:$0x5], $0x80, $0x38;
	[tilespmem:$0x16C00] =	vst v63  }
0x149: {  	s7 =	sadd.s32 $0xE730, s10;
	s31 =	sadd.s32 $0x60, s6;
	s10 =	sadd.s32 $0xE7B8, s10  }
0x14a: {  	[hbm4b:s31+s3] =	stream.linear.scatter [tilespmem:s7], [sflag:$0x5], $0x80, $0x38;
	[tilespmem:$0x16C00] =	vst v63  }
0x14b: {  	s31 =	sadd.s32 $0x70, s6;
	s6 =	sadd.s32 $0x1000, s6;
	s7 =	smov.u32 s8  }
0x14c: {  	[hbm4b:s31+s3] =	stream.linear.scatter [tilespmem:s10], [sflag:$0x5], $0x80, $0x38;
	[tilespmem:$0x16C00] =	vst v63  }
0x14d: {  	s7 =	sadd.s32 $0xE400, s2  }
0x14e: {  	[hbm4b:s6+s3] =	stream.linear.scatter [tilespmem:s7], [sflag:$0x5], $0x80, $0x38;
	[tilespmem:$0x16C00] =	vst v63  }
0x14f: {  	s10 =	sadd.s32 $0xE488, s2;
	s8 =	sadd.s32 $0x10, s6  }
0x150: {  	[hbm4b:s8+s3] =	stream.linear.scatter [tilespmem:s10], [sflag:$0x5], $0x80, $0x38;
	[tilespmem:$0x16C00] =	vst v63  }
0x151: {  	s8 =	sadd.s32 $0xE510, s2;
	s10 =	sadd.s32 $0x20, s6  }
0x152: {  	[hbm4b:s10+s3] =	stream.linear.scatter [tilespmem:s8], [sflag:$0x5], $0x80, $0x38;
	[tilespmem:$0x16C00] =	vst v63  }
0x153: {  	s8 =	sadd.s32 $0xE598, s2;
	s10 =	sadd.s32 $0x30, s6  }
0x154: {  	[hbm4b:s10+s3] =	stream.linear.scatter [tilespmem:s8], [sflag:$0x5], $0x80, $0x38;
	[tilespmem:$0x16C00] =	vst v63  }
0x155: {  	s8 =	sadd.s32 $0xE620, s2;
	s10 =	sadd.s32 $0x40, s6  }
0x156: {  	[hbm4b:s10+s3] =	stream.linear.scatter [tilespmem:s8], [sflag:$0x5], $0x80, $0x38;
	[tilespmem:$0x16C00] =	vst v63  }
0x157: {  	s8 =	sadd.s32 $0xE6A8, s2;
	s10 =	sadd.s32 $0x50, s6  }
0x158: {  	[hbm4b:s10+s3] =	stream.linear.scatter [tilespmem:s8], [sflag:$0x5], $0x80, $0x38;
	[tilespmem:$0x16C00] =	vst v63  }
0x159: {  	s8 =	sadd.s32 $0xE730, s2;
	s10 =	sadd.s32 $0x60, s6  }
0x15a: {  	[hbm4b:s10+s3] =	stream.linear.scatter [tilespmem:s8], [sflag:$0x5], $0x80, $0x38;
	[tilespmem:$0x16C00] =	vst v63  }
0x15b: {  	s7 =	sadd.s32 $0xE7B8, s2;
	s2 =	simm.s32 @!p0 $0x7;
	s8 =	sadd.s32 $0x70, s6  }
0x15c: {  	[hbm4b:s8+s3] =	stream.linear.scatter [tilespmem:s7], [sflag:$0x5], $0x80, $0x38;
	[tilespmem:$0x16C00] =	vst v63  }
0x15d: {  	s31 =	sor.u32 $0x2, s30;
	_ =	swait.ge @!p0 [sflag:s2], $0x2000  }
0x15e: {  	s10 =	sshll.u32 s31, $0x7;
	[sflag:s2] =	ssyncset.done @!p0 $0x0  }
0x15f: {  	s6 =	sand.u32 $0x3FFFFF80, s10;
	[sflag:s2] =	ssyncadd.s32 @!p0 $0xFFFFE000  }
0x160: {  	[tilespmem:s14], [sflag:$0x3] =	stream.indirect.gather [hbm4b:s4+s9], $0x40, s6, s9, $0xb8;
	[tilespmem:$0x16C00] =	vst v63  }
0x161: {  	s7 =	simm.s32 $0xE;
	_ =	swait.ge [sflag:s15], $0x2000  }
0x162: {  	s10 =	simm.s32 $0x4;
	s8 =	simm.s32 $0x2;
	v32 =	vmov s7;
	[sflag:s15] =	ssyncset.done $0x0  }
0x163: {  	v34 =	vmov s10;
	s10 =	simm.s32 $0xA;
	v33 =	vmov s8;
	v32 =	vand.u32 $0x78, v32;
	s2 =	simm.s32 $0x8600;
	[sflag:s15] =	ssyncadd.s32 $0xFFFFE000  }
0x164: {  	s8 =	simm.s32 $0x6;
	v57 =	vmov s10;
	v33 =	vand.u32 $0x70, v33;
	v35 =	vbroadcast v32, $0x0;
	v38 =	vld [tilespmem:s2+$0x180]  }
0x165: {  	v34 =	vand.u32 $0x70, v34;
	v36 =	vmov s8;
	v37 =	vbroadcast v33, $0x0;
	v39 =	vld [tilespmem:s2+$0xFFFFFE80]  }
0x166: {  	s7 =	simm.s32 $0xC;
	v58 =	vand.u32 $0x70, v36;
	v36 =	vbroadcast v34, $0x0;
	v41 =	vadd.s32 v24, v35;
	v40 =	vld [tilespmem:s2+$0xFFFFFF00]  }
0x167: {  	v42 =	vmov s7;
	v34 =	vbroadcast v58, $0x0;
	v43 =	vadd.s32 v8, v37;
	v44 =	vld [tilespmem:s2+$0xFFFFFF80]  }
0x168: {  	v32 =	vand.u32 $0x78, v57;
	v42 =	vand.u32 $0x78, v42;
	v45 =	vadd.s32 v16, v36;
	v46 =	vld [tilespmem:s2+$0x0]  }
0x169: {  	s6 =	simm.s32 $0x8;
	v33 =	vbroadcast v32, $0x0;
	v47 =	vadd.s32 v24, v34;
	v48 =	vld [tilespmem:s2+$0x80];
	v38 =	vmul.f32 $8.000000000e+00, v38  }
0x16a: {  	v32 =	vbroadcast v42, $0x0;
	v49 =	vadd.s32 s6, v0;
	v50 =	vld [tilespmem:s2+$0x100];
	v39 =	vmul.f32 $8.000000000e+00, v39  }
0x16b: {  	v51 =	vadd.s32 v8, v33;
	v59 =	vld [tilespmem:s2+$0xFFFFFE00];
	v40 =	vmul.f32 $8.000000000e+00, v40;
	[tilespmem:v41+s16+$0x0] =	vst.idx.msk $0xffff, v38  }
0x16c: {  	s8 =	simm.s32 $0x0;
	v61 =	vadd.s32 v16, v32;
	v60 =	vmul.f32 $8.000000000e+00, v44;
	[tilespmem:v43+s16+$0x0] =	vst.idx.msk $0xffff, v39;
	v41 =	vld [tilespmem:s2+$0x190]  }
0x16d: {  	v62 =	vadd.s32 s8, v0;
	v52 =	vmul.f32 $8.000000000e+00, v46;
	[tilespmem:v45+s16+$0x0] =	vst.idx.msk $0xffff, v40;
	v63 =	vld [tilespmem:s2+$0xFFFFFE90]  }
0x16e: {  	v53 =	vmul.f32 $8.000000000e+00, v48;
	v46 =	vadd.s32 v25, v35;
	[tilespmem:v47+s16+$0x0] =	vst.idx.msk $0xffff, v60;
	v45 =	vld [tilespmem:s2+$0xFFFFFF10]  }
0x16f: {  	v54 =	vadd.s32 v9, v37;
	v56 =	vmul.f32 $8.000000000e+00, v50;
	[tilespmem:v49+s16+$0x0] =	vst.idx.msk $0xffff, v52;
	v55 =	vld [tilespmem:s2+$0xFFFFFF90]  }
0x170: {  	v57 =	vadd.s32 v17, v36;
	v42 =	vmul.f32 $8.000000000e+00, v59;
	[tilespmem:v51+s16+$0x0] =	vst.idx.msk $0xffff, v53;
	v58 =	vld [tilespmem:s2+$0x10]  }
0x171: {  	v59 =	vadd.s32 v25, v34;
	[tilespmem:v61+s16+$0x0] =	vst.idx.msk $0xffff, v56;
	v51 =	vld [tilespmem:s2+$0x90];
	v60 =	vmul.f32 $8.000000000e+00, v41  }
0x172: {  	[tilespmem:v62+s16+$0x0] =	vst.idx.msk $0xffff, v42;
	v62 =	vadd.s32 s6, v1;
	v61 =	vmul.f32 $8.000000000e+00, v63;
	v63 =	vld [tilespmem:s2+$0x110]  }
0x173: {  	v43 =	vld [tilespmem:s2+$0xFFFFFE10];
	v52 =	vmul.f32 $8.000000000e+00, v45;
	v45 =	vadd.s32 v9, v33;
	[tilespmem:v46+s16+$0x0] =	vst.idx.msk $0xffff, v60  }
0x174: {  	v40 =	vadd.s32 v17, v32;
	v53 =	vmul.f32 $8.000000000e+00, v55;
	[tilespmem:v54+s16+$0x0] =	vst.idx.msk $0xffff, v61;
	v46 =	vld [tilespmem:s2+$0x1A0]  }
0x175: {  	v56 =	vmul.f32 $8.000000000e+00, v58;
	v54 =	vadd.s32 s8, v1;
	[tilespmem:v57+s16+$0x0] =	vst.idx.msk $0xffff, v52;
	v55 =	vld [tilespmem:s2+$0xFFFFFEA0]  }
0x176: {  	v58 =	vadd.s32 v26, v35;
	[tilespmem:v59+s16+$0x0] =	vst.idx.msk $0xffff, v53;
	v57 =	vmul.f32 $8.000000000e+00, v51;
	v49 =	vld [tilespmem:s2+$0xFFFFFF20]  }
0x177: {  	v59 =	vadd.s32 v10, v37;
	[tilespmem:v62+s16+$0x0] =	vst.idx.msk $0xffff, v56;
	v60 =	vld [tilespmem:s2+$0xFFFFFFA0];
	v61 =	vmul.f32 $8.000000000e+00, v63  }
0x178: {  	v62 =	vmul.f32 $8.000000000e+00, v43;
	v44 =	vld [tilespmem:s2+$0x20];
	v63 =	vadd.s32 v18, v36;
	[tilespmem:v45+s16+$0x0] =	vst.idx.msk $0xffff, v57  }
0x179: {  	v38 =	vadd.s32 v26, v34;
	v45 =	vld [tilespmem:s2+$0xA0];
	[tilespmem:v40+s16+$0x0] =	vst.idx.msk $0xffff, v61;
	v53 =	vmul.f32 $8.000000000e+00, v46  }
0x17a: {  	[tilespmem:v54+s16+$0x0] =	vst.idx.msk $0xffff, v62;
	v54 =	vmul.f32 $8.000000000e+00, v55;
	v55 =	vadd.s32 s6, v2;
	v56 =	vld [tilespmem:s2+$0x120]  }
0x17b: {  	v47 =	vld [tilespmem:s2+$0xFFFFFE20];
	v57 =	vmul.f32 $8.000000000e+00, v49;
	v49 =	vadd.s32 v10, v33;
	[tilespmem:v58+s16+$0x0] =	vst.idx.msk $0xffff, v53  }
0x17c: {  	[tilespmem:v59+s16+$0x0] =	vst.idx.msk $0xffff, v54;
	v58 =	vmul.f32 $8.000000000e+00, v60;
	v59 =	vadd.s32 v18, v32;
	v60 =	vld [tilespmem:s2+$0x1B0]  }
0x17d: {  	v61 =	vadd.s32 s8, v2;
	[tilespmem:v63+s16+$0x0] =	vst.idx.msk $0xffff, v57;
	v63 =	vmul.f32 $8.000000000e+00, v44;
	v62 =	vld [tilespmem:s2+$0xFFFFFEB0]  }
0x17e: {  	v39 =	vadd.s32 v27, v35;
	v52 =	vld [tilespmem:s2+$0xFFFFFF30];
	v53 =	vmul.f32 $8.000000000e+00, v45;
	[tilespmem:v38+s16+$0x0] =	vst.idx.msk $0xffff, v58  }
0x17f: {  	v45 =	vadd.s32 v11, v37;
	v48 =	vld [tilespmem:s2+$0xFFFFFFB0];
	[tilespmem:v55+s16+$0x0] =	vst.idx.msk $0xffff, v63;
	v54 =	vmul.f32 $8.000000000e+00, v56  }
0x180: {  	v55 =	vmul.f32 $8.000000000e+00, v47;
	v56 =	vadd.s32 v19, v36;
	[tilespmem:v49+s16+$0x0] =	vst.idx.msk $0xffff, v53;
	v57 =	vld [tilespmem:s2+$0x30]  }
0x181: {  	v58 =	vadd.s32 v27, v34;
	v49 =	vld [tilespmem:s2+$0xB0];
	[tilespmem:v59+s16+$0x0] =	vst.idx.msk $0xffff, v54;
	v59 =	vmul.f32 $8.000000000e+00, v60  }
0x182: {  	[tilespmem:v61+s16+$0x0] =	vst.idx.msk $0xffff, v55;
	v61 =	vadd.s32 s6, v3;
	v60 =	vmul.f32 $8.000000000e+00, v62;
	v62 =	vld [tilespmem:s2+$0x130]  }
0x183: {  	v63 =	vadd.s32 v11, v33;
	v50 =	vld [tilespmem:s2+$0xFFFFFE30];
	v44 =	vmul.f32 $8.000000000e+00, v52;
	[tilespmem:v39+s16+$0x0] =	vst.idx.msk $0xffff, v59  }
0x184: {  	v40 =	vadd.s32 v19, v32;
	[tilespmem:v45+s16+$0x0] =	vst.idx.msk $0xffff, v60;
	v53 =	vmul.f32 $8.000000000e+00, v48;
	v41 =	vld [tilespmem:s2+$0x1C0]  }
0x185: {  	v45 =	vadd.s32 s8, v3;
	[tilespmem:v56+s16+$0x0] =	vst.idx.msk $0xffff, v44;
	v48 =	vld [tilespmem:s2+$0xFFFFFEC0];
	v54 =	vmul.f32 $8.000000000e+00, v57  }
0x186: {  	v56 =	vadd.s32 v28, v35;
	v46 =	vld [tilespmem:s2+$0xFFFFFF40];
	v55 =	vmul.f32 $8.000000000e+00, v49;
	[tilespmem:v58+s16+$0x0] =	vst.idx.msk $0xffff, v53  }
0x187: {  	v57 =	vadd.s32 v12, v37;
	v58 =	vld [tilespmem:s2+$0xFFFFFFC0];
	[tilespmem:v61+s16+$0x0] =	vst.idx.msk $0xffff, v54;
	v59 =	vmul.f32 $8.000000000e+00, v62  }
0x188: {  	v60 =	vmul.f32 $8.000000000e+00, v50;
	v61 =	vadd.s32 v20, v36;
	[tilespmem:v63+s16+$0x0] =	vst.idx.msk $0xffff, v55;
	v62 =	vld [tilespmem:s2+$0x40]  }
0x189: {  	v63 =	vadd.s32 v28, v34;
	v51 =	vld [tilespmem:s2+$0xC0];
	[tilespmem:v40+s16+$0x0] =	vst.idx.msk $0xffff, v59;
	v52 =	vmul.f32 $8.000000000e+00, v41  }
0x18a: {  	v42 =	vadd.s32 s6, v4;
	[tilespmem:v45+s16+$0x0] =	vst.idx.msk $0xffff, v60;
	v53 =	vmul.f32 $8.000000000e+00, v48;
	v54 =	vld [tilespmem:s2+$0x140]  }
0x18b: {  	v45 =	vld [tilespmem:s2+$0xFFFFFE40];
	v46 =	vmul.f32 $8.000000000e+00, v46;
	v48 =	vadd.s32 v12, v33;
	[tilespmem:v56+s16+$0x0] =	vst.idx.msk $0xffff, v52  }
0x18c: {  	v40 =	vadd.s32 v20, v32;
	[tilespmem:v57+s16+$0x0] =	vst.idx.msk $0xffff, v53;
	v55 =	vmul.f32 $8.000000000e+00, v58;
	v58 =	vld [tilespmem:s2+$0x1D0]  }
0x18d: {  	v56 =	vadd.s32 s8, v4;
	[tilespmem:v61+s16+$0x0] =	vst.idx.msk $0xffff, v46;
	v57 =	vld [tilespmem:s2+$0xFFFFFED0];
	v59 =	vmul.f32 $8.000000000e+00, v62  }
0x18e: {  	v61 =	vadd.s32 v29, v35;
	v46 =	vld [tilespmem:s2+$0xFFFFFF50];
	v60 =	vmul.f32 $8.000000000e+00, v51;
	[tilespmem:v63+s16+$0x0] =	vst.idx.msk $0xffff, v55  }
0x18f: {  	v62 =	vadd.s32 v13, v37;
	v63 =	vld [tilespmem:s2+$0xFFFFFFD0];
	[tilespmem:v42+s16+$0x0] =	vst.idx.msk $0xffff, v59;
	v52 =	vmul.f32 $8.000000000e+00, v54  }
0x190: {  	v44 =	vadd.s32 v21, v36;
	v53 =	vmul.f32 $8.000000000e+00, v45;
	[tilespmem:v48+s16+$0x0] =	vst.idx.msk $0xffff, v60;
	v54 =	vld [tilespmem:s2+$0x50]  }
0x191: {  	v55 =	vadd.s32 v29, v34;
	v48 =	vld [tilespmem:s2+$0xD0];
	[tilespmem:v40+s16+$0x0] =	vst.idx.msk $0xffff, v52;
	v58 =	vmul.f32 $8.000000000e+00, v58  }
0x192: {  	v42 =	vadd.s32 s6, v5;
	[tilespmem:v56+s16+$0x0] =	vst.idx.msk $0xffff, v53;
	v59 =	vmul.f32 $8.000000000e+00, v57;
	v60 =	vld [tilespmem:s2+$0x150]  }
0x193: {  	v56 =	vadd.s32 v13, v33;
	v47 =	vld [tilespmem:s2+$0xFFFFFE50];
	v46 =	vmul.f32 $8.000000000e+00, v46;
	[tilespmem:v61+s16+$0x0] =	vst.idx.msk $0xffff, v58  }
0x194: {  	v40 =	vadd.s32 v21, v32;
	[tilespmem:v62+s16+$0x0] =	vst.idx.msk $0xffff, v59;
	v61 =	vmul.f32 $8.000000000e+00, v63;
	v62 =	vld [tilespmem:s2+$0x1E0]  }
0x195: {  	v63 =	vadd.s32 s8, v5;
	[tilespmem:v44+s16+$0x0] =	vst.idx.msk $0xffff, v46;
	v57 =	vld [tilespmem:s2+$0xFFFFFEE0];
	v58 =	vmul.f32 $8.000000000e+00, v54  }
0x196: {  	v46 =	vadd.s32 v30, v35;
	v45 =	vld [tilespmem:s2+$0xFFFFFF60];
	v59 =	vmul.f32 $8.000000000e+00, v48;
	[tilespmem:v55+s16+$0x0] =	vst.idx.msk $0xffff, v61  }
0x197: {  	v48 =	vadd.s32 v14, v37;
	v52 =	vld [tilespmem:s2+$0xFFFFFFE0];
	[tilespmem:v42+s16+$0x0] =	vst.idx.msk $0xffff, v58;
	v60 =	vmul.f32 $8.000000000e+00, v60  }
0x198: {  	v44 =	vadd.s32 v22, v36;
	v61 =	vmul.f32 $8.000000000e+00, v47;
	[tilespmem:v56+s16+$0x0] =	vst.idx.msk $0xffff, v59;
	v47 =	vld [tilespmem:s2+$0x60]  }
0x199: {  	v38 =	vadd.s32 s8, v7;
	v53 =	vadd.s32 v30, v34;
	v54 =	vld [tilespmem:s2+$0xE0];
	[tilespmem:v40+s16+$0x0] =	vst.idx.msk $0xffff, v60;
	v62 =	vmul.f32 $8.000000000e+00, v62  }
0x19a: {  	v39 =	vadd.s32 s6, v7;
	v50 =	vadd.s32 s6, v6;
	[tilespmem:v63+s16+$0x0] =	vst.idx.msk $0xffff, v61;
	v63 =	vmul.f32 $8.000000000e+00, v57;
	v55 =	vld [tilespmem:s2+$0x160]  }
0x19b: {  	v41 =	vadd.s32 s8, v6;
	v56 =	vld [tilespmem:s2+$0xFFFFFE60];
	v45 =	vmul.f32 $8.000000000e+00, v45;
	v57 =	vadd.s32 v14, v33;
	[tilespmem:v46+s16+$0x0] =	vst.idx.msk $0xffff, v62  }
0x19c: {  	v51 =	vadd.s32 v31, v35;
	v58 =	vadd.s32 v22, v32;
	[tilespmem:v48+s16+$0x0] =	vst.idx.msk $0xffff, v63;
	v52 =	vmul.f32 $8.000000000e+00, v52;
	v59 =	vld [tilespmem:s2+$0x1F0]  }
0x19d: {  	s8 =	simm.s32 $0x14;
	v35 =	vadd.s32 v23, v36;
	v36 =	vadd.s32 v31, v34;
	[tilespmem:v44+s16+$0x0] =	vst.idx.msk $0xffff, v45;
	v43 =	vld [tilespmem:s2+$0xFFFFFEF0];
	v61 =	vmul.f32 $8.000000000e+00, v47  }
0x19e: {  	s10 =	simm.s32 $0x12;
	v37 =	vadd.s32 v15, v37;
	v60 =	vmov s8;
	s8 =	simm.s32 $0x1A;
	v49 =	vld [tilespmem:s2+$0xFFFFFF70];
	v62 =	vmul.f32 $8.000000000e+00, v54;
	[tilespmem:v53+s16+$0x0] =	vst.idx.msk $0xffff, v52  }
0x19f: {  	v42 =	vmov s8;
	v46 =	vmov s10;
	s10 =	simm.s32 $0x16;
	v44 =	vld [tilespmem:s2+$0xFFFFFFF0];
	[tilespmem:v50+s16+$0x0] =	vst.idx.msk $0xffff, v61;
	v63 =	vmul.f32 $8.000000000e+00, v55  }
0x1a0: {  	v48 =	vmov s10;
	s10 =	simm.s32 $0x1C;
	v45 =	vand.u32 $0x70, v46;
	v52 =	vmul.f32 $8.000000000e+00, v56;
	[tilespmem:v57+s16+$0x0] =	vst.idx.msk $0xffff, v62;
	v46 =	vld [tilespmem:s2+$0x70]  }
0x1a1: {  	s7 =	simm.s32 $0x1E;
	s6 =	simm.s32 $0x20;
	v47 =	vand.u32 $0x70, v60;
	v40 =	vmov s10;
	s10 =	simm.s32 $0x10;
	v50 =	vld [tilespmem:s2+$0xF0];
	[tilespmem:v58+s16+$0x0] =	vst.idx.msk $0xffff, v63;
	v34 =	vmul.f32 $8.000000000e+00, v59  }
.LBB2_9:
0x1a2: {  	p1 =	slt.u32 s6, $0x70;
	v48 =	vand.u32 $0x70, v48;
	v53 =	vmov s7;
	[tilespmem:v41+s16+$0x0] =	vst.idx.msk $0xffff, v52;
	v41 =	vmul.f32 $8.000000000e+00, v43;
	v43 =	vld [tilespmem:s2+$0x170]  }
0x1a3: {  	v33 =	vadd.s32 v15, v33;
	v52 =	vand.u32 $0x78, v53;
	v53 =	vld [tilespmem:s2+$0xFFFFFE70];
	v49 =	vmul.f32 $8.000000000e+00, v49;
	[tilespmem:v51+s16+$0x0] =	vst.idx.msk $0xffff, v34;
	s2 =	sadd.s32 $0x400, s2  }
0x1a4: {  	v32 =	vadd.s32 v23, v32;
	v51 =	vld [tilespmem:s2+$0x180];
	v34 =	vbroadcast v52, $0x0;
	[tilespmem:v37+s16+$0x0] =	vst.idx.msk $0xffff, v41;
	v41 =	vmul.f32 $8.000000000e+00, v44  }
0x1a5: {  	v42 =	vand.u32 $0x78, v42;
	v37 =	vbroadcast v45, $0x0;
	v44 =	vld [tilespmem:s2+$0xFFFFFE80];
	[tilespmem:v35+s16+$0x0] =	vst.idx.msk $0xffff, v49;
	v45 =	vmul.f32 $8.000000000e+00, v46  }
0x1a6: {  	v35 =	vbroadcast v47, $0x0;
	v46 =	vld [tilespmem:s2+$0xFFFFFF00];
	v47 =	vadd.s32 v24, v34;
	[tilespmem:v36+s16+$0x0] =	vst.idx.msk $0xffff, v41;
	v41 =	vmul.f32 $8.000000000e+00, v50  }
0x1a7: {  	v49 =	vadd.s32 v8, v37;
	v36 =	vbroadcast v48, $0x0;
	v50 =	vld [tilespmem:s2+$0xFFFFFF80];
	[tilespmem:v39+s16+$0x0] =	vst.idx.msk $0xffff, v45;
	v39 =	vmul.f32 $8.000000000e+00, v43  }
0x1a8: {  	v40 =	vand.u32 $0x78, v40;
	v43 =	vadd.s32 v16, v35;
	v45 =	vld [tilespmem:s2+$0x0];
	v48 =	vmul.f32 $8.000000000e+00, v53;
	[tilespmem:v33+s16+$0x0] =	vst.idx.msk $0xffff, v41  }
0x1a9: {  	s7 =	sadd.s32 $0x8, s10;
	v41 =	vadd.s32 v24, v36;
	v33 =	vbroadcast v42, $0x0;
	v52 =	vld [tilespmem:s2+$0x80];
	v42 =	vmul.f32 $8.000000000e+00, v51;
	[tilespmem:v32+s16+$0x0] =	vst.idx.msk $0xffff, v39  }
0x1aa: {  	v32 =	vbroadcast v40, $0x0;
	v39 =	vmul.f32 $8.000000000e+00, v44;
	v44 =	vadd.s32 s7, v0;
	v51 =	vld [tilespmem:s2+$0x100];
	[tilespmem:v38+s16+$0x0] =	vst.idx.msk $0xffff, v48  }
0x1ab: {  	v38 =	vld [tilespmem:s2+$0xFFFFFE00];
	v40 =	vmul.f32 $8.000000000e+00, v46;
	v46 =	vadd.s32 v8, v33;
	[tilespmem:v47+s16+$0x0] =	vst.idx.msk $0xffff, v42  }
0x1ac: {  	v42 =	vadd.s32 v16, v32;
	[tilespmem:v49+s16+$0x0] =	vst.idx.msk $0xffff, v39;
	v39 =	vmul.f32 $8.000000000e+00, v50;
	v47 =	vld [tilespmem:s2+$0x190]  }
0x1ad: {  	v48 =	vadd.s32 s10, v0;
	v49 =	vld [tilespmem:s2+$0xFFFFFE90];
	[tilespmem:v43+s16+$0x0] =	vst.idx.msk $0xffff, v40;
	v40 =	vmul.f32 $8.000000000e+00, v45  }
0x1ae: {  	v43 =	vld [tilespmem:s2+$0xFFFFFF10];
	[tilespmem:v41+s16+$0x0] =	vst.idx.msk $0xffff, v39;
	v39 =	vmul.f32 $8.000000000e+00, v52;
	v41 =	vadd.s32 v25, v34  }
0x1af: {  	v45 =	vadd.s32 v9, v37;
	v50 =	vld [tilespmem:s2+$0xFFFFFF90];
	[tilespmem:v44+s16+$0x0] =	vst.idx.msk $0xffff, v40;
	v40 =	vmul.f32 $8.000000000e+00, v51  }
0x1b0: {  	v44 =	vadd.s32 v17, v35;
	v38 =	vmul.f32 $8.000000000e+00, v38;
	v51 =	vld [tilespmem:s2+$0x10];
	[tilespmem:v46+s16+$0x0] =	vst.idx.msk $0xffff, v39  }
0x1b1: {  	v39 =	vadd.s32 v25, v36;
	v46 =	vld [tilespmem:s2+$0x90];
	[tilespmem:v42+s16+$0x0] =	vst.idx.msk $0xffff, v40;
	v40 =	vmul.f32 $8.000000000e+00, v47  }
0x1b2: {  	v42 =	vadd.s32 s7, v1;
	[tilespmem:v48+s16+$0x0] =	vst.idx.msk $0xffff, v38;
	v38 =	vmul.f32 $8.000000000e+00, v49;
	v47 =	vld [tilespmem:s2+$0x110]  }
0x1b3: {  	v49 =	vadd.s32 v9, v33;
	v48 =	vld [tilespmem:s2+$0xFFFFFE10];
	v43 =	vmul.f32 $8.000000000e+00, v43;
	[tilespmem:v41+s16+$0x0] =	vst.idx.msk $0xffff, v40  }
0x1b4: {  	v40 =	vadd.s32 v17, v32;
	[tilespmem:v45+s16+$0x0] =	vst.idx.msk $0xffff, v38;
	v38 =	vmul.f32 $8.000000000e+00, v50;
	v41 =	vld [tilespmem:s2+$0x1A0]  }
0x1b5: {  	v45 =	vadd.s32 s10, v1;
	v50 =	vld [tilespmem:s2+$0xFFFFFEA0];
	[tilespmem:v44+s16+$0x0] =	vst.idx.msk $0xffff, v43;
	v43 =	vmul.f32 $8.000000000e+00, v51  }
0x1b6: {  	v44 =	vld [tilespmem:s2+$0xFFFFFF20];
	[tilespmem:v39+s16+$0x0] =	vst.idx.msk $0xffff, v38;
	v38 =	vmul.f32 $8.000000000e+00, v46;
	v39 =	vadd.s32 v26, v34  }
0x1b7: {  	v46 =	vadd.s32 v10, v37;
	v51 =	vld [tilespmem:s2+$0xFFFFFFA0];
	[tilespmem:v42+s16+$0x0] =	vst.idx.msk $0xffff, v43;
	v42 =	vmul.f32 $8.000000000e+00, v47  }
0x1b8: {  	v47 =	vadd.s32 v18, v35;
	v43 =	vmul.f32 $8.000000000e+00, v48;
	v48 =	vld [tilespmem:s2+$0x20];
	[tilespmem:v49+s16+$0x0] =	vst.idx.msk $0xffff, v38  }
0x1b9: {  	v38 =	vadd.s32 v26, v36;
	v49 =	vld [tilespmem:s2+$0xA0];
	[tilespmem:v40+s16+$0x0] =	vst.idx.msk $0xffff, v42;
	v40 =	vmul.f32 $8.000000000e+00, v41  }
0x1ba: {  	v42 =	vadd.s32 s7, v2;
	[tilespmem:v45+s16+$0x0] =	vst.idx.msk $0xffff, v43;
	v41 =	vmul.f32 $8.000000000e+00, v50;
	v43 =	vld [tilespmem:s2+$0x120]  }
0x1bb: {  	v50 =	vadd.s32 v10, v33;
	v45 =	vld [tilespmem:s2+$0xFFFFFE20];
	v44 =	vmul.f32 $8.000000000e+00, v44;
	[tilespmem:v39+s16+$0x0] =	vst.idx.msk $0xffff, v40  }
0x1bc: {  	v40 =	vadd.s32 v18, v32;
	[tilespmem:v46+s16+$0x0] =	vst.idx.msk $0xffff, v41;
	v39 =	vmul.f32 $8.000000000e+00, v51;
	v41 =	vld [tilespmem:s2+$0x1B0]  }
0x1bd: {  	v46 =	vadd.s32 s10, v2;
	v51 =	vld [tilespmem:s2+$0xFFFFFEB0];
	[tilespmem:v47+s16+$0x0] =	vst.idx.msk $0xffff, v44;
	v44 =	vmul.f32 $8.000000000e+00, v48  }
0x1be: {  	v47 =	vld [tilespmem:s2+$0xFFFFFF30];
	[tilespmem:v38+s16+$0x0] =	vst.idx.msk $0xffff, v39;
	v38 =	vmul.f32 $8.000000000e+00, v49;
	v39 =	vadd.s32 v27, v34  }
0x1bf: {  	v48 =	vadd.s32 v11, v37;
	v49 =	vld [tilespmem:s2+$0xFFFFFFB0];
	[tilespmem:v42+s16+$0x0] =	vst.idx.msk $0xffff, v44;
	v42 =	vmul.f32 $8.000000000e+00, v43  }
0x1c0: {  	v44 =	vadd.s32 v19, v35;
	v43 =	vmul.f32 $8.000000000e+00, v45;
	v45 =	vld [tilespmem:s2+$0x30];
	[tilespmem:v50+s16+$0x0] =	vst.idx.msk $0xffff, v38  }
0x1c1: {  	v38 =	vadd.s32 v27, v36;
	v50 =	vld [tilespmem:s2+$0xB0];
	[tilespmem:v40+s16+$0x0] =	vst.idx.msk $0xffff, v42;
	v40 =	vmul.f32 $8.000000000e+00, v41  }
0x1c2: {  	v42 =	vadd.s32 s7, v3;
	[tilespmem:v46+s16+$0x0] =	vst.idx.msk $0xffff, v43;
	v41 =	vmul.f32 $8.000000000e+00, v51;
	v43 =	vld [tilespmem:s2+$0x130]  }
0x1c3: {  	v51 =	vadd.s32 v11, v33;
	v46 =	vld [tilespmem:s2+$0xFFFFFE30];
	v47 =	vmul.f32 $8.000000000e+00, v47;
	[tilespmem:v39+s16+$0x0] =	vst.idx.msk $0xffff, v40  }
0x1c4: {  	v40 =	vadd.s32 v19, v32;
	[tilespmem:v48+s16+$0x0] =	vst.idx.msk $0xffff, v41;
	v39 =	vmul.f32 $8.000000000e+00, v49;
	v41 =	vld [tilespmem:s2+$0x1C0]  }
0x1c5: {  	v48 =	vadd.s32 s10, v3;
	v49 =	vld [tilespmem:s2+$0xFFFFFEC0];
	[tilespmem:v44+s16+$0x0] =	vst.idx.msk $0xffff, v47;
	v44 =	vmul.f32 $8.000000000e+00, v45  }
0x1c6: {  	v45 =	vld [tilespmem:s2+$0xFFFFFF40];
	[tilespmem:v38+s16+$0x0] =	vst.idx.msk $0xffff, v39;
	v38 =	vmul.f32 $8.000000000e+00, v50;
	v39 =	vadd.s32 v28, v34  }
0x1c7: {  	v47 =	vadd.s32 v12, v37;
	v50 =	vld [tilespmem:s2+$0xFFFFFFC0];
	[tilespmem:v42+s16+$0x0] =	vst.idx.msk $0xffff, v44;
	v42 =	vmul.f32 $8.000000000e+00, v43  }
0x1c8: {  	v44 =	vadd.s32 v20, v35;
	v43 =	vmul.f32 $8.000000000e+00, v46;
	v46 =	vld [tilespmem:s2+$0x40];
	[tilespmem:v51+s16+$0x0] =	vst.idx.msk $0xffff, v38  }
0x1c9: {  	v38 =	vadd.s32 v28, v36;
	v51 =	vld [tilespmem:s2+$0xC0];
	[tilespmem:v40+s16+$0x0] =	vst.idx.msk $0xffff, v42;
	v40 =	vmul.f32 $8.000000000e+00, v41  }
0x1ca: {  	v42 =	vadd.s32 s7, v4;
	[tilespmem:v48+s16+$0x0] =	vst.idx.msk $0xffff, v43;
	v41 =	vmul.f32 $8.000000000e+00, v49;
	v43 =	vld [tilespmem:s2+$0x140]  }
0x1cb: {  	v49 =	vadd.s32 v12, v33;
	v48 =	vld [tilespmem:s2+$0xFFFFFE40];
	v45 =	vmul.f32 $8.000000000e+00, v45;
	[tilespmem:v39+s16+$0x0] =	vst.idx.msk $0xffff, v40  }
0x1cc: {  	v40 =	vadd.s32 v20, v32;
	[tilespmem:v47+s16+$0x0] =	vst.idx.msk $0xffff, v41;
	v39 =	vmul.f32 $8.000000000e+00, v50;
	v41 =	vld [tilespmem:s2+$0x1D0]  }
0x1cd: {  	v47 =	vadd.s32 s10, v4;
	v50 =	vld [tilespmem:s2+$0xFFFFFED0];
	[tilespmem:v44+s16+$0x0] =	vst.idx.msk $0xffff, v45;
	v44 =	vmul.f32 $8.000000000e+00, v46  }
0x1ce: {  	v45 =	vld [tilespmem:s2+$0xFFFFFF50];
	[tilespmem:v38+s16+$0x0] =	vst.idx.msk $0xffff, v39;
	v38 =	vmul.f32 $8.000000000e+00, v51;
	v39 =	vadd.s32 v29, v34  }
0x1cf: {  	v46 =	vadd.s32 v13, v37;
	v51 =	vld [tilespmem:s2+$0xFFFFFFD0];
	[tilespmem:v42+s16+$0x0] =	vst.idx.msk $0xffff, v44;
	v42 =	vmul.f32 $8.000000000e+00, v43  }
0x1d0: {  	v44 =	vadd.s32 v21, v35;
	v43 =	vmul.f32 $8.000000000e+00, v48;
	v48 =	vld [tilespmem:s2+$0x50];
	[tilespmem:v49+s16+$0x0] =	vst.idx.msk $0xffff, v38  }
0x1d1: {  	v38 =	vadd.s32 v29, v36;
	v49 =	vld [tilespmem:s2+$0xD0];
	[tilespmem:v40+s16+$0x0] =	vst.idx.msk $0xffff, v42;
	v40 =	vmul.f32 $8.000000000e+00, v41  }
0x1d2: {  	v42 =	vadd.s32 s7, v5;
	[tilespmem:v47+s16+$0x0] =	vst.idx.msk $0xffff, v43;
	v41 =	vmul.f32 $8.000000000e+00, v50;
	v43 =	vld [tilespmem:s2+$0x150]  }
0x1d3: {  	v50 =	vadd.s32 v13, v33;
	v47 =	vld [tilespmem:s2+$0xFFFFFE50];
	v45 =	vmul.f32 $8.000000000e+00, v45;
	[tilespmem:v39+s16+$0x0] =	vst.idx.msk $0xffff, v40  }
0x1d4: {  	v40 =	vadd.s32 v21, v32;
	[tilespmem:v46+s16+$0x0] =	vst.idx.msk $0xffff, v41;
	v39 =	vmul.f32 $8.000000000e+00, v51;
	v41 =	vld [tilespmem:s2+$0x1E0]  }
0x1d5: {  	v46 =	vadd.s32 s10, v5;
	v51 =	vld [tilespmem:s2+$0xFFFFFEE0];
	[tilespmem:v44+s16+$0x0] =	vst.idx.msk $0xffff, v45;
	v44 =	vmul.f32 $8.000000000e+00, v48  }
0x1d6: {  	v48 =	vadd.s32 v30, v34;
	v45 =	vld [tilespmem:s2+$0xFFFFFF60];
	[tilespmem:v38+s16+$0x0] =	vst.idx.msk $0xffff, v39;
	v38 =	vmul.f32 $8.000000000e+00, v49  }
0x1d7: {  	v49 =	vadd.s32 v14, v37;
	v52 =	vld [tilespmem:s2+$0xFFFFFFE0];
	[tilespmem:v42+s16+$0x0] =	vst.idx.msk $0xffff, v44;
	v39 =	vmul.f32 $8.000000000e+00, v43  }
0x1d8: {  	v44 =	vadd.s32 v22, v35;
	v42 =	vmul.f32 $8.000000000e+00, v47;
	v47 =	vld [tilespmem:s2+$0x60];
	[tilespmem:v50+s16+$0x0] =	vst.idx.msk $0xffff, v38  }
0x1d9: {  	v38 =	vadd.s32 s10, v7;
	v50 =	vadd.s32 v30, v36;
	v53 =	vld [tilespmem:s2+$0xE0];
	[tilespmem:v40+s16+$0x0] =	vst.idx.msk $0xffff, v39;
	v40 =	vmul.f32 $8.000000000e+00, v41  }
0x1da: {  	v41 =	vadd.s32 s10, v6;
	s10 =	smov.u32 s6;
	[tilespmem:v46+s16+$0x0] =	vst.idx.msk $0xffff, v42;
	v42 =	vmul.f32 $8.000000000e+00, v51;
	v46 =	vadd.s32 s7, v6;
	v54 =	vld [tilespmem:s2+$0x160]  }
0x1db: {  	s8 =	sadd.s32 $0x2, s6;
	v56 =	vadd.s32 v14, v33;
	v39 =	vadd.s32 s7, v7;
	v55 =	vld [tilespmem:s2+$0xFFFFFE60];
	v45 =	vmul.f32 $8.000000000e+00, v45;
	[tilespmem:v48+s16+$0x0] =	vst.idx.msk $0xffff, v40  }
0x1dc: {  	v57 =	vmov s8;
	s8 =	sadd.s32 $0x6, s6;
	v58 =	vadd.s32 v22, v32;
	s7 =	sadd.s32 $0x4, s6;
	[tilespmem:v49+s16+$0x0] =	vst.idx.msk $0xffff, v42;
	v40 =	vmul.f32 $8.000000000e+00, v52;
	v59 =	vld [tilespmem:s2+$0x1F0]  }
.Ltmp3:
0x1dd: {  	v60 =	vmov s7;
	v48 =	vmov s8;
	s7 =	sadd.s32 $0xA, s6;
	v43 =	vld [tilespmem:s2+$0xFFFFFEF0];
	[tilespmem:v44+s16+$0x0] =	vst.idx.msk $0xffff, v45;
	v45 =	vmul.f32 $8.000000000e+00, v47;
	(pc) =	sbr.rel @p1 .LBB2_9-.Ltmp3, $4  }
0x1de: {  	v51 =	vadd.s32 v31, v34;
	v42 =	vmov s7;
	s7 =	sadd.s32 $0xC, s6;
	v49 =	vld [tilespmem:s2+$0xFFFFFF70];
	[tilespmem:v50+s16+$0x0] =	vst.idx.msk $0xffff, v40;
	v47 =	vmul.f32 $8.000000000e+00, v53  }
0x1df: {  	v37 =	vadd.s32 v15, v37;
	v40 =	vmov s7;
	v44 =	vld [tilespmem:s2+$0xFFFFFFF0];
	[tilespmem:v46+s16+$0x0] =	vst.idx.msk $0xffff, v45;
	v34 =	vmul.f32 $8.000000000e+00, v54  }
0x1e0: {  	v35 =	vadd.s32 v23, v35;
	v45 =	vand.u32 $0x70, v57;
	v52 =	vmul.f32 $8.000000000e+00, v55;
	v46 =	vld [tilespmem:s2+$0x70];
	[tilespmem:v56+s16+$0x0] =	vst.idx.msk $0xffff, v47  }
0x1e1: {  	v36 =	vadd.s32 v31, v36;
	s6 =	sadd.s32 $0x10, s6;
	s7 =	sadd.s32 $0xE, s10;
	v47 =	vand.u32 $0x70, v60;
	v50 =	vld [tilespmem:s2+$0xF0];
	[tilespmem:v58+s16+$0x0] =	vst.idx.msk $0xffff, v34;
	v34 =	vmul.f32 $8.000000000e+00, v59  }
0x1e2: {  	_ =	sdelay $0x3  }
0x1e3: {  	v48 =	vand.u32 $0x70, v48;
	v53 =	vmov s7;
	[tilespmem:v41+s16+$0x0] =	vst.idx.msk $0xffff, v52;
	v62 =	vmul.f32 $8.000000000e+00, v43;
	v43 =	vld [tilespmem:s2+$0x170]  }
0x1e4: {  	v54 =	vadd.s32 v15, v33;
	s8 =	sadd.s32 $0x400, s2;
	v63 =	vand.u32 $0x78, v53;
	v57 =	vld [tilespmem:s2+$0xFFFFFE70];
	v49 =	vmul.f32 $8.000000000e+00, v49;
	[tilespmem:v51+s16+$0x0] =	vst.idx.msk $0xffff, v34  }
0x1e5: {  	v59 =	vadd.s32 v23, v32;
	v51 =	vld [tilespmem:s8+$0x180];
	v33 =	vbroadcast v63, $0x0;
	[tilespmem:v37+s16+$0x0] =	vst.idx.msk $0xffff, v62;
	v58 =	vmul.f32 $8.000000000e+00, v44  }
0x1e6: {  	v32 =	vbroadcast v45, $0x0;
	v42 =	vand.u32 $0x78, v42;
	v60 =	vld [tilespmem:s8+$0xFFFFFE80];
	[tilespmem:v35+s16+$0x0] =	vst.idx.msk $0xffff, v49;
	v61 =	vmul.f32 $8.000000000e+00, v46  }
0x1e7: {  	v34 =	vbroadcast v47, $0x0;
	v46 =	vld [tilespmem:s8+$0xFFFFFF00];
	v47 =	vadd.s32 v24, v33;
	[tilespmem:v36+s16+$0x0] =	vst.idx.msk $0xffff, v58;
	v62 =	vmul.f32 $8.000000000e+00, v50  }
0x1e8: {  	v49 =	vadd.s32 v8, v32;
	v35 =	vbroadcast v48, $0x0;
	v50 =	vld [tilespmem:s8+$0xFFFFFF80];
	[tilespmem:v39+s16+$0x0] =	vst.idx.msk $0xffff, v61;
	v63 =	vmul.f32 $8.000000000e+00, v43  }
0x1e9: {  	v40 =	vand.u32 $0x78, v40;
	v39 =	vadd.s32 v16, v34;
	v43 =	vld [tilespmem:s8+$0x0];
	v56 =	vmul.f32 $8.000000000e+00, v57;
	[tilespmem:v54+s16+$0x0] =	vst.idx.msk $0xffff, v62  }
0x1ea: {  	s6 =	sadd.s32 $0x8, s10;
	v36 =	vbroadcast v42, $0x0;
	v48 =	vadd.s32 v24, v35;
	v57 =	vld [tilespmem:s8+$0x80];
	v58 =	vmul.f32 $8.000000000e+00, v51;
	[tilespmem:v59+s16+$0x0] =	vst.idx.msk $0xffff, v63  }
0x1eb: {  	v44 =	vadd.s32 s6, v0;
	v37 =	vbroadcast v40, $0x0;
	v59 =	vmul.f32 $8.000000000e+00, v60;
	v60 =	vld [tilespmem:s8+$0x100];
	[tilespmem:v38+s16+$0x0] =	vst.idx.msk $0xffff, v56  }
0x1ec: {  	v61 =	vld [tilespmem:s8+$0xFFFFFE00];
	v63 =	vadd.s32 v8, v36;
	v62 =	vmul.f32 $8.000000000e+00, v46;
	[tilespmem:v47+s16+$0x0] =	vst.idx.msk $0xffff, v58  }
0x1ed: {  	v42 =	vadd.s32 v16, v37;
	[tilespmem:v49+s16+$0x0] =	vst.idx.msk $0xffff, v59;
	v53 =	vmul.f32 $8.000000000e+00, v50;
	v46 =	vld [tilespmem:s8+$0x190]  }
0x1ee: {  	v54 =	vadd.s32 s10, v0;
	v49 =	vld [tilespmem:s8+$0xFFFFFE90];
	[tilespmem:v39+s16+$0x0] =	vst.idx.msk $0xffff, v62;
	v55 =	vmul.f32 $8.000000000e+00, v43  }
0x1ef: {  	v40 =	vld [tilespmem:s8+$0xFFFFFF10];
	[tilespmem:v48+s16+$0x0] =	vst.idx.msk $0xffff, v53;
	v56 =	vmul.f32 $8.000000000e+00, v57;
	v57 =	vadd.s32 v25, v33  }
0x1f0: {  	v58 =	vadd.s32 v9, v32;
	v59 =	vld [tilespmem:s8+$0xFFFFFF90];
	[tilespmem:v44+s16+$0x0] =	vst.idx.msk $0xffff, v55;
	v60 =	vmul.f32 $8.000000000e+00, v60  }
0x1f1: {  	v38 =	vmul.f32 $8.000000000e+00, v61;
	v61 =	vadd.s32 v17, v34;
	v62 =	vld [tilespmem:s8+$0x10];
	[tilespmem:v63+s16+$0x0] =	vst.idx.msk $0xffff, v56  }
0x1f2: {  	v63 =	vadd.s32 v25, v35;
	v45 =	vld [tilespmem:s8+$0x90];
	[tilespmem:v42+s16+$0x0] =	vst.idx.msk $0xffff, v60;
	v52 =	vmul.f32 $8.000000000e+00, v46  }
0x1f3: {  	[tilespmem:v54+s16+$0x0] =	vst.idx.msk $0xffff, v38;
	v42 =	vadd.s32 s6, v1;
	v53 =	vmul.f32 $8.000000000e+00, v49;
	v46 =	vld [tilespmem:s8+$0x110]  }
0x1f4: {  	v54 =	vadd.s32 v9, v36;
	v47 =	vld [tilespmem:s8+$0xFFFFFE10];
	v40 =	vmul.f32 $8.000000000e+00, v40;
	[tilespmem:v57+s16+$0x0] =	vst.idx.msk $0xffff, v52  }
0x1f5: {  	v56 =	vadd.s32 v17, v37;
	[tilespmem:v58+s16+$0x0] =	vst.idx.msk $0xffff, v53;
	v55 =	vmul.f32 $8.000000000e+00, v59;
	v43 =	vld [tilespmem:s8+$0x1A0]  }
0x1f6: {  	v57 =	vadd.s32 s10, v1;
	v58 =	vld [tilespmem:s8+$0xFFFFFEA0];
	[tilespmem:v61+s16+$0x0] =	vst.idx.msk $0xffff, v40;
	v59 =	vmul.f32 $8.000000000e+00, v62  }
0x1f7: {  	v61 =	vadd.s32 v26, v33;
	v44 =	vld [tilespmem:s8+$0xFFFFFF20];
	[tilespmem:v63+s16+$0x0] =	vst.idx.msk $0xffff, v55;
	v60 =	vmul.f32 $8.000000000e+00, v45  }
0x1f8: {  	v62 =	vadd.s32 v10, v32;
	v63 =	vld [tilespmem:s8+$0xFFFFFFA0];
	[tilespmem:v42+s16+$0x0] =	vst.idx.msk $0xffff, v59;
	v52 =	vmul.f32 $8.000000000e+00, v46  }
0x1f9: {  	v53 =	vmul.f32 $8.000000000e+00, v47;
	v46 =	vadd.s32 v18, v34;
	v47 =	vld [tilespmem:s8+$0x20];
	[tilespmem:v54+s16+$0x0] =	vst.idx.msk $0xffff, v60  }
0x1fa: {  	v54 =	vadd.s32 v26, v35;
	v49 =	vld [tilespmem:s8+$0xA0];
	[tilespmem:v56+s16+$0x0] =	vst.idx.msk $0xffff, v52;
	v55 =	vmul.f32 $8.000000000e+00, v43  }
0x1fb: {  	[tilespmem:v57+s16+$0x0] =	vst.idx.msk $0xffff, v53;
	v57 =	vadd.s32 s6, v2;
	v56 =	vmul.f32 $8.000000000e+00, v58;
	v58 =	vld [tilespmem:s8+$0x120]  }
0x1fc: {  	v59 =	vadd.s32 v10, v36;
	v48 =	vld [tilespmem:s8+$0xFFFFFE20];
	v44 =	vmul.f32 $8.000000000e+00, v44;
	[tilespmem:v61+s16+$0x0] =	vst.idx.msk $0xffff, v55  }
0x1fd: {  	[tilespmem:v62+s16+$0x0] =	vst.idx.msk $0xffff, v56;
	v60 =	vmul.f32 $8.000000000e+00, v63;
	v61 =	vadd.s32 v18, v37;
	v41 =	vld [tilespmem:s8+$0x1B0]  }
0x1fe: {  	v62 =	vadd.s32 s10, v2;
	v63 =	vld [tilespmem:s8+$0xFFFFFEB0];
	[tilespmem:v46+s16+$0x0] =	vst.idx.msk $0xffff, v44;
	v52 =	vmul.f32 $8.000000000e+00, v47  }
0x1ff: {  	v39 =	vadd.s32 v27, v33;
	v46 =	vld [tilespmem:s8+$0xFFFFFF30];
	[tilespmem:v54+s16+$0x0] =	vst.idx.msk $0xffff, v60;
	v53 =	vmul.f32 $8.000000000e+00, v49  }
0x200: {  	v47 =	vadd.s32 v11, v32;
	v49 =	vld [tilespmem:s8+$0xFFFFFFB0];
	[tilespmem:v57+s16+$0x0] =	vst.idx.msk $0xffff, v52;
	v54 =	vmul.f32 $8.000000000e+00, v58  }
0x201: {  	v56 =	vadd.s32 v19, v34;
	v55 =	vmul.f32 $8.000000000e+00, v48;
	v57 =	vld [tilespmem:s8+$0x30];
	[tilespmem:v59+s16+$0x0] =	vst.idx.msk $0xffff, v53  }
0x202: {  	v58 =	vadd.s32 v27, v35;
	v50 =	vld [tilespmem:s8+$0xB0];
	[tilespmem:v61+s16+$0x0] =	vst.idx.msk $0xffff, v54;
	v59 =	vmul.f32 $8.000000000e+00, v41  }
0x203: {  	[tilespmem:v62+s16+$0x0] =	vst.idx.msk $0xffff, v55;
	v61 =	vadd.s32 s6, v3;
	v60 =	vmul.f32 $8.000000000e+00, v63;
	v62 =	vld [tilespmem:s8+$0x130]  }
0x204: {  	v45 =	vld [tilespmem:s8+$0xFFFFFE30];
	v63 =	vadd.s32 v11, v36;
	v46 =	vmul.f32 $8.000000000e+00, v46;
	[tilespmem:v39+s16+$0x0] =	vst.idx.msk $0xffff, v59  }
0x205: {  	v40 =	vadd.s32 v19, v37;
	[tilespmem:v47+s16+$0x0] =	vst.idx.msk $0xffff, v60;
	v53 =	vmul.f32 $8.000000000e+00, v49;
	v41 =	vld [tilespmem:s8+$0x1C0]  }
0x206: {  	v47 =	vadd.s32 s10, v3;
	v54 =	vld [tilespmem:s8+$0xFFFFFEC0];
	[tilespmem:v56+s16+$0x0] =	vst.idx.msk $0xffff, v46;
	v55 =	vmul.f32 $8.000000000e+00, v57  }
0x207: {  	v39 =	vadd.s32 v28, v33;
	v46 =	vld [tilespmem:s8+$0xFFFFFF40];
	[tilespmem:v58+s16+$0x0] =	vst.idx.msk $0xffff, v53;
	v56 =	vmul.f32 $8.000000000e+00, v50  }
0x208: {  	v57 =	vadd.s32 v12, v32;
	v58 =	vld [tilespmem:s8+$0xFFFFFFC0];
	[tilespmem:v61+s16+$0x0] =	vst.idx.msk $0xffff, v55;
	v59 =	vmul.f32 $8.000000000e+00, v62  }
0x209: {  	v60 =	vmul.f32 $8.000000000e+00, v45;
	v61 =	vadd.s32 v20, v34;
	v62 =	vld [tilespmem:s8+$0x40];
	[tilespmem:v63+s16+$0x0] =	vst.idx.msk $0xffff, v56  }
0x20a: {  	v63 =	vadd.s32 v28, v35;
	v51 =	vld [tilespmem:s8+$0xC0];
	[tilespmem:v40+s16+$0x0] =	vst.idx.msk $0xffff, v59;
	v53 =	vmul.f32 $8.000000000e+00, v41  }
0x20b: {  	v55 =	vadd.s32 s6, v4;
	[tilespmem:v47+s16+$0x0] =	vst.idx.msk $0xffff, v60;
	v54 =	vmul.f32 $8.000000000e+00, v54;
	v56 =	vld [tilespmem:s8+$0x140]  }
0x20c: {  	v49 =	vadd.s32 v12, v36;
	v47 =	vld [tilespmem:s8+$0xFFFFFE40];
	v46 =	vmul.f32 $8.000000000e+00, v46;
	[tilespmem:v39+s16+$0x0] =	vst.idx.msk $0xffff, v53  }
0x20d: {  	v40 =	vadd.s32 v20, v37;
	[tilespmem:v57+s16+$0x0] =	vst.idx.msk $0xffff, v54;
	v57 =	vmul.f32 $8.000000000e+00, v58;
	v58 =	vld [tilespmem:s8+$0x1D0]  }
0x20e: {  	v48 =	vadd.s32 s10, v4;
	v50 =	vld [tilespmem:s8+$0xFFFFFED0];
	[tilespmem:v61+s16+$0x0] =	vst.idx.msk $0xffff, v46;
	v59 =	vmul.f32 $8.000000000e+00, v62  }
0x20f: {  	v61 =	vadd.s32 v29, v33;
	v45 =	vld [tilespmem:s8+$0xFFFFFF50];
	[tilespmem:v63+s16+$0x0] =	vst.idx.msk $0xffff, v57;
	v60 =	vmul.f32 $8.000000000e+00, v51  }
0x210: {  	v62 =	vadd.s32 v13, v32;
	v63 =	vld [tilespmem:s8+$0xFFFFFFD0];
	[tilespmem:v55+s16+$0x0] =	vst.idx.msk $0xffff, v59;
	v53 =	vmul.f32 $8.000000000e+00, v56  }
0x211: {  	v54 =	vmul.f32 $8.000000000e+00, v47;
	v55 =	vadd.s32 v21, v34;
	v56 =	vld [tilespmem:s8+$0x50];
	[tilespmem:v49+s16+$0x0] =	vst.idx.msk $0xffff, v60  }
0x212: {  	v57 =	vadd.s32 v29, v35;
	v49 =	vld [tilespmem:s8+$0xD0];
	[tilespmem:v40+s16+$0x0] =	vst.idx.msk $0xffff, v53;
	v58 =	vmul.f32 $8.000000000e+00, v58  }
0x213: {  	v42 =	vadd.s32 s6, v5;
	[tilespmem:v48+s16+$0x0] =	vst.idx.msk $0xffff, v54;
	v59 =	vmul.f32 $8.000000000e+00, v50;
	v60 =	vld [tilespmem:s8+$0x150]  }
0x214: {  	v48 =	vld [tilespmem:s8+$0xFFFFFE50];
	v50 =	vadd.s32 v13, v36;
	v45 =	vmul.f32 $8.000000000e+00, v45;
	[tilespmem:v61+s16+$0x0] =	vst.idx.msk $0xffff, v58  }
0x215: {  	v40 =	vadd.s32 v21, v37;
	[tilespmem:v62+s16+$0x0] =	vst.idx.msk $0xffff, v59;
	v61 =	vmul.f32 $8.000000000e+00, v63;
	v62 =	vld [tilespmem:s8+$0x1E0]  }
0x216: {  	v63 =	vadd.s32 s10, v5;
	v54 =	vld [tilespmem:s8+$0xFFFFFEE0];
	[tilespmem:v55+s16+$0x0] =	vst.idx.msk $0xffff, v45;
	v55 =	vmul.f32 $8.000000000e+00, v56  }
0x217: {  	v45 =	vld [tilespmem:s8+$0xFFFFFF60];
	[tilespmem:v57+s16+$0x0] =	vst.idx.msk $0xffff, v61;
	v56 =	vmul.f32 $8.000000000e+00, v49;
	v57 =	vadd.s32 v30, v33  }
0x218: {  	v58 =	vadd.s32 v14, v32;
	v59 =	vld [tilespmem:s8+$0xFFFFFFE0];
	[tilespmem:v42+s16+$0x0] =	vst.idx.msk $0xffff, v55;
	v60 =	vmul.f32 $8.000000000e+00, v60  }
0x219: {  	v44 =	vadd.s32 v22, v34;
	v61 =	vmul.f32 $8.000000000e+00, v48;
	v48 =	vld [tilespmem:s8+$0x60];
	[tilespmem:v50+s16+$0x0] =	vst.idx.msk $0xffff, v56  }
0x21a: {  	v38 =	vadd.s32 v30, v35;
	v50 =	vld [tilespmem:s8+$0xE0];
	[tilespmem:v40+s16+$0x0] =	vst.idx.msk $0xffff, v60;
	v62 =	vmul.f32 $8.000000000e+00, v62  }
0x21b: {  	[tilespmem:v63+s16+$0x0] =	vst.idx.msk $0xffff, v61;
	v63 =	vmul.f32 $8.000000000e+00, v54;
	v54 =	vadd.s32 s6, v6;
	v55 =	vld [tilespmem:s8+$0x160]  }
0x21c: {  	v56 =	vadd.s32 v14, v36;
	v46 =	vld [tilespmem:s8+$0xFFFFFE60];
	v45 =	vmul.f32 $8.000000000e+00, v45;
	[tilespmem:v57+s16+$0x0] =	vst.idx.msk $0xffff, v62  }
0x21d: {  	[tilespmem:v58+s16+$0x0] =	vst.idx.msk $0xffff, v63;
	v57 =	vmul.f32 $8.000000000e+00, v59;
	v58 =	vadd.s32 v22, v37;
	v59 =	vld [tilespmem:s8+$0x1F0]  }
0x21e: {  	v60 =	vadd.s32 s10, v6;
	v61 =	vld [tilespmem:s8+$0xFFFFFEF0];
	[tilespmem:v44+s16+$0x0] =	vst.idx.msk $0xffff, v45;
	v62 =	vmul.f32 $8.000000000e+00, v48  }
0x21f: {  	v33 =	vadd.s32 v31, v33;
	v45 =	vld [tilespmem:s8+$0xFFFFFF70];
	[tilespmem:v38+s16+$0x0] =	vst.idx.msk $0xffff, v57;
	v63 =	vmul.f32 $8.000000000e+00, v50  }
0x220: {  	v32 =	vadd.s32 v15, v32;
	v39 =	vld [tilespmem:s8+$0xFFFFFFF0];
	[tilespmem:v54+s16+$0x0] =	vst.idx.msk $0xffff, v62;
	v48 =	vmul.f32 $8.000000000e+00, v55  }
0x221: {  	v34 =	vadd.s32 v23, v34;
	v50 =	vmul.f32 $8.000000000e+00, v46;
	v44 =	vld [tilespmem:s8+$0x70];
	[tilespmem:v56+s16+$0x0] =	vst.idx.msk $0xffff, v63  }
0x222: {  	v35 =	vadd.s32 v31, v35;
	v38 =	vld [tilespmem:s8+$0xF0];
	[tilespmem:v58+s16+$0x0] =	vst.idx.msk $0xffff, v48;
	v52 =	vmul.f32 $8.000000000e+00, v59  }
0x223: {  	v53 =	vadd.s32 s6, v7;
	[tilespmem:v60+s16+$0x0] =	vst.idx.msk $0xffff, v50;
	v54 =	vmul.f32 $8.000000000e+00, v61;
	v55 =	vld [tilespmem:s8+$0x170]  }
0x224: {  	v36 =	vadd.s32 v15, v36;
	v56 =	vld [tilespmem:s8+$0xFFFFFE70];
	v45 =	vmul.f32 $8.000000000e+00, v45;
	[tilespmem:v33+s16+$0x0] =	vst.idx.msk $0xffff, v52  }
0x225: {  	v58 =	vadd.s32 v23, v37;
	[tilespmem:v32+s16+$0x0] =	vst.idx.msk $0xffff, v54;
	v57 =	vmul.f32 $8.000000000e+00, v39  }
0x226: {  	v59 =	vadd.s32 s10, v7;
	[tilespmem:v34+s16+$0x0] =	vst.idx.msk $0xffff, v45;
	v60 =	vmul.f32 $8.000000000e+00, v44  }
0x227: {  	s6 =	sadd.s32 s5, s0;
	[tilespmem:v35+s16+$0x0] =	vst.idx.msk $0xffff, v57;
	v61 =	vmul.f32 $8.000000000e+00, v38  }
0x228: {  	s7 =	sshll.u32 s6, $0xA;
	s2 =	sshll.u32 s6, $0x4;
	s8 =	sshll.u32 s0, $0xF;
	[tilespmem:v53+s16+$0x0] =	vst.idx.msk $0xffff, v60;
	v62 =	vmul.f32 $8.000000000e+00, v55  }
0x229: {  	s6 =	sand.u32 $0xFFC0000, s7;
	s2 =	sand.u32 $0xF80, s2;
	s0 =	sand.u32 $0x28000, s8;
	v63 =	vmul.f32 $8.000000000e+00, v56;
	[tilespmem:v36+s16+$0x0] =	vst.idx.msk $0xffff, v61  }
0x22a: {  	s2 =	sadd.s32 s1, s2;
	s0 =	sor.u32 s6, s0;
	[tilespmem:v58+s16+$0x0] =	vst.idx.msk $0xffff, v62  }
0x22b: {  	s10 =	simm.s32 $0x10600;
	s2 =	sadd.s32 s0, s2;
	[tilespmem:v59+s16+$0x0] =	vst.idx.msk $0xffff, v63  }
0x22c: {  	[hbm4b:s2+s3] =	stream.linear.scatter [tilespmem:s10], [sflag:$0x6], $0x80, $0x38;
	[tilespmem:$0x16C00] =	vst v63  }
0x22d: {  	s6 =	simm.s32 $0x10688;
	s7 =	sadd.s32 $0x10, s2  }
0x22e: {  	[hbm4b:s7+s3] =	stream.linear.scatter [tilespmem:s6], [sflag:$0x6], $0x80, $0x38;
	[tilespmem:$0x16C00] =	vst v63  }
0x22f: {  	s8 =	simm.s32 $0x10710;
	s10 =	sadd.s32 $0x20, s2  }
0x230: {  	[hbm4b:s10+s3] =	stream.linear.scatter [tilespmem:s8], [sflag:$0x6], $0x80, $0x38;
	[tilespmem:$0x16C00] =	vst v63  }
0x231: {  	s6 =	simm.s32 $0x10798;
	s7 =	sadd.s32 $0x30, s2  }
0x232: {  	[hbm4b:s7+s3] =	stream.linear.scatter [tilespmem:s6], [sflag:$0x6], $0x80, $0x38;
	[tilespmem:$0x16C00] =	vst v63  }
0x233: {  	s8 =	simm.s32 $0x10820;
	s10 =	sadd.s32 $0x40, s2  }
0x234: {  	[hbm4b:s10+s3] =	stream.linear.scatter [tilespmem:s8], [sflag:$0x6], $0x80, $0x38;
	[tilespmem:$0x16C00] =	vst v63  }
0x235: {  	s0 =	simm.s32 $0x440;
	s6 =	simm.s32 $0x108A8;
	s7 =	sadd.s32 $0x50, s2  }
0x236: {  	[hbm4b:s7+s3] =	stream.linear.scatter [tilespmem:s6], [sflag:$0x6], $0x80, $0x38;
	[tilespmem:$0x16C00] =	vst v63  }
0x237: {  	s8 =	simm.s32 $0x10930;
	s10 =	sadd.s32 $0x60, s2;
	s6 =	simm.s32 $0x2200  }
0x238: {  	[hbm4b:s10+s3] =	stream.linear.scatter [tilespmem:s8], [sflag:$0x6], $0x80, $0x38;
	[tilespmem:$0x16C00] =	vst v63  }
0x239: {  	s7 =	simm.s32 $0x109B8;
	s10 =	sadd.s32 $0x70, s2;
	s2 =	sadd.s32 $0x1000, s2  }
.LBB2_11:
0x23a: {  	[hbm4b:s10+s3] =	stream.linear.scatter [tilespmem:s7], [sflag:$0x6], $0x80, $0x38;
	[tilespmem:$0x16C00] =	vst v63  }
0x23b: {  	s7 =	smov.u32 s0;
	s0 =	smov.u32 s6  }
0x23c: {  	s8 =	sadd.s32 $0x1100, s6;
	s0 =	sshra.s32 s0, $0x2;
	s10 =	sadd.s32 $0x10600, s7  }
0x23d: {  	[hbm4b:s2+s3] =	stream.linear.scatter [tilespmem:s10], [sflag:$0x6], $0x80, $0x38;
	[tilespmem:$0x16C00] =	vst v63  }
0x23e: {  	p1 =	sne.s32 s6, $0x7700;
	s6 =	sadd.s32 $0x10688, s7;
	s10 =	sadd.s32 $0x10, s2  }
0x23f: {  	[hbm4b:s10+s3] =	stream.linear.scatter [tilespmem:s6], [sflag:$0x6], $0x80, $0x38;
	[tilespmem:$0x16C00] =	vst v63  }
0x240: {  	s6 =	sadd.s32 $0x10710, s7;
	s10 =	sadd.s32 $0x20, s2  }
0x241: {  	[hbm4b:s10+s3] =	stream.linear.scatter [tilespmem:s6], [sflag:$0x6], $0x80, $0x38;
	[tilespmem:$0x16C00] =	vst v63  }
0x242: {  	s6 =	sadd.s32 $0x10798, s7;
	s10 =	sadd.s32 $0x30, s2  }
0x243: {  	[hbm4b:s10+s3] =	stream.linear.scatter [tilespmem:s6], [sflag:$0x6], $0x80, $0x38;
	[tilespmem:$0x16C00] =	vst v63  }
0x244: {  	s6 =	sadd.s32 $0x10820, s7;
	s10 =	sadd.s32 $0x40, s2  }
0x245: {  	[hbm4b:s10+s3] =	stream.linear.scatter [tilespmem:s6], [sflag:$0x6], $0x80, $0x38;
	[tilespmem:$0x16C00] =	vst v63  }
.Ltmp4:
0x246: {  	s6 =	sadd.s32 $0x108A8, s7;
	s10 =	sadd.s32 $0x50, s2;
	(pc) =	sbr.rel @p1 .LBB2_11-.Ltmp4, $4  }
0x247: {  	[hbm4b:s10+s3] =	stream.linear.scatter [tilespmem:s6], [sflag:$0x6], $0x80, $0x38;
	[tilespmem:$0x16C00] =	vst v63  }
0x248: {  	s6 =	sadd.s32 $0x10930, s7;
	s10 =	sadd.s32 $0x60, s2;
	s7 =	sadd.s32 $0x109B8, s7  }
0x249: {  	[hbm4b:s10+s3] =	stream.linear.scatter [tilespmem:s6], [sflag:$0x6], $0x80, $0x38;
	[tilespmem:$0x16C00] =	vst v63  }
0x24a: {  	s10 =	sadd.s32 $0x70, s2;
	s2 =	sadd.s32 $0x1000, s2;
	s6 =	smov.u32 s8  }
0x24b: {  	[hbm4b:s10+s3] =	stream.linear.scatter [tilespmem:s7], [sflag:$0x6], $0x80, $0x38;
	[tilespmem:$0x16C00] =	vst v63  }
0x24c: {  	s6 =	sadd.s32 $0x10600, s0  }
0x24d: {  	[hbm4b:s2+s3] =	stream.linear.scatter [tilespmem:s6], [sflag:$0x6], $0x80, $0x38;
	[tilespmem:$0x16C00] =	vst v63  }
0x24e: {  	s8 =	sadd.s32 $0x10688, s0;
	s10 =	sadd.s32 $0x10, s2  }
0x24f: {  	[hbm4b:s10+s3] =	stream.linear.scatter [tilespmem:s8], [sflag:$0x6], $0x80, $0x38;
	[tilespmem:$0x16C00] =	vst v63  }
0x250: {  	s8 =	sadd.s32 $0x10710, s0;
	s10 =	sadd.s32 $0x20, s2  }
0x251: {  	[hbm4b:s10+s3] =	stream.linear.scatter [tilespmem:s8], [sflag:$0x6], $0x80, $0x38;
	[tilespmem:$0x16C00] =	vst v63  }
0x252: {  	s8 =	sadd.s32 $0x10798, s0;
	s10 =	sadd.s32 $0x30, s2  }
0x253: {  	[hbm4b:s10+s3] =	stream.linear.scatter [tilespmem:s8], [sflag:$0x6], $0x80, $0x38;
	[tilespmem:$0x16C00] =	vst v63  }
0x254: {  	s8 =	sadd.s32 $0x10820, s0;
	s10 =	sadd.s32 $0x40, s2  }
0x255: {  	[hbm4b:s10+s3] =	stream.linear.scatter [tilespmem:s8], [sflag:$0x6], $0x80, $0x38;
	[tilespmem:$0x16C00] =	vst v63  }
0x256: {  	s8 =	sadd.s32 $0x108A8, s0;
	s10 =	sadd.s32 $0x50, s2  }
0x257: {  	[hbm4b:s10+s3] =	stream.linear.scatter [tilespmem:s8], [sflag:$0x6], $0x80, $0x38;
	[tilespmem:$0x16C00] =	vst v63  }
0x258: {  	s8 =	sadd.s32 $0x10930, s0;
	s10 =	sadd.s32 $0x60, s2  }
0x259: {  	[hbm4b:s10+s3] =	stream.linear.scatter [tilespmem:s8], [sflag:$0x6], $0x80, $0x38;
	[tilespmem:$0x16C00] =	vst v63  }
0x25a: {  	s7 =	sadd.s32 $0x70, s2;
	s6 =	sadd.s32 $0x109B8, s0;
	s0 =	simm.s32 @!p0 $0x8  }
0x25b: {  	[hbm4b:s7+s3] =	stream.linear.scatter [tilespmem:s6], [sflag:$0x6], $0x80, $0x38;
	[tilespmem:$0x16C00] =	vst v63  }
0x25c: {  	s30 =	sor.u32 $0x3, s30;
	_ =	swait.ge @!p0 [sflag:s0], $0x2000  }
0x25d: {  	s8 =	sshll.u32 s30, $0x7;
	[sflag:s0] =	ssyncset.done @!p0 $0x0  }
0x25e: {  	s2 =	simm.s32 $0xE;
	s10 =	sand.u32 $0x3FFFFF80, s8;
	[sflag:s0] =	ssyncadd.s32 @!p0 $0xFFFFE000  }
0x25f: {  	[tilespmem:s17], [sflag:$0x4] =	stream.indirect.gather [hbm4b:s4+s9], $0x40, s10, s9, $0xb8;
	[tilespmem:$0x16C00] =	vst v63  }
0x260: {  	v32 =	vmov s2;
	_ =	swait.ge [sflag:s18], $0x2000  }
0x261: {  	v32 =	vand.u32 $0x78, v32;
	s8 =	simm.s32 $0x6;
	s6 =	simm.s32 $0x2;
	[sflag:s18] =	ssyncset.done $0x0  }
0x262: {  	v35 =	vbroadcast v32, $0x0;
	s7 =	simm.s32 $0x4;
	v33 =	vmov s6;
	s0 =	simm.s32 $0xA600;
	[sflag:s18] =	ssyncadd.s32 $0xFFFFE000  }
0x263: {  	v36 =	vmov s8;
	v34 =	vmov s7;
	v33 =	vand.u32 $0x70, v33;
	v38 =	vld [tilespmem:s0+$0x180]  }
0x264: {  	s6 =	simm.s32 $0xC;
	v58 =	vand.u32 $0x70, v36;
	v34 =	vand.u32 $0x70, v34;
	v37 =	vbroadcast v33, $0x0;
	v39 =	vld [tilespmem:s0+$0xFFFFFE80]  }
0x265: {  	v41 =	vadd.s32 v24, v35;
	v42 =	vmov s6;
	v36 =	vbroadcast v34, $0x0;
	s10 =	simm.s32 $0xA;
	v40 =	vld [tilespmem:s0+$0xFFFFFF00]  }
0x266: {  	v34 =	vbroadcast v58, $0x0;
	v57 =	vmov s10;
	v43 =	vadd.s32 v8, v37;
	v44 =	vld [tilespmem:s0+$0xFFFFFF80]  }
0x267: {  	v42 =	vand.u32 $0x78, v42;
	v45 =	vadd.s32 v16, v36;
	v32 =	vand.u32 $0x78, v57;
	v46 =	vld [tilespmem:s0+$0x0]  }
0x268: {  	s7 =	simm.s32 $0x8;
	v47 =	vadd.s32 v24, v34;
	v33 =	vbroadcast v32, $0x0;
	v48 =	vld [tilespmem:s0+$0x80];
	v38 =	vmul.f32 $8.000000000e+00, v38  }
0x269: {  	v49 =	vadd.s32 s7, v0;
	v32 =	vbroadcast v42, $0x0;
	v50 =	vld [tilespmem:s0+$0x100];
	v39 =	vmul.f32 $8.000000000e+00, v39  }
0x26a: {  	v59 =	vld [tilespmem:s0+$0xFFFFFE00];
	v51 =	vadd.s32 v8, v33;
	v40 =	vmul.f32 $8.000000000e+00, v40;
	[tilespmem:v41+s19+$0x0] =	vst.idx.msk $0xffff, v38  }
0x26b: {  	s8 =	simm.s32 $0x0;
	v61 =	vadd.s32 v16, v32;
	v60 =	vmul.f32 $8.000000000e+00, v44;
	[tilespmem:v43+s19+$0x0] =	vst.idx.msk $0xffff, v39;
	v41 =	vld [tilespmem:s0+$0x190]  }
0x26c: {  	v62 =	vadd.s32 s8, v0;
	v52 =	vmul.f32 $8.000000000e+00, v46;
	[tilespmem:v45+s19+$0x0] =	vst.idx.msk $0xffff, v40;
	v63 =	vld [tilespmem:s0+$0xFFFFFE90]  }
0x26d: {  	v53 =	vmul.f32 $8.000000000e+00, v48;
	v46 =	vadd.s32 v25, v35;
	[tilespmem:v47+s19+$0x0] =	vst.idx.msk $0xffff, v60;
	v45 =	vld [tilespmem:s0+$0xFFFFFF10]  }
0x26e: {  	v54 =	vadd.s32 v9, v37;
	v56 =	vmul.f32 $8.000000000e+00, v50;
	[tilespmem:v49+s19+$0x0] =	vst.idx.msk $0xffff, v52;
	v55 =	vld [tilespmem:s0+$0xFFFFFF90]  }
0x26f: {  	v57 =	vadd.s32 v17, v36;
	v42 =	vmul.f32 $8.000000000e+00, v59;
	[tilespmem:v51+s19+$0x0] =	vst.idx.msk $0xffff, v53;
	v58 =	vld [tilespmem:s0+$0x10]  }
0x270: {  	v59 =	vadd.s32 v25, v34;
	[tilespmem:v61+s19+$0x0] =	vst.idx.msk $0xffff, v56;
	v51 =	vld [tilespmem:s0+$0x90];
	v60 =	vmul.f32 $8.000000000e+00, v41  }
0x271: {  	[tilespmem:v62+s19+$0x0] =	vst.idx.msk $0xffff, v42;
	v62 =	vadd.s32 s7, v1;
	v61 =	vmul.f32 $8.000000000e+00, v63;
	v63 =	vld [tilespmem:s0+$0x110]  }
0x272: {  	v43 =	vld [tilespmem:s0+$0xFFFFFE10];
	v52 =	vmul.f32 $8.000000000e+00, v45;
	v45 =	vadd.s32 v9, v33;
	[tilespmem:v46+s19+$0x0] =	vst.idx.msk $0xffff, v60  }
0x273: {  	v40 =	vadd.s32 v17, v32;
	v53 =	vmul.f32 $8.000000000e+00, v55;
	[tilespmem:v54+s19+$0x0] =	vst.idx.msk $0xffff, v61;
	v46 =	vld [tilespmem:s0+$0x1A0]  }
0x274: {  	v56 =	vmul.f32 $8.000000000e+00, v58;
	v54 =	vadd.s32 s8, v1;
	[tilespmem:v57+s19+$0x0] =	vst.idx.msk $0xffff, v52;
	v55 =	vld [tilespmem:s0+$0xFFFFFEA0]  }
0x275: {  	v58 =	vadd.s32 v26, v35;
	[tilespmem:v59+s19+$0x0] =	vst.idx.msk $0xffff, v53;
	v57 =	vmul.f32 $8.000000000e+00, v51;
	v49 =	vld [tilespmem:s0+$0xFFFFFF20]  }
0x276: {  	v59 =	vadd.s32 v10, v37;
	[tilespmem:v62+s19+$0x0] =	vst.idx.msk $0xffff, v56;
	v60 =	vld [tilespmem:s0+$0xFFFFFFA0];
	v61 =	vmul.f32 $8.000000000e+00, v63  }
0x277: {  	v62 =	vmul.f32 $8.000000000e+00, v43;
	v44 =	vld [tilespmem:s0+$0x20];
	v63 =	vadd.s32 v18, v36;
	[tilespmem:v45+s19+$0x0] =	vst.idx.msk $0xffff, v57  }
0x278: {  	v38 =	vadd.s32 v26, v34;
	v45 =	vld [tilespmem:s0+$0xA0];
	[tilespmem:v40+s19+$0x0] =	vst.idx.msk $0xffff, v61;
	v53 =	vmul.f32 $8.000000000e+00, v46  }
0x279: {  	[tilespmem:v54+s19+$0x0] =	vst.idx.msk $0xffff, v62;
	v54 =	vmul.f32 $8.000000000e+00, v55;
	v55 =	vadd.s32 s7, v2;
	v56 =	vld [tilespmem:s0+$0x120]  }
0x27a: {  	v47 =	vld [tilespmem:s0+$0xFFFFFE20];
	v57 =	vmul.f32 $8.000000000e+00, v49;
	v49 =	vadd.s32 v10, v33;
	[tilespmem:v58+s19+$0x0] =	vst.idx.msk $0xffff, v53  }
0x27b: {  	[tilespmem:v59+s19+$0x0] =	vst.idx.msk $0xffff, v54;
	v58 =	vmul.f32 $8.000000000e+00, v60;
	v59 =	vadd.s32 v18, v32;
	v60 =	vld [tilespmem:s0+$0x1B0]  }
0x27c: {  	v61 =	vadd.s32 s8, v2;
	[tilespmem:v63+s19+$0x0] =	vst.idx.msk $0xffff, v57;
	v63 =	vmul.f32 $8.000000000e+00, v44;
	v62 =	vld [tilespmem:s0+$0xFFFFFEB0]  }
0x27d: {  	v39 =	vadd.s32 v27, v35;
	v52 =	vld [tilespmem:s0+$0xFFFFFF30];
	v53 =	vmul.f32 $8.000000000e+00, v45;
	[tilespmem:v38+s19+$0x0] =	vst.idx.msk $0xffff, v58  }
0x27e: {  	v45 =	vadd.s32 v11, v37;
	v48 =	vld [tilespmem:s0+$0xFFFFFFB0];
	[tilespmem:v55+s19+$0x0] =	vst.idx.msk $0xffff, v63;
	v54 =	vmul.f32 $8.000000000e+00, v56  }
0x27f: {  	v55 =	vmul.f32 $8.000000000e+00, v47;
	v56 =	vadd.s32 v19, v36;
	[tilespmem:v49+s19+$0x0] =	vst.idx.msk $0xffff, v53;
	v57 =	vld [tilespmem:s0+$0x30]  }
0x280: {  	v58 =	vadd.s32 v27, v34;
	v49 =	vld [tilespmem:s0+$0xB0];
	[tilespmem:v59+s19+$0x0] =	vst.idx.msk $0xffff, v54;
	v59 =	vmul.f32 $8.000000000e+00, v60  }
0x281: {  	[tilespmem:v61+s19+$0x0] =	vst.idx.msk $0xffff, v55;
	v61 =	vadd.s32 s7, v3;
	v60 =	vmul.f32 $8.000000000e+00, v62;
	v62 =	vld [tilespmem:s0+$0x130]  }
0x282: {  	v63 =	vadd.s32 v11, v33;
	v50 =	vld [tilespmem:s0+$0xFFFFFE30];
	v44 =	vmul.f32 $8.000000000e+00, v52;
	[tilespmem:v39+s19+$0x0] =	vst.idx.msk $0xffff, v59  }
0x283: {  	v40 =	vadd.s32 v19, v32;
	[tilespmem:v45+s19+$0x0] =	vst.idx.msk $0xffff, v60;
	v53 =	vmul.f32 $8.000000000e+00, v48;
	v41 =	vld [tilespmem:s0+$0x1C0]  }
0x284: {  	v45 =	vadd.s32 s8, v3;
	[tilespmem:v56+s19+$0x0] =	vst.idx.msk $0xffff, v44;
	v48 =	vld [tilespmem:s0+$0xFFFFFEC0];
	v54 =	vmul.f32 $8.000000000e+00, v57  }
0x285: {  	v56 =	vadd.s32 v28, v35;
	v46 =	vld [tilespmem:s0+$0xFFFFFF40];
	v55 =	vmul.f32 $8.000000000e+00, v49;
	[tilespmem:v58+s19+$0x0] =	vst.idx.msk $0xffff, v53  }
0x286: {  	v57 =	vadd.s32 v12, v37;
	v58 =	vld [tilespmem:s0+$0xFFFFFFC0];
	[tilespmem:v61+s19+$0x0] =	vst.idx.msk $0xffff, v54;
	v59 =	vmul.f32 $8.000000000e+00, v62  }
0x287: {  	v60 =	vmul.f32 $8.000000000e+00, v50;
	v61 =	vadd.s32 v20, v36;
	[tilespmem:v63+s19+$0x0] =	vst.idx.msk $0xffff, v55;
	v62 =	vld [tilespmem:s0+$0x40]  }
0x288: {  	v63 =	vadd.s32 v28, v34;
	v51 =	vld [tilespmem:s0+$0xC0];
	[tilespmem:v40+s19+$0x0] =	vst.idx.msk $0xffff, v59;
	v52 =	vmul.f32 $8.000000000e+00, v41  }
0x289: {  	v42 =	vadd.s32 s7, v4;
	[tilespmem:v45+s19+$0x0] =	vst.idx.msk $0xffff, v60;
	v53 =	vmul.f32 $8.000000000e+00, v48;
	v54 =	vld [tilespmem:s0+$0x140]  }
0x28a: {  	v45 =	vld [tilespmem:s0+$0xFFFFFE40];
	v46 =	vmul.f32 $8.000000000e+00, v46;
	v48 =	vadd.s32 v12, v33;
	[tilespmem:v56+s19+$0x0] =	vst.idx.msk $0xffff, v52  }
0x28b: {  	v40 =	vadd.s32 v20, v32;
	[tilespmem:v57+s19+$0x0] =	vst.idx.msk $0xffff, v53;
	v55 =	vmul.f32 $8.000000000e+00, v58;
	v58 =	vld [tilespmem:s0+$0x1D0]  }
0x28c: {  	v56 =	vadd.s32 s8, v4;
	[tilespmem:v61+s19+$0x0] =	vst.idx.msk $0xffff, v46;
	v57 =	vld [tilespmem:s0+$0xFFFFFED0];
	v59 =	vmul.f32 $8.000000000e+00, v62  }
0x28d: {  	v61 =	vadd.s32 v29, v35;
	v46 =	vld [tilespmem:s0+$0xFFFFFF50];
	v60 =	vmul.f32 $8.000000000e+00, v51;
	[tilespmem:v63+s19+$0x0] =	vst.idx.msk $0xffff, v55  }
0x28e: {  	v62 =	vadd.s32 v13, v37;
	v63 =	vld [tilespmem:s0+$0xFFFFFFD0];
	[tilespmem:v42+s19+$0x0] =	vst.idx.msk $0xffff, v59;
	v52 =	vmul.f32 $8.000000000e+00, v54  }
0x28f: {  	v44 =	vadd.s32 v21, v36;
	v53 =	vmul.f32 $8.000000000e+00, v45;
	[tilespmem:v48+s19+$0x0] =	vst.idx.msk $0xffff, v60;
	v54 =	vld [tilespmem:s0+$0x50]  }
0x290: {  	v55 =	vadd.s32 v29, v34;
	v48 =	vld [tilespmem:s0+$0xD0];
	[tilespmem:v40+s19+$0x0] =	vst.idx.msk $0xffff, v52;
	v58 =	vmul.f32 $8.000000000e+00, v58  }
0x291: {  	v42 =	vadd.s32 s7, v5;
	[tilespmem:v56+s19+$0x0] =	vst.idx.msk $0xffff, v53;
	v59 =	vmul.f32 $8.000000000e+00, v57;
	v60 =	vld [tilespmem:s0+$0x150]  }
0x292: {  	v56 =	vadd.s32 v13, v33;
	v47 =	vld [tilespmem:s0+$0xFFFFFE50];
	v46 =	vmul.f32 $8.000000000e+00, v46;
	[tilespmem:v61+s19+$0x0] =	vst.idx.msk $0xffff, v58  }
0x293: {  	v40 =	vadd.s32 v21, v32;
	[tilespmem:v62+s19+$0x0] =	vst.idx.msk $0xffff, v59;
	v61 =	vmul.f32 $8.000000000e+00, v63;
	v62 =	vld [tilespmem:s0+$0x1E0]  }
0x294: {  	v63 =	vadd.s32 s8, v5;
	[tilespmem:v44+s19+$0x0] =	vst.idx.msk $0xffff, v46;
	v57 =	vld [tilespmem:s0+$0xFFFFFEE0];
	v58 =	vmul.f32 $8.000000000e+00, v54  }
0x295: {  	v46 =	vadd.s32 v30, v35;
	v45 =	vld [tilespmem:s0+$0xFFFFFF60];
	v59 =	vmul.f32 $8.000000000e+00, v48;
	[tilespmem:v55+s19+$0x0] =	vst.idx.msk $0xffff, v61  }
0x296: {  	v48 =	vadd.s32 v14, v37;
	v52 =	vld [tilespmem:s0+$0xFFFFFFE0];
	[tilespmem:v42+s19+$0x0] =	vst.idx.msk $0xffff, v58;
	v60 =	vmul.f32 $8.000000000e+00, v60  }
0x297: {  	v44 =	vadd.s32 v22, v36;
	v61 =	vmul.f32 $8.000000000e+00, v47;
	[tilespmem:v56+s19+$0x0] =	vst.idx.msk $0xffff, v59;
	v47 =	vld [tilespmem:s0+$0x60]  }
0x298: {  	v38 =	vadd.s32 s8, v7;
	v53 =	vadd.s32 v30, v34;
	v54 =	vld [tilespmem:s0+$0xE0];
	[tilespmem:v40+s19+$0x0] =	vst.idx.msk $0xffff, v60;
	v62 =	vmul.f32 $8.000000000e+00, v62  }
0x299: {  	v39 =	vadd.s32 s7, v7;
	v50 =	vadd.s32 s7, v6;
	[tilespmem:v63+s19+$0x0] =	vst.idx.msk $0xffff, v61;
	v63 =	vmul.f32 $8.000000000e+00, v57;
	v55 =	vld [tilespmem:s0+$0x160]  }
0x29a: {  	v41 =	vadd.s32 s8, v6;
	v56 =	vld [tilespmem:s0+$0xFFFFFE60];
	v45 =	vmul.f32 $8.000000000e+00, v45;
	v57 =	vadd.s32 v14, v33;
	[tilespmem:v46+s19+$0x0] =	vst.idx.msk $0xffff, v62  }
0x29b: {  	v51 =	vadd.s32 v31, v35;
	v58 =	vadd.s32 v22, v32;
	[tilespmem:v48+s19+$0x0] =	vst.idx.msk $0xffff, v63;
	v52 =	vmul.f32 $8.000000000e+00, v52;
	v59 =	vld [tilespmem:s0+$0x1F0]  }
0x29c: {  	s8 =	simm.s32 $0x1A;
	v35 =	vadd.s32 v23, v36;
	v36 =	vadd.s32 v31, v34;
	[tilespmem:v44+s19+$0x0] =	vst.idx.msk $0xffff, v45;
	v43 =	vld [tilespmem:s0+$0xFFFFFEF0];
	v61 =	vmul.f32 $8.000000000e+00, v47  }
0x29d: {  	s6 =	simm.s32 $0x14;
	s10 =	simm.s32 $0x12;
	v37 =	vadd.s32 v15, v37;
	v42 =	vmov s8;
	v49 =	vld [tilespmem:s0+$0xFFFFFF70];
	v62 =	vmul.f32 $8.000000000e+00, v54;
	[tilespmem:v53+s19+$0x0] =	vst.idx.msk $0xffff, v52  }
0x29e: {  	s7 =	simm.s32 $0x16;
	v60 =	vmov s6;
	v46 =	vmov s10;
	v44 =	vld [tilespmem:s0+$0xFFFFFFF0];
	[tilespmem:v50+s19+$0x0] =	vst.idx.msk $0xffff, v61;
	v63 =	vmul.f32 $8.000000000e+00, v55  }
0x29f: {  	v48 =	vmov s7;
	s10 =	simm.s32 $0x1C;
	v45 =	vand.u32 $0x70, v46;
	v52 =	vmul.f32 $8.000000000e+00, v56;
	[tilespmem:v57+s19+$0x0] =	vst.idx.msk $0xffff, v62;
	v46 =	vld [tilespmem:s0+$0x70]  }
0x2a0: {  	s2 =	simm.s32 $0x10;
	s6 =	simm.s32 $0x20;
	s7 =	simm.s32 $0x1E;
	v40 =	vmov s10;
	v47 =	vand.u32 $0x70, v60;
	v50 =	vld [tilespmem:s0+$0xF0];
	[tilespmem:v58+s19+$0x0] =	vst.idx.msk $0xffff, v63;
	v34 =	vmul.f32 $8.000000000e+00, v59  }
.LBB2_13:
0x2a1: {  	p0 =	slt.u32 s6, $0x70;
	v48 =	vand.u32 $0x70, v48;
	v53 =	vmov s7;
	[tilespmem:v41+s19+$0x0] =	vst.idx.msk $0xffff, v52;
	v41 =	vmul.f32 $8.000000000e+00, v43;
	v43 =	vld [tilespmem:s0+$0x170]  }
0x2a2: {  	v33 =	vadd.s32 v15, v33;
	v52 =	vand.u32 $0x78, v53;
	v53 =	vld [tilespmem:s0+$0xFFFFFE70];
	v49 =	vmul.f32 $8.000000000e+00, v49;
	[tilespmem:v51+s19+$0x0] =	vst.idx.msk $0xffff, v34;
	s0 =	sadd.s32 $0x400, s0  }
0x2a3: {  	v32 =	vadd.s32 v23, v32;
	v51 =	vld [tilespmem:s0+$0x180];
	v34 =	vbroadcast v52, $0x0;
	[tilespmem:v37+s19+$0x0] =	vst.idx.msk $0xffff, v41;
	v41 =	vmul.f32 $8.000000000e+00, v44  }
0x2a4: {  	v42 =	vand.u32 $0x78, v42;
	v37 =	vbroadcast v45, $0x0;
	v44 =	vld [tilespmem:s0+$0xFFFFFE80];
	[tilespmem:v35+s19+$0x0] =	vst.idx.msk $0xffff, v49;
	v45 =	vmul.f32 $8.000000000e+00, v46  }
0x2a5: {  	v35 =	vbroadcast v47, $0x0;
	v46 =	vld [tilespmem:s0+$0xFFFFFF00];
	v47 =	vadd.s32 v24, v34;
	[tilespmem:v36+s19+$0x0] =	vst.idx.msk $0xffff, v41;
	v41 =	vmul.f32 $8.000000000e+00, v50  }
0x2a6: {  	v49 =	vadd.s32 v8, v37;
	v36 =	vbroadcast v48, $0x0;
	v50 =	vld [tilespmem:s0+$0xFFFFFF80];
	[tilespmem:v39+s19+$0x0] =	vst.idx.msk $0xffff, v45;
	v39 =	vmul.f32 $8.000000000e+00, v43  }
0x2a7: {  	v40 =	vand.u32 $0x78, v40;
	v43 =	vadd.s32 v16, v35;
	v45 =	vld [tilespmem:s0+$0x0];
	v48 =	vmul.f32 $8.000000000e+00, v53;
	[tilespmem:v33+s19+$0x0] =	vst.idx.msk $0xffff, v41  }
0x2a8: {  	s7 =	sadd.s32 $0x8, s2;
	v41 =	vadd.s32 v24, v36;
	v33 =	vbroadcast v42, $0x0;
	v52 =	vld [tilespmem:s0+$0x80];
	v42 =	vmul.f32 $8.000000000e+00, v51;
	[tilespmem:v32+s19+$0x0] =	vst.idx.msk $0xffff, v39  }
0x2a9: {  	v32 =	vbroadcast v40, $0x0;
	v39 =	vmul.f32 $8.000000000e+00, v44;
	v44 =	vadd.s32 s7, v0;
	v51 =	vld [tilespmem:s0+$0x100];
	[tilespmem:v38+s19+$0x0] =	vst.idx.msk $0xffff, v48  }
0x2aa: {  	v38 =	vld [tilespmem:s0+$0xFFFFFE00];
	v40 =	vmul.f32 $8.000000000e+00, v46;
	v46 =	vadd.s32 v8, v33;
	[tilespmem:v47+s19+$0x0] =	vst.idx.msk $0xffff, v42  }
0x2ab: {  	v42 =	vadd.s32 v16, v32;
	[tilespmem:v49+s19+$0x0] =	vst.idx.msk $0xffff, v39;
	v39 =	vmul.f32 $8.000000000e+00, v50;
	v47 =	vld [tilespmem:s0+$0x190]  }
0x2ac: {  	v48 =	vadd.s32 s2, v0;
	v49 =	vld [tilespmem:s0+$0xFFFFFE90];
	[tilespmem:v43+s19+$0x0] =	vst.idx.msk $0xffff, v40;
	v40 =	vmul.f32 $8.000000000e+00, v45  }
0x2ad: {  	v43 =	vld [tilespmem:s0+$0xFFFFFF10];
	[tilespmem:v41+s19+$0x0] =	vst.idx.msk $0xffff, v39;
	v39 =	vmul.f32 $8.000000000e+00, v52;
	v41 =	vadd.s32 v25, v34  }
0x2ae: {  	v45 =	vadd.s32 v9, v37;
	v50 =	vld [tilespmem:s0+$0xFFFFFF90];
	[tilespmem:v44+s19+$0x0] =	vst.idx.msk $0xffff, v40;
	v40 =	vmul.f32 $8.000000000e+00, v51  }
0x2af: {  	v44 =	vadd.s32 v17, v35;
	v38 =	vmul.f32 $8.000000000e+00, v38;
	v51 =	vld [tilespmem:s0+$0x10];
	[tilespmem:v46+s19+$0x0] =	vst.idx.msk $0xffff, v39  }
0x2b0: {  	v39 =	vadd.s32 v25, v36;
	v46 =	vld [tilespmem:s0+$0x90];
	[tilespmem:v42+s19+$0x0] =	vst.idx.msk $0xffff, v40;
	v40 =	vmul.f32 $8.000000000e+00, v47  }
0x2b1: {  	v42 =	vadd.s32 s7, v1;
	[tilespmem:v48+s19+$0x0] =	vst.idx.msk $0xffff, v38;
	v38 =	vmul.f32 $8.000000000e+00, v49;
	v47 =	vld [tilespmem:s0+$0x110]  }
0x2b2: {  	v49 =	vadd.s32 v9, v33;
	v48 =	vld [tilespmem:s0+$0xFFFFFE10];
	v43 =	vmul.f32 $8.000000000e+00, v43;
	[tilespmem:v41+s19+$0x0] =	vst.idx.msk $0xffff, v40  }
0x2b3: {  	v40 =	vadd.s32 v17, v32;
	[tilespmem:v45+s19+$0x0] =	vst.idx.msk $0xffff, v38;
	v38 =	vmul.f32 $8.000000000e+00, v50;
	v41 =	vld [tilespmem:s0+$0x1A0]  }
0x2b4: {  	v45 =	vadd.s32 s2, v1;
	v50 =	vld [tilespmem:s0+$0xFFFFFEA0];
	[tilespmem:v44+s19+$0x0] =	vst.idx.msk $0xffff, v43;
	v43 =	vmul.f32 $8.000000000e+00, v51  }
0x2b5: {  	v44 =	vld [tilespmem:s0+$0xFFFFFF20];
	[tilespmem:v39+s19+$0x0] =	vst.idx.msk $0xffff, v38;
	v38 =	vmul.f32 $8.000000000e+00, v46;
	v39 =	vadd.s32 v26, v34  }
0x2b6: {  	v46 =	vadd.s32 v10, v37;
	v51 =	vld [tilespmem:s0+$0xFFFFFFA0];
	[tilespmem:v42+s19+$0x0] =	vst.idx.msk $0xffff, v43;
	v42 =	vmul.f32 $8.000000000e+00, v47  }
0x2b7: {  	v47 =	vadd.s32 v18, v35;
	v43 =	vmul.f32 $8.000000000e+00, v48;
	v48 =	vld [tilespmem:s0+$0x20];
	[tilespmem:v49+s19+$0x0] =	vst.idx.msk $0xffff, v38  }
0x2b8: {  	v38 =	vadd.s32 v26, v36;
	v49 =	vld [tilespmem:s0+$0xA0];
	[tilespmem:v40+s19+$0x0] =	vst.idx.msk $0xffff, v42;
	v40 =	vmul.f32 $8.000000000e+00, v41  }
0x2b9: {  	v42 =	vadd.s32 s7, v2;
	[tilespmem:v45+s19+$0x0] =	vst.idx.msk $0xffff, v43;
	v41 =	vmul.f32 $8.000000000e+00, v50;
	v43 =	vld [tilespmem:s0+$0x120]  }
0x2ba: {  	v50 =	vadd.s32 v10, v33;
	v45 =	vld [tilespmem:s0+$0xFFFFFE20];
	v44 =	vmul.f32 $8.000000000e+00, v44;
	[tilespmem:v39+s19+$0x0] =	vst.idx.msk $0xffff, v40  }
0x2bb: {  	v40 =	vadd.s32 v18, v32;
	[tilespmem:v46+s19+$0x0] =	vst.idx.msk $0xffff, v41;
	v39 =	vmul.f32 $8.000000000e+00, v51;
	v41 =	vld [tilespmem:s0+$0x1B0]  }
0x2bc: {  	v46 =	vadd.s32 s2, v2;
	v51 =	vld [tilespmem:s0+$0xFFFFFEB0];
	[tilespmem:v47+s19+$0x0] =	vst.idx.msk $0xffff, v44;
	v44 =	vmul.f32 $8.000000000e+00, v48  }
0x2bd: {  	v47 =	vld [tilespmem:s0+$0xFFFFFF30];
	[tilespmem:v38+s19+$0x0] =	vst.idx.msk $0xffff, v39;
	v38 =	vmul.f32 $8.000000000e+00, v49;
	v39 =	vadd.s32 v27, v34  }
0x2be: {  	v48 =	vadd.s32 v11, v37;
	v49 =	vld [tilespmem:s0+$0xFFFFFFB0];
	[tilespmem:v42+s19+$0x0] =	vst.idx.msk $0xffff, v44;
	v42 =	vmul.f32 $8.000000000e+00, v43  }
0x2bf: {  	v44 =	vadd.s32 v19, v35;
	v43 =	vmul.f32 $8.000000000e+00, v45;
	v45 =	vld [tilespmem:s0+$0x30];
	[tilespmem:v50+s19+$0x0] =	vst.idx.msk $0xffff, v38  }
0x2c0: {  	v38 =	vadd.s32 v27, v36;
	v50 =	vld [tilespmem:s0+$0xB0];
	[tilespmem:v40+s19+$0x0] =	vst.idx.msk $0xffff, v42;
	v40 =	vmul.f32 $8.000000000e+00, v41  }
0x2c1: {  	v42 =	vadd.s32 s7, v3;
	[tilespmem:v46+s19+$0x0] =	vst.idx.msk $0xffff, v43;
	v41 =	vmul.f32 $8.000000000e+00, v51;
	v43 =	vld [tilespmem:s0+$0x130]  }
0x2c2: {  	v51 =	vadd.s32 v11, v33;
	v46 =	vld [tilespmem:s0+$0xFFFFFE30];
	v47 =	vmul.f32 $8.000000000e+00, v47;
	[tilespmem:v39+s19+$0x0] =	vst.idx.msk $0xffff, v40  }
0x2c3: {  	v40 =	vadd.s32 v19, v32;
	[tilespmem:v48+s19+$0x0] =	vst.idx.msk $0xffff, v41;
	v39 =	vmul.f32 $8.000000000e+00, v49;
	v41 =	vld [tilespmem:s0+$0x1C0]  }
0x2c4: {  	v48 =	vadd.s32 s2, v3;
	v49 =	vld [tilespmem:s0+$0xFFFFFEC0];
	[tilespmem:v44+s19+$0x0] =	vst.idx.msk $0xffff, v47;
	v44 =	vmul.f32 $8.000000000e+00, v45  }
0x2c5: {  	v45 =	vld [tilespmem:s0+$0xFFFFFF40];
	[tilespmem:v38+s19+$0x0] =	vst.idx.msk $0xffff, v39;
	v38 =	vmul.f32 $8.000000000e+00, v50;
	v39 =	vadd.s32 v28, v34  }
0x2c6: {  	v47 =	vadd.s32 v12, v37;
	v50 =	vld [tilespmem:s0+$0xFFFFFFC0];
	[tilespmem:v42+s19+$0x0] =	vst.idx.msk $0xffff, v44;
	v42 =	vmul.f32 $8.000000000e+00, v43  }
0x2c7: {  	v44 =	vadd.s32 v20, v35;
	v43 =	vmul.f32 $8.000000000e+00, v46;
	v46 =	vld [tilespmem:s0+$0x40];
	[tilespmem:v51+s19+$0x0] =	vst.idx.msk $0xffff, v38  }
0x2c8: {  	v38 =	vadd.s32 v28, v36;
	v51 =	vld [tilespmem:s0+$0xC0];
	[tilespmem:v40+s19+$0x0] =	vst.idx.msk $0xffff, v42;
	v40 =	vmul.f32 $8.000000000e+00, v41  }
0x2c9: {  	v42 =	vadd.s32 s7, v4;
	[tilespmem:v48+s19+$0x0] =	vst.idx.msk $0xffff, v43;
	v41 =	vmul.f32 $8.000000000e+00, v49;
	v43 =	vld [tilespmem:s0+$0x140]  }
0x2ca: {  	v49 =	vadd.s32 v12, v33;
	v48 =	vld [tilespmem:s0+$0xFFFFFE40];
	v45 =	vmul.f32 $8.000000000e+00, v45;
	[tilespmem:v39+s19+$0x0] =	vst.idx.msk $0xffff, v40  }
0x2cb: {  	v40 =	vadd.s32 v20, v32;
	[tilespmem:v47+s19+$0x0] =	vst.idx.msk $0xffff, v41;
	v39 =	vmul.f32 $8.000000000e+00, v50;
	v41 =	vld [tilespmem:s0+$0x1D0]  }
0x2cc: {  	v47 =	vadd.s32 s2, v4;
	v50 =	vld [tilespmem:s0+$0xFFFFFED0];
	[tilespmem:v44+s19+$0x0] =	vst.idx.msk $0xffff, v45;
	v44 =	vmul.f32 $8.000000000e+00, v46  }
0x2cd: {  	v45 =	vld [tilespmem:s0+$0xFFFFFF50];
	[tilespmem:v38+s19+$0x0] =	vst.idx.msk $0xffff, v39;
	v38 =	vmul.f32 $8.000000000e+00, v51;
	v39 =	vadd.s32 v29, v34  }
0x2ce: {  	v46 =	vadd.s32 v13, v37;
	v51 =	vld [tilespmem:s0+$0xFFFFFFD0];
	[tilespmem:v42+s19+$0x0] =	vst.idx.msk $0xffff, v44;
	v42 =	vmul.f32 $8.000000000e+00, v43  }
0x2cf: {  	v44 =	vadd.s32 v21, v35;
	v43 =	vmul.f32 $8.000000000e+00, v48;
	v48 =	vld [tilespmem:s0+$0x50];
	[tilespmem:v49+s19+$0x0] =	vst.idx.msk $0xffff, v38  }
0x2d0: {  	v38 =	vadd.s32 v29, v36;
	v49 =	vld [tilespmem:s0+$0xD0];
	[tilespmem:v40+s19+$0x0] =	vst.idx.msk $0xffff, v42;
	v40 =	vmul.f32 $8.000000000e+00, v41  }
0x2d1: {  	v42 =	vadd.s32 s7, v5;
	[tilespmem:v47+s19+$0x0] =	vst.idx.msk $0xffff, v43;
	v41 =	vmul.f32 $8.000000000e+00, v50;
	v43 =	vld [tilespmem:s0+$0x150]  }
0x2d2: {  	v50 =	vadd.s32 v13, v33;
	v47 =	vld [tilespmem:s0+$0xFFFFFE50];
	v45 =	vmul.f32 $8.000000000e+00, v45;
	[tilespmem:v39+s19+$0x0] =	vst.idx.msk $0xffff, v40  }
0x2d3: {  	v40 =	vadd.s32 v21, v32;
	[tilespmem:v46+s19+$0x0] =	vst.idx.msk $0xffff, v41;
	v39 =	vmul.f32 $8.000000000e+00, v51;
	v41 =	vld [tilespmem:s0+$0x1E0]  }
0x2d4: {  	v46 =	vadd.s32 s2, v5;
	v51 =	vld [tilespmem:s0+$0xFFFFFEE0];
	[tilespmem:v44+s19+$0x0] =	vst.idx.msk $0xffff, v45;
	v44 =	vmul.f32 $8.000000000e+00, v48  }
0x2d5: {  	v48 =	vadd.s32 v30, v34;
	v45 =	vld [tilespmem:s0+$0xFFFFFF60];
	[tilespmem:v38+s19+$0x0] =	vst.idx.msk $0xffff, v39;
	v38 =	vmul.f32 $8.000000000e+00, v49  }
0x2d6: {  	v49 =	vadd.s32 v14, v37;
	v52 =	vld [tilespmem:s0+$0xFFFFFFE0];
	[tilespmem:v42+s19+$0x0] =	vst.idx.msk $0xffff, v44;
	v39 =	vmul.f32 $8.000000000e+00, v43  }
0x2d7: {  	v44 =	vadd.s32 v22, v35;
	v42 =	vmul.f32 $8.000000000e+00, v47;
	v47 =	vld [tilespmem:s0+$0x60];
	[tilespmem:v50+s19+$0x0] =	vst.idx.msk $0xffff, v38  }
0x2d8: {  	v38 =	vadd.s32 s2, v7;
	v50 =	vadd.s32 v30, v36;
	v53 =	vld [tilespmem:s0+$0xE0];
	[tilespmem:v40+s19+$0x0] =	vst.idx.msk $0xffff, v39;
	v40 =	vmul.f32 $8.000000000e+00, v41  }
0x2d9: {  	v41 =	vadd.s32 s2, v6;
	s2 =	smov.u32 s6;
	[tilespmem:v46+s19+$0x0] =	vst.idx.msk $0xffff, v42;
	v42 =	vmul.f32 $8.000000000e+00, v51;
	v46 =	vadd.s32 s7, v6;
	v54 =	vld [tilespmem:s0+$0x160]  }
0x2da: {  	s8 =	sadd.s32 $0x2, s6;
	v56 =	vadd.s32 v14, v33;
	v39 =	vadd.s32 s7, v7;
	v55 =	vld [tilespmem:s0+$0xFFFFFE60];
	v45 =	vmul.f32 $8.000000000e+00, v45;
	[tilespmem:v48+s19+$0x0] =	vst.idx.msk $0xffff, v40  }
0x2db: {  	v57 =	vmov s8;
	s8 =	sadd.s32 $0x6, s6;
	v58 =	vadd.s32 v22, v32;
	s7 =	sadd.s32 $0x4, s6;
	[tilespmem:v49+s19+$0x0] =	vst.idx.msk $0xffff, v42;
	v40 =	vmul.f32 $8.000000000e+00, v52;
	v59 =	vld [tilespmem:s0+$0x1F0]  }
.Ltmp5:
0x2dc: {  	v60 =	vmov s7;
	v48 =	vmov s8;
	s7 =	sadd.s32 $0xA, s6;
	v43 =	vld [tilespmem:s0+$0xFFFFFEF0];
	[tilespmem:v44+s19+$0x0] =	vst.idx.msk $0xffff, v45;
	v45 =	vmul.f32 $8.000000000e+00, v47;
	(pc) =	sbr.rel @p0 .LBB2_13-.Ltmp5, $4  }
0x2dd: {  	v51 =	vadd.s32 v31, v34;
	v42 =	vmov s7;
	s7 =	sadd.s32 $0xC, s6;
	v49 =	vld [tilespmem:s0+$0xFFFFFF70];
	[tilespmem:v50+s19+$0x0] =	vst.idx.msk $0xffff, v40;
	v47 =	vmul.f32 $8.000000000e+00, v53  }
0x2de: {  	v37 =	vadd.s32 v15, v37;
	v40 =	vmov s7;
	v44 =	vld [tilespmem:s0+$0xFFFFFFF0];
	[tilespmem:v46+s19+$0x0] =	vst.idx.msk $0xffff, v45;
	v34 =	vmul.f32 $8.000000000e+00, v54  }
0x2df: {  	v35 =	vadd.s32 v23, v35;
	v45 =	vand.u32 $0x70, v57;
	v52 =	vmul.f32 $8.000000000e+00, v55;
	v46 =	vld [tilespmem:s0+$0x70];
	[tilespmem:v56+s19+$0x0] =	vst.idx.msk $0xffff, v47  }
0x2e0: {  	v36 =	vadd.s32 v31, v36;
	s6 =	sadd.s32 $0x10, s6;
	s7 =	sadd.s32 $0xE, s2;
	v47 =	vand.u32 $0x70, v60;
	v50 =	vld [tilespmem:s0+$0xF0];
	[tilespmem:v58+s19+$0x0] =	vst.idx.msk $0xffff, v34;
	v34 =	vmul.f32 $8.000000000e+00, v59  }
0x2e1: {  	_ =	sdelay $0x3  }
0x2e2: {  	v48 =	vand.u32 $0x70, v48;
	v53 =	vmov s7;
	[tilespmem:v41+s19+$0x0] =	vst.idx.msk $0xffff, v52;
	v62 =	vmul.f32 $8.000000000e+00, v43;
	v43 =	vld [tilespmem:s0+$0x170]  }
0x2e3: {  	v54 =	vadd.s32 v15, v33;
	s7 =	sadd.s32 $0x400, s0;
	v63 =	vand.u32 $0x78, v53;
	v57 =	vld [tilespmem:s0+$0xFFFFFE70];
	v49 =	vmul.f32 $8.000000000e+00, v49;
	[tilespmem:v51+s19+$0x0] =	vst.idx.msk $0xffff, v34  }
0x2e4: {  	v59 =	vadd.s32 v23, v32;
	v51 =	vld [tilespmem:s7+$0x180];
	v33 =	vbroadcast v63, $0x0;
	[tilespmem:v37+s19+$0x0] =	vst.idx.msk $0xffff, v62;
	v58 =	vmul.f32 $8.000000000e+00, v44  }
0x2e5: {  	v32 =	vbroadcast v45, $0x0;
	v42 =	vand.u32 $0x78, v42;
	v60 =	vld [tilespmem:s7+$0xFFFFFE80];
	[tilespmem:v35+s19+$0x0] =	vst.idx.msk $0xffff, v49;
	v61 =	vmul.f32 $8.000000000e+00, v46  }
0x2e6: {  	v34 =	vbroadcast v47, $0x0;
	v46 =	vld [tilespmem:s7+$0xFFFFFF00];
	v47 =	vadd.s32 v24, v33;
	[tilespmem:v36+s19+$0x0] =	vst.idx.msk $0xffff, v58;
	v62 =	vmul.f32 $8.000000000e+00, v50  }
0x2e7: {  	v49 =	vadd.s32 v8, v32;
	v35 =	vbroadcast v48, $0x0;
	v50 =	vld [tilespmem:s7+$0xFFFFFF80];
	[tilespmem:v39+s19+$0x0] =	vst.idx.msk $0xffff, v61;
	v63 =	vmul.f32 $8.000000000e+00, v43  }
0x2e8: {  	v40 =	vand.u32 $0x78, v40;
	v39 =	vadd.s32 v16, v34;
	v43 =	vld [tilespmem:s7+$0x0];
	v56 =	vmul.f32 $8.000000000e+00, v57;
	[tilespmem:v54+s19+$0x0] =	vst.idx.msk $0xffff, v62  }
0x2e9: {  	s6 =	sadd.s32 $0x8, s2;
	v36 =	vbroadcast v42, $0x0;
	v48 =	vadd.s32 v24, v35;
	v57 =	vld [tilespmem:s7+$0x80];
	v58 =	vmul.f32 $8.000000000e+00, v51;
	[tilespmem:v59+s19+$0x0] =	vst.idx.msk $0xffff, v63  }
0x2ea: {  	v44 =	vadd.s32 s6, v0;
	v37 =	vbroadcast v40, $0x0;
	v59 =	vmul.f32 $8.000000000e+00, v60;
	v60 =	vld [tilespmem:s7+$0x100];
	[tilespmem:v38+s19+$0x0] =	vst.idx.msk $0xffff, v56  }
0x2eb: {  	v61 =	vld [tilespmem:s7+$0xFFFFFE00];
	v63 =	vadd.s32 v8, v36;
	v62 =	vmul.f32 $8.000000000e+00, v46;
	[tilespmem:v47+s19+$0x0] =	vst.idx.msk $0xffff, v58  }
0x2ec: {  	v42 =	vadd.s32 v16, v37;
	[tilespmem:v49+s19+$0x0] =	vst.idx.msk $0xffff, v59;
	v53 =	vmul.f32 $8.000000000e+00, v50;
	v46 =	vld [tilespmem:s7+$0x190]  }
0x2ed: {  	v54 =	vadd.s32 s2, v0;
	v49 =	vld [tilespmem:s7+$0xFFFFFE90];
	[tilespmem:v39+s19+$0x0] =	vst.idx.msk $0xffff, v62;
	v55 =	vmul.f32 $8.000000000e+00, v43  }
0x2ee: {  	v40 =	vld [tilespmem:s7+$0xFFFFFF10];
	[tilespmem:v48+s19+$0x0] =	vst.idx.msk $0xffff, v53;
	v56 =	vmul.f32 $8.000000000e+00, v57;
	v57 =	vadd.s32 v25, v33  }
0x2ef: {  	v58 =	vadd.s32 v9, v32;
	v59 =	vld [tilespmem:s7+$0xFFFFFF90];
	[tilespmem:v44+s19+$0x0] =	vst.idx.msk $0xffff, v55;
	v60 =	vmul.f32 $8.000000000e+00, v60  }
0x2f0: {  	v38 =	vmul.f32 $8.000000000e+00, v61;
	v61 =	vadd.s32 v17, v34;
	v62 =	vld [tilespmem:s7+$0x10];
	[tilespmem:v63+s19+$0x0] =	vst.idx.msk $0xffff, v56  }
0x2f1: {  	v63 =	vadd.s32 v25, v35;
	v45 =	vld [tilespmem:s7+$0x90];
	[tilespmem:v42+s19+$0x0] =	vst.idx.msk $0xffff, v60;
	v52 =	vmul.f32 $8.000000000e+00, v46  }
0x2f2: {  	[tilespmem:v54+s19+$0x0] =	vst.idx.msk $0xffff, v38;
	v42 =	vadd.s32 s6, v1;
	v53 =	vmul.f32 $8.000000000e+00, v49;
	v46 =	vld [tilespmem:s7+$0x110]  }
0x2f3: {  	v54 =	vadd.s32 v9, v36;
	v47 =	vld [tilespmem:s7+$0xFFFFFE10];
	v40 =	vmul.f32 $8.000000000e+00, v40;
	[tilespmem:v57+s19+$0x0] =	vst.idx.msk $0xffff, v52  }
0x2f4: {  	v56 =	vadd.s32 v17, v37;
	[tilespmem:v58+s19+$0x0] =	vst.idx.msk $0xffff, v53;
	v55 =	vmul.f32 $8.000000000e+00, v59;
	v43 =	vld [tilespmem:s7+$0x1A0]  }
0x2f5: {  	v57 =	vadd.s32 s2, v1;
	v58 =	vld [tilespmem:s7+$0xFFFFFEA0];
	[tilespmem:v61+s19+$0x0] =	vst.idx.msk $0xffff, v40;
	v59 =	vmul.f32 $8.000000000e+00, v62  }
0x2f6: {  	v61 =	vadd.s32 v26, v33;
	v44 =	vld [tilespmem:s7+$0xFFFFFF20];
	[tilespmem:v63+s19+$0x0] =	vst.idx.msk $0xffff, v55;
	v60 =	vmul.f32 $8.000000000e+00, v45  }
0x2f7: {  	v62 =	vadd.s32 v10, v32;
	v63 =	vld [tilespmem:s7+$0xFFFFFFA0];
	[tilespmem:v42+s19+$0x0] =	vst.idx.msk $0xffff, v59;
	v52 =	vmul.f32 $8.000000000e+00, v46  }
0x2f8: {  	v53 =	vmul.f32 $8.000000000e+00, v47;
	v46 =	vadd.s32 v18, v34;
	v47 =	vld [tilespmem:s7+$0x20];
	[tilespmem:v54+s19+$0x0] =	vst.idx.msk $0xffff, v60  }
0x2f9: {  	v54 =	vadd.s32 v26, v35;
	v49 =	vld [tilespmem:s7+$0xA0];
	[tilespmem:v56+s19+$0x0] =	vst.idx.msk $0xffff, v52;
	v55 =	vmul.f32 $8.000000000e+00, v43  }
0x2fa: {  	[tilespmem:v57+s19+$0x0] =	vst.idx.msk $0xffff, v53;
	v57 =	vadd.s32 s6, v2;
	v56 =	vmul.f32 $8.000000000e+00, v58;
	v58 =	vld [tilespmem:s7+$0x120]  }
0x2fb: {  	v59 =	vadd.s32 v10, v36;
	v48 =	vld [tilespmem:s7+$0xFFFFFE20];
	v44 =	vmul.f32 $8.000000000e+00, v44;
	[tilespmem:v61+s19+$0x0] =	vst.idx.msk $0xffff, v55  }
0x2fc: {  	[tilespmem:v62+s19+$0x0] =	vst.idx.msk $0xffff, v56;
	v60 =	vmul.f32 $8.000000000e+00, v63;
	v61 =	vadd.s32 v18, v37;
	v41 =	vld [tilespmem:s7+$0x1B0]  }
0x2fd: {  	v62 =	vadd.s32 s2, v2;
	v63 =	vld [tilespmem:s7+$0xFFFFFEB0];
	[tilespmem:v46+s19+$0x0] =	vst.idx.msk $0xffff, v44;
	v52 =	vmul.f32 $8.000000000e+00, v47  }
0x2fe: {  	v39 =	vadd.s32 v27, v33;
	v46 =	vld [tilespmem:s7+$0xFFFFFF30];
	[tilespmem:v54+s19+$0x0] =	vst.idx.msk $0xffff, v60;
	v53 =	vmul.f32 $8.000000000e+00, v49  }
0x2ff: {  	v47 =	vadd.s32 v11, v32;
	v49 =	vld [tilespmem:s7+$0xFFFFFFB0];
	[tilespmem:v57+s19+$0x0] =	vst.idx.msk $0xffff, v52;
	v54 =	vmul.f32 $8.000000000e+00, v58  }
0x300: {  	v56 =	vadd.s32 v19, v34;
	v55 =	vmul.f32 $8.000000000e+00, v48;
	v57 =	vld [tilespmem:s7+$0x30];
	[tilespmem:v59+s19+$0x0] =	vst.idx.msk $0xffff, v53  }
0x301: {  	v58 =	vadd.s32 v27, v35;
	v50 =	vld [tilespmem:s7+$0xB0];
	[tilespmem:v61+s19+$0x0] =	vst.idx.msk $0xffff, v54;
	v59 =	vmul.f32 $8.000000000e+00, v41  }
0x302: {  	[tilespmem:v62+s19+$0x0] =	vst.idx.msk $0xffff, v55;
	v61 =	vadd.s32 s6, v3;
	v60 =	vmul.f32 $8.000000000e+00, v63;
	v62 =	vld [tilespmem:s7+$0x130]  }
0x303: {  	v45 =	vld [tilespmem:s7+$0xFFFFFE30];
	v63 =	vadd.s32 v11, v36;
	v46 =	vmul.f32 $8.000000000e+00, v46;
	[tilespmem:v39+s19+$0x0] =	vst.idx.msk $0xffff, v59  }
0x304: {  	v40 =	vadd.s32 v19, v37;
	[tilespmem:v47+s19+$0x0] =	vst.idx.msk $0xffff, v60;
	v53 =	vmul.f32 $8.000000000e+00, v49;
	v41 =	vld [tilespmem:s7+$0x1C0]  }
0x305: {  	v47 =	vadd.s32 s2, v3;
	v54 =	vld [tilespmem:s7+$0xFFFFFEC0];
	[tilespmem:v56+s19+$0x0] =	vst.idx.msk $0xffff, v46;
	v55 =	vmul.f32 $8.000000000e+00, v57  }
0x306: {  	v39 =	vadd.s32 v28, v33;
	v46 =	vld [tilespmem:s7+$0xFFFFFF40];
	[tilespmem:v58+s19+$0x0] =	vst.idx.msk $0xffff, v53;
	v56 =	vmul.f32 $8.000000000e+00, v50  }
0x307: {  	v57 =	vadd.s32 v12, v32;
	v58 =	vld [tilespmem:s7+$0xFFFFFFC0];
	[tilespmem:v61+s19+$0x0] =	vst.idx.msk $0xffff, v55;
	v59 =	vmul.f32 $8.000000000e+00, v62  }
0x308: {  	v60 =	vmul.f32 $8.000000000e+00, v45;
	v61 =	vadd.s32 v20, v34;
	v62 =	vld [tilespmem:s7+$0x40];
	[tilespmem:v63+s19+$0x0] =	vst.idx.msk $0xffff, v56  }
0x309: {  	v63 =	vadd.s32 v28, v35;
	v51 =	vld [tilespmem:s7+$0xC0];
	[tilespmem:v40+s19+$0x0] =	vst.idx.msk $0xffff, v59;
	v53 =	vmul.f32 $8.000000000e+00, v41  }
0x30a: {  	v55 =	vadd.s32 s6, v4;
	[tilespmem:v47+s19+$0x0] =	vst.idx.msk $0xffff, v60;
	v54 =	vmul.f32 $8.000000000e+00, v54;
	v56 =	vld [tilespmem:s7+$0x140]  }
0x30b: {  	v49 =	vadd.s32 v12, v36;
	v47 =	vld [tilespmem:s7+$0xFFFFFE40];
	v46 =	vmul.f32 $8.000000000e+00, v46;
	[tilespmem:v39+s19+$0x0] =	vst.idx.msk $0xffff, v53  }
0x30c: {  	v40 =	vadd.s32 v20, v37;
	[tilespmem:v57+s19+$0x0] =	vst.idx.msk $0xffff, v54;
	v57 =	vmul.f32 $8.000000000e+00, v58;
	v58 =	vld [tilespmem:s7+$0x1D0]  }
0x30d: {  	v48 =	vadd.s32 s2, v4;
	v50 =	vld [tilespmem:s7+$0xFFFFFED0];
	[tilespmem:v61+s19+$0x0] =	vst.idx.msk $0xffff, v46;
	v59 =	vmul.f32 $8.000000000e+00, v62  }
0x30e: {  	v61 =	vadd.s32 v29, v33;
	v45 =	vld [tilespmem:s7+$0xFFFFFF50];
	[tilespmem:v63+s19+$0x0] =	vst.idx.msk $0xffff, v57;
	v60 =	vmul.f32 $8.000000000e+00, v51  }
0x30f: {  	v62 =	vadd.s32 v13, v32;
	v63 =	vld [tilespmem:s7+$0xFFFFFFD0];
	[tilespmem:v55+s19+$0x0] =	vst.idx.msk $0xffff, v59;
	v53 =	vmul.f32 $8.000000000e+00, v56  }
0x310: {  	v54 =	vmul.f32 $8.000000000e+00, v47;
	v55 =	vadd.s32 v21, v34;
	v56 =	vld [tilespmem:s7+$0x50];
	[tilespmem:v49+s19+$0x0] =	vst.idx.msk $0xffff, v60  }
0x311: {  	v57 =	vadd.s32 v29, v35;
	v49 =	vld [tilespmem:s7+$0xD0];
	[tilespmem:v40+s19+$0x0] =	vst.idx.msk $0xffff, v53;
	v58 =	vmul.f32 $8.000000000e+00, v58  }
0x312: {  	v42 =	vadd.s32 s6, v5;
	[tilespmem:v48+s19+$0x0] =	vst.idx.msk $0xffff, v54;
	v59 =	vmul.f32 $8.000000000e+00, v50;
	v60 =	vld [tilespmem:s7+$0x150]  }
0x313: {  	v48 =	vld [tilespmem:s7+$0xFFFFFE50];
	v50 =	vadd.s32 v13, v36;
	v45 =	vmul.f32 $8.000000000e+00, v45;
	[tilespmem:v61+s19+$0x0] =	vst.idx.msk $0xffff, v58  }
0x314: {  	v40 =	vadd.s32 v21, v37;
	[tilespmem:v62+s19+$0x0] =	vst.idx.msk $0xffff, v59;
	v61 =	vmul.f32 $8.000000000e+00, v63;
	v62 =	vld [tilespmem:s7+$0x1E0]  }
0x315: {  	v63 =	vadd.s32 s2, v5;
	v54 =	vld [tilespmem:s7+$0xFFFFFEE0];
	[tilespmem:v55+s19+$0x0] =	vst.idx.msk $0xffff, v45;
	v55 =	vmul.f32 $8.000000000e+00, v56  }
0x316: {  	v45 =	vld [tilespmem:s7+$0xFFFFFF60];
	[tilespmem:v57+s19+$0x0] =	vst.idx.msk $0xffff, v61;
	v56 =	vmul.f32 $8.000000000e+00, v49;
	v57 =	vadd.s32 v30, v33  }
0x317: {  	v58 =	vadd.s32 v14, v32;
	v59 =	vld [tilespmem:s7+$0xFFFFFFE0];
	[tilespmem:v42+s19+$0x0] =	vst.idx.msk $0xffff, v55;
	v60 =	vmul.f32 $8.000000000e+00, v60  }
0x318: {  	v44 =	vadd.s32 v22, v34;
	v61 =	vmul.f32 $8.000000000e+00, v48;
	v48 =	vld [tilespmem:s7+$0x60];
	[tilespmem:v50+s19+$0x0] =	vst.idx.msk $0xffff, v56  }
0x319: {  	v38 =	vadd.s32 v30, v35;
	v50 =	vld [tilespmem:s7+$0xE0];
	[tilespmem:v40+s19+$0x0] =	vst.idx.msk $0xffff, v60;
	v62 =	vmul.f32 $8.000000000e+00, v62  }
0x31a: {  	[tilespmem:v63+s19+$0x0] =	vst.idx.msk $0xffff, v61;
	v63 =	vmul.f32 $8.000000000e+00, v54;
	v54 =	vadd.s32 s6, v6;
	v55 =	vld [tilespmem:s7+$0x160]  }
0x31b: {  	v56 =	vadd.s32 v14, v36;
	v46 =	vld [tilespmem:s7+$0xFFFFFE60];
	v45 =	vmul.f32 $8.000000000e+00, v45;
	[tilespmem:v57+s19+$0x0] =	vst.idx.msk $0xffff, v62  }
0x31c: {  	[tilespmem:v58+s19+$0x0] =	vst.idx.msk $0xffff, v63;
	v57 =	vmul.f32 $8.000000000e+00, v59;
	v58 =	vadd.s32 v22, v37;
	v59 =	vld [tilespmem:s7+$0x1F0]  }
0x31d: {  	v60 =	vadd.s32 s2, v6;
	v61 =	vld [tilespmem:s7+$0xFFFFFEF0];
	[tilespmem:v44+s19+$0x0] =	vst.idx.msk $0xffff, v45;
	v62 =	vmul.f32 $8.000000000e+00, v48  }
0x31e: {  	v33 =	vadd.s32 v31, v33;
	v45 =	vld [tilespmem:s7+$0xFFFFFF70];
	[tilespmem:v38+s19+$0x0] =	vst.idx.msk $0xffff, v57;
	v63 =	vmul.f32 $8.000000000e+00, v50  }
0x31f: {  	v32 =	vadd.s32 v15, v32;
	v39 =	vld [tilespmem:s7+$0xFFFFFFF0];
	[tilespmem:v54+s19+$0x0] =	vst.idx.msk $0xffff, v62;
	v48 =	vmul.f32 $8.000000000e+00, v55  }
0x320: {  	v34 =	vadd.s32 v23, v34;
	v50 =	vmul.f32 $8.000000000e+00, v46;
	v44 =	vld [tilespmem:s7+$0x70];
	[tilespmem:v56+s19+$0x0] =	vst.idx.msk $0xffff, v63  }
0x321: {  	v35 =	vadd.s32 v31, v35;
	v38 =	vld [tilespmem:s7+$0xF0];
	[tilespmem:v58+s19+$0x0] =	vst.idx.msk $0xffff, v48;
	v52 =	vmul.f32 $8.000000000e+00, v59  }
0x322: {  	v53 =	vadd.s32 s6, v7;
	[tilespmem:v60+s19+$0x0] =	vst.idx.msk $0xffff, v50;
	v54 =	vmul.f32 $8.000000000e+00, v61;
	v55 =	vld [tilespmem:s7+$0x170]  }
0x323: {  	v36 =	vadd.s32 v15, v36;
	v56 =	vld [tilespmem:s7+$0xFFFFFE70];
	v45 =	vmul.f32 $8.000000000e+00, v45;
	[tilespmem:v33+s19+$0x0] =	vst.idx.msk $0xffff, v52  }
0x324: {  	v58 =	vadd.s32 v23, v37;
	[tilespmem:v32+s19+$0x0] =	vst.idx.msk $0xffff, v54;
	v57 =	vmul.f32 $8.000000000e+00, v39  }
0x325: {  	v59 =	vadd.s32 s2, v7;
	[tilespmem:v34+s19+$0x0] =	vst.idx.msk $0xffff, v45;
	v60 =	vmul.f32 $8.000000000e+00, v44  }
0x326: {  	s8 =	sadd.s32 s5, s31;
	[tilespmem:v35+s19+$0x0] =	vst.idx.msk $0xffff, v57;
	v61 =	vmul.f32 $8.000000000e+00, v38  }
0x327: {  	s31 =	sshll.u32 s31, $0xF;
	s10 =	sshll.u32 s8, $0xA;
	s0 =	sshll.u32 s8, $0x4;
	[tilespmem:v53+s19+$0x0] =	vst.idx.msk $0xffff, v60;
	v62 =	vmul.f32 $8.000000000e+00, v55  }
0x328: {  	s0 =	sand.u32 $0xF80, s0;
	s6 =	sand.u32 $0x30000, s31;
	s2 =	sand.u32 $0xFFC0000, s10;
	v63 =	vmul.f32 $8.000000000e+00, v56;
	[tilespmem:v36+s19+$0x0] =	vst.idx.msk $0xffff, v61  }
0x329: {  	s0 =	sadd.s32 s1, s0;
	s2 =	sor.u32 s2, s6;
	[tilespmem:v58+s19+$0x0] =	vst.idx.msk $0xffff, v62  }
0x32a: {  	s6 =	simm.s32 $0x12800;
	s2 =	sadd.s32 s2, s0;
	[tilespmem:v59+s19+$0x0] =	vst.idx.msk $0xffff, v63  }
0x32b: {  	[hbm4b:s2+s3] =	stream.linear.scatter [tilespmem:s6], [sflag:$0x7], $0x80, $0x38;
	[tilespmem:$0x16C00] =	vst v63  }
0x32c: {  	s7 =	simm.s32 $0x12888;
	s8 =	sadd.s32 $0x10, s2  }
0x32d: {  	[hbm4b:s8+s3] =	stream.linear.scatter [tilespmem:s7], [sflag:$0x7], $0x80, $0x38;
	[tilespmem:$0x16C00] =	vst v63  }
0x32e: {  	s10 =	simm.s32 $0x12910;
	s31 =	sadd.s32 $0x20, s2  }
0x32f: {  	[hbm4b:s31+s3] =	stream.linear.scatter [tilespmem:s10], [sflag:$0x7], $0x80, $0x38;
	[tilespmem:$0x16C00] =	vst v63  }
0x330: {  	s7 =	simm.s32 $0x12998;
	s8 =	sadd.s32 $0x30, s2  }
0x331: {  	[hbm4b:s8+s3] =	stream.linear.scatter [tilespmem:s7], [sflag:$0x7], $0x80, $0x38;
	[tilespmem:$0x16C00] =	vst v63  }
0x332: {  	s10 =	simm.s32 $0x12A20;
	s31 =	sadd.s32 $0x40, s2  }
0x333: {  	[hbm4b:s31+s3] =	stream.linear.scatter [tilespmem:s10], [sflag:$0x7], $0x80, $0x38;
	[tilespmem:$0x16C00] =	vst v63  }
0x334: {  	s0 =	simm.s32 $0x440;
	s7 =	simm.s32 $0x12AA8;
	s8 =	sadd.s32 $0x50, s2  }
0x335: {  	[hbm4b:s8+s3] =	stream.linear.scatter [tilespmem:s7], [sflag:$0x7], $0x80, $0x38;
	[tilespmem:$0x16C00] =	vst v63  }
0x336: {  	s6 =	simm.s32 $0x2200;
	s10 =	simm.s32 $0x12B30;
	s31 =	sadd.s32 $0x60, s2  }
0x337: {  	[hbm4b:s31+s3] =	stream.linear.scatter [tilespmem:s10], [sflag:$0x7], $0x80, $0x38;
	[tilespmem:$0x16C00] =	vst v63  }
0x338: {  	s7 =	simm.s32 $0x12BB8;
	s10 =	sadd.s32 $0x70, s2;
	s2 =	sadd.s32 $0x1000, s2  }
.LBB2_15:
0x339: {  	[hbm4b:s10+s3] =	stream.linear.scatter [tilespmem:s7], [sflag:$0x7], $0x80, $0x38;
	[tilespmem:$0x16C00] =	vst v63  }
0x33a: {  	s7 =	smov.u32 s0;
	s0 =	smov.u32 s6  }
0x33b: {  	s8 =	sadd.s32 $0x1100, s6;
	s0 =	sshra.s32 s0, $0x2;
	s10 =	sadd.s32 $0x12800, s7  }
0x33c: {  	[hbm4b:s2+s3] =	stream.linear.scatter [tilespmem:s10], [sflag:$0x7], $0x80, $0x38;
	[tilespmem:$0x16C00] =	vst v63  }
0x33d: {  	p0 =	sne.s32 s6, $0x7700;
	s6 =	sadd.s32 $0x12888, s7;
	s10 =	sadd.s32 $0x10, s2  }
0x33e: {  	[hbm4b:s10+s3] =	stream.linear.scatter [tilespmem:s6], [sflag:$0x7], $0x80, $0x38;
	[tilespmem:$0x16C00] =	vst v63  }
0x33f: {  	s6 =	sadd.s32 $0x12910, s7;
	s10 =	sadd.s32 $0x20, s2  }
0x340: {  	[hbm4b:s10+s3] =	stream.linear.scatter [tilespmem:s6], [sflag:$0x7], $0x80, $0x38;
	[tilespmem:$0x16C00] =	vst v63  }
0x341: {  	s6 =	sadd.s32 $0x12998, s7;
	s10 =	sadd.s32 $0x30, s2  }
0x342: {  	[hbm4b:s10+s3] =	stream.linear.scatter [tilespmem:s6], [sflag:$0x7], $0x80, $0x38;
	[tilespmem:$0x16C00] =	vst v63  }
0x343: {  	s6 =	sadd.s32 $0x12A20, s7;
	s10 =	sadd.s32 $0x40, s2  }
0x344: {  	[hbm4b:s10+s3] =	stream.linear.scatter [tilespmem:s6], [sflag:$0x7], $0x80, $0x38;
	[tilespmem:$0x16C00] =	vst v63  }
.Ltmp6:
0x345: {  	s6 =	sadd.s32 $0x12AA8, s7;
	s10 =	sadd.s32 $0x50, s2;
	(pc) =	sbr.rel @p0 .LBB2_15-.Ltmp6, $4  }
0x346: {  	[hbm4b:s10+s3] =	stream.linear.scatter [tilespmem:s6], [sflag:$0x7], $0x80, $0x38;
	[tilespmem:$0x16C00] =	vst v63  }
0x347: {  	s6 =	sadd.s32 $0x12B30, s7;
	s10 =	sadd.s32 $0x60, s2;
	s7 =	sadd.s32 $0x12BB8, s7  }
0x348: {  	[hbm4b:s10+s3] =	stream.linear.scatter [tilespmem:s6], [sflag:$0x7], $0x80, $0x38;
	[tilespmem:$0x16C00] =	vst v63  }
0x349: {  	s10 =	sadd.s32 $0x70, s2;
	s2 =	sadd.s32 $0x1000, s2;
	s6 =	smov.u32 s8  }
0x34a: {  	[hbm4b:s10+s3] =	stream.linear.scatter [tilespmem:s7], [sflag:$0x7], $0x80, $0x38;
	[tilespmem:$0x16C00] =	vst v63  }
0x34b: {  	s6 =	sadd.s32 $0x12800, s0  }
0x34c: {  	[hbm4b:s2+s3] =	stream.linear.scatter [tilespmem:s6], [sflag:$0x7], $0x80, $0x38;
	[tilespmem:$0x16C00] =	vst v63  }
0x34d: {  	s10 =	sadd.s32 $0x12888, s0;
	s31 =	sadd.s32 $0x10, s2  }
0x34e: {  	[hbm4b:s31+s3] =	stream.linear.scatter [tilespmem:s10], [sflag:$0x7], $0x80, $0x38;
	[tilespmem:$0x16C00] =	vst v63  }
0x34f: {  	s7 =	sadd.s32 $0x12910, s0;
	s8 =	sadd.s32 $0x20, s2  }
0x350: {  	[hbm4b:s8+s3] =	stream.linear.scatter [tilespmem:s7], [sflag:$0x7], $0x80, $0x38;
	[tilespmem:$0x16C00] =	vst v63  }
0x351: {  	s10 =	sadd.s32 $0x12998, s0;
	s31 =	sadd.s32 $0x30, s2  }
0x352: {  	[hbm4b:s31+s3] =	stream.linear.scatter [tilespmem:s10], [sflag:$0x7], $0x80, $0x38;
	[tilespmem:$0x16C00] =	vst v63  }
0x353: {  	s7 =	sadd.s32 $0x12A20, s0;
	s8 =	sadd.s32 $0x40, s2  }
0x354: {  	[hbm4b:s8+s3] =	stream.linear.scatter [tilespmem:s7], [sflag:$0x7], $0x80, $0x38;
	[tilespmem:$0x16C00] =	vst v63  }
0x355: {  	s10 =	sadd.s32 $0x12AA8, s0;
	s31 =	sadd.s32 $0x50, s2  }
0x356: {  	[hbm4b:s31+s3] =	stream.linear.scatter [tilespmem:s10], [sflag:$0x7], $0x80, $0x38;
	[tilespmem:$0x16C00] =	vst v63  }
0x357: {  	p0 =	seq.s32 s29, $0x31;
	s8 =	sadd.s32 $0x12B30, s0;
	s10 =	sadd.s32 $0x60, s2  }
0x358: {  	[hbm4b:s10+s3] =	stream.linear.scatter [tilespmem:s8], [sflag:$0x7], $0x80, $0x38;
	[tilespmem:$0x16C00] =	vst v63  }
0x359: {  	s6 =	sadd.s32 $0x70, s2;
	s31 =	sadd.s32 $0x12BB8, s0;
	s0 =	simm.s32 @!p0 $0x5  }
0x35a: {  	[hbm4b:s6+s3] =	stream.linear.scatter [tilespmem:s31], [sflag:$0x7], $0x80, $0x38;
	[tilespmem:$0x16C00] =	vst v63  }
0x35b: {  	_ =	swait.ge @!p0 [sflag:s0], $0x2000  }
0x35c: {  	s2 =	sshll.u32 @!p0 s29, $0x9;
	[sflag:s0] =	ssyncset.done @!p0 $0x0  }
0x35d: {  	[sflag:s0] =	ssyncadd.s32 @!p0 $0xFFFFE000;
	s0 =	sand.u32 @!p0 $0x3FFFFE00, s2  }
0x35e: {  	s6 =	simm.s32 @!p0 $0x6400;
	s2 =	simm.s32 @!p0 $0x80;
	s0 =	sadd.s32 @!p0 $0x200, s0  }
0x35f: {  	[tilespmem:s6], [sflag:$0x1] =	stream.indirect.gather @!p0 [hbm4b:s4+s2], $0x40, s0, s2, $0xb8;
	[tilespmem:$0x16C00] =	vst v63  }
0x360: {  	s7 =	simm.s32 $0xE;
	_ =	swait.ge [sflag:s20], $0x2000  }
0x361: {  	v32 =	vmov s7;
	s7 =	simm.s32 $0xC;
	s8 =	simm.s32 $0x2;
	[sflag:s20] =	ssyncset.done $0x0  }
0x362: {  	v32 =	vand.u32 $0x78, v32;
	v42 =	vmov s7;
	s10 =	simm.s32 $0x4;
	v33 =	vmov s8;
	s0 =	simm.s32 $0xC600;
	[sflag:s20] =	ssyncadd.s32 $0xFFFFE000  }
0x363: {  	v35 =	vbroadcast v32, $0x0;
	v34 =	vmov s10;
	s31 =	simm.s32 $0x6;
	v33 =	vand.u32 $0x70, v33;
	v38 =	vld [tilespmem:s0+$0x180]  }
0x364: {  	v34 =	vand.u32 $0x70, v34;
	v36 =	vmov s31;
	v37 =	vbroadcast v33, $0x0;
	v39 =	vld [tilespmem:s0+$0xFFFFFE80]  }
0x365: {  	v41 =	vadd.s32 v24, v35;
	v58 =	vand.u32 $0x70, v36;
	v36 =	vbroadcast v34, $0x0;
	s6 =	simm.s32 $0xA;
	v40 =	vld [tilespmem:s0+$0xFFFFFF00]  }
0x366: {  	v43 =	vadd.s32 v8, v37;
	v34 =	vbroadcast v58, $0x0;
	v57 =	vmov s6;
	v44 =	vld [tilespmem:s0+$0xFFFFFF80]  }
0x367: {  	v42 =	vand.u32 $0x78, v42;
	v45 =	vadd.s32 v16, v36;
	v32 =	vand.u32 $0x78, v57;
	v46 =	vld [tilespmem:s0+$0x0]  }
0x368: {  	s8 =	simm.s32 $0x8;
	v47 =	vadd.s32 v24, v34;
	v33 =	vbroadcast v32, $0x0;
	v48 =	vld [tilespmem:s0+$0x80];
	v38 =	vmul.f32 $8.000000000e+00, v38  }
0x369: {  	v49 =	vadd.s32 s8, v0;
	v32 =	vbroadcast v42, $0x0;
	v50 =	vld [tilespmem:s0+$0x100];
	v39 =	vmul.f32 $8.000000000e+00, v39  }
0x36a: {  	v59 =	vld [tilespmem:s0+$0xFFFFFE00];
	v51 =	vadd.s32 v8, v33;
	v40 =	vmul.f32 $8.000000000e+00, v40;
	[tilespmem:v41+s21+$0x0] =	vst.idx.msk $0xffff, v38  }
0x36b: {  	s10 =	simm.s32 $0x0;
	v61 =	vadd.s32 v16, v32;
	v60 =	vmul.f32 $8.000000000e+00, v44;
	[tilespmem:v43+s21+$0x0] =	vst.idx.msk $0xffff, v39;
	v41 =	vld [tilespmem:s0+$0x190]  }
0x36c: {  	v62 =	vadd.s32 s10, v0;
	v52 =	vmul.f32 $8.000000000e+00, v46;
	[tilespmem:v45+s21+$0x0] =	vst.idx.msk $0xffff, v40;
	v63 =	vld [tilespmem:s0+$0xFFFFFE90]  }
0x36d: {  	v53 =	vmul.f32 $8.000000000e+00, v48;
	v46 =	vadd.s32 v25, v35;
	[tilespmem:v47+s21+$0x0] =	vst.idx.msk $0xffff, v60;
	v45 =	vld [tilespmem:s0+$0xFFFFFF10]  }
0x36e: {  	v54 =	vadd.s32 v9, v37;
	v56 =	vmul.f32 $8.000000000e+00, v50;
	[tilespmem:v49+s21+$0x0] =	vst.idx.msk $0xffff, v52;
	v55 =	vld [tilespmem:s0+$0xFFFFFF90]  }
0x36f: {  	v57 =	vadd.s32 v17, v36;
	v42 =	vmul.f32 $8.000000000e+00, v59;
	[tilespmem:v51+s21+$0x0] =	vst.idx.msk $0xffff, v53;
	v58 =	vld [tilespmem:s0+$0x10]  }
0x370: {  	v59 =	vadd.s32 v25, v34;
	[tilespmem:v61+s21+$0x0] =	vst.idx.msk $0xffff, v56;
	v51 =	vld [tilespmem:s0+$0x90];
	v60 =	vmul.f32 $8.000000000e+00, v41  }
0x371: {  	[tilespmem:v62+s21+$0x0] =	vst.idx.msk $0xffff, v42;
	v62 =	vadd.s32 s8, v1;
	v61 =	vmul.f32 $8.000000000e+00, v63;
	v63 =	vld [tilespmem:s0+$0x110]  }
0x372: {  	v43 =	vld [tilespmem:s0+$0xFFFFFE10];
	v52 =	vmul.f32 $8.000000000e+00, v45;
	v45 =	vadd.s32 v9, v33;
	[tilespmem:v46+s21+$0x0] =	vst.idx.msk $0xffff, v60  }
0x373: {  	v40 =	vadd.s32 v17, v32;
	v53 =	vmul.f32 $8.000000000e+00, v55;
	[tilespmem:v54+s21+$0x0] =	vst.idx.msk $0xffff, v61;
	v46 =	vld [tilespmem:s0+$0x1A0]  }
0x374: {  	v56 =	vmul.f32 $8.000000000e+00, v58;
	v54 =	vadd.s32 s10, v1;
	[tilespmem:v57+s21+$0x0] =	vst.idx.msk $0xffff, v52;
	v55 =	vld [tilespmem:s0+$0xFFFFFEA0]  }
0x375: {  	v58 =	vadd.s32 v26, v35;
	[tilespmem:v59+s21+$0x0] =	vst.idx.msk $0xffff, v53;
	v57 =	vmul.f32 $8.000000000e+00, v51;
	v49 =	vld [tilespmem:s0+$0xFFFFFF20]  }
0x376: {  	v59 =	vadd.s32 v10, v37;
	[tilespmem:v62+s21+$0x0] =	vst.idx.msk $0xffff, v56;
	v60 =	vld [tilespmem:s0+$0xFFFFFFA0];
	v61 =	vmul.f32 $8.000000000e+00, v63  }
0x377: {  	v62 =	vmul.f32 $8.000000000e+00, v43;
	v44 =	vld [tilespmem:s0+$0x20];
	v63 =	vadd.s32 v18, v36;
	[tilespmem:v45+s21+$0x0] =	vst.idx.msk $0xffff, v57  }
0x378: {  	v38 =	vadd.s32 v26, v34;
	v45 =	vld [tilespmem:s0+$0xA0];
	[tilespmem:v40+s21+$0x0] =	vst.idx.msk $0xffff, v61;
	v53 =	vmul.f32 $8.000000000e+00, v46  }
0x379: {  	[tilespmem:v54+s21+$0x0] =	vst.idx.msk $0xffff, v62;
	v54 =	vmul.f32 $8.000000000e+00, v55;
	v55 =	vadd.s32 s8, v2;
	v56 =	vld [tilespmem:s0+$0x120]  }
0x37a: {  	v47 =	vld [tilespmem:s0+$0xFFFFFE20];
	v57 =	vmul.f32 $8.000000000e+00, v49;
	v49 =	vadd.s32 v10, v33;
	[tilespmem:v58+s21+$0x0] =	vst.idx.msk $0xffff, v53  }
0x37b: {  	[tilespmem:v59+s21+$0x0] =	vst.idx.msk $0xffff, v54;
	v58 =	vmul.f32 $8.000000000e+00, v60;
	v59 =	vadd.s32 v18, v32;
	v60 =	vld [tilespmem:s0+$0x1B0]  }
0x37c: {  	v61 =	vadd.s32 s10, v2;
	[tilespmem:v63+s21+$0x0] =	vst.idx.msk $0xffff, v57;
	v63 =	vmul.f32 $8.000000000e+00, v44;
	v62 =	vld [tilespmem:s0+$0xFFFFFEB0]  }
0x37d: {  	v39 =	vadd.s32 v27, v35;
	v52 =	vld [tilespmem:s0+$0xFFFFFF30];
	v53 =	vmul.f32 $8.000000000e+00, v45;
	[tilespmem:v38+s21+$0x0] =	vst.idx.msk $0xffff, v58  }
0x37e: {  	v45 =	vadd.s32 v11, v37;
	v48 =	vld [tilespmem:s0+$0xFFFFFFB0];
	[tilespmem:v55+s21+$0x0] =	vst.idx.msk $0xffff, v63;
	v54 =	vmul.f32 $8.000000000e+00, v56  }
0x37f: {  	v55 =	vmul.f32 $8.000000000e+00, v47;
	v56 =	vadd.s32 v19, v36;
	[tilespmem:v49+s21+$0x0] =	vst.idx.msk $0xffff, v53;
	v57 =	vld [tilespmem:s0+$0x30]  }
0x380: {  	v58 =	vadd.s32 v27, v34;
	v49 =	vld [tilespmem:s0+$0xB0];
	[tilespmem:v59+s21+$0x0] =	vst.idx.msk $0xffff, v54;
	v59 =	vmul.f32 $8.000000000e+00, v60  }
0x381: {  	[tilespmem:v61+s21+$0x0] =	vst.idx.msk $0xffff, v55;
	v61 =	vadd.s32 s8, v3;
	v60 =	vmul.f32 $8.000000000e+00, v62;
	v62 =	vld [tilespmem:s0+$0x130]  }
0x382: {  	v63 =	vadd.s32 v11, v33;
	v50 =	vld [tilespmem:s0+$0xFFFFFE30];
	v44 =	vmul.f32 $8.000000000e+00, v52;
	[tilespmem:v39+s21+$0x0] =	vst.idx.msk $0xffff, v59  }
0x383: {  	v40 =	vadd.s32 v19, v32;
	[tilespmem:v45+s21+$0x0] =	vst.idx.msk $0xffff, v60;
	v53 =	vmul.f32 $8.000000000e+00, v48;
	v41 =	vld [tilespmem:s0+$0x1C0]  }
0x384: {  	v45 =	vadd.s32 s10, v3;
	[tilespmem:v56+s21+$0x0] =	vst.idx.msk $0xffff, v44;
	v48 =	vld [tilespmem:s0+$0xFFFFFEC0];
	v54 =	vmul.f32 $8.000000000e+00, v57  }
0x385: {  	v56 =	vadd.s32 v28, v35;
	v46 =	vld [tilespmem:s0+$0xFFFFFF40];
	v55 =	vmul.f32 $8.000000000e+00, v49;
	[tilespmem:v58+s21+$0x0] =	vst.idx.msk $0xffff, v53  }
0x386: {  	v57 =	vadd.s32 v12, v37;
	v58 =	vld [tilespmem:s0+$0xFFFFFFC0];
	[tilespmem:v61+s21+$0x0] =	vst.idx.msk $0xffff, v54;
	v59 =	vmul.f32 $8.000000000e+00, v62  }
0x387: {  	v60 =	vmul.f32 $8.000000000e+00, v50;
	v61 =	vadd.s32 v20, v36;
	[tilespmem:v63+s21+$0x0] =	vst.idx.msk $0xffff, v55;
	v62 =	vld [tilespmem:s0+$0x40]  }
0x388: {  	v63 =	vadd.s32 v28, v34;
	v51 =	vld [tilespmem:s0+$0xC0];
	[tilespmem:v40+s21+$0x0] =	vst.idx.msk $0xffff, v59;
	v52 =	vmul.f32 $8.000000000e+00, v41  }
0x389: {  	v42 =	vadd.s32 s8, v4;
	[tilespmem:v45+s21+$0x0] =	vst.idx.msk $0xffff, v60;
	v53 =	vmul.f32 $8.000000000e+00, v48;
	v54 =	vld [tilespmem:s0+$0x140]  }
0x38a: {  	v45 =	vld [tilespmem:s0+$0xFFFFFE40];
	v46 =	vmul.f32 $8.000000000e+00, v46;
	v48 =	vadd.s32 v12, v33;
	[tilespmem:v56+s21+$0x0] =	vst.idx.msk $0xffff, v52  }
0x38b: {  	v40 =	vadd.s32 v20, v32;
	[tilespmem:v57+s21+$0x0] =	vst.idx.msk $0xffff, v53;
	v55 =	vmul.f32 $8.000000000e+00, v58;
	v58 =	vld [tilespmem:s0+$0x1D0]  }
0x38c: {  	v56 =	vadd.s32 s10, v4;
	[tilespmem:v61+s21+$0x0] =	vst.idx.msk $0xffff, v46;
	v57 =	vld [tilespmem:s0+$0xFFFFFED0];
	v59 =	vmul.f32 $8.000000000e+00, v62  }
0x38d: {  	v61 =	vadd.s32 v29, v35;
	v46 =	vld [tilespmem:s0+$0xFFFFFF50];
	v60 =	vmul.f32 $8.000000000e+00, v51;
	[tilespmem:v63+s21+$0x0] =	vst.idx.msk $0xffff, v55  }
0x38e: {  	v62 =	vadd.s32 v13, v37;
	v63 =	vld [tilespmem:s0+$0xFFFFFFD0];
	[tilespmem:v42+s21+$0x0] =	vst.idx.msk $0xffff, v59;
	v52 =	vmul.f32 $8.000000000e+00, v54  }
0x38f: {  	v44 =	vadd.s32 v21, v36;
	v53 =	vmul.f32 $8.000000000e+00, v45;
	[tilespmem:v48+s21+$0x0] =	vst.idx.msk $0xffff, v60;
	v54 =	vld [tilespmem:s0+$0x50]  }
0x390: {  	v55 =	vadd.s32 v29, v34;
	v48 =	vld [tilespmem:s0+$0xD0];
	[tilespmem:v40+s21+$0x0] =	vst.idx.msk $0xffff, v52;
	v58 =	vmul.f32 $8.000000000e+00, v58  }
0x391: {  	v42 =	vadd.s32 s8, v5;
	[tilespmem:v56+s21+$0x0] =	vst.idx.msk $0xffff, v53;
	v59 =	vmul.f32 $8.000000000e+00, v57;
	v60 =	vld [tilespmem:s0+$0x150]  }
0x392: {  	v56 =	vadd.s32 v13, v33;
	v47 =	vld [tilespmem:s0+$0xFFFFFE50];
	v46 =	vmul.f32 $8.000000000e+00, v46;
	[tilespmem:v61+s21+$0x0] =	vst.idx.msk $0xffff, v58  }
0x393: {  	v40 =	vadd.s32 v21, v32;
	[tilespmem:v62+s21+$0x0] =	vst.idx.msk $0xffff, v59;
	v61 =	vmul.f32 $8.000000000e+00, v63;
	v62 =	vld [tilespmem:s0+$0x1E0]  }
0x394: {  	v63 =	vadd.s32 s10, v5;
	[tilespmem:v44+s21+$0x0] =	vst.idx.msk $0xffff, v46;
	v57 =	vld [tilespmem:s0+$0xFFFFFEE0];
	v58 =	vmul.f32 $8.000000000e+00, v54  }
0x395: {  	v46 =	vadd.s32 v30, v35;
	v45 =	vld [tilespmem:s0+$0xFFFFFF60];
	v59 =	vmul.f32 $8.000000000e+00, v48;
	[tilespmem:v55+s21+$0x0] =	vst.idx.msk $0xffff, v61  }
0x396: {  	v48 =	vadd.s32 v14, v37;
	v52 =	vld [tilespmem:s0+$0xFFFFFFE0];
	[tilespmem:v42+s21+$0x0] =	vst.idx.msk $0xffff, v58;
	v60 =	vmul.f32 $8.000000000e+00, v60  }
0x397: {  	v44 =	vadd.s32 v22, v36;
	v61 =	vmul.f32 $8.000000000e+00, v47;
	[tilespmem:v56+s21+$0x0] =	vst.idx.msk $0xffff, v59;
	v47 =	vld [tilespmem:s0+$0x60]  }
0x398: {  	v38 =	vadd.s32 s10, v7;
	v53 =	vadd.s32 v30, v34;
	v54 =	vld [tilespmem:s0+$0xE0];
	[tilespmem:v40+s21+$0x0] =	vst.idx.msk $0xffff, v60;
	v62 =	vmul.f32 $8.000000000e+00, v62  }
0x399: {  	v39 =	vadd.s32 s8, v7;
	v50 =	vadd.s32 s8, v6;
	[tilespmem:v63+s21+$0x0] =	vst.idx.msk $0xffff, v61;
	v63 =	vmul.f32 $8.000000000e+00, v57;
	v55 =	vld [tilespmem:s0+$0x160]  }
0x39a: {  	v41 =	vadd.s32 s10, v6;
	v56 =	vld [tilespmem:s0+$0xFFFFFE60];
	v45 =	vmul.f32 $8.000000000e+00, v45;
	v57 =	vadd.s32 v14, v33;
	[tilespmem:v46+s21+$0x0] =	vst.idx.msk $0xffff, v62  }
0x39b: {  	v51 =	vadd.s32 v31, v35;
	v58 =	vadd.s32 v22, v32;
	[tilespmem:v48+s21+$0x0] =	vst.idx.msk $0xffff, v63;
	v52 =	vmul.f32 $8.000000000e+00, v52;
	v59 =	vld [tilespmem:s0+$0x1F0]  }
0x39c: {  	s10 =	simm.s32 $0x1A;
	v35 =	vadd.s32 v23, v36;
	v36 =	vadd.s32 v31, v34;
	[tilespmem:v44+s21+$0x0] =	vst.idx.msk $0xffff, v45;
	v43 =	vld [tilespmem:s0+$0xFFFFFEF0];
	v61 =	vmul.f32 $8.000000000e+00, v47  }
0x39d: {  	s7 =	simm.s32 $0x14;
	s31 =	simm.s32 $0x12;
	v37 =	vadd.s32 v15, v37;
	v42 =	vmov s10;
	v49 =	vld [tilespmem:s0+$0xFFFFFF70];
	v62 =	vmul.f32 $8.000000000e+00, v54;
	[tilespmem:v53+s21+$0x0] =	vst.idx.msk $0xffff, v52  }
0x39e: {  	s8 =	simm.s32 $0x16;
	v60 =	vmov s7;
	v46 =	vmov s31;
	v44 =	vld [tilespmem:s0+$0xFFFFFFF0];
	[tilespmem:v50+s21+$0x0] =	vst.idx.msk $0xffff, v61;
	v63 =	vmul.f32 $8.000000000e+00, v55  }
0x39f: {  	v48 =	vmov s8;
	s31 =	simm.s32 $0x1C;
	v45 =	vand.u32 $0x70, v46;
	v52 =	vmul.f32 $8.000000000e+00, v56;
	[tilespmem:v57+s21+$0x0] =	vst.idx.msk $0xffff, v62;
	v46 =	vld [tilespmem:s0+$0x70]  }
0x3a0: {  	s2 =	simm.s32 $0x10;
	s6 =	simm.s32 $0x20;
	s7 =	simm.s32 $0x1E;
	v40 =	vmov s31;
	v47 =	vand.u32 $0x70, v60;
	v50 =	vld [tilespmem:s0+$0xF0];
	[tilespmem:v58+s21+$0x0] =	vst.idx.msk $0xffff, v63;
	v34 =	vmul.f32 $8.000000000e+00, v59  }
.LBB2_17:
0x3a1: {  	p0 =	slt.u32 s6, $0x70;
	v48 =	vand.u32 $0x70, v48;
	v53 =	vmov s7;
	[tilespmem:v41+s21+$0x0] =	vst.idx.msk $0xffff, v52;
	v41 =	vmul.f32 $8.000000000e+00, v43;
	v43 =	vld [tilespmem:s0+$0x170]  }
0x3a2: {  	v33 =	vadd.s32 v15, v33;
	v52 =	vand.u32 $0x78, v53;
	v53 =	vld [tilespmem:s0+$0xFFFFFE70];
	v49 =	vmul.f32 $8.000000000e+00, v49;
	[tilespmem:v51+s21+$0x0] =	vst.idx.msk $0xffff, v34;
	s0 =	sadd.s32 $0x400, s0  }
0x3a3: {  	v32 =	vadd.s32 v23, v32;
	v51 =	vld [tilespmem:s0+$0x180];
	v34 =	vbroadcast v52, $0x0;
	[tilespmem:v37+s21+$0x0] =	vst.idx.msk $0xffff, v41;
	v41 =	vmul.f32 $8.000000000e+00, v44  }
0x3a4: {  	v42 =	vand.u32 $0x78, v42;
	v37 =	vbroadcast v45, $0x0;
	v44 =	vld [tilespmem:s0+$0xFFFFFE80];
	[tilespmem:v35+s21+$0x0] =	vst.idx.msk $0xffff, v49;
	v45 =	vmul.f32 $8.000000000e+00, v46  }
0x3a5: {  	v35 =	vbroadcast v47, $0x0;
	v46 =	vld [tilespmem:s0+$0xFFFFFF00];
	v47 =	vadd.s32 v24, v34;
	[tilespmem:v36+s21+$0x0] =	vst.idx.msk $0xffff, v41;
	v41 =	vmul.f32 $8.000000000e+00, v50  }
0x3a6: {  	v49 =	vadd.s32 v8, v37;
	v36 =	vbroadcast v48, $0x0;
	v50 =	vld [tilespmem:s0+$0xFFFFFF80];
	[tilespmem:v39+s21+$0x0] =	vst.idx.msk $0xffff, v45;
	v39 =	vmul.f32 $8.000000000e+00, v43  }
0x3a7: {  	v40 =	vand.u32 $0x78, v40;
	v43 =	vadd.s32 v16, v35;
	v45 =	vld [tilespmem:s0+$0x0];
	v48 =	vmul.f32 $8.000000000e+00, v53;
	[tilespmem:v33+s21+$0x0] =	vst.idx.msk $0xffff, v41  }
0x3a8: {  	s7 =	sadd.s32 $0x8, s2;
	v41 =	vadd.s32 v24, v36;
	v33 =	vbroadcast v42, $0x0;
	v52 =	vld [tilespmem:s0+$0x80];
	v42 =	vmul.f32 $8.000000000e+00, v51;
	[tilespmem:v32+s21+$0x0] =	vst.idx.msk $0xffff, v39  }
0x3a9: {  	v32 =	vbroadcast v40, $0x0;
	v39 =	vmul.f32 $8.000000000e+00, v44;
	v44 =	vadd.s32 s7, v0;
	v51 =	vld [tilespmem:s0+$0x100];
	[tilespmem:v38+s21+$0x0] =	vst.idx.msk $0xffff, v48  }
0x3aa: {  	v38 =	vld [tilespmem:s0+$0xFFFFFE00];
	v40 =	vmul.f32 $8.000000000e+00, v46;
	v46 =	vadd.s32 v8, v33;
	[tilespmem:v47+s21+$0x0] =	vst.idx.msk $0xffff, v42  }
0x3ab: {  	v42 =	vadd.s32 v16, v32;
	[tilespmem:v49+s21+$0x0] =	vst.idx.msk $0xffff, v39;
	v39 =	vmul.f32 $8.000000000e+00, v50;
	v47 =	vld [tilespmem:s0+$0x190]  }
0x3ac: {  	v48 =	vadd.s32 s2, v0;
	v49 =	vld [tilespmem:s0+$0xFFFFFE90];
	[tilespmem:v43+s21+$0x0] =	vst.idx.msk $0xffff, v40;
	v40 =	vmul.f32 $8.000000000e+00, v45  }
0x3ad: {  	v43 =	vld [tilespmem:s0+$0xFFFFFF10];
	[tilespmem:v41+s21+$0x0] =	vst.idx.msk $0xffff, v39;
	v39 =	vmul.f32 $8.000000000e+00, v52;
	v41 =	vadd.s32 v25, v34  }
0x3ae: {  	v45 =	vadd.s32 v9, v37;
	v50 =	vld [tilespmem:s0+$0xFFFFFF90];
	[tilespmem:v44+s21+$0x0] =	vst.idx.msk $0xffff, v40;
	v40 =	vmul.f32 $8.000000000e+00, v51  }
0x3af: {  	v44 =	vadd.s32 v17, v35;
	v38 =	vmul.f32 $8.000000000e+00, v38;
	v51 =	vld [tilespmem:s0+$0x10];
	[tilespmem:v46+s21+$0x0] =	vst.idx.msk $0xffff, v39  }
0x3b0: {  	v39 =	vadd.s32 v25, v36;
	v46 =	vld [tilespmem:s0+$0x90];
	[tilespmem:v42+s21+$0x0] =	vst.idx.msk $0xffff, v40;
	v40 =	vmul.f32 $8.000000000e+00, v47  }
0x3b1: {  	v42 =	vadd.s32 s7, v1;
	[tilespmem:v48+s21+$0x0] =	vst.idx.msk $0xffff, v38;
	v38 =	vmul.f32 $8.000000000e+00, v49;
	v47 =	vld [tilespmem:s0+$0x110]  }
0x3b2: {  	v49 =	vadd.s32 v9, v33;
	v48 =	vld [tilespmem:s0+$0xFFFFFE10];
	v43 =	vmul.f32 $8.000000000e+00, v43;
	[tilespmem:v41+s21+$0x0] =	vst.idx.msk $0xffff, v40  }
0x3b3: {  	v40 =	vadd.s32 v17, v32;
	[tilespmem:v45+s21+$0x0] =	vst.idx.msk $0xffff, v38;
	v38 =	vmul.f32 $8.000000000e+00, v50;
	v41 =	vld [tilespmem:s0+$0x1A0]  }
0x3b4: {  	v45 =	vadd.s32 s2, v1;
	v50 =	vld [tilespmem:s0+$0xFFFFFEA0];
	[tilespmem:v44+s21+$0x0] =	vst.idx.msk $0xffff, v43;
	v43 =	vmul.f32 $8.000000000e+00, v51  }
0x3b5: {  	v44 =	vld [tilespmem:s0+$0xFFFFFF20];
	[tilespmem:v39+s21+$0x0] =	vst.idx.msk $0xffff, v38;
	v38 =	vmul.f32 $8.000000000e+00, v46;
	v39 =	vadd.s32 v26, v34  }
0x3b6: {  	v46 =	vadd.s32 v10, v37;
	v51 =	vld [tilespmem:s0+$0xFFFFFFA0];
	[tilespmem:v42+s21+$0x0] =	vst.idx.msk $0xffff, v43;
	v42 =	vmul.f32 $8.000000000e+00, v47  }
0x3b7: {  	v47 =	vadd.s32 v18, v35;
	v43 =	vmul.f32 $8.000000000e+00, v48;
	v48 =	vld [tilespmem:s0+$0x20];
	[tilespmem:v49+s21+$0x0] =	vst.idx.msk $0xffff, v38  }
0x3b8: {  	v38 =	vadd.s32 v26, v36;
	v49 =	vld [tilespmem:s0+$0xA0];
	[tilespmem:v40+s21+$0x0] =	vst.idx.msk $0xffff, v42;
	v40 =	vmul.f32 $8.000000000e+00, v41  }
0x3b9: {  	v42 =	vadd.s32 s7, v2;
	[tilespmem:v45+s21+$0x0] =	vst.idx.msk $0xffff, v43;
	v41 =	vmul.f32 $8.000000000e+00, v50;
	v43 =	vld [tilespmem:s0+$0x120]  }
0x3ba: {  	v50 =	vadd.s32 v10, v33;
	v45 =	vld [tilespmem:s0+$0xFFFFFE20];
	v44 =	vmul.f32 $8.000000000e+00, v44;
	[tilespmem:v39+s21+$0x0] =	vst.idx.msk $0xffff, v40  }
0x3bb: {  	v40 =	vadd.s32 v18, v32;
	[tilespmem:v46+s21+$0x0] =	vst.idx.msk $0xffff, v41;
	v39 =	vmul.f32 $8.000000000e+00, v51;
	v41 =	vld [tilespmem:s0+$0x1B0]  }
0x3bc: {  	v46 =	vadd.s32 s2, v2;
	v51 =	vld [tilespmem:s0+$0xFFFFFEB0];
	[tilespmem:v47+s21+$0x0] =	vst.idx.msk $0xffff, v44;
	v44 =	vmul.f32 $8.000000000e+00, v48  }
0x3bd: {  	v47 =	vld [tilespmem:s0+$0xFFFFFF30];
	[tilespmem:v38+s21+$0x0] =	vst.idx.msk $0xffff, v39;
	v38 =	vmul.f32 $8.000000000e+00, v49;
	v39 =	vadd.s32 v27, v34  }
0x3be: {  	v48 =	vadd.s32 v11, v37;
	v49 =	vld [tilespmem:s0+$0xFFFFFFB0];
	[tilespmem:v42+s21+$0x0] =	vst.idx.msk $0xffff, v44;
	v42 =	vmul.f32 $8.000000000e+00, v43  }
0x3bf: {  	v44 =	vadd.s32 v19, v35;
	v43 =	vmul.f32 $8.000000000e+00, v45;
	v45 =	vld [tilespmem:s0+$0x30];
	[tilespmem:v50+s21+$0x0] =	vst.idx.msk $0xffff, v38  }
0x3c0: {  	v38 =	vadd.s32 v27, v36;
	v50 =	vld [tilespmem:s0+$0xB0];
	[tilespmem:v40+s21+$0x0] =	vst.idx.msk $0xffff, v42;
	v40 =	vmul.f32 $8.000000000e+00, v41  }
0x3c1: {  	v42 =	vadd.s32 s7, v3;
	[tilespmem:v46+s21+$0x0] =	vst.idx.msk $0xffff, v43;
	v41 =	vmul.f32 $8.000000000e+00, v51;
	v43 =	vld [tilespmem:s0+$0x130]  }
0x3c2: {  	v51 =	vadd.s32 v11, v33;
	v46 =	vld [tilespmem:s0+$0xFFFFFE30];
	v47 =	vmul.f32 $8.000000000e+00, v47;
	[tilespmem:v39+s21+$0x0] =	vst.idx.msk $0xffff, v40  }
0x3c3: {  	v40 =	vadd.s32 v19, v32;
	[tilespmem:v48+s21+$0x0] =	vst.idx.msk $0xffff, v41;
	v39 =	vmul.f32 $8.000000000e+00, v49;
	v41 =	vld [tilespmem:s0+$0x1C0]  }
0x3c4: {  	v48 =	vadd.s32 s2, v3;
	v49 =	vld [tilespmem:s0+$0xFFFFFEC0];
	[tilespmem:v44+s21+$0x0] =	vst.idx.msk $0xffff, v47;
	v44 =	vmul.f32 $8.000000000e+00, v45  }
0x3c5: {  	v45 =	vld [tilespmem:s0+$0xFFFFFF40];
	[tilespmem:v38+s21+$0x0] =	vst.idx.msk $0xffff, v39;
	v38 =	vmul.f32 $8.000000000e+00, v50;
	v39 =	vadd.s32 v28, v34  }
0x3c6: {  	v47 =	vadd.s32 v12, v37;
	v50 =	vld [tilespmem:s0+$0xFFFFFFC0];
	[tilespmem:v42+s21+$0x0] =	vst.idx.msk $0xffff, v44;
	v42 =	vmul.f32 $8.000000000e+00, v43  }
0x3c7: {  	v44 =	vadd.s32 v20, v35;
	v43 =	vmul.f32 $8.000000000e+00, v46;
	v46 =	vld [tilespmem:s0+$0x40];
	[tilespmem:v51+s21+$0x0] =	vst.idx.msk $0xffff, v38  }
0x3c8: {  	v38 =	vadd.s32 v28, v36;
	v51 =	vld [tilespmem:s0+$0xC0];
	[tilespmem:v40+s21+$0x0] =	vst.idx.msk $0xffff, v42;
	v40 =	vmul.f32 $8.000000000e+00, v41  }
0x3c9: {  	v42 =	vadd.s32 s7, v4;
	[tilespmem:v48+s21+$0x0] =	vst.idx.msk $0xffff, v43;
	v41 =	vmul.f32 $8.000000000e+00, v49;
	v43 =	vld [tilespmem:s0+$0x140]  }
0x3ca: {  	v49 =	vadd.s32 v12, v33;
	v48 =	vld [tilespmem:s0+$0xFFFFFE40];
	v45 =	vmul.f32 $8.000000000e+00, v45;
	[tilespmem:v39+s21+$0x0] =	vst.idx.msk $0xffff, v40  }
0x3cb: {  	v40 =	vadd.s32 v20, v32;
	[tilespmem:v47+s21+$0x0] =	vst.idx.msk $0xffff, v41;
	v39 =	vmul.f32 $8.000000000e+00, v50;
	v41 =	vld [tilespmem:s0+$0x1D0]  }
0x3cc: {  	v47 =	vadd.s32 s2, v4;
	v50 =	vld [tilespmem:s0+$0xFFFFFED0];
	[tilespmem:v44+s21+$0x0] =	vst.idx.msk $0xffff, v45;
	v44 =	vmul.f32 $8.000000000e+00, v46  }
0x3cd: {  	v45 =	vld [tilespmem:s0+$0xFFFFFF50];
	[tilespmem:v38+s21+$0x0] =	vst.idx.msk $0xffff, v39;
	v38 =	vmul.f32 $8.000000000e+00, v51;
	v39 =	vadd.s32 v29, v34  }
0x3ce: {  	v46 =	vadd.s32 v13, v37;
	v51 =	vld [tilespmem:s0+$0xFFFFFFD0];
	[tilespmem:v42+s21+$0x0] =	vst.idx.msk $0xffff, v44;
	v42 =	vmul.f32 $8.000000000e+00, v43  }
0x3cf: {  	v44 =	vadd.s32 v21, v35;
	v43 =	vmul.f32 $8.000000000e+00, v48;
	v48 =	vld [tilespmem:s0+$0x50];
	[tilespmem:v49+s21+$0x0] =	vst.idx.msk $0xffff, v38  }
0x3d0: {  	v38 =	vadd.s32 v29, v36;
	v49 =	vld [tilespmem:s0+$0xD0];
	[tilespmem:v40+s21+$0x0] =	vst.idx.msk $0xffff, v42;
	v40 =	vmul.f32 $8.000000000e+00, v41  }
0x3d1: {  	v42 =	vadd.s32 s7, v5;
	[tilespmem:v47+s21+$0x0] =	vst.idx.msk $0xffff, v43;
	v41 =	vmul.f32 $8.000000000e+00, v50;
	v43 =	vld [tilespmem:s0+$0x150]  }
0x3d2: {  	v50 =	vadd.s32 v13, v33;
	v47 =	vld [tilespmem:s0+$0xFFFFFE50];
	v45 =	vmul.f32 $8.000000000e+00, v45;
	[tilespmem:v39+s21+$0x0] =	vst.idx.msk $0xffff, v40  }
0x3d3: {  	v40 =	vadd.s32 v21, v32;
	[tilespmem:v46+s21+$0x0] =	vst.idx.msk $0xffff, v41;
	v39 =	vmul.f32 $8.000000000e+00, v51;
	v41 =	vld [tilespmem:s0+$0x1E0]  }
0x3d4: {  	v46 =	vadd.s32 s2, v5;
	v51 =	vld [tilespmem:s0+$0xFFFFFEE0];
	[tilespmem:v44+s21+$0x0] =	vst.idx.msk $0xffff, v45;
	v44 =	vmul.f32 $8.000000000e+00, v48  }
0x3d5: {  	v48 =	vadd.s32 v30, v34;
	v45 =	vld [tilespmem:s0+$0xFFFFFF60];
	[tilespmem:v38+s21+$0x0] =	vst.idx.msk $0xffff, v39;
	v38 =	vmul.f32 $8.000000000e+00, v49  }
0x3d6: {  	v49 =	vadd.s32 v14, v37;
	v52 =	vld [tilespmem:s0+$0xFFFFFFE0];
	[tilespmem:v42+s21+$0x0] =	vst.idx.msk $0xffff, v44;
	v39 =	vmul.f32 $8.000000000e+00, v43  }
0x3d7: {  	v44 =	vadd.s32 v22, v35;
	v42 =	vmul.f32 $8.000000000e+00, v47;
	v47 =	vld [tilespmem:s0+$0x60];
	[tilespmem:v50+s21+$0x0] =	vst.idx.msk $0xffff, v38  }
0x3d8: {  	v38 =	vadd.s32 s2, v7;
	v50 =	vadd.s32 v30, v36;
	v53 =	vld [tilespmem:s0+$0xE0];
	[tilespmem:v40+s21+$0x0] =	vst.idx.msk $0xffff, v39;
	v40 =	vmul.f32 $8.000000000e+00, v41  }
0x3d9: {  	v41 =	vadd.s32 s2, v6;
	s2 =	smov.u32 s6;
	[tilespmem:v46+s21+$0x0] =	vst.idx.msk $0xffff, v42;
	v42 =	vmul.f32 $8.000000000e+00, v51;
	v46 =	vadd.s32 s7, v6;
	v54 =	vld [tilespmem:s0+$0x160]  }
0x3da: {  	s8 =	sadd.s32 $0x2, s6;
	v56 =	vadd.s32 v14, v33;
	v39 =	vadd.s32 s7, v7;
	v55 =	vld [tilespmem:s0+$0xFFFFFE60];
	v45 =	vmul.f32 $8.000000000e+00, v45;
	[tilespmem:v48+s21+$0x0] =	vst.idx.msk $0xffff, v40  }
0x3db: {  	v57 =	vmov s8;
	s8 =	sadd.s32 $0x6, s6;
	v58 =	vadd.s32 v22, v32;
	s7 =	sadd.s32 $0x4, s6;
	[tilespmem:v49+s21+$0x0] =	vst.idx.msk $0xffff, v42;
	v40 =	vmul.f32 $8.000000000e+00, v52;
	v59 =	vld [tilespmem:s0+$0x1F0]  }
.Ltmp7:
0x3dc: {  	v60 =	vmov s7;
	v48 =	vmov s8;
	s7 =	sadd.s32 $0xA, s6;
	v43 =	vld [tilespmem:s0+$0xFFFFFEF0];
	[tilespmem:v44+s21+$0x0] =	vst.idx.msk $0xffff, v45;
	v45 =	vmul.f32 $8.000000000e+00, v47;
	(pc) =	sbr.rel @p0 .LBB2_17-.Ltmp7, $4  }
0x3dd: {  	v51 =	vadd.s32 v31, v34;
	v42 =	vmov s7;
	s7 =	sadd.s32 $0xC, s6;
	v49 =	vld [tilespmem:s0+$0xFFFFFF70];
	[tilespmem:v50+s21+$0x0] =	vst.idx.msk $0xffff, v40;
	v47 =	vmul.f32 $8.000000000e+00, v53  }
0x3de: {  	v37 =	vadd.s32 v15, v37;
	v40 =	vmov s7;
	v44 =	vld [tilespmem:s0+$0xFFFFFFF0];
	[tilespmem:v46+s21+$0x0] =	vst.idx.msk $0xffff, v45;
	v34 =	vmul.f32 $8.000000000e+00, v54  }
0x3df: {  	v35 =	vadd.s32 v23, v35;
	v45 =	vand.u32 $0x70, v57;
	v52 =	vmul.f32 $8.000000000e+00, v55;
	v46 =	vld [tilespmem:s0+$0x70];
	[tilespmem:v56+s21+$0x0] =	vst.idx.msk $0xffff, v47  }
0x3e0: {  	v36 =	vadd.s32 v31, v36;
	s6 =	sadd.s32 $0x10, s6;
	s7 =	sadd.s32 $0xE, s2;
	v47 =	vand.u32 $0x70, v60;
	v50 =	vld [tilespmem:s0+$0xF0];
	[tilespmem:v58+s21+$0x0] =	vst.idx.msk $0xffff, v34;
	v34 =	vmul.f32 $8.000000000e+00, v59  }
0x3e1: {  	_ =	sdelay $0x3  }
0x3e2: {  	v48 =	vand.u32 $0x70, v48;
	v53 =	vmov s7;
	[tilespmem:v41+s21+$0x0] =	vst.idx.msk $0xffff, v52;
	v62 =	vmul.f32 $8.000000000e+00, v43;
	v43 =	vld [tilespmem:s0+$0x170]  }
0x3e3: {  	v54 =	vadd.s32 v15, v33;
	s7 =	sadd.s32 $0x400, s0;
	v63 =	vand.u32 $0x78, v53;
	v57 =	vld [tilespmem:s0+$0xFFFFFE70];
	v49 =	vmul.f32 $8.000000000e+00, v49;
	[tilespmem:v51+s21+$0x0] =	vst.idx.msk $0xffff, v34  }
0x3e4: {  	v59 =	vadd.s32 v23, v32;
	v51 =	vld [tilespmem:s7+$0x180];
	v33 =	vbroadcast v63, $0x0;
	[tilespmem:v37+s21+$0x0] =	vst.idx.msk $0xffff, v62;
	v58 =	vmul.f32 $8.000000000e+00, v44  }
0x3e5: {  	v32 =	vbroadcast v45, $0x0;
	v42 =	vand.u32 $0x78, v42;
	v60 =	vld [tilespmem:s7+$0xFFFFFE80];
	[tilespmem:v35+s21+$0x0] =	vst.idx.msk $0xffff, v49;
	v61 =	vmul.f32 $8.000000000e+00, v46  }
0x3e6: {  	v34 =	vbroadcast v47, $0x0;
	v46 =	vld [tilespmem:s7+$0xFFFFFF00];
	v47 =	vadd.s32 v24, v33;
	[tilespmem:v36+s21+$0x0] =	vst.idx.msk $0xffff, v58;
	v62 =	vmul.f32 $8.000000000e+00, v50  }
0x3e7: {  	v49 =	vadd.s32 v8, v32;
	v35 =	vbroadcast v48, $0x0;
	v50 =	vld [tilespmem:s7+$0xFFFFFF80];
	[tilespmem:v39+s21+$0x0] =	vst.idx.msk $0xffff, v61;
	v63 =	vmul.f32 $8.000000000e+00, v43  }
0x3e8: {  	v40 =	vand.u32 $0x78, v40;
	v39 =	vadd.s32 v16, v34;
	v43 =	vld [tilespmem:s7+$0x0];
	v56 =	vmul.f32 $8.000000000e+00, v57;
	[tilespmem:v54+s21+$0x0] =	vst.idx.msk $0xffff, v62  }
0x3e9: {  	s6 =	sadd.s32 $0x8, s2;
	v36 =	vbroadcast v42, $0x0;
	v48 =	vadd.s32 v24, v35;
	v57 =	vld [tilespmem:s7+$0x80];
	v58 =	vmul.f32 $8.000000000e+00, v51;
	[tilespmem:v59+s21+$0x0] =	vst.idx.msk $0xffff, v63  }
0x3ea: {  	v44 =	vadd.s32 s6, v0;
	v37 =	vbroadcast v40, $0x0;
	v59 =	vmul.f32 $8.000000000e+00, v60;
	v60 =	vld [tilespmem:s7+$0x100];
	[tilespmem:v38+s21+$0x0] =	vst.idx.msk $0xffff, v56  }
0x3eb: {  	v61 =	vld [tilespmem:s7+$0xFFFFFE00];
	v63 =	vadd.s32 v8, v36;
	v62 =	vmul.f32 $8.000000000e+00, v46;
	[tilespmem:v47+s21+$0x0] =	vst.idx.msk $0xffff, v58  }
0x3ec: {  	v42 =	vadd.s32 v16, v37;
	[tilespmem:v49+s21+$0x0] =	vst.idx.msk $0xffff, v59;
	v53 =	vmul.f32 $8.000000000e+00, v50;
	v46 =	vld [tilespmem:s7+$0x190]  }
0x3ed: {  	v54 =	vadd.s32 s2, v0;
	v49 =	vld [tilespmem:s7+$0xFFFFFE90];
	[tilespmem:v39+s21+$0x0] =	vst.idx.msk $0xffff, v62;
	v55 =	vmul.f32 $8.000000000e+00, v43  }
0x3ee: {  	v40 =	vld [tilespmem:s7+$0xFFFFFF10];
	[tilespmem:v48+s21+$0x0] =	vst.idx.msk $0xffff, v53;
	v56 =	vmul.f32 $8.000000000e+00, v57;
	v57 =	vadd.s32 v25, v33  }
0x3ef: {  	v58 =	vadd.s32 v9, v32;
	v59 =	vld [tilespmem:s7+$0xFFFFFF90];
	[tilespmem:v44+s21+$0x0] =	vst.idx.msk $0xffff, v55;
	v60 =	vmul.f32 $8.000000000e+00, v60  }
0x3f0: {  	v38 =	vmul.f32 $8.000000000e+00, v61;
	v61 =	vadd.s32 v17, v34;
	v62 =	vld [tilespmem:s7+$0x10];
	[tilespmem:v63+s21+$0x0] =	vst.idx.msk $0xffff, v56  }
0x3f1: {  	v63 =	vadd.s32 v25, v35;
	v45 =	vld [tilespmem:s7+$0x90];
	[tilespmem:v42+s21+$0x0] =	vst.idx.msk $0xffff, v60;
	v52 =	vmul.f32 $8.000000000e+00, v46  }
0x3f2: {  	[tilespmem:v54+s21+$0x0] =	vst.idx.msk $0xffff, v38;
	v42 =	vadd.s32 s6, v1;
	v53 =	vmul.f32 $8.000000000e+00, v49;
	v46 =	vld [tilespmem:s7+$0x110]  }
0x3f3: {  	v54 =	vadd.s32 v9, v36;
	v47 =	vld [tilespmem:s7+$0xFFFFFE10];
	v40 =	vmul.f32 $8.000000000e+00, v40;
	[tilespmem:v57+s21+$0x0] =	vst.idx.msk $0xffff, v52  }
0x3f4: {  	v56 =	vadd.s32 v17, v37;
	[tilespmem:v58+s21+$0x0] =	vst.idx.msk $0xffff, v53;
	v55 =	vmul.f32 $8.000000000e+00, v59;
	v43 =	vld [tilespmem:s7+$0x1A0]  }
0x3f5: {  	v57 =	vadd.s32 s2, v1;
	v58 =	vld [tilespmem:s7+$0xFFFFFEA0];
	[tilespmem:v61+s21+$0x0] =	vst.idx.msk $0xffff, v40;
	v59 =	vmul.f32 $8.000000000e+00, v62  }
0x3f6: {  	v61 =	vadd.s32 v26, v33;
	v44 =	vld [tilespmem:s7+$0xFFFFFF20];
	[tilespmem:v63+s21+$0x0] =	vst.idx.msk $0xffff, v55;
	v60 =	vmul.f32 $8.000000000e+00, v45  }
0x3f7: {  	v62 =	vadd.s32 v10, v32;
	v63 =	vld [tilespmem:s7+$0xFFFFFFA0];
	[tilespmem:v42+s21+$0x0] =	vst.idx.msk $0xffff, v59;
	v52 =	vmul.f32 $8.000000000e+00, v46  }
0x3f8: {  	v53 =	vmul.f32 $8.000000000e+00, v47;
	v46 =	vadd.s32 v18, v34;
	v47 =	vld [tilespmem:s7+$0x20];
	[tilespmem:v54+s21+$0x0] =	vst.idx.msk $0xffff, v60  }
0x3f9: {  	v54 =	vadd.s32 v26, v35;
	v49 =	vld [tilespmem:s7+$0xA0];
	[tilespmem:v56+s21+$0x0] =	vst.idx.msk $0xffff, v52;
	v55 =	vmul.f32 $8.000000000e+00, v43  }
0x3fa: {  	[tilespmem:v57+s21+$0x0] =	vst.idx.msk $0xffff, v53;
	v57 =	vadd.s32 s6, v2;
	v56 =	vmul.f32 $8.000000000e+00, v58;
	v58 =	vld [tilespmem:s7+$0x120]  }
0x3fb: {  	v59 =	vadd.s32 v10, v36;
	v48 =	vld [tilespmem:s7+$0xFFFFFE20];
	v44 =	vmul.f32 $8.000000000e+00, v44;
	[tilespmem:v61+s21+$0x0] =	vst.idx.msk $0xffff, v55  }
0x3fc: {  	[tilespmem:v62+s21+$0x0] =	vst.idx.msk $0xffff, v56;
	v60 =	vmul.f32 $8.000000000e+00, v63;
	v61 =	vadd.s32 v18, v37;
	v41 =	vld [tilespmem:s7+$0x1B0]  }
0x3fd: {  	v62 =	vadd.s32 s2, v2;
	v63 =	vld [tilespmem:s7+$0xFFFFFEB0];
	[tilespmem:v46+s21+$0x0] =	vst.idx.msk $0xffff, v44;
	v52 =	vmul.f32 $8.000000000e+00, v47  }
0x3fe: {  	v39 =	vadd.s32 v27, v33;
	v46 =	vld [tilespmem:s7+$0xFFFFFF30];
	[tilespmem:v54+s21+$0x0] =	vst.idx.msk $0xffff, v60;
	v53 =	vmul.f32 $8.000000000e+00, v49  }
0x3ff: {  	v47 =	vadd.s32 v11, v32;
	v49 =	vld [tilespmem:s7+$0xFFFFFFB0];
	[tilespmem:v57+s21+$0x0] =	vst.idx.msk $0xffff, v52;
	v54 =	vmul.f32 $8.000000000e+00, v58  }
0x400: {  	v56 =	vadd.s32 v19, v34;
	v55 =	vmul.f32 $8.000000000e+00, v48;
	v57 =	vld [tilespmem:s7+$0x30];
	[tilespmem:v59+s21+$0x0] =	vst.idx.msk $0xffff, v53  }
0x401: {  	v58 =	vadd.s32 v27, v35;
	v50 =	vld [tilespmem:s7+$0xB0];
	[tilespmem:v61+s21+$0x0] =	vst.idx.msk $0xffff, v54;
	v59 =	vmul.f32 $8.000000000e+00, v41  }
0x402: {  	[tilespmem:v62+s21+$0x0] =	vst.idx.msk $0xffff, v55;
	v61 =	vadd.s32 s6, v3;
	v60 =	vmul.f32 $8.000000000e+00, v63;
	v62 =	vld [tilespmem:s7+$0x130]  }
0x403: {  	v45 =	vld [tilespmem:s7+$0xFFFFFE30];
	v63 =	vadd.s32 v11, v36;
	v46 =	vmul.f32 $8.000000000e+00, v46;
	[tilespmem:v39+s21+$0x0] =	vst.idx.msk $0xffff, v59  }
0x404: {  	v40 =	vadd.s32 v19, v37;
	[tilespmem:v47+s21+$0x0] =	vst.idx.msk $0xffff, v60;
	v53 =	vmul.f32 $8.000000000e+00, v49;
	v41 =	vld [tilespmem:s7+$0x1C0]  }
0x405: {  	v47 =	vadd.s32 s2, v3;
	v54 =	vld [tilespmem:s7+$0xFFFFFEC0];
	[tilespmem:v56+s21+$0x0] =	vst.idx.msk $0xffff, v46;
	v55 =	vmul.f32 $8.000000000e+00, v57  }
0x406: {  	v39 =	vadd.s32 v28, v33;
	v46 =	vld [tilespmem:s7+$0xFFFFFF40];
	[tilespmem:v58+s21+$0x0] =	vst.idx.msk $0xffff, v53;
	v56 =	vmul.f32 $8.000000000e+00, v50  }
0x407: {  	v57 =	vadd.s32 v12, v32;
	v58 =	vld [tilespmem:s7+$0xFFFFFFC0];
	[tilespmem:v61+s21+$0x0] =	vst.idx.msk $0xffff, v55;
	v59 =	vmul.f32 $8.000000000e+00, v62  }
0x408: {  	v60 =	vmul.f32 $8.000000000e+00, v45;
	v61 =	vadd.s32 v20, v34;
	v62 =	vld [tilespmem:s7+$0x40];
	[tilespmem:v63+s21+$0x0] =	vst.idx.msk $0xffff, v56  }
0x409: {  	v63 =	vadd.s32 v28, v35;
	v51 =	vld [tilespmem:s7+$0xC0];
	[tilespmem:v40+s21+$0x0] =	vst.idx.msk $0xffff, v59;
	v53 =	vmul.f32 $8.000000000e+00, v41  }
0x40a: {  	v55 =	vadd.s32 s6, v4;
	[tilespmem:v47+s21+$0x0] =	vst.idx.msk $0xffff, v60;
	v54 =	vmul.f32 $8.000000000e+00, v54;
	v56 =	vld [tilespmem:s7+$0x140]  }
0x40b: {  	v49 =	vadd.s32 v12, v36;
	v47 =	vld [tilespmem:s7+$0xFFFFFE40];
	v46 =	vmul.f32 $8.000000000e+00, v46;
	[tilespmem:v39+s21+$0x0] =	vst.idx.msk $0xffff, v53  }
0x40c: {  	v40 =	vadd.s32 v20, v37;
	[tilespmem:v57+s21+$0x0] =	vst.idx.msk $0xffff, v54;
	v57 =	vmul.f32 $8.000000000e+00, v58;
	v58 =	vld [tilespmem:s7+$0x1D0]  }
0x40d: {  	v48 =	vadd.s32 s2, v4;
	v50 =	vld [tilespmem:s7+$0xFFFFFED0];
	[tilespmem:v61+s21+$0x0] =	vst.idx.msk $0xffff, v46;
	v59 =	vmul.f32 $8.000000000e+00, v62  }
0x40e: {  	v61 =	vadd.s32 v29, v33;
	v45 =	vld [tilespmem:s7+$0xFFFFFF50];
	[tilespmem:v63+s21+$0x0] =	vst.idx.msk $0xffff, v57;
	v60 =	vmul.f32 $8.000000000e+00, v51  }
0x40f: {  	v62 =	vadd.s32 v13, v32;
	v63 =	vld [tilespmem:s7+$0xFFFFFFD0];
	[tilespmem:v55+s21+$0x0] =	vst.idx.msk $0xffff, v59;
	v53 =	vmul.f32 $8.000000000e+00, v56  }
0x410: {  	v54 =	vmul.f32 $8.000000000e+00, v47;
	v55 =	vadd.s32 v21, v34;
	v56 =	vld [tilespmem:s7+$0x50];
	[tilespmem:v49+s21+$0x0] =	vst.idx.msk $0xffff, v60  }
0x411: {  	v57 =	vadd.s32 v29, v35;
	v49 =	vld [tilespmem:s7+$0xD0];
	[tilespmem:v40+s21+$0x0] =	vst.idx.msk $0xffff, v53;
	v58 =	vmul.f32 $8.000000000e+00, v58  }
0x412: {  	v42 =	vadd.s32 s6, v5;
	[tilespmem:v48+s21+$0x0] =	vst.idx.msk $0xffff, v54;
	v59 =	vmul.f32 $8.000000000e+00, v50;
	v60 =	vld [tilespmem:s7+$0x150]  }
0x413: {  	v48 =	vld [tilespmem:s7+$0xFFFFFE50];
	v50 =	vadd.s32 v13, v36;
	v45 =	vmul.f32 $8.000000000e+00, v45;
	[tilespmem:v61+s21+$0x0] =	vst.idx.msk $0xffff, v58  }
0x414: {  	v40 =	vadd.s32 v21, v37;
	[tilespmem:v62+s21+$0x0] =	vst.idx.msk $0xffff, v59;
	v61 =	vmul.f32 $8.000000000e+00, v63;
	v62 =	vld [tilespmem:s7+$0x1E0]  }
0x415: {  	v63 =	vadd.s32 s2, v5;
	v54 =	vld [tilespmem:s7+$0xFFFFFEE0];
	[tilespmem:v55+s21+$0x0] =	vst.idx.msk $0xffff, v45;
	v55 =	vmul.f32 $8.000000000e+00, v56  }
0x416: {  	v45 =	vld [tilespmem:s7+$0xFFFFFF60];
	[tilespmem:v57+s21+$0x0] =	vst.idx.msk $0xffff, v61;
	v56 =	vmul.f32 $8.000000000e+00, v49;
	v57 =	vadd.s32 v30, v33  }
0x417: {  	v58 =	vadd.s32 v14, v32;
	v59 =	vld [tilespmem:s7+$0xFFFFFFE0];
	[tilespmem:v42+s21+$0x0] =	vst.idx.msk $0xffff, v55;
	v60 =	vmul.f32 $8.000000000e+00, v60  }
0x418: {  	v44 =	vadd.s32 v22, v34;
	v61 =	vmul.f32 $8.000000000e+00, v48;
	v48 =	vld [tilespmem:s7+$0x60];
	[tilespmem:v50+s21+$0x0] =	vst.idx.msk $0xffff, v56  }
0x419: {  	v38 =	vadd.s32 v30, v35;
	v50 =	vld [tilespmem:s7+$0xE0];
	[tilespmem:v40+s21+$0x0] =	vst.idx.msk $0xffff, v60;
	v62 =	vmul.f32 $8.000000000e+00, v62  }
0x41a: {  	[tilespmem:v63+s21+$0x0] =	vst.idx.msk $0xffff, v61;
	v63 =	vmul.f32 $8.000000000e+00, v54;
	v54 =	vadd.s32 s6, v6;
	v55 =	vld [tilespmem:s7+$0x160]  }
0x41b: {  	v56 =	vadd.s32 v14, v36;
	v46 =	vld [tilespmem:s7+$0xFFFFFE60];
	v45 =	vmul.f32 $8.000000000e+00, v45;
	[tilespmem:v57+s21+$0x0] =	vst.idx.msk $0xffff, v62  }
0x41c: {  	[tilespmem:v58+s21+$0x0] =	vst.idx.msk $0xffff, v63;
	v57 =	vmul.f32 $8.000000000e+00, v59;
	v58 =	vadd.s32 v22, v37;
	v59 =	vld [tilespmem:s7+$0x1F0]  }
0x41d: {  	v60 =	vadd.s32 s2, v6;
	v61 =	vld [tilespmem:s7+$0xFFFFFEF0];
	[tilespmem:v44+s21+$0x0] =	vst.idx.msk $0xffff, v45;
	v62 =	vmul.f32 $8.000000000e+00, v48  }
0x41e: {  	v33 =	vadd.s32 v31, v33;
	v45 =	vld [tilespmem:s7+$0xFFFFFF70];
	[tilespmem:v38+s21+$0x0] =	vst.idx.msk $0xffff, v57;
	v63 =	vmul.f32 $8.000000000e+00, v50  }
0x41f: {  	v32 =	vadd.s32 v15, v32;
	v39 =	vld [tilespmem:s7+$0xFFFFFFF0];
	[tilespmem:v54+s21+$0x0] =	vst.idx.msk $0xffff, v62;
	v48 =	vmul.f32 $8.000000000e+00, v55  }
0x420: {  	v34 =	vadd.s32 v23, v34;
	v50 =	vmul.f32 $8.000000000e+00, v46;
	v44 =	vld [tilespmem:s7+$0x70];
	[tilespmem:v56+s21+$0x0] =	vst.idx.msk $0xffff, v63  }
0x421: {  	v35 =	vadd.s32 v31, v35;
	v38 =	vld [tilespmem:s7+$0xF0];
	[tilespmem:v58+s21+$0x0] =	vst.idx.msk $0xffff, v48;
	v52 =	vmul.f32 $8.000000000e+00, v59  }
0x422: {  	v53 =	vadd.s32 s6, v7;
	[tilespmem:v60+s21+$0x0] =	vst.idx.msk $0xffff, v50;
	v54 =	vmul.f32 $8.000000000e+00, v61;
	v55 =	vld [tilespmem:s7+$0x170]  }
0x423: {  	v36 =	vadd.s32 v15, v36;
	v56 =	vld [tilespmem:s7+$0xFFFFFE70];
	v45 =	vmul.f32 $8.000000000e+00, v45;
	[tilespmem:v33+s21+$0x0] =	vst.idx.msk $0xffff, v52  }
0x424: {  	v58 =	vadd.s32 v23, v37;
	[tilespmem:v32+s21+$0x0] =	vst.idx.msk $0xffff, v54;
	v57 =	vmul.f32 $8.000000000e+00, v39  }
0x425: {  	v59 =	vadd.s32 s2, v7;
	[tilespmem:v34+s21+$0x0] =	vst.idx.msk $0xffff, v45;
	v60 =	vmul.f32 $8.000000000e+00, v44  }
0x426: {  	s8 =	sadd.s32 s5, s30;
	[tilespmem:v35+s21+$0x0] =	vst.idx.msk $0xffff, v57;
	v61 =	vmul.f32 $8.000000000e+00, v38  }
0x427: {  	s30 =	sshll.u32 s30, $0xF;
	s10 =	sshll.u32 s8, $0xA;
	s0 =	sshll.u32 s8, $0x4;
	[tilespmem:v53+s21+$0x0] =	vst.idx.msk $0xffff, v60;
	v62 =	vmul.f32 $8.000000000e+00, v55  }
0x428: {  	s0 =	sand.u32 $0xF80, s0;
	s6 =	sand.u32 $0x38000, s30;
	s2 =	sand.u32 $0xFFC0000, s10;
	v63 =	vmul.f32 $8.000000000e+00, v56;
	[tilespmem:v36+s21+$0x0] =	vst.idx.msk $0xffff, v61  }
0x429: {  	s0 =	sadd.s32 s1, s0;
	s2 =	sor.u32 s2, s6;
	[tilespmem:v58+s21+$0x0] =	vst.idx.msk $0xffff, v62  }
0x42a: {  	s31 =	simm.s32 $0x14A00;
	s2 =	sadd.s32 s2, s0;
	[tilespmem:v59+s21+$0x0] =	vst.idx.msk $0xffff, v63  }
0x42b: {  	[hbm4b:s2+s3] =	stream.linear.scatter [tilespmem:s31], [sflag:$0x8], $0x80, $0x38;
	[tilespmem:$0x16C00] =	vst v63  }
0x42c: {  	s6 =	simm.s32 $0x14A88;
	s7 =	sadd.s32 $0x10, s2  }
0x42d: {  	[hbm4b:s7+s3] =	stream.linear.scatter [tilespmem:s6], [sflag:$0x8], $0x80, $0x38;
	[tilespmem:$0x16C00] =	vst v63  }
0x42e: {  	s8 =	simm.s32 $0x14B10;
	s30 =	simm.s32 $0x14B98;
	s10 =	sadd.s32 $0x20, s2  }
0x42f: {  	[hbm4b:s10+s3] =	stream.linear.scatter [tilespmem:s8], [sflag:$0x8], $0x80, $0x38;
	[tilespmem:$0x16C00] =	vst v63  }
0x430: {  	s0 =	simm.s32 $0x440;
	s31 =	sadd.s32 $0x30, s2;
	s6 =	simm.s32 $0x14C20  }
0x431: {  	[hbm4b:s31+s3] =	stream.linear.scatter [tilespmem:s30], [sflag:$0x8], $0x80, $0x38;
	[tilespmem:$0x16C00] =	vst v63  }
0x432: {  	s7 =	sadd.s32 $0x40, s2;
	s8 =	simm.s32 $0x14CA8;
	s10 =	sadd.s32 $0x50, s2  }
0x433: {  	[hbm4b:s7+s3] =	stream.linear.scatter [tilespmem:s6], [sflag:$0x8], $0x80, $0x38;
	[tilespmem:$0x16C00] =	vst v63  }
0x434: {  	s30 =	simm.s32 $0x14D30;
	s31 =	sadd.s32 $0x60, s2;
	s6 =	simm.s32 $0x2200  }
0x435: {  	[hbm4b:s10+s3] =	stream.linear.scatter [tilespmem:s8], [sflag:$0x8], $0x80, $0x38;
	[tilespmem:$0x16C00] =	vst v63  }
0x436: {  	s7 =	simm.s32 $0x14DB8;
	s10 =	sadd.s32 $0x70, s2;
	s2 =	sadd.s32 $0x1000, s2  }
0x437: {  	[hbm4b:s31+s3] =	stream.linear.scatter [tilespmem:s30], [sflag:$0x8], $0x80, $0x38;
	[tilespmem:$0x16C00] =	vst v63  }
.LBB2_19:
0x438: {  	[hbm4b:s10+s3] =	stream.linear.scatter [tilespmem:s7], [sflag:$0x8], $0x80, $0x38;
	[tilespmem:$0x16C00] =	vst v63  }
0x439: {  	s7 =	smov.u32 s0;
	s0 =	smov.u32 s6  }
0x43a: {  	s8 =	sadd.s32 $0x1100, s6;
	s0 =	sshra.s32 s0, $0x2;
	s10 =	sadd.s32 $0x14A00, s7  }
0x43b: {  	[hbm4b:s2+s3] =	stream.linear.scatter [tilespmem:s10], [sflag:$0x8], $0x80, $0x38;
	[tilespmem:$0x16C00] =	vst v63  }
0x43c: {  	p0 =	sne.s32 s6, $0x7700;
	s6 =	sadd.s32 $0x14A88, s7;
	s10 =	sadd.s32 $0x10, s2  }
0x43d: {  	[hbm4b:s10+s3] =	stream.linear.scatter [tilespmem:s6], [sflag:$0x8], $0x80, $0x38;
	[tilespmem:$0x16C00] =	vst v63  }
0x43e: {  	s6 =	sadd.s32 $0x14B10, s7;
	s10 =	sadd.s32 $0x20, s2  }
0x43f: {  	[hbm4b:s10+s3] =	stream.linear.scatter [tilespmem:s6], [sflag:$0x8], $0x80, $0x38;
	[tilespmem:$0x16C00] =	vst v63  }
0x440: {  	s6 =	sadd.s32 $0x14B98, s7;
	s10 =	sadd.s32 $0x30, s2  }
0x441: {  	[hbm4b:s10+s3] =	stream.linear.scatter [tilespmem:s6], [sflag:$0x8], $0x80, $0x38;
	[tilespmem:$0x16C00] =	vst v63  }
0x442: {  	s6 =	sadd.s32 $0x14C20, s7;
	s10 =	sadd.s32 $0x40, s2  }
0x443: {  	[hbm4b:s10+s3] =	stream.linear.scatter [tilespmem:s6], [sflag:$0x8], $0x80, $0x38;
	[tilespmem:$0x16C00] =	vst v63  }
.Ltmp8:
0x444: {  	s6 =	sadd.s32 $0x14CA8, s7;
	s10 =	sadd.s32 $0x50, s2;
	(pc) =	sbr.rel @p0 .LBB2_19-.Ltmp8, $4  }
0x445: {  	[hbm4b:s10+s3] =	stream.linear.scatter [tilespmem:s6], [sflag:$0x8], $0x80, $0x38;
	[tilespmem:$0x16C00] =	vst v63  }
0x446: {  	s6 =	sadd.s32 $0x14D30, s7;
	s10 =	sadd.s32 $0x60, s2;
	s7 =	sadd.s32 $0x14DB8, s7  }
0x447: {  	[hbm4b:s10+s3] =	stream.linear.scatter [tilespmem:s6], [sflag:$0x8], $0x80, $0x38;
	[tilespmem:$0x16C00] =	vst v63  }
0x448: {  	s10 =	sadd.s32 $0x70, s2;
	s2 =	sadd.s32 $0x1000, s2;
	s6 =	smov.u32 s8  }
0x449: {  	[hbm4b:s10+s3] =	stream.linear.scatter [tilespmem:s7], [sflag:$0x8], $0x80, $0x38;
	[tilespmem:$0x16C00] =	vst v63  }
0x44a: {  	s6 =	sadd.s32 $0x14A00, s0  }
0x44b: {  	[hbm4b:s2+s3] =	stream.linear.scatter [tilespmem:s6], [sflag:$0x8], $0x80, $0x38;
	[tilespmem:$0x16C00] =	vst v63  }
0x44c: {  	s30 =	sadd.s32 $0x14A88, s0;
	s31 =	sadd.s32 $0x10, s2  }
0x44d: {  	[hbm4b:s31+s3] =	stream.linear.scatter [tilespmem:s30], [sflag:$0x8], $0x80, $0x38;
	[tilespmem:$0x16C00] =	vst v63  }
0x44e: {  	s8 =	sadd.s32 $0x14B10, s0;
	s10 =	sadd.s32 $0x20, s2  }
0x44f: {  	[hbm4b:s10+s3] =	stream.linear.scatter [tilespmem:s8], [sflag:$0x8], $0x80, $0x38;
	[tilespmem:$0x16C00] =	vst v63  }
0x450: {  	s30 =	sadd.s32 $0x14B98, s0;
	s31 =	sadd.s32 $0x30, s2  }
0x451: {  	[hbm4b:s31+s3] =	stream.linear.scatter [tilespmem:s30], [sflag:$0x8], $0x80, $0x38;
	[tilespmem:$0x16C00] =	vst v63  }
0x452: {  	s29 =	sadd.s32 $0x1, s29;
	s8 =	sadd.s32 $0x14C20, s0;
	s10 =	sadd.s32 $0x40, s2  }
0x453: {  	[hbm4b:s10+s3] =	stream.linear.scatter [tilespmem:s8], [sflag:$0x8], $0x80, $0x38;
	[tilespmem:$0x16C00] =	vst v63  }
0x454: {  	p0 =	sne.s32 s29, $0x32;
	s30 =	sadd.s32 $0x14CA8, s0;
	s31 =	sadd.s32 $0x50, s2  }
0x455: {  	[hbm4b:s31+s3] =	stream.linear.scatter [tilespmem:s30], [sflag:$0x8], $0x80, $0x38;
	[tilespmem:$0x16C00] =	vst v63  }
.Ltmp9:
0x456: {  	_ = 	snop;
	(pc) =	sbr.rel @p0 .LBB2_4-.Ltmp9, $4  }
0x457: {  	s8 =	sadd.s32 $0x14D30, s0;
	s10 =	sadd.s32 $0x60, s2  }
0x458: {  	[hbm4b:s10+s3] =	stream.linear.scatter [tilespmem:s8], [sflag:$0x8], $0x80, $0x38;
	[tilespmem:$0x16C00] =	vst v63  }
0x459: {  	s30 =	sadd.s32 $0x14DB8, s0;
	s31 =	sadd.s32 $0x70, s2  }
0x45a: {  	[hbm4b:s31+s3] =	stream.linear.scatter [tilespmem:s30], [sflag:$0x8], $0x80, $0x38;
	[tilespmem:$0x16C00] =	vst v63  }
0x45b: {  	_ =	swait.ge [sflag:s22], $0x2000  }
0x45c: {  	[sflag:s22] =	ssyncset.done $0x0  }
0x45d: {  	[sflag:s22] =	ssyncadd.s32 $0xFFFFE000  }
0x45e: {  	_ =	swait.ge [sflag:s23], $0x2000  }
0x45f: {  	[sflag:s23] =	ssyncset.done $0x0  }
0x460: {  	[sflag:s23] =	ssyncadd.s32 $0xFFFFE000  }
0x461: {  	_ =	swait.ge [sflag:s24], $0x2000  }
0x462: {  	[sflag:s24] =	ssyncset.done $0x0  }
0x463: {  	[sflag:s24] =	ssyncadd.s32 $0xFFFFE000  }
0x464: {  	_ =	swait.ge [sflag:s25], $0x2000  }
0x465: {  	s26 =	sadd.s32 $0x1, s26;
	s0 =	rddreg [dreg:$0x5]  }
0x466: {  	p0 =	sne.s32 s26, s0  }
.Ltmp10:
0x467: {  	_ = 	snop;
	(pc) =	sbr.rel @p0 .LBB2_1-.Ltmp10, $3  }
0x468: {  	_ =	sdelay $0x1  }
0x469: {  	[sflag:s25] =	ssyncset.done $0x0  }
0x46a: {  	[sflag:s25] =	ssyncadd.s32 $0xFFFFE000  }
0x46b: {  	_ =	sfence.sel $0x180000  }
0x46c: {  	[bflag:$0x0] =	sbarrier.arrive $0xFFFF  }
0x46d: {  	_ =	strace $0x9000004A  }
0x46e: {  	s0 =	stileid.u32;
	[bflag:$0x2] =	sbarrier.arrive $0xFFFF  }
0x46f: {  	p0 =	sne.s32 s0, $0x0;
	s0 =	rddreg [dreg:$0x3]  }
0x470: {  	s0 =	sadd.s32 @!p0 $0x100000, s0  }
0x471: {  	[sflag:s0] =	ssyncadd.tile.s32 @!p0 $0x1;
	_ =	shalt  }
.Lfunc_end2:
_tile_overlayer_lowered:
.L_overlay_start_2:
0x472: {  	(tag) =	ssettag $0x2  }
0x473: {  	s0 =	rddreg [dreg:$0x0];
	s2 =	stileid.u32  }
0x474: {  	s1 =	rddreg [dreg:$0x1];
	p0 =	sne.s32 s2, $0x0  }
0x475: {  	s3 =	rddreg [dreg:$0x2];
	[bflag:$0x3] =	sbarrier.arrive $0xFFFF;
	s2 =	simm.s32 @!p0 $0x1C09  }
0x476: {  	[timem:s3], [sflag:s2] =	dma.local @!p0 [hbm:s0], s1  }
0x477: {  	s0 =	simm.s32 @!p0 $0x9  }
0x478: {  	_ =	swait.ge @!p0 [sflag:s0], s1  }
0x479: {  	s1 =	ssub.s32 @!p0 $0x0, s1;
	[sflag:s0] =	ssyncset.done @!p0 $0x0  }
0x47a: {  	[sflag:s0] =	ssyncadd.s32 @!p0 s1  }
0x47b: {  	[bflag:$0x3] =	sbarrier.arrive $0xFFFF  }
0x47c: {  	_ =	shalt  }

// kernel: sparse-core-data-format-call.cloned.1.call-start
scs
called_computation_lowered:
.L_overlay_start_0:
0x0: {  	s2 =	sld [smem:$0x3FD9]  }
0x1: {  	s3 =	sld [smem:$0x3FFE];
	_ =	sdelay $0x1  }
0x2: {  	s1 =	srdreg.scid  }
0x3: {  	s0 =	sand.u32 $0x1, s1  }
0x4: {  	s18 =	sshll.u32 s0, $0xA;
	s2 =	sadd.s32 s3, s2  }
0x5: {  	s2 =	sadd.s32 s2, s18  }
0x6: {  	[smem:$0x3FC6] =	sst s2  }
0x7: {  	_ = 	snop  }
0x8: {  	s2 =	sld [smem:$0x3FC8];
	(tm) =	ssettm $0x1  }
0x9: {  	s19 =	sld [smem:$0x3FFB];
	_ =	sdelay $0x3  }
0xa: {  	_ =	strace s19  }
0xb: {  	s3 =	sld [smem:$0x3FFC];
	_ =	sdelay $0x3  }
0xc: {  	_ =	strace s3  }
0xd: {  	s3 =	sld [smem:$0x3FFD];
	_ =	sdelay $0x3  }
0xe: {  	_ =	strace s3  }
0xf: {  	_ =	strace $0x8FFFFFFF  }
0x10: {  	s20 =	sld [smem:$0x3FDB];
	_ =	sdelay $0x1  }
0x11: {  	s4 =	simm.s32 $_scs_section_size  }
0x12: {  	s5 =	simm.s32 $_size__tile_overlayer_lowered;
	s6 =	simm.s32 $_tile_overlayer_lowered  }
0x13: {  	s23 =	simm.s32 $0x1BFF;
	s22 =	sshll.u32 s6, $0x1;
	s3 =	sadd.s32 s4, s20  }
0x14: {  	s7 =	simm.s32 $0x0;
	s21 =	sshll.u32 s5, $0x1;
	s5 =	sadd.s32 s22, s3  }
0x15: {  	[timem:s7], [sflag:s23] =	dma.local [hbm:s5], s21  }
0x16: {  	_ =	swait.ge [sflag:s23], s21  }
0x17: {  	s4 =	ssub.s32 $0x0, s21;
	[sflag:s23] =	ssyncset.done $0x0  }
0x18: {  	[sflag:s23] =	ssyncadd.s32 s4;
	_ =	sdelay $0x1  }
0x19: {  	s24 =	simm.s32 $0x1B8B  }
0x1a: {  	_ =	swait.ge [sflag:s24], $0x1  }
0x1b: {  	[sflag:s24] =	ssyncset.done $0x0  }
0x1c: {  	s26 =	simm.s32 $0x1B8E;
	s25 =	sld [smem:$0x3FFE];
	[sflag:s24] =	ssyncadd.s32 $0xFFFFFFFF  }
0x1d: {  	s27 =	simm.s32 $execute0_lowered;
	[smem:$0x3FD2] =	sst s26  }
0x1e: {  	s5 =	sshll.u32 s27, $0x1;
	_ =	strace $0x80000046;
	[dreg:$0x1] =	wrdreg $0xFFFFFFFF  }
0x1f: {  	s28 =	simm.s32 $_size_execute0_lowered;
	s3 =	sadd.s32 s3, s5;
	[dreg:$0x0] =	wrdreg $0x0  }
0x20: {  	s5 =	sshll.u32 s28, $0x1;
	[dreg:$0x2] =	wrdreg s3  }
0x21: {  	[dreg:$0x3] =	wrdreg s5  }
0x22: {  	[dreg:$0x4] =	wrdreg $0xC0  }
0x23: {  	_ =	task [dreg:s7], $0x5FFFF  }
0x24: {  	[dreg:$0x1] =	wrdreg $0xFFFFFFFF  }
0x25: {  	[dreg:$0x0] =	wrdreg $0x60  }
0x26: {  	[dreg:$0x2] =	wrdreg s2  }
0x27: {  	[dreg:$0x3] =	wrdreg s25  }
0x28: {  	[dreg:$0x4] =	wrdreg $0x9  }
0x29: {  	_ =	task.clear_ibuf [dreg:s7], $0x5FFFF;
	_ =	strace $0x90000046  }
0x2a: {  	s29 =	simm.s32 $0x9;
	_ =	strace $0x80000048  }
0x2b: {  	_ =	swait.ge [sflag:s29], $0x1  }
0x2c: {  	[sflag:s29] =	ssyncadd.s32 $0xFFFFFFFF  }
0x2d: {  	_ =	strace $0x90000048  }
0x2e: {  	_ =	sfence  }
0x2f: {  	s30 =	sld [smem:$0x0];
	_ =	sdelay $0x2  }
0x30: {  	s31 =	sshll.u32 s1, $0xD;
	s1 =	sshrl.u32 s1, $0x2  }
0x31: {  	s3 =	sand.u32 $0x4000, s31;
	s1 =	sadd.s32 s1, s30  }
0x32: {  	s0 =	sor.u32 s3, s0;
	s1 =	sshll.u32 s1, $0x11  }
0x33: {  	s0 =	sor.u32 s1, s0  }
0x34: {  	s0 =	sadd.s32 $0x8F2B, s0  }
0x35: {  	[sflag:s0] =	ssyncadd.remote.s32 $0x1  }
0x36: {  	_ =	sfence.sel $0xFFFF  }
0x37: {  	[dreg:$0x0] =	wrdreg $0xFFFFFFFF;
	(pc) =	sbr.abs _section_cstart, $3  }
0x38: {  	[dreg:$0x1] =	wrdreg $0xFFFFFFFF  }
0x39: {  	_ =	task.clear_ibuf [dreg:s7], $0x2FFFF;
	_ =	strace $0x9FFFFFFF  }
0x3a: {  	(tm) =	ssettm $0x7FFFFFFF  }
0x3b: {  	_ =	shalt  }
tec
execute0_lowered:
.L_overlay_start_1:
0x0: {  	(tag) =	ssettag $0x1  }
0x1: {  	s0 =	srdreg.scid;
	s2 =	rddreg [dreg:$0x0]  }
0x2: {  	s5 =	rddreg [dreg:$0x1];
	s1 =	stileid.u32  }
0x3: {  	s4 =	simm.s32 $0x1;
	s6 =	simm.s32 $0x2;
	s15 =	simm.s32 $0x0  }
0x4: {  	p0 =	por $0x0, $0x0;
	s8 =	simm.s32 $0x80;
	s0 =	sshll.u32 s0, $0x4  }
0x5: {  	s14 =	simm.s32 $0x0;
	s9 =	simm.s32 $0x0;
	s3 =	sand.u32 $0x10, s0  }
.Ltmp0:
0x6: {  	s10 =	simm.s32 $0x0;
	s3 =	sor.u32 s1, s3;
	(pc) =	sbr.rel .LBB1_1-.Ltmp0, $4  }
0x7: {  	s0 =	rddreg [dreg:$0x2];
	_ =	strace $0x80000047;
	s3 =	sshll.u32 s3, $0x7  }
0x8: {  	s12 =	simm.s32 $0x0;
	[sflag:s4] =	ssyncpa.u1 $0x0;
	s7 =	ssub.s32 $0xF4200, s3  }
0x9: {  	s13 =	simm.s32 $0x0;
	[sflag:s6] =	ssyncpa.u1 $0x0;
	s6 =	sshrl.u32 s7, $0xC  }
0xa: {  	s5 =	sadd.s32 $0x800, s5;
	s11 =	smov.u32 s3;
	s7 =	sadd.s32 $0x2, s6  }
.LBB1_5:
0xb: {  	p1 =	slt.u32 s13, $0x2  }
0xc: {  	s17 =	smov.u32 s15;
	p2 =	sgt.s32 @!p1 s15, $0xF41C0;
	s16 =	sshra.s32 @!p1 s15, $0x1F  }
0xd: {  	p3 =	sgt.s32 @!p1 s14, $0x40;
	s18 =	sshra.s32 @!p1 s14, $0x1F;
	p2 =	por !p2, p1  }
0xe: {  	s15 =	sand.u32 @!p1 s16, s15;
	p3 =	por !p3, p1;
	s16 =	smov.u32 s14  }
0xf: {  	s14 =	sand.u32 @!p1 s18, s14;
	s17 =	simm.s32 @p2 $0xF41C0;
	s16 =	simm.s32 @p3 $0x40  }
0x10: {  	s15 =	ssub.s32 @!p1 s17, s15;
	s14 =	ssub.s32 @!p1 s16, s14  }
0x11: {  	s18 =	smov.u32 s12;
	s16 =	sadd.s32 @!p1 $0xFFF0BE40, s15;
	s17 =	sadd.s32 @!p1 $0xFFFFFFC0, s14  }
0x12: {  	s15 =	ssub.s32 @!p1 $0xF4240, s15;
	p2 =	sgt.s32 @!p1 s16, $0x7F;
	p3 =	sgt.s32 @!p1 s17, $0x3F  }
0x13: {  	s14 =	ssub.s32 @!p1 $0x80, s14;
	p2 =	por !p2, p1;
	p3 =	por !p3, p1  }
0x14: {  	s16 =	sadd.s32 $0x1000, s11;
	s15 =	simm.s32 @!p2 $0x0;
	s14 =	simm.s32 @!p3 $0x0  }
0x15: {  	p2 =	sgt.s32 s16, $0xF423F;
	s14 =	smul.u32 @!p1 s14, s15;
	s15 =	sadd.s32 $0x40, s12  }
0x16: {  	s18 =	smov.u32 @p2 s15  }
0x17: {  	s16 =	smov.u32 @p2 s3;
	p2 =	sgt.s32 s18, $0x3F  }
0x18: {  	s18 =	simm.s32 @p2 $0x0;
	p2 =	sne.s32 s13, s7  }
.Ltmp1:
0x19: {  	p0 =	por !p0, !p0;
	s17 =	simm.s32 @!p1 $0x2;
	(pc) =	sbr.rel @!p2 .LBB1_6-.Ltmp1, $4  }
0x1a: {  	s15 =	smov.u32 s9;
	s9 =	smov.u32 s11;
	s14 =	sand.u32 @!p1 $0x3FFFFFFF, s14  }
0x1b: {  	s11 =	smov.u32 s16;
	_ =	swait.ge @!p1 [sflag:s17], s14;
	s19 =	ssub.s32 @!p1 $0x0, s14  }
0x1c: {  	s14 =	smov.u32 s10;
	s13 =	sadd.s32 $0x1, s13;
	[sflag:s17] =	ssyncset.done @!p1 $0x0  }
0x1d: {  	s10 =	smov.u32 s12;
	s12 =	smov.u32 s18;
	[sflag:s17] =	ssyncadd.s32 @!p1 s19  }
.LBB1_1:
0x1e: {  	p1 =	sgt.u32 s13, s6  }
0x1f: {  	s16 =	sshrl.u32 @!p1 s12, $0x3  }
0x20: {  	s17 =	sshll.u32 @!p1 s11, $0x3;
	s16 =	smul.u32 @!p1 $0x7A1400, s16  }
0x21: {  	s18 =	sshll.u32 @!p1 s12, $0x7;
	s17 =	sand.u32 @!p1 $0xFFFFFC00, s17  }
0x22: {  	s16 =	sadd.s32 @!p1 s16, s17;
	s17 =	sand.u32 @!p1 $0x380, s18  }
0x23: {  	s18 =	sand.u32 @!p1 $0x7F, s11;
	s16 =	sor.u32 @!p1 s17, s16  }
0x24: {  	s17 =	sor.u32 @!p1 s18, s16  }
0x25: {  	s18 =	smulhi.u32 @!p1 $0x218D6287, s17;
	_ =	sdelay $0x1  }
0x26: {  	s16 =	smulhi.u32 @!p1 $0x218D6287, s16;
	s18 =	sshrl.u32 @!p1 s18, $0x11  }
0x27: {  	s18 =	smul.u32 @!p1 $0xF4280, s18  }
0x28: {  	s19 =	sxor.u32 @!p1 $0xFFFFFFFF, s13;
	s16 =	sshrl.u32 @!p1 s16, $0x11  }
0x29: {  	s19 =	sshll.u32 @!p1 s19, $0xD;
	s16 =	sand.u32 @!p1 $0x3F, s16;
	s17 =	ssub.s32 @!p1 s17, s18  }
0x2a: {  	s16 =	smul.u32 @!p1 $0x1E850, s16;
	s18 =	sshrl.u32 @!p1 s17, $0x3;
	s17 =	sand.u32 @!p1 $0x7, s17  }
0x2b: {  	s19 =	sand.u32 @!p1 $0x2000, s19;
	s18 =	sadd.s32 @!p1 s2, s18;
	s17 =	sshll.u32 @!p1 s17, $0x12  }
0x2c: {  	s16 =	sadd.s32 @!p1 s16, s18;
	s17 =	sor.u32 @!p1 $0x400, s17;
	s18 =	simm.s32 @!p1 $0x7A1400  }
0x2d: {  	[tilespmem:s19], [sflag:$0x1] =	stream.strided.gather @!p1 [hbm4b:s16+s17], $0x2000, s18, s17, $0x38;
	[tilespmem:$0x8100] =	vst v63  }
0x2e: {  	p1 =	seq.s32 s13, $0x0  }
0x2f: {  	p2 =	sge.u32 @!p1 s13, s7  }
0x30: {  	p1 =	por p1, p2  }
.Ltmp2:
0x31: {  	_ = 	snop;
	(pc) =	sbr.rel @p1 .LBB1_5-.Ltmp2, $1  }
0x32: {  	_ =	sdelay $0x3  }
0x33: {  	s16 =	simm.s32 $0x1  }
0x34: {  	_ =	swait.ge [sflag:s4], $0x2000;
	s16 =	simm.s32 @!p0 $0x0  }
0x35: {  	[sflag:s4] =	ssyncset.done $0x0;
	s17 =	sshll.u32 s16, $0xD  }
0x36: {  	[sflag:s4] =	ssyncadd.s32 $0xFFFFE000;
	s17 =	sor.u32 $0x40, s17  }
0x37: {  	s16 =	smul.u32 $0x8200, s16;
	v0 =	vld [tilespmem:s17+$0x30]  }
0x38: {  	v1 =	vld [tilespmem:s17+$0xFFFFFFD0]  }
0x39: {  	s16 =	sshrl.u32 s16, $0x2;
	v5 =	vld [tilespmem:s17+$0xFFFFFFE0]  }
0x3a: {  	v6 =	vld [tilespmem:s17+$0xFFFFFFF0];
	s19 =	sor.u32 $0x4000, s16  }
0x3b: {  	s31 =	sand.u32 $0x1, s13;
	v4 =	vld [tilespmem:s17+$0x0];
	s18 =	sadd.s32 $0x0, s19  }
0x3c: {  	v3 =	vld [tilespmem:s17+$0x10];
	s16 =	smul.u32 $0x8200, s31;
	[tilespmem:s18+$0x1C70 ss:$0x41] =	vst.msk $0xffff, v0  }
0x3d: {  	v2 =	vld [tilespmem:s17+$0x20];
	[tilespmem:s18+$0x410 ss:$0x41] =	vst.msk $0xffff, v1  }
0x3e: {  	s16 =	sshrl.u32 s16, $0x2;
	v1 =	vld [tilespmem:s17+$0xFFFFFFC0];
	[tilespmem:s18+$0x820 ss:$0x41] =	vst.msk $0xffff, v5;
	s17 =	sadd.s32 $0x80, s17  }
0x3f: {  	s20 =	simm.s32 $0x4;
	s21 =	simm.s32 $0x8;
	s16 =	sor.u32 $0x4000, s16;
	[tilespmem:s18+$0xC30 ss:$0x41] =	vst.msk $0xffff, v6;
	v0 =	vld [tilespmem:s17+$0x30]  }
.LBB1_3:
0x40: {  	p1 =	sne.s32 s21, $0xFC;
	v5 =	vld [tilespmem:s17+$0xFFFFFFD0];
	[tilespmem:s18+$0x1040 ss:$0x41] =	vst.msk $0xffff, v4  }
0x41: {  	v6 =	vld [tilespmem:s17+$0xFFFFFFE0];
	[tilespmem:s18+$0x1450 ss:$0x41] =	vst.msk $0xffff, v3  }
0x42: {  	s22 =	sshra.s32 s20, $0x2;
	s20 =	smov.u32 s21;
	v7 =	vld [tilespmem:s17+$0xFFFFFFF0];
	[tilespmem:s18+$0x1860 ss:$0x41] =	vst.msk $0xffff, v2  }
.Ltmp3:
0x43: {  	v4 =	vld [tilespmem:s17+$0x0];
	[tilespmem:s18+$0x0 ss:$0x41] =	vst.msk $0xffff, v1;
	s18 =	sadd.s32 s22, s19;
	(pc) =	sbr.rel @p1 .LBB1_3-.Ltmp3, $4  }
0x44: {  	v3 =	vld [tilespmem:s17+$0x10];
	[tilespmem:s18+$0x1C70 ss:$0x41] =	vst.msk $0xffff, v0  }
0x45: {  	[tilespmem:s18+$0x410 ss:$0x41] =	vst.msk $0xffff, v5;
	v2 =	vld [tilespmem:s17+$0x20]  }
0x46: {  	v1 =	vld [tilespmem:s17+$0xFFFFFFC0];
	[tilespmem:s18+$0x820 ss:$0x41] =	vst.msk $0xffff, v6;
	s17 =	sadd.s32 $0x80, s17  }
0x47: {  	s21 =	sadd.s32 $0x4, s21;
	v0 =	vld [tilespmem:s17+$0x30];
	[tilespmem:s18+$0xC30 ss:$0x41] =	vst.msk $0xffff, v7  }
0x48: {  	s21 =	sshll.u32 s9, $0x7;
	s22 =	sshll.u32 s10, $0x3;
	s20 =	sshra.s32 s20, $0x2  }
0x49: {  	p1 =	sgt.s32 s9, $0xF41C0;
	s30 =	sshra.s32 s9, $0x1F;
	s25 =	sshra.s32 s10, $0x1F  }
0x4a: {  	v5 =	vld [tilespmem:s17+$0xFFFFFFD0];
	s28 =	sshrl.u32 s10, $0x3;
	s23 =	sand.u32 $0xFFFFFC00, s21;
	s22 =	sand.u32 $0xFFFFFC00, s22  }
0x4b: {  	[tilespmem:s18+$0x1040 ss:$0x41] =	vst.msk $0xffff, v4;
	v58 =	vld [tilespmem:s17+$0xFFFFFFE0];
	s21 =	sand.u32 $0x380, s21;
	s19 =	sadd.s32 s20, s19;
	s22 =	sadd.s32 s22, s23  }
0x4c: {  	v59 =	vld [tilespmem:s17+$0xFFFFFFF0];
	[tilespmem:s18+$0x1450 ss:$0x41] =	vst.msk $0xffff, v3;
	s29 =	sor.u32 s21, s22;
	s21 =	smov.u32 s9;
	s22 =	sand.u32 s30, s9  }
0x4d: {  	v60 =	vld [tilespmem:s17+$0x0];
	[tilespmem:s18+$0x1860 ss:$0x41] =	vst.msk $0xffff, v2;
	s30 =	sand.u32 $0x7, s10;
	s20 =	sshrl.u32 s29, $0x7;
	s21 =	simm.s32 @!p1 $0xF41C0  }
0x4e: {  	v61 =	vld [tilespmem:s17+$0x10];
	[tilespmem:s18+$0x0 ss:$0x41] =	vst.msk $0xffff, v1;
	p1 =	sgt.s32 s10, $0x40;
	s24 =	ssub.s32 s21, s22;
	s21 =	smov.u32 s10  }
0x4f: {  	v62 =	vld [tilespmem:s17+$0x20];
	[tilespmem:s19+$0x1C70 ss:$0x41] =	vst.msk $0xffff, v0;
	s31 =	smulhi.u32 $0x218DEF5, s20;
	s22 =	sand.u32 s25, s10;
	s21 =	simm.s32 @!p1 $0x40  }
0x50: {  	v63 =	vld [tilespmem:s17+$0xFFFFFFC0];
	[tilespmem:s19+$0x410 ss:$0x41] =	vst.msk $0xffff, v5;
	s26 =	sadd.s32 $0xFFF0BE40, s24;
	s17 =	ssub.s32 $0xF4240, s24;
	s21 =	ssub.s32 s21, s22  }
0x51: {  	[tilespmem:s19+$0x820 ss:$0x41] =	vst.msk $0xffff, v58;
	s23 =	sshrl.u32 s31, $0xD;
	p1 =	sgt.s32 s26, $0x7F;
	s27 =	sadd.s32 $0xFFFFFFC0, s21  }
0x52: {  	[tilespmem:s19+$0xC30 ss:$0x41] =	vst.msk $0xffff, v59;
	s23 =	smul.u32 $0xF4240, s23;
	s18 =	ssub.s32 $0x80, s21;
	p2 =	sgt.s32 s27, $0x3F  }
.Ltmp4:
0x53: {  	[tilespmem:s19+$0x1040 ss:$0x41] =	vst.msk $0xffff, v60;
	s17 =	simm.s32 @p1 $0x0;
	s18 =	simm.s32 @p2 $0x0;
	(pc) =	sbr.rel .LBB1_5-.Ltmp4, $4  }
0x54: {  	s29 =	sand.u32 $0xF, s28;
	[tilespmem:s19+$0x1450 ss:$0x41] =	vst.msk $0xffff, v61;
	s20 =	ssub.s32 s20, s23;
	s17 =	smul.u32 s18, s17  }
0x55: {  	[tilespmem:s19+$0x1860 ss:$0x41] =	vst.msk $0xffff, v62;
	s21 =	sshll.u32 s30, $0x12;
	s20 =	sshll.u32 s20, $0x4;
	s18 =	sadd.s32 s5, s29  }
0x56: {  	[tilespmem:s19+$0x0 ss:$0x41] =	vst.msk $0xffff, v63;
	s31 =	sor.u32 $0x40, s21;
	s18 =	sadd.s32 s20, s18;
	s17 =	sand.u32 $0x3FFFFFFF, s17  }
0x57: {  	[hbm4b:s18+s31] =	stream.strided.scatter [tilespmem:s16], [sflag:$0x2], s17, s8, s31, $0x18;
	[tilespmem:$0x8100] =	vst v63  }
.LBB1_6:
0x58: {  	_ =	sfence.sel $0x180000  }
0x59: {  	s2 =	simm.s32 $0x1;
	[bflag:$0x0] =	sbarrier.arrive $0xFFFF  }
0x5a: {  	s31 =	simm.s32 $0x2;
	[sflag:s2] =	ssyncpa.u1 $0x1  }
0x5b: {  	[sflag:s31] =	ssyncpa.u1 $0x1  }
0x5c: {  	p0 =	sne.s32 s1, $0x0;
	_ =	strace $0x90000047  }
0x5d: {  	s0 =	sadd.s32 @!p0 $0x100000, s0;
	[bflag:$0x2] =	sbarrier.arrive $0xFFFF  }
0x5e: {  	[sflag:s0] =	ssyncadd.tile.s32 @!p0 $0x1;
	_ =	shalt  }
.Lfunc_end1:
_tile_overlayer_lowered:
.L_overlay_start_2:
0x5f: {  	(tag) =	ssettag $0x2  }
0x60: {  	s0 =	rddreg [dreg:$0x0];
	s2 =	stileid.u32  }
0x61: {  	s1 =	rddreg [dreg:$0x1];
	p0 =	sne.s32 s2, $0x0  }
0x62: {  	s3 =	rddreg [dreg:$0x2];
	[bflag:$0x3] =	sbarrier.arrive $0xFFFF;
	s2 =	simm.s32 @!p0 $0x1C01  }
0x63: {  	[timem:s3], [sflag:s2] =	dma.local @!p0 [hbm:s0], s1  }
0x64: {  	s0 =	simm.s32 @!p0 $0x1  }
0x65: {  	_ =	swait.ge @!p0 [sflag:s0], s1  }
0x66: {  	s1 =	ssub.s32 @!p0 $0x0, s1;
	[sflag:s0] =	ssyncset.done @!p0 $0x0  }
0x67: {  	[sflag:s0] =	ssyncadd.s32 @!p0 s1  }
0x68: {  	[bflag:$0x3] =	sbarrier.arrive $0xFFFF  }
0x69: {  	_ =	shalt  }

</sc_bundles>
